<compile_context>
chip_gen: v7x
topology: tpu7x:2x2x1
jax: 0.10.2.dev20260603
libtpu: 0.0.44.dev20260713+nightly
codegen_flags: <defaults>
</compile_context>

<pallas_src>
import functools

import jax
import jax.numpy as jnp
from jax import lax
from jax.experimental import pallas as pl
from jax.experimental.pallas import tpu as pltpu
from jax.experimental.pallas import tpu_sc as plsc

F = 26
B = 16384
V = 100000
D = 16
L = 16

NC = 2
NS = 16
NW = NC * NS

PLANES = F * D
PPW = PLANES // NW
OCH = 4096
NOCH = B // OCH


def _body(tab, idx, out, ibuf, pbuf, ob0, ob1, isem, wsem0, wsem1):
    obufs = (ob0, ob1)
    wsems = (wsem0, wsem1)

    wid = lax.axis_index("s") * NC + lax.axis_index("c")
    p0 = wid * PPW

    g = 0
    for j in range(PPW):
        p = p0 + j
        f = p // D
        d = p % D
        restage = jnp.logical_or(j == 0, d == 0)

        @pl.when(restage)
        def _():
            pltpu.make_async_copy(idx.at[f], ibuf, isem).start()

        pltpu.sync_copy(tab.at[f, d], pbuf)

        @pl.when(restage)
        def _():
            pltpu.make_async_copy(idx.at[f], ibuf, isem).wait()

        for oc in range(NOCH):
            par = g % 2
            bb = obufs[par]
            dst = out.at[f, d, pl.ds(oc * OCH, OCH)]
            if g >= 2:
                pltpu.make_async_copy(bb, dst, wsems[par]).wait()

            @plsc.parallel_loop(0, OCH, step=L, unroll=8)
            def _(i):
                iv = ibuf[pl.ds(oc * OCH + i, L)]
                bb[pl.ds(i, L)] = plsc.load_gather(pbuf, [iv])
            pltpu.make_async_copy(bb, dst, wsems[par]).start()
            g += 1

    for par in range(2):
        pltpu.make_async_copy(
            obufs[par], out.at[0, 0, pl.ds(0, OCH)], wsems[par]
        ).wait()


def kernel(tables, indices):
    mesh = plsc.VectorSubcoreMesh(core_axis_name="c", subcore_axis_name="s")
    run = functools.partial(
        pl.kernel,
        mesh=mesh,
        compiler_params=pltpu.CompilerParams(
            use_tc_tiling_on_sc=True, needs_layout_passes=False
        ),
        out_type=jax.ShapeDtypeStruct((F, D, B), jnp.float32),
        scratch_types=[
            pltpu.VMEM((B,), jnp.int32),
            pltpu.VMEM((V,), jnp.float32),
            pltpu.VMEM((OCH,), jnp.float32),
            pltpu.VMEM((OCH,), jnp.float32),
            pltpu.SemaphoreType.DMA,
            pltpu.SemaphoreType.DMA,
            pltpu.SemaphoreType.DMA,
        ],
    )(_body)
    out_t = run(tables.transpose(0, 2, 1), indices)
    return jnp.transpose(out_t, (2, 0, 1))

# --- scband reference (transcript-rebuilt; emitter-appended) ---
"""Pipeline reference for scband-embedding-layer-5403068858954 (READ-ONLY COPY).

The authoritative reference and input builder live on the scoring server;
editing this copy changes nothing except your own understanding.
"""

import jax, jax.numpy as jnp
import numpy as np

NUM_FEATURES = 26
BATCH = 16384
VOCAB = 100000
DIM = 16


def setup_inputs(seed: int = 0) -> dict:
    key = jax.random.key(seed)
    k_idx, k_tab = jax.random.split(key)
    # One index vector per categorical feature; stacked as [F, B] for convenience.
    indices = jax.random.randint(k_idx, (NUM_FEATURES, BATCH), 0, VOCAB, dtype=jnp.int32)
    # One embedding table per feature; stacked as [F, V, D] (each slice is an independent table,
    # faithful to nn.ModuleDict of nn.Embedding since each feature only reads its own table).
    tables = jax.random.normal(k_tab, (NUM_FEATURES, VOCAB, DIM), dtype=jnp.float32) * 0.02
    return {"tables": tables, "indices": indices}


def reference(tables, indices):
    # emb[f] = tables[f][indices[f]]  -> [F, B, D]
    emb = jax.vmap(lambda t, i: jnp.take(t, i, axis=0))(tables, indices)
    # torch.stack(embedded, dim=1) -> (batch_size, num_features, embedding_dim)
    return jnp.transpose(emb, (1, 0, 2))

if __name__ == "__main__":
    import jax
    _d = setup_inputs()
    print(jax.jit(kernel)(*tuple(_d.values())))

</pallas_src>

<mosaic_0001>
#map = affine_map<(d0, d1) -> (0, 0, 0)>
#map1 = affine_map<(d0, d1) -> (0, 0)>
module attributes {stable_mosaic.version = 14 : i64} {
  func.func @_body(%arg0: i32, %arg1: i32, %arg2: memref<26x16x100000xf32, #tpu.memory_space<hbm>>, %arg3: memref<26x16384xi32, #tpu.memory_space<hbm>>, %arg4: memref<26x16x16384xf32, #tpu.memory_space<hbm>>, %arg5: memref<16384xi32, #tpu.memory_space<vmem>>, %arg6: memref<100000xf32, #tpu.memory_space<vmem>>, %arg7: memref<4096xf32, #tpu.memory_space<vmem>>, %arg8: memref<4096xf32, #tpu.memory_space<vmem>>, %arg9: memref<!tpu.dma_semaphore, #tpu.memory_space<semaphore_mem>>, %arg10: memref<!tpu.dma_semaphore, #tpu.memory_space<semaphore_mem>>, %arg11: memref<!tpu.dma_semaphore, #tpu.memory_space<semaphore_mem>>) attributes {dimension_semantics = [#tpu.dimension_semantics<core_parallel>, #tpu.dimension_semantics<subcore_parallel>], iteration_bounds = array<i64: 2, 16>, scalar_prefetch = 0 : i64, scratch_operands = 7 : i64, tpu.core_type = #tpu.core_type<sc_vector_subcore>, window_params = [{transform_indices = #map}, {transform_indices = #map1}, {transform_indices = #map}]} {
    %mul3A = arith.constant 2 : i32
    %mul3A_0 = arith.muli %arg1, %mul3A : i32
    %add3A = arith.addi %mul3A_0, %arg0 : i32
    %mul3A_1 = arith.constant 13 : i32
    %mul3A_2 = arith.muli %add3A, %mul3A_1 : i32
    %add3A_3 = arith.constant 0 : i32
    %add3A_4 = arith.addi %mul3A_2, %add3A_3 : i32
    %jit3A = arith.constant 16 : i32
    %div3A = arith.divsi %add3A_4, %jit3A : i32
    %sign3A = arith.constant 0 : i32
    %sign3A_5 = arith.cmpi sgt, %add3A_4, %sign3A : i32
    %sign3A_6 = arith.extui %sign3A_5 : i1 to i32
    %sign3A_7 = arith.constant 0 : i32
    %sign3A_8 = arith.cmpi slt, %add3A_4, %sign3A_7 : i32
    %sign3A_9 = arith.extui %sign3A_8 : i1 to i32
    %sign3A_10 = arith.subi %sign3A_6, %sign3A_9 : i32
    %sign3A_11 = arith.constant 0 : i32
    %sign3A_12 = arith.cmpi sgt, %jit3A, %sign3A_11 : i32
    %sign3A_13 = arith.extui %sign3A_12 : i1 to i32
    %sign3A_14 = arith.constant 0 : i32
    %sign3A_15 = arith.cmpi slt, %jit3A, %sign3A_14 : i32
    %sign3A_16 = arith.extui %sign3A_15 : i1 to i32
    %sign3A_17 = arith.subi %sign3A_13, %sign3A_16 : i32
    %ne3A = arith.cmpi ne, %sign3A_10, %sign3A_17 : i32
    %rem3A = arith.remsi %add3A_4, %jit3A : i32
    %ne3A_18 = arith.constant 0 : i32
    %ne3A_19 = arith.cmpi ne, %rem3A, %ne3A_18 : i32
    %and3A = arith.andi %ne3A, %ne3A_19 : i1
    %sub3A = arith.constant 1 : i32
    %sub3A_20 = arith.subi %div3A, %sub3A : i32
    %select_n3A = arith.select %and3A, %sub3A_20, %div3A : i32
    %jit3A_21 = arith.constant 16 : i32
    %eq3A = arith.constant 0 : i32
    %eq3A_22 = arith.cmpi eq, %jit3A_21, %eq3A : i32
    %jit3A_23 = arith.constant 1 : i32
    %select_n3A_24 = arith.select %eq3A_22, %jit3A_23, %jit3A_21 : i32
    %rem3A_25 = arith.remsi %add3A_4, %select_n3A_24 : i32
    %ne3A_26 = arith.constant 0 : i32
    %ne3A_27 = arith.cmpi ne, %rem3A_25, %ne3A_26 : i32
    %lt3A = arith.constant 0 : i32
    %lt3A_28 = arith.cmpi slt, %rem3A_25, %lt3A : i32
    %lt3A_29 = arith.constant 0 : i32
    %lt3A_30 = arith.cmpi slt, %select_n3A_24, %lt3A_29 : i32
    %ne3A_31 = arith.xori %lt3A_28, %lt3A_30 : i1
    %and3A_32 = arith.andi %ne3A_31, %ne3A_27 : i1
    %add3A_33 = arith.addi %rem3A_25, %select_n3A_24 : i32
    %select_n3A_34 = arith.select %and3A_32, %add3A_33, %rem3A_25 : i32
    %eq3A_35 = arith.constant 0 : i32
    %eq3A_36 = arith.cmpi eq, %select_n3A_34, %eq3A_35 : i32
    %or3A = arith.constant true
    %or3A_37 = arith.ori %or3A, %eq3A_36 : i1
    %convert_element_type3A = arith.extui %or3A_37 : i1 to i32
    %cond3A = arith.constant 0 : i32
    %cond3A_38 = arith.cmpi ne, %convert_element_type3A, %cond3A : i32
    scf.if %cond3A_38 {
      %dma_start3A_1447 = arith.constant 0 : i32
      %dma_start3A_1448 = tpu.memref_slice %arg3[%select_n3A, %dma_start3A_1447] : memref<26x16384xi32, #tpu.memory_space<hbm>> -> memref<1x16384xi32, #tpu.memory_space<hbm>>
      %dma_start3A_1449 = tpu.memref_squeeze %dma_start3A_1448 : memref<1x16384xi32, #tpu.memory_space<hbm>> -> memref<16384xi32, #tpu.memory_space<hbm>>
      %dma_start3A_1450 = arith.constant 0 : i32
      %dma_start3A_1451 = tpu.memref_slice %arg3[%select_n3A, %dma_start3A_1450] : memref<26x16384xi32, #tpu.memory_space<hbm>> -> memref<1x16384xi32, #tpu.memory_space<hbm>>
      %dma_start3A_1452 = tpu.memref_squeeze %dma_start3A_1451 : memref<1x16384xi32, #tpu.memory_space<hbm>> -> memref<16384xi32, #tpu.memory_space<hbm>>
      tpu.enqueue_dma source(%dma_start3A_1452 : memref<16384xi32, #tpu.memory_space<hbm>>) target(%arg5 : memref<16384xi32, #tpu.memory_space<vmem>>) target_semaphore(%arg9 : memref<!tpu.dma_semaphore, #tpu.memory_space<semaphore_mem>>)
    } else {
    }
    "tpu.region"() ({
      %run_scoped3A = tpu.sem_alloc : memref<!tpu.dma_semaphore, #tpu.memory_space<semaphore_mem>>
      %dma_start3A_1447 = arith.constant 0 : i32
      %dma_start3A_1448 = tpu.memref_slice %arg2[%select_n3A, %select_n3A_34, %dma_start3A_1447] : memref<26x16x100000xf32, #tpu.memory_space<hbm>> -> memref<1x1x100000xf32, #tpu.memory_space<hbm>>
      %dma_start3A_1449 = tpu.memref_squeeze %dma_start3A_1448 : memref<1x1x100000xf32, #tpu.memory_space<hbm>> -> memref<100000xf32, #tpu.memory_space<hbm>>
      %dma_start3A_1450 = arith.constant 0 : i32
      %dma_start3A_1451 = tpu.memref_slice %arg2[%select_n3A, %select_n3A_34, %dma_start3A_1450] : memref<26x16x100000xf32, #tpu.memory_space<hbm>> -> memref<1x1x100000xf32, #tpu.memory_space<hbm>>
      %dma_start3A_1452 = tpu.memref_squeeze %dma_start3A_1451 : memref<1x1x100000xf32, #tpu.memory_space<hbm>> -> memref<100000xf32, #tpu.memory_space<hbm>>
      tpu.enqueue_dma source(%dma_start3A_1452 : memref<100000xf32, #tpu.memory_space<hbm>>) target(%arg6 : memref<100000xf32, #tpu.memory_space<vmem>>) target_semaphore(%run_scoped3A : memref<!tpu.dma_semaphore, #tpu.memory_space<semaphore_mem>>)
      %dma_wait3A_1453 = arith.constant 0 : i32
      %dma_wait3A_1454 = tpu.memref_slice %arg2[%select_n3A, %select_n3A_34, %dma_wait3A_1453] : memref<26x16x100000xf32, #tpu.memory_space<hbm>> -> memref<1x1x100000xf32, #tpu.memory_space<hbm>>
      %dma_wait3A_1455 = tpu.memref_squeeze %dma_wait3A_1454 : memref<1x1x100000xf32, #tpu.memory_space<hbm>> -> memref<100000xf32, #tpu.memory_space<hbm>>
      %dma_wait3A_1456 = arith.constant 0 : i32
      %dma_wait3A_1457 = tpu.memref_slice %arg2[%select_n3A, %select_n3A_34, %dma_wait3A_1456] : memref<26x16x100000xf32, #tpu.memory_space<hbm>> -> memref<1x1x100000xf32, #tpu.memory_space<hbm>>
      %dma_wait3A_1458 = tpu.memref_squeeze %dma_wait3A_1457 : memref<1x1x100000xf32, #tpu.memory_space<hbm>> -> memref<100000xf32, #tpu.memory_space<hbm>>
      tpu.wait_dma2 semaphore(%run_scoped3A : memref<!tpu.dma_semaphore, #tpu.memory_space<semaphore_mem>>) src(%dma_wait3A_1458 : memref<100000xf32, #tpu.memory_space<hbm>>) dst(%arg6 : memref<100000xf32, #tpu.memory_space<vmem>>)
      tpu.yield
    }) : () -> ()
    %convert_element_type3A_39 = arith.extui %or3A_37 : i1 to i32
    %cond3A_40 = arith.constant 0 : i32
    %cond3A_41 = arith.cmpi ne, %convert_element_type3A_39, %cond3A_40 : i32
    scf.if %cond3A_41 {
      %dma_wait3A_1447 = arith.constant 0 : i32
      %dma_wait3A_1448 = tpu.memref_slice %arg3[%select_n3A, %dma_wait3A_1447] : memref<26x16384xi32, #tpu.memory_space<hbm>> -> memref<1x16384xi32, #tpu.memory_space<hbm>>
      %dma_wait3A_1449 = tpu.memref_squeeze %dma_wait3A_1448 : memref<1x16384xi32, #tpu.memory_space<hbm>> -> memref<16384xi32, #tpu.memory_space<hbm>>
      %dma_wait3A_1450 = arith.constant 0 : i32
      %dma_wait3A_1451 = tpu.memref_slice %arg3[%select_n3A, %dma_wait3A_1450] : memref<26x16384xi32, #tpu.memory_space<hbm>> -> memref<1x16384xi32, #tpu.memory_space<hbm>>
      %dma_wait3A_1452 = tpu.memref_squeeze %dma_wait3A_1451 : memref<1x16384xi32, #tpu.memory_space<hbm>> -> memref<16384xi32, #tpu.memory_space<hbm>>
      tpu.wait_dma2 semaphore(%arg9 : memref<!tpu.dma_semaphore, #tpu.memory_space<semaphore_mem>>) src(%dma_wait3A_1452 : memref<16384xi32, #tpu.memory_space<hbm>>) dst(%arg5 : memref<16384xi32, #tpu.memory_space<vmem>>)
    } else {
    }
    %parallel_loop3A = arith.constant 0 : i32
    %parallel_loop3A_42 = arith.constant 4096 : i32
    %parallel_loop3A_43 = arith.constant 16 : i32
    scf.for %parallel_loop3A_1447 = %parallel_loop3A to %parallel_loop3A_42 step %parallel_loop3A_43  : i32 {
      %parallel_loop3A_1448 = arith.constant 0 : i32
      %parallel_loop3A_1449 = arith.addi %parallel_loop3A_1448, %parallel_loop3A_1447 : i32
      %parallel_loop3A_1450 = arith.index_cast %parallel_loop3A_1449 : i32 to index
      %parallel_loop3A_1451 = tpu.vector_load %arg5[%parallel_loop3A_1450] {strides = array<i32>} : memref<16384xi32, #tpu.memory_space<vmem>>, vector<16xi32>,
      %parallel_loop3A_1452 = tpu.vector_load_idx %arg6[%parallel_loop3A_1451] : memref<100000xf32, #tpu.memory_space<vmem>>[vector<16xi32>], vector<16xf32>,
      %parallel_loop3A_1453 = arith.index_cast %parallel_loop3A_1447 : i32 to index
      %parallel_loop3A_1454 = tpu.vector_load %arg7[%parallel_loop3A_1453] {strides = array<i32>} : memref<4096xf32, #tpu.memory_space<vmem>>, vector<16xf32>,
      tpu.vector_store %arg7[%parallel_loop3A_1453], %parallel_loop3A_1452 {strides = array<i32>} : memref<4096xf32, #tpu.memory_space<vmem>>, vector<16xf32>,
    } {sc.loop_unroll_factor = 8 : i64, sc.parallel_access}
    %dma_start3A = arith.constant 0 : i32
    %dma_start3A_44 = tpu.memref_slice %arg4[%select_n3A, %select_n3A_34, %dma_start3A] : memref<26x16x16384xf32, #tpu.memory_space<hbm>> -> memref<1x1x4096xf32, #tpu.memory_space<hbm>>
    %dma_start3A_45 = tpu.memref_squeeze %dma_start3A_44 : memref<1x1x4096xf32, #tpu.memory_space<hbm>> -> memref<4096xf32, #tpu.memory_space<hbm>>
    %dma_start3A_46 = arith.constant 0 : i32
    %dma_start3A_47 = tpu.memref_slice %arg4[%select_n3A, %select_n3A_34, %dma_start3A_46] : memref<26x16x16384xf32, #tpu.memory_space<hbm>> -> memref<1x1x4096xf32, #tpu.memory_space<hbm>>
    %dma_start3A_48 = tpu.memref_squeeze %dma_start3A_47 : memref<1x1x4096xf32, #tpu.memory_space<hbm>> -> memref<4096xf32, #tpu.memory_space<hbm>>
    tpu.enqueue_dma source(%arg7 : memref<4096xf32, #tpu.memory_space<vmem>>) target(%dma_start3A_48 : memref<4096xf32, #tpu.memory_space<hbm>>) target_semaphore(%arg10 : memref<!tpu.dma_semaphore, #tpu.memory_space<semaphore_mem>>)
    %parallel_loop3A_49 = arith.constant 0 : i32
    %parallel_loop3A_50 = arith.constant 4096 : i32
    %parallel_loop3A_51 = arith.constant 16 : i32
    scf.for %parallel_loop3A_1447 = %parallel_loop3A_49 to %parallel_loop3A_50 step %parallel_loop3A_51  : i32 {
      %parallel_loop3A_1448 = arith.constant 4096 : i32
      %parallel_loop3A_1449 = arith.addi %parallel_loop3A_1448, %parallel_loop3A_1447 : i32
      %parallel_loop3A_1450 = arith.index_cast %parallel_loop3A_1449 : i32 to index
      %parallel_loop3A_1451 = tpu.vector_load %arg5[%parallel_loop3A_1450] {strides = array<i32>} : memref<16384xi32, #tpu.memory_space<vmem>>, vector<16xi32>,
      %parallel_loop3A_1452 = tpu.vector_load_idx %arg6[%parallel_loop3A_1451] : memref<100000xf32, #tpu.memory_space<vmem>>[vector<16xi32>], vector<16xf32>,
      %parallel_loop3A_1453 = arith.index_cast %parallel_loop3A_1447 : i32 to index
      %parallel_loop3A_1454 = tpu.vector_load %arg8[%parallel_loop3A_1453] {strides = array<i32>} : memref<4096xf32, #tpu.memory_space<vmem>>, vector<16xf32>,
      tpu.vector_store %arg8[%parallel_loop3A_1453], %parallel_loop3A_1452 {strides = array<i32>} : memref<4096xf32, #tpu.memory_space<vmem>>, vector<16xf32>,
    } {sc.loop_unroll_factor = 8 : i64, sc.parallel_access}
    %dma_start3A_52 = arith.constant 4096 : i32
    %dma_start3A_53 = tpu.memref_slice %arg4[%select_n3A, %select_n3A_34, %dma_start3A_52] : memref<26x16x16384xf32, #tpu.memory_space<hbm>> -> memref<1x1x4096xf32, #tpu.memory_space<hbm>>
    %dma_start3A_54 = tpu.memref_squeeze %dma_start3A_53 : memref<1x1x4096xf32, #tpu.memory_space<hbm>> -> memref<4096xf32, #tpu.memory_space<hbm>>
    %dma_start3A_55 = arith.constant 4096 : i32
    %dma_start3A_56 = tpu.memref_slice %arg4[%select_n3A, %select_n3A_34, %dma_start3A_55] : memref<26x16x16384xf32, #tpu.memory_space<hbm>> -> memref<1x1x4096xf32, #tpu.memory_space<hbm>>
    %dma_start3A_57 = tpu.memref_squeeze %dma_start3A_56 : memref<1x1x4096xf32, #tpu.memory_space<hbm>> -> memref<4096xf32, #tpu.memory_space<hbm>>
    tpu.enqueue_dma source(%arg8 : memref<4096xf32, #tpu.memory_space<vmem>>) target(%dma_start3A_57 : memref<4096xf32, #tpu.memory_space<hbm>>) target_semaphore(%arg11 : memref<!tpu.dma_semaphore, #tpu.memory_space<semaphore_mem>>)
    %dma_wait3A = arith.constant 8192 : i32
    %dma_wait3A_58 = tpu.memref_slice %arg4[%select_n3A, %select_n3A_34, %dma_wait3A] : memref<26x16x16384xf32, #tpu.memory_space<hbm>> -> memref<1x1x4096xf32, #tpu.memory_space<hbm>>
    %dma_wait3A_59 = tpu.memref_squeeze %dma_wait3A_58 : memref<1x1x4096xf32, #tpu.memory_space<hbm>> -> memref<4096xf32, #tpu.memory_space<hbm>>
    %dma_wait3A_60 = arith.constant 8192 : i32
    %dma_wait3A_61 = tpu.memref_slice %arg4[%select_n3A, %select_n3A_34, %dma_wait3A_60] : memref<26x16x16384xf32, #tpu.memory_space<hbm>> -> memref<1x1x4096xf32, #tpu.memory_space<hbm>>
    %dma_wait3A_62 = tpu.memref_squeeze %dma_wait3A_61 : memref<1x1x4096xf32, #tpu.memory_space<hbm>> -> memref<4096xf32, #tpu.memory_space<hbm>>
    tpu.wait_dma2 semaphore(%arg10 : memref<!tpu.dma_semaphore, #tpu.memory_space<semaphore_mem>>) src(%arg7 : memref<4096xf32, #tpu.memory_space<vmem>>) dst(%dma_wait3A_62 : memref<4096xf32, #tpu.memory_space<hbm>>)
    %parallel_loop3A_63 = arith.constant 0 : i32
    %parallel_loop3A_64 = arith.constant 4096 : i32
    %parallel_loop3A_65 = arith.constant 16 : i32
    scf.for %parallel_loop3A_1447 = %parallel_loop3A_63 to %parallel_loop3A_64 step %parallel_loop3A_65  : i32 {
      %parallel_loop3A_1448 = arith.constant 8192 : i32
      %parallel_loop3A_1449 = arith.addi %parallel_loop3A_1448, %parallel_loop3A_1447 : i32
      %parallel_loop3A_1450 = arith.index_cast %parallel_loop3A_1449 : i32 to index
      %parallel_loop3A_1451 = tpu.vector_load %arg5[%parallel_loop3A_1450] {strides = array<i32>} : memref<16384xi32, #tpu.memory_space<vmem>>, vector<16xi32>,
      %parallel_loop3A_1452 = tpu.vector_load_idx %arg6[%parallel_loop3A_1451] : memref<100000xf32, #tpu.memory_space<vmem>>[vector<16xi32>], vector<16xf32>,
      %parallel_loop3A_1453 = arith.index_cast %parallel_loop3A_1447 : i32 to index
      %parallel_loop3A_1454 = tpu.vector_load %arg7[%parallel_loop3A_1453] {strides = array<i32>} : memref<4096xf32, #tpu.memory_space<vmem>>, vector<16xf32>,
      tpu.vector_store %arg7[%parallel_loop3A_1453], %parallel_loop3A_1452 {strides = array<i32>} : memref<4096xf32, #tpu.memory_space<vmem>>, vector<16xf32>,
    } {sc.loop_unroll_factor = 8 : i64, sc.parallel_access}
    %dma_start3A_66 = arith.constant 8192 : i32
    %dma_start3A_67 = tpu.memref_slice %arg4[%select_n3A, %select_n3A_34, %dma_start3A_66] : memref<26x16x16384xf32, #tpu.memory_space<hbm>> -> memref<1x1x4096xf32, #tpu.memory_space<hbm>>
    %dma_start3A_68 = tpu.memref_squeeze %dma_start3A_67 : memref<1x1x4096xf32, #tpu.memory_space<hbm>> -> memref<4096xf32, #tpu.memory_space<hbm>>
    %dma_start3A_69 = arith.constant 8192 : i32
    %dma_start3A_70 = tpu.memref_slice %arg4[%select_n3A, %select_n3A_34, %dma_start3A_69] : memref<26x16x16384xf32, #tpu.memory_space<hbm>> -> memref<1x1x4096xf32, #tpu.memory_space<hbm>>
    %dma_start3A_71 = tpu.memref_squeeze %dma_start3A_70 : memref<1x1x4096xf32, #tpu.memory_space<hbm>> -> memref<4096xf32, #tpu.memory_space<hbm>>
    tpu.enqueue_dma source(%arg7 : memref<4096xf32, #tpu.memory_space<vmem>>) target(%dma_start3A_71 : memref<4096xf32, #tpu.memory_space<hbm>>) target_semaphore(%arg10 : memref<!tpu.dma_semaphore, #tpu.memory_space<semaphore_mem>>)
    %dma_wait3A_72 = arith.constant 12288 : i32
    %dma_wait3A_73 = tpu.memref_slice %arg4[%select_n3A, %select_n3A_34, %dma_wait3A_72] : memref<26x16x16384xf32, #tpu.memory_space<hbm>> -> memref<1x1x4096xf32, #tpu.memory_space<hbm>>
    %dma_wait3A_74 = tpu.memref_squeeze %dma_wait3A_73 : memref<1x1x4096xf32, #tpu.memory_space<hbm>> -> memref<4096xf32, #tpu.memory_space<hbm>>
    %dma_wait3A_75 = arith.constant 12288 : i32
    %dma_wait3A_76 = tpu.memref_slice %arg4[%select_n3A, %select_n3A_34, %dma_wait3A_75] : memref<26x16x16384xf32, #tpu.memory_space<hbm>> -> memref<1x1x4096xf32, #tpu.memory_space<hbm>>
    %dma_wait3A_77 = tpu.memref_squeeze %dma_wait3A_76 : memref<1x1x4096xf32, #tpu.memory_space<hbm>> -> memref<4096xf32, #tpu.memory_space<hbm>>
    tpu.wait_dma2 semaphore(%arg11 : memref<!tpu.dma_semaphore, #tpu.memory_space<semaphore_mem>>) src(%arg8 : memref<4096xf32, #tpu.memory_space<vmem>>) dst(%dma_wait3A_77 : memref<4096xf32, #tpu.memory_space<hbm>>)
    %parallel_loop3A_78 = arith.constant 0 : i32
    %parallel_loop3A_79 = arith.constant 4096 : i32
    %parallel_loop3A_80 = arith.constant 16 : i32
    scf.for %parallel_loop3A_1447 = %parallel_loop3A_78 to %parallel_loop3A_79 step %parallel_loop3A_80  : i32 {
      %parallel_loop3A_1448 = arith.constant 12288 : i32
      %parallel_loop3A_1449 = arith.addi %parallel_loop3A_1448, %parallel_loop3A_1447 : i32
      %parallel_loop3A_1450 = arith.index_cast %parallel_loop3A_1449 : i32 to index
      %parallel_loop3A_1451 = tpu.vector_load %arg5[%parallel_loop3A_1450] {strides = array<i32>} : memref<16384xi32, #tpu.memory_space<vmem>>, vector<16xi32>,
      %parallel_loop3A_1452 = tpu.vector_load_idx %arg6[%parallel_loop3A_1451] : memref<100000xf32, #tpu.memory_space<vmem>>[vector<16xi32>], vector<16xf32>,
      %parallel_loop3A_1453 = arith.index_cast %parallel_loop3A_1447 : i32 to index
      %parallel_loop3A_1454 = tpu.vector_load %arg8[%parallel_loop3A_1453] {strides = array<i32>} : memref<4096xf32, #tpu.memory_space<vmem>>, vector<16xf32>,
      tpu.vector_store %arg8[%parallel_loop3A_1453], %parallel_loop3A_1452 {strides = array<i32>} : memref<4096xf32, #tpu.memory_space<vmem>>, vector<16xf32>,
    } {sc.loop_unroll_factor = 8 : i64, sc.parallel_access}
    %dma_start3A_81 = arith.constant 12288 : i32
    %dma_start3A_82 = tpu.memref_slice %arg4[%select_n3A, %select_n3A_34, %dma_start3A_81] : memref<26x16x16384xf32, #tpu.memory_space<hbm>> -> memref<1x1x4096xf32, #tpu.memory_space<hbm>>
    %dma_start3A_83 = tpu.memref_squeeze %dma_start3A_82 : memref<1x1x4096xf32, #tpu.memory_space<hbm>> -> memref<4096xf32, #tpu.memory_space<hbm>>
    %dma_start3A_84 = arith.constant 12288 : i32
    %dma_start3A_85 = tpu.memref_slice %arg4[%select_n3A, %select_n3A_34, %dma_start3A_84] : memref<26x16x16384xf32, #tpu.memory_space<hbm>> -> memref<1x1x4096xf32, #tpu.memory_space<hbm>>
    %dma_start3A_86 = tpu.memref_squeeze %dma_start3A_85 : memref<1x1x4096xf32, #tpu.memory_space<hbm>> -> memref<4096xf32, #tpu.memory_space<hbm>>
    tpu.enqueue_dma source(%arg8 : memref<4096xf32, #tpu.memory_space<vmem>>) target(%dma_start3A_86 : memref<4096xf32, #tpu.memory_space<hbm>>) target_semaphore(%arg11 : memref<!tpu.dma_semaphore, #tpu.memory_space<semaphore_mem>>)
    %add3A_87 = arith.constant 1 : i32
    %add3A_88 = arith.addi %mul3A_2, %add3A_87 : i32
    %jit3A_89 = arith.constant 16 : i32
    %div3A_90 = arith.divsi %add3A_88, %jit3A_89 : i32
    %sign3A_91 = arith.constant 0 : i32
    %sign3A_92 = arith.cmpi sgt, %add3A_88, %sign3A_91 : i32
    %sign3A_93 = arith.extui %sign3A_92 : i1 to i32
    %sign3A_94 = arith.constant 0 : i32
    %sign3A_95 = arith.cmpi slt, %add3A_88, %sign3A_94 : i32
    %sign3A_96 = arith.extui %sign3A_95 : i1 to i32
    %sign3A_97 = arith.subi %sign3A_93, %sign3A_96 : i32
    %sign3A_98 = arith.constant 0 : i32
    %sign3A_99 = arith.cmpi sgt, %jit3A_89, %sign3A_98 : i32
    %sign3A_100 = arith.extui %sign3A_99 : i1 to i32
    %sign3A_101 = arith.constant 0 : i32
    %sign3A_102 = arith.cmpi slt, %jit3A_89, %sign3A_101 : i32
    %sign3A_103 = arith.extui %sign3A_102 : i1 to i32
    %sign3A_104 = arith.subi %sign3A_100, %sign3A_103 : i32
    %ne3A_105 = arith.cmpi ne, %sign3A_97, %sign3A_104 : i32
    %rem3A_106 = arith.remsi %add3A_88, %jit3A_89 : i32
    %ne3A_107 = arith.constant 0 : i32
    %ne3A_108 = arith.cmpi ne, %rem3A_106, %ne3A_107 : i32
    %and3A_109 = arith.andi %ne3A_105, %ne3A_108 : i1
    %sub3A_110 = arith.constant 1 : i32
    %sub3A_111 = arith.subi %div3A_90, %sub3A_110 : i32
    %select_n3A_112 = arith.select %and3A_109, %sub3A_111, %div3A_90 : i32
    %jit3A_113 = arith.constant 16 : i32
    %eq3A_114 = arith.constant 0 : i32
    %eq3A_115 = arith.cmpi eq, %jit3A_113, %eq3A_114 : i32
    %jit3A_116 = arith.constant 1 : i32
    %select_n3A_117 = arith.select %eq3A_115, %jit3A_116, %jit3A_113 : i32
    %rem3A_118 = arith.remsi %add3A_88, %select_n3A_117 : i32
    %ne3A_119 = arith.constant 0 : i32
    %ne3A_120 = arith.cmpi ne, %rem3A_118, %ne3A_119 : i32
    %lt3A_121 = arith.constant 0 : i32
    %lt3A_122 = arith.cmpi slt, %rem3A_118, %lt3A_121 : i32
    %lt3A_123 = arith.constant 0 : i32
    %lt3A_124 = arith.cmpi slt, %select_n3A_117, %lt3A_123 : i32
    %ne3A_125 = arith.xori %lt3A_122, %lt3A_124 : i1
    %and3A_126 = arith.andi %ne3A_125, %ne3A_120 : i1
    %add3A_127 = arith.addi %rem3A_118, %select_n3A_117 : i32
    %select_n3A_128 = arith.select %and3A_126, %add3A_127, %rem3A_118 : i32
    %eq3A_129 = arith.constant 0 : i32
    %eq3A_130 = arith.cmpi eq, %select_n3A_128, %eq3A_129 : i32
    %or3A_131 = arith.constant false
    %or3A_132 = arith.ori %or3A_131, %eq3A_130 : i1
    %convert_element_type3A_133 = arith.extui %or3A_132 : i1 to i32
    %cond3A_134 = arith.constant 0 : i32
    %cond3A_135 = arith.cmpi ne, %convert_element_type3A_133, %cond3A_134 : i32
    scf.if %cond3A_135 {
      %dma_start3A_1447 = arith.constant 0 : i32
      %dma_start3A_1448 = tpu.memref_slice %arg3[%select_n3A_112, %dma_start3A_1447] : memref<26x16384xi32, #tpu.memory_space<hbm>> -> memref<1x16384xi32, #tpu.memory_space<hbm>>
      %dma_start3A_1449 = tpu.memref_squeeze %dma_start3A_1448 : memref<1x16384xi32, #tpu.memory_space<hbm>> -> memref<16384xi32, #tpu.memory_space<hbm>>
      %dma_start3A_1450 = arith.constant 0 : i32
      %dma_start3A_1451 = tpu.memref_slice %arg3[%select_n3A_112, %dma_start3A_1450] : memref<26x16384xi32, #tpu.memory_space<hbm>> -> memref<1x16384xi32, #tpu.memory_space<hbm>>
      %dma_start3A_1452 = tpu.memref_squeeze %dma_start3A_1451 : memref<1x16384xi32, #tpu.memory_space<hbm>> -> memref<16384xi32, #tpu.memory_space<hbm>>
      tpu.enqueue_dma source(%dma_start3A_1452 : memref<16384xi32, #tpu.memory_space<hbm>>) target(%arg5 : memref<16384xi32, #tpu.memory_space<vmem>>) target_semaphore(%arg9 : memref<!tpu.dma_semaphore, #tpu.memory_space<semaphore_mem>>)
    } else {
    }
    "tpu.region"() ({
      %run_scoped3A = tpu.sem_alloc : memref<!tpu.dma_semaphore, #tpu.memory_space<semaphore_mem>>
      %dma_start3A_1447 = arith.constant 0 : i32
      %dma_start3A_1448 = tpu.memref_slice %arg2[%select_n3A_112, %select_n3A_128, %dma_start3A_1447] : memref<26x16x100000xf32, #tpu.memory_space<hbm>> -> memref<1x1x100000xf32, #tpu.memory_space<hbm>>
      %dma_start3A_1449 = tpu.memref_squeeze %dma_start3A_1448 : memref<1x1x100000xf32, #tpu.memory_space<hbm>> -> memref<100000xf32, #tpu.memory_space<hbm>>
      %dma_start3A_1450 = arith.constant 0 : i32
      %dma_start3A_1451 = tpu.memref_slice %arg2[%select_n3A_112, %select_n3A_128, %dma_start3A_1450] : memref<26x16x100000xf32, #tpu.memory_space<hbm>> -> memref<1x1x100000xf32, #tpu.memory_space<hbm>>
      %dma_start3A_1452 = tpu.memref_squeeze %dma_start3A_1451 : memref<1x1x100000xf32, #tpu.memory_space<hbm>> -> memref<100000xf32, #tpu.memory_space<hbm>>
      tpu.enqueue_dma source(%dma_start3A_1452 : memref<100000xf32, #tpu.memory_space<hbm>>) target(%arg6 : memref<100000xf32, #tpu.memory_space<vmem>>) target_semaphore(%run_scoped3A : memref<!tpu.dma_semaphore, #tpu.memory_space<semaphore_mem>>)
      %dma_wait3A_1453 = arith.constant 0 : i32
      %dma_wait3A_1454 = tpu.memref_slice %arg2[%select_n3A_112, %select_n3A_128, %dma_wait3A_1453] : memref<26x16x100000xf32, #tpu.memory_space<hbm>> -> memref<1x1x100000xf32, #tpu.memory_space<hbm>>
      %dma_wait3A_1455 = tpu.memref_squeeze %dma_wait3A_1454 : memref<1x1x100000xf32, #tpu.memory_space<hbm>> -> memref<100000xf32, #tpu.memory_space<hbm>>
      %dma_wait3A_1456 = arith.constant 0 : i32
      %dma_wait3A_1457 = tpu.memref_slice %arg2[%select_n3A_112, %select_n3A_128, %dma_wait3A_1456] : memref<26x16x100000xf32, #tpu.memory_space<hbm>> -> memref<1x1x100000xf32, #tpu.memory_space<hbm>>
      %dma_wait3A_1458 = tpu.memref_squeeze %dma_wait3A_1457 : memref<1x1x100000xf32, #tpu.memory_space<hbm>> -> memref<100000xf32, #tpu.memory_space<hbm>>
      tpu.wait_dma2 semaphore(%run_scoped3A : memref<!tpu.dma_semaphore, #tpu.memory_space<semaphore_mem>>) src(%dma_wait3A_1458 : memref<100000xf32, #tpu.memory_space<hbm>>) dst(%arg6 : memref<100000xf32, #tpu.memory_space<vmem>>)
      tpu.yield
    }) : () -> ()
    %convert_element_type3A_136 = arith.extui %or3A_132 : i1 to i32
    %cond3A_137 = arith.constant 0 : i32
    %cond3A_138 = arith.cmpi ne, %convert_element_type3A_136, %cond3A_137 : i32
    scf.if %cond3A_138 {
      %dma_wait3A_1447 = arith.constant 0 : i32
      %dma_wait3A_1448 = tpu.memref_slice %arg3[%select_n3A_112, %dma_wait3A_1447] : memref<26x16384xi32, #tpu.memory_space<hbm>> -> memref<1x16384xi32, #tpu.memory_space<hbm>>
      %dma_wait3A_1449 = tpu.memref_squeeze %dma_wait3A_1448 : memref<1x16384xi32, #tpu.memory_space<hbm>> -> memref<16384xi32, #tpu.memory_space<hbm>>
      %dma_wait3A_1450 = arith.constant 0 : i32
      %dma_wait3A_1451 = tpu.memref_slice %arg3[%select_n3A_112, %dma_wait3A_1450] : memref<26x16384xi32, #tpu.memory_space<hbm>> -> memref<1x16384xi32, #tpu.memory_space<hbm>>
      %dma_wait3A_1452 = tpu.memref_squeeze %dma_wait3A_1451 : memref<1x16384xi32, #tpu.memory_space<hbm>> -> memref<16384xi32, #tpu.memory_space<hbm>>
      tpu.wait_dma2 semaphore(%arg9 : memref<!tpu.dma_semaphore, #tpu.memory_space<semaphore_mem>>) src(%dma_wait3A_1452 : memref<16384xi32, #tpu.memory_space<hbm>>) dst(%arg5 : memref<16384xi32, #tpu.memory_space<vmem>>)
    } else {
    }
    %dma_wait3A_139 = arith.constant 0 : i32
    %dma_wait3A_140 = tpu.memref_slice %arg4[%select_n3A_112, %select_n3A_128, %dma_wait3A_139] : memref<26x16x16384xf32, #tpu.memory_space<hbm>> -> memref<1x1x4096xf32, #tpu.memory_space<hbm>>
    %dma_wait3A_141 = tpu.memref_squeeze %dma_wait3A_140 : memref<1x1x4096xf32, #tpu.memory_space<hbm>> -> memref<4096xf32, #tpu.memory_space<hbm>>
    %dma_wait3A_142 = arith.constant 0 : i32
    %dma_wait3A_143 = tpu.memref_slice %arg4[%select_n3A_112, %select_n3A_128, %dma_wait3A_142] : memref<26x16x16384xf32, #tpu.memory_space<hbm>> -> memref<1x1x4096xf32, #tpu.memory_space<hbm>>
    %dma_wait3A_144 = tpu.memref_squeeze %dma_wait3A_143 : memref<1x1x4096xf32, #tpu.memory_space<hbm>> -> memref<4096xf32, #tpu.memory_space<hbm>>
    tpu.wait_dma2 semaphore(%arg10 : memref<!tpu.dma_semaphore, #tpu.memory_space<semaphore_mem>>) src(%arg7 : memref<4096xf32, #tpu.memory_space<vmem>>) dst(%dma_wait3A_144 : memref<4096xf32, #tpu.memory_space<hbm>>)
    %parallel_loop3A_145 = arith.constant 0 : i32
    %parallel_loop3A_146 = arith.constant 4096 : i32
    %parallel_loop3A_147 = arith.constant 16 : i32
    scf.for %parallel_loop3A_1447 = %parallel_loop3A_145 to %parallel_loop3A_146 step %parallel_loop3A_147  : i32 {
      %parallel_loop3A_1448 = arith.constant 0 : i32
      %parallel_loop3A_1449 = arith.addi %parallel_loop3A_1448, %parallel_loop3A_1447 : i32
      %parallel_loop3A_1450 = arith.index_cast %parallel_loop3A_1449 : i32 to index
      %parallel_loop3A_1451 = tpu.vector_load %arg5[%parallel_loop3A_1450] {strides = array<i32>} : memref<16384xi32, #tpu.memory_space<vmem>>, vector<16xi32>,
      %parallel_loop3A_1452 = tpu.vector_load_idx %arg6[%parallel_loop3A_1451] : memref<100000xf32, #tpu.memory_space<vmem>>[vector<16xi32>], vector<16xf32>,
      %parallel_loop3A_1453 = arith.index_cast %parallel_loop3A_1447 : i32 to index
      %parallel_loop3A_1454 = tpu.vector_load %arg7[%parallel_loop3A_1453] {strides = array<i32>} : memref<4096xf32, #tpu.memory_space<vmem>>, vector<16xf32>,
      tpu.vector_store %arg7[%parallel_loop3A_1453], %parallel_loop3A_1452 {strides = array<i32>} : memref<4096xf32, #tpu.memory_space<vmem>>, vector<16xf32>,
    } {sc.loop_unroll_factor = 8 : i64, sc.parallel_access}
    %dma_start3A_148 = arith.constant 0 : i32
    %dma_start3A_149 = tpu.memref_slice %arg4[%select_n3A_112, %select_n3A_128, %dma_start3A_148] : memref<26x16x16384xf32, #tpu.memory_space<hbm>> -> memref<1x1x4096xf32, #tpu.memory_space<hbm>>
    %dma_start3A_150 = tpu.memref_squeeze %dma_start3A_149 : memref<1x1x4096xf32, #tpu.memory_space<hbm>> -> memref<4096xf32, #tpu.memory_space<hbm>>
    %dma_start3A_151 = arith.constant 0 : i32
    %dma_start3A_152 = tpu.memref_slice %arg4[%select_n3A_112, %select_n3A_128, %dma_start3A_151] : memref<26x16x16384xf32, #tpu.memory_space<hbm>> -> memref<1x1x4096xf32, #tpu.memory_space<hbm>>
    %dma_start3A_153 = tpu.memref_squeeze %dma_start3A_152 : memref<1x1x4096xf32, #tpu.memory_space<hbm>> -> memref<4096xf32, #tpu.memory_space<hbm>>
    tpu.enqueue_dma source(%arg7 : memref<4096xf32, #tpu.memory_space<vmem>>) target(%dma_start3A_153 : memref<4096xf32, #tpu.memory_space<hbm>>) target_semaphore(%arg10 : memref<!tpu.dma_semaphore, #tpu.memory_space<semaphore_mem>>)
    %dma_wait3A_154 = arith.constant 4096 : i32
    %dma_wait3A_155 = tpu.memref_slice %arg4[%select_n3A_112, %select_n3A_128, %dma_wait3A_154] : memref<26x16x16384xf32, #tpu.memory_space<hbm>> -> memref<1x1x4096xf32, #tpu.memory_space<hbm>>
    %dma_wait3A_156 = tpu.memref_squeeze %dma_wait3A_155 : memref<1x1x4096xf32, #tpu.memory_space<hbm>> -> memref<4096xf32, #tpu.memory_space<hbm>>
    %dma_wait3A_157 = arith.constant 4096 : i32
    %dma_wait3A_158 = tpu.memref_slice %arg4[%select_n3A_112, %select_n3A_128, %dma_wait3A_157] : memref<26x16x16384xf32, #tpu.memory_space<hbm>> -> memref<1x1x4096xf32, #tpu.memory_space<hbm>>
    %dma_wait3A_159 = tpu.memref_squeeze %dma_wait3A_158 : memref<1x1x4096xf32, #tpu.memory_space<hbm>> -> memref<4096xf32, #tpu.memory_space<hbm>>
    tpu.wait_dma2 semaphore(%arg11 : memref<!tpu.dma_semaphore, #tpu.memory_space<semaphore_mem>>) src(%arg8 : memref<4096xf32, #tpu.memory_space<vmem>>) dst(%dma_wait3A_159 : memref<4096xf32, #tpu.memory_space<hbm>>)
    %parallel_loop3A_160 = arith.constant 0 : i32
    %parallel_loop3A_161 = arith.constant 4096 : i32
    %parallel_loop3A_162 = arith.constant 16 : i32
    scf.for %parallel_loop3A_1447 = %parallel_loop3A_160 to %parallel_loop3A_161 step %parallel_loop3A_162  : i32 {
      %parallel_loop3A_1448 = arith.constant 4096 : i32
      %parallel_loop3A_1449 = arith.addi %parallel_loop3A_1448, %parallel_loop3A_1447 : i32
      %parallel_loop3A_1450 = arith.index_cast %parallel_loop3A_1449 : i32 to index
      %parallel_loop3A_1451 = tpu.vector_load %arg5[%parallel_loop3A_1450] {strides = array<i32>} : memref<16384xi32, #tpu.memory_space<vmem>>, vector<16xi32>,
      %parallel_loop3A_1452 = tpu.vector_load_idx %arg6[%parallel_loop3A_1451] : memref<100000xf32, #tpu.memory_space<vmem>>[vector<16xi32>], vector<16xf32>,
      %parallel_loop3A_1453 = arith.index_cast %parallel_loop3A_1447 : i32 to index
      %parallel_loop3A_1454 = tpu.vector_load %arg8[%parallel_loop3A_1453] {strides = array<i32>} : memref<4096xf32, #tpu.memory_space<vmem>>, vector<16xf32>,
      tpu.vector_store %arg8[%parallel_loop3A_1453], %parallel_loop3A_1452 {strides = array<i32>} : memref<4096xf32, #tpu.memory_space<vmem>>, vector<16xf32>,
    } {sc.loop_unroll_factor = 8 : i64, sc.parallel_access}
    %dma_start3A_163 = arith.constant 4096 : i32
    %dma_start3A_164 = tpu.memref_slice %arg4[%select_n3A_112, %select_n3A_128, %dma_start3A_163] : memref<26x16x16384xf32, #tpu.memory_space<hbm>> -> memref<1x1x4096xf32, #tpu.memory_space<hbm>>
    %dma_start3A_165 = tpu.memref_squeeze %dma_start3A_164 : memref<1x1x4096xf32, #tpu.memory_space<hbm>> -> memref<4096xf32, #tpu.memory_space<hbm>>
    %dma_start3A_166 = arith.constant 4096 : i32
    %dma_start3A_167 = tpu.memref_slice %arg4[%select_n3A_112, %select_n3A_128, %dma_start3A_166] : memref<26x16x16384xf32, #tpu.memory_space<hbm>> -> memref<1x1x4096xf32, #tpu.memory_space<hbm>>
    %dma_start3A_168 = tpu.memref_squeeze %dma_start3A_167 : memref<1x1x4096xf32, #tpu.memory_space<hbm>> -> memref<4096xf32, #tpu.memory_space<hbm>>
    tpu.enqueue_dma source(%arg8 : memref<4096xf32, #tpu.memory_space<vmem>>) target(%dma_start3A_168 : memref<4096xf32, #tpu.memory_space<hbm>>) target_semaphore(%arg11 : memref<!tpu.dma_semaphore, #tpu.memory_space<semaphore_mem>>)
    %dma_wait3A_169 = arith.constant 8192 : i32
    %dma_wait3A_170 = tpu.memref_slice %arg4[%select_n3A_112, %select_n3A_128, %dma_wait3A_169] : memref<26x16x16384xf32, #tpu.memory_space<hbm>> -> memref<1x1x4096xf32, #tpu.memory_space<hbm>>
    %dma_wait3A_171 = tpu.memref_squeeze %dma_wait3A_170 : memref<1x1x4096xf32, #tpu.memory_space<hbm>> -> memref<4096xf32, #tpu.memory_space<hbm>>
    %dma_wait3A_172 = arith.constant 8192 : i32
    %dma_wait3A_173 = tpu.memref_slice %arg4[%select_n3A_112, %select_n3A_128, %dma_wait3A_172] : memref<26x16x16384xf32, #tpu.memory_space<hbm>> -> memref<1x1x4096xf32, #tpu.memory_space<hbm>>
    %dma_wait3A_174 = tpu.memref_squeeze %dma_wait3A_173 : memref<1x1x4096xf32, #tpu.memory_space<hbm>> -> memref<4096xf32, #tpu.memory_space<hbm>>
    tpu.wait_dma2 semaphore(%arg10 : memref<!tpu.dma_semaphore, #tpu.memory_space<semaphore_mem>>) src(%arg7 : memref<4096xf32, #tpu.memory_space<vmem>>) dst(%dma_wait3A_174 : memref<4096xf32, #tpu.memory_space<hbm>>)
    %parallel_loop3A_175 = arith.constant 0 : i32
    %parallel_loop3A_176 = arith.constant 4096 : i32
    %parallel_loop3A_177 = arith.constant 16 : i32
    scf.for %parallel_loop3A_1447 = %parallel_loop3A_175 to %parallel_loop3A_176 step %parallel_loop3A_177  : i32 {
      %parallel_loop3A_1448 = arith.constant 8192 : i32
      %parallel_loop3A_1449 = arith.addi %parallel_loop3A_1448, %parallel_loop3A_1447 : i32
      %parallel_loop3A_1450 = arith.index_cast %parallel_loop3A_1449 : i32 to index
      %parallel_loop3A_1451 = tpu.vector_load %arg5[%parallel_loop3A_1450] {strides = array<i32>} : memref<16384xi32, #tpu.memory_space<vmem>>, vector<16xi32>,
      %parallel_loop3A_1452 = tpu.vector_load_idx %arg6[%parallel_loop3A_1451] : memref<100000xf32, #tpu.memory_space<vmem>>[vector<16xi32>], vector<16xf32>,
      %parallel_loop3A_1453 = arith.index_cast %parallel_loop3A_1447 : i32 to index
      %parallel_loop3A_1454 = tpu.vector_load %arg7[%parallel_loop3A_1453] {strides = array<i32>} : memref<4096xf32, #tpu.memory_space<vmem>>, vector<16xf32>,
      tpu.vector_store %arg7[%parallel_loop3A_1453], %parallel_loop3A_1452 {strides = array<i32>} : memref<4096xf32, #tpu.memory_space<vmem>>, vector<16xf32>,
    } {sc.loop_unroll_factor = 8 : i64, sc.parallel_access}
    %dma_start3A_178 = arith.constant 8192 : i32
    %dma_start3A_179 = tpu.memref_slice %arg4[%select_n3A_112, %select_n3A_128, %dma_start3A_178] : memref<26x16x16384xf32, #tpu.memory_space<hbm>> -> memref<1x1x4096xf32, #tpu.memory_space<hbm>>
    %dma_start3A_180 = tpu.memref_squeeze %dma_start3A_179 : memref<1x1x4096xf32, #tpu.memory_space<hbm>> -> memref<4096xf32, #tpu.memory_space<hbm>>
    %dma_start3A_181 = arith.constant 8192 : i32
    %dma_start3A_182 = tpu.memref_slice %arg4[%select_n3A_112, %select_n3A_128, %dma_start3A_181] : memref<26x16x16384xf32, #tpu.memory_space<hbm>> -> memref<1x1x4096xf32, #tpu.memory_space<hbm>>
    %dma_start3A_183 = tpu.memref_squeeze %dma_start3A_182 : memref<1x1x4096xf32, #tpu.memory_space<hbm>> -> memref<4096xf32, #tpu.memory_space<hbm>>
    tpu.enqueue_dma source(%arg7 : memref<4096xf32, #tpu.memory_space<vmem>>) target(%dma_start3A_183 : memref<4096xf32, #tpu.memory_space<hbm>>) target_semaphore(%arg10 : memref<!tpu.dma_semaphore, #tpu.memory_space<semaphore_mem>>)
    %dma_wait3A_184 = arith.constant 12288 : i32
    %dma_wait3A_185 = tpu.memref_slice %arg4[%select_n3A_112, %select_n3A_128, %dma_wait3A_184] : memref<26x16x16384xf32, #tpu.memory_space<hbm>> -> memref<1x1x4096xf32, #tpu.memory_space<hbm>>
    %dma_wait3A_186 = tpu.memref_squeeze %dma_wait3A_185 : memref<1x1x4096xf32, #tpu.memory_space<hbm>> -> memref<4096xf32, #tpu.memory_space<hbm>>
    %dma_wait3A_187 = arith.constant 12288 : i32
    %dma_wait3A_188 = tpu.memref_slice %arg4[%select_n3A_112, %select_n3A_128, %dma_wait3A_187] : memref<26x16x16384xf32, #tpu.memory_space<hbm>> -> memref<1x1x4096xf32, #tpu.memory_space<hbm>>
    %dma_wait3A_189 = tpu.memref_squeeze %dma_wait3A_188 : memref<1x1x4096xf32, #tpu.memory_space<hbm>> -> memref<4096xf32, #tpu.memory_space<hbm>>
    tpu.wait_dma2 semaphore(%arg11 : memref<!tpu.dma_semaphore, #tpu.memory_space<semaphore_mem>>) src(%arg8 : memref<4096xf32, #tpu.memory_space<vmem>>) dst(%dma_wait3A_189 : memref<4096xf32, #tpu.memory_space<hbm>>)
    %parallel_loop3A_190 = arith.constant 0 : i32
    %parallel_loop3A_191 = arith.constant 4096 : i32
    %parallel_loop3A_192 = arith.constant 16 : i32
    scf.for %parallel_loop3A_1447 = %parallel_loop3A_190 to %parallel_loop3A_191 step %parallel_loop3A_192  : i32 {
      %parallel_loop3A_1448 = arith.constant 12288 : i32
      %parallel_loop3A_1449 = arith.addi %parallel_loop3A_1448, %parallel_loop3A_1447 : i32
      %parallel_loop3A_1450 = arith.index_cast %parallel_loop3A_1449 : i32 to index
      %parallel_loop3A_1451 = tpu.vector_load %arg5[%parallel_loop3A_1450] {strides = array<i32>} : memref<16384xi32, #tpu.memory_space<vmem>>, vector<16xi32>,
      %parallel_loop3A_1452 = tpu.vector_load_idx %arg6[%parallel_loop3A_1451] : memref<100000xf32, #tpu.memory_space<vmem>>[vector<16xi32>], vector<16xf32>,
      %parallel_loop3A_1453 = arith.index_cast %parallel_loop3A_1447 : i32 to index
      %parallel_loop3A_1454 = tpu.vector_load %arg8[%parallel_loop3A_1453] {strides = array<i32>} : memref<4096xf32, #tpu.memory_space<vmem>>, vector<16xf32>,
      tpu.vector_store %arg8[%parallel_loop3A_1453], %parallel_loop3A_1452 {strides = array<i32>} : memref<4096xf32, #tpu.memory_space<vmem>>, vector<16xf32>,
    } {sc.loop_unroll_factor = 8 : i64, sc.parallel_access}
    %dma_start3A_193 = arith.constant 12288 : i32
    %dma_start3A_194 = tpu.memref_slice %arg4[%select_n3A_112, %select_n3A_128, %dma_start3A_193] : memref<26x16x16384xf32, #tpu.memory_space<hbm>> -> memref<1x1x4096xf32, #tpu.memory_space<hbm>>
    %dma_start3A_195 = tpu.memref_squeeze %dma_start3A_194 : memref<1x1x4096xf32, #tpu.memory_space<hbm>> -> memref<4096xf32, #tpu.memory_space<hbm>>
    %dma_start3A_196 = arith.constant 12288 : i32
    %dma_start3A_197 = tpu.memref_slice %arg4[%select_n3A_112, %select_n3A_128, %dma_start3A_196] : memref<26x16x16384xf32, #tpu.memory_space<hbm>> -> memref<1x1x4096xf32, #tpu.memory_space<hbm>>
    %dma_start3A_198 = tpu.memref_squeeze %dma_start3A_197 : memref<1x1x4096xf32, #tpu.memory_space<hbm>> -> memref<4096xf32, #tpu.memory_space<hbm>>
    tpu.enqueue_dma source(%arg8 : memref<4096xf32, #tpu.memory_space<vmem>>) target(%dma_start3A_198 : memref<4096xf32, #tpu.memory_space<hbm>>) target_semaphore(%arg11 : memref<!tpu.dma_semaphore, #tpu.memory_space<semaphore_mem>>)
    %add3A_199 = arith.constant 2 : i32
    %add3A_200 = arith.addi %mul3A_2, %add3A_199 : i32
    %jit3A_201 = arith.constant 16 : i32
    %div3A_202 = arith.divsi %add3A_200, %jit3A_201 : i32
    %sign3A_203 = arith.constant 0 : i32
    %sign3A_204 = arith.cmpi sgt, %add3A_200, %sign3A_203 : i32
    %sign3A_205 = arith.extui %sign3A_204 : i1 to i32
    %sign3A_206 = arith.constant 0 : i32
    %sign3A_207 = arith.cmpi slt, %add3A_200, %sign3A_206 : i32
    %sign3A_208 = arith.extui %sign3A_207 : i1 to i32
    %sign3A_209 = arith.subi %sign3A_205, %sign3A_208 : i32
    %sign3A_210 = arith.constant 0 : i32
    %sign3A_211 = arith.cmpi sgt, %jit3A_201, %sign3A_210 : i32
    %sign3A_212 = arith.extui %sign3A_211 : i1 to i32
    %sign3A_213 = arith.constant 0 : i32
    %sign3A_214 = arith.cmpi slt, %jit3A_201, %sign3A_213 : i32
    %sign3A_215 = arith.extui %sign3A_214 : i1 to i32
    %sign3A_216 = arith.subi %sign3A_212, %sign3A_215 : i32
    %ne3A_217 = arith.cmpi ne, %sign3A_209, %sign3A_216 : i32
    %rem3A_218 = arith.remsi %add3A_200, %jit3A_201 : i32
    %ne3A_219 = arith.constant 0 : i32
    %ne3A_220 = arith.cmpi ne, %rem3A_218, %ne3A_219 : i32
    %and3A_221 = arith.andi %ne3A_217, %ne3A_220 : i1
    %sub3A_222 = arith.constant 1 : i32
    %sub3A_223 = arith.subi %div3A_202, %sub3A_222 : i32
    %select_n3A_224 = arith.select %and3A_221, %sub3A_223, %div3A_202 : i32
    %jit3A_225 = arith.constant 16 : i32
    %eq3A_226 = arith.constant 0 : i32
    %eq3A_227 = arith.cmpi eq, %jit3A_225, %eq3A_226 : i32
    %jit3A_228 = arith.constant 1 : i32
    %select_n3A_229 = arith.select %eq3A_227, %jit3A_228, %jit3A_225 : i32
    %rem3A_230 = arith.remsi %add3A_200, %select_n3A_229 : i32
    %ne3A_231 = arith.constant 0 : i32
    %ne3A_232 = arith.cmpi ne, %rem3A_230, %ne3A_231 : i32
    %lt3A_233 = arith.constant 0 : i32
    %lt3A_234 = arith.cmpi slt, %rem3A_230, %lt3A_233 : i32
    %lt3A_235 = arith.constant 0 : i32
    %lt3A_236 = arith.cmpi slt, %select_n3A_229, %lt3A_235 : i32
    %ne3A_237 = arith.xori %lt3A_234, %lt3A_236 : i1
    %and3A_238 = arith.andi %ne3A_237, %ne3A_232 : i1
    %add3A_239 = arith.addi %rem3A_230, %select_n3A_229 : i32
    %select_n3A_240 = arith.select %and3A_238, %add3A_239, %rem3A_230 : i32
    %eq3A_241 = arith.constant 0 : i32
    %eq3A_242 = arith.cmpi eq, %select_n3A_240, %eq3A_241 : i32
    %or3A_243 = arith.constant false
    %or3A_244 = arith.ori %or3A_243, %eq3A_242 : i1
    %convert_element_type3A_245 = arith.extui %or3A_244 : i1 to i32
    %cond3A_246 = arith.constant 0 : i32
    %cond3A_247 = arith.cmpi ne, %convert_element_type3A_245, %cond3A_246 : i32
    scf.if %cond3A_247 {
      %dma_start3A_1447 = arith.constant 0 : i32
      %dma_start3A_1448 = tpu.memref_slice %arg3[%select_n3A_224, %dma_start3A_1447] : memref<26x16384xi32, #tpu.memory_space<hbm>> -> memref<1x16384xi32, #tpu.memory_space<hbm>>
      %dma_start3A_1449 = tpu.memref_squeeze %dma_start3A_1448 : memref<1x16384xi32, #tpu.memory_space<hbm>> -> memref<16384xi32, #tpu.memory_space<hbm>>
      %dma_start3A_1450 = arith.constant 0 : i32
      %dma_start3A_1451 = tpu.memref_slice %arg3[%select_n3A_224, %dma_start3A_1450] : memref<26x16384xi32, #tpu.memory_space<hbm>> -> memref<1x16384xi32, #tpu.memory_space<hbm>>
      %dma_start3A_1452 = tpu.memref_squeeze %dma_start3A_1451 : memref<1x16384xi32, #tpu.memory_space<hbm>> -> memref<16384xi32, #tpu.memory_space<hbm>>
      tpu.enqueue_dma source(%dma_start3A_1452 : memref<16384xi32, #tpu.memory_space<hbm>>) target(%arg5 : memref<16384xi32, #tpu.memory_space<vmem>>) target_semaphore(%arg9 : memref<!tpu.dma_semaphore, #tpu.memory_space<semaphore_mem>>)
    } else {
    }
    "tpu.region"() ({
      %run_scoped3A = tpu.sem_alloc : memref<!tpu.dma_semaphore, #tpu.memory_space<semaphore_mem>>
      %dma_start3A_1447 = arith.constant 0 : i32
      %dma_start3A_1448 = tpu.memref_slice %arg2[%select_n3A_224, %select_n3A_240, %dma_start3A_1447] : memref<26x16x100000xf32, #tpu.memory_space<hbm>> -> memref<1x1x100000xf32, #tpu.memory_space<hbm>>
      %dma_start3A_1449 = tpu.memref_squeeze %dma_start3A_1448 : memref<1x1x100000xf32, #tpu.memory_space<hbm>> -> memref<100000xf32, #tpu.memory_space<hbm>>
      %dma_start3A_1450 = arith.constant 0 : i32
      %dma_start3A_1451 = tpu.memref_slice %arg2[%select_n3A_224, %select_n3A_240, %dma_start3A_1450] : memref<26x16x100000xf32, #tpu.memory_space<hbm>> -> memref<1x1x100000xf32, #tpu.memory_space<hbm>>
      %dma_start3A_1452 = tpu.memref_squeeze %dma_start3A_1451 : memref<1x1x100000xf32, #tpu.memory_space<hbm>> -> memref<100000xf32, #tpu.memory_space<hbm>>
      tpu.enqueue_dma source(%dma_start3A_1452 : memref<100000xf32, #tpu.memory_space<hbm>>) target(%arg6 : memref<100000xf32, #tpu.memory_space<vmem>>) target_semaphore(%run_scoped3A : memref<!tpu.dma_semaphore, #tpu.memory_space<semaphore_mem>>)
      %dma_wait3A_1453 = arith.constant 0 : i32
      %dma_wait3A_1454 = tpu.memref_slice %arg2[%select_n3A_224, %select_n3A_240, %dma_wait3A_1453] : memref<26x16x100000xf32, #tpu.memory_space<hbm>> -> memref<1x1x100000xf32, #tpu.memory_space<hbm>>
      %dma_wait3A_1455 = tpu.memref_squeeze %dma_wait3A_1454 : memref<1x1x100000xf32, #tpu.memory_space<hbm>> -> memref<100000xf32, #tpu.memory_space<hbm>>
      %dma_wait3A_1456 = arith.constant 0 : i32
      %dma_wait3A_1457 = tpu.memref_slice %arg2[%select_n3A_224, %select_n3A_240, %dma_wait3A_1456] : memref<26x16x100000xf32, #tpu.memory_space<hbm>> -> memref<1x1x100000xf32, #tpu.memory_space<hbm>>
      %dma_wait3A_1458 = tpu.memref_squeeze %dma_wait3A_1457 : memref<1x1x100000xf32, #tpu.memory_space<hbm>> -> memref<100000xf32, #tpu.memory_space<hbm>>
      tpu.wait_dma2 semaphore(%run_scoped3A : memref<!tpu.dma_semaphore, #tpu.memory_space<semaphore_mem>>) src(%dma_wait3A_1458 : memref<100000xf32, #tpu.memory_space<hbm>>) dst(%arg6 : memref<100000xf32, #tpu.memory_space<vmem>>)
      tpu.yield
    }) : () -> ()
    %convert_element_type3A_248 = arith.extui %or3A_244 : i1 to i32
    %cond3A_249 = arith.constant 0 : i32
    %cond3A_250 = arith.cmpi ne, %convert_element_type3A_248, %cond3A_249 : i32
    scf.if %cond3A_250 {
      %dma_wait3A_1447 = arith.constant 0 : i32
      %dma_wait3A_1448 = tpu.memref_slice %arg3[%select_n3A_224, %dma_wait3A_1447] : memref<26x16384xi32, #tpu.memory_space<hbm>> -> memref<1x16384xi32, #tpu.memory_space<hbm>>
      %dma_wait3A_1449 = tpu.memref_squeeze %dma_wait3A_1448 : memref<1x16384xi32, #tpu.memory_space<hbm>> -> memref<16384xi32, #tpu.memory_space<hbm>>
      %dma_wait3A_1450 = arith.constant 0 : i32
      %dma_wait3A_1451 = tpu.memref_slice %arg3[%select_n3A_224, %dma_wait3A_1450] : memref<26x16384xi32, #tpu.memory_space<hbm>> -> memref<1x16384xi32, #tpu.memory_space<hbm>>
      %dma_wait3A_1452 = tpu.memref_squeeze %dma_wait3A_1451 : memref<1x16384xi32, #tpu.memory_space<hbm>> -> memref<16384xi32, #tpu.memory_space<hbm>>
      tpu.wait_dma2 semaphore(%arg9 : memref<!tpu.dma_semaphore, #tpu.memory_space<semaphore_mem>>) src(%dma_wait3A_1452 : memref<16384xi32, #tpu.memory_space<hbm>>) dst(%arg5 : memref<16384xi32, #tpu.memory_space<vmem>>)
    } else {
    }
    %dma_wait3A_251 = arith.constant 0 : i32
    %dma_wait3A_252 = tpu.memref_slice %arg4[%select_n3A_224, %select_n3A_240, %dma_wait3A_251] : memref<26x16x16384xf32, #tpu.memory_space<hbm>> -> memref<1x1x4096xf32, #tpu.memory_space<hbm>>
    %dma_wait3A_253 = tpu.memref_squeeze %dma_wait3A_252 : memref<1x1x4096xf32, #tpu.memory_space<hbm>> -> memref<4096xf32, #tpu.memory_space<hbm>>
    %dma_wait3A_254 = arith.constant 0 : i32
    %dma_wait3A_255 = tpu.memref_slice %arg4[%select_n3A_224, %select_n3A_240, %dma_wait3A_254] : memref<26x16x16384xf32, #tpu.memory_space<hbm>> -> memref<1x1x4096xf32, #tpu.memory_space<hbm>>
    %dma_wait3A_256 = tpu.memref_squeeze %dma_wait3A_255 : memref<1x1x4096xf32, #tpu.memory_space<hbm>> -> memref<4096xf32, #tpu.memory_space<hbm>>
    tpu.wait_dma2 semaphore(%arg10 : memref<!tpu.dma_semaphore, #tpu.memory_space<semaphore_mem>>) src(%arg7 : memref<4096xf32, #tpu.memory_space<vmem>>) dst(%dma_wait3A_256 : memref<4096xf32, #tpu.memory_space<hbm>>)
    %parallel_loop3A_257 = arith.constant 0 : i32
    %parallel_loop3A_258 = arith.constant 4096 : i32
    %parallel_loop3A_259 = arith.constant 16 : i32
    scf.for %parallel_loop3A_1447 = %parallel_loop3A_257 to %parallel_loop3A_258 step %parallel_loop3A_259  : i32 {
      %parallel_loop3A_1448 = arith.constant 0 : i32
      %parallel_loop3A_1449 = arith.addi %parallel_loop3A_1448, %parallel_loop3A_1447 : i32
      %parallel_loop3A_1450 = arith.index_cast %parallel_loop3A_1449 : i32 to index
      %parallel_loop3A_1451 = tpu.vector_load %arg5[%parallel_loop3A_1450] {strides = array<i32>} : memref<16384xi32, #tpu.memory_space<vmem>>, vector<16xi32>,
      %parallel_loop3A_1452 = tpu.vector_load_idx %arg6[%parallel_loop3A_1451] : memref<100000xf32, #tpu.memory_space<vmem>>[vector<16xi32>], vector<16xf32>,
      %parallel_loop3A_1453 = arith.index_cast %parallel_loop3A_1447 : i32 to index
      %parallel_loop3A_1454 = tpu.vector_load %arg7[%parallel_loop3A_1453] {strides = array<i32>} : memref<4096xf32, #tpu.memory_space<vmem>>, vector<16xf32>,
      tpu.vector_store %arg7[%parallel_loop3A_1453], %parallel_loop3A_1452 {strides = array<i32>} : memref<4096xf32, #tpu.memory_space<vmem>>, vector<16xf32>,
    } {sc.loop_unroll_factor = 8 : i64, sc.parallel_access}
    %dma_start3A_260 = arith.constant 0 : i32
    %dma_start3A_261 = tpu.memref_slice %arg4[%select_n3A_224, %select_n3A_240, %dma_start3A_260] : memref<26x16x16384xf32, #tpu.memory_space<hbm>> -> memref<1x1x4096xf32, #tpu.memory_space<hbm>>
    %dma_start3A_262 = tpu.memref_squeeze %dma_start3A_261 : memref<1x1x4096xf32, #tpu.memory_space<hbm>> -> memref<4096xf32, #tpu.memory_space<hbm>>
    %dma_start3A_263 = arith.constant 0 : i32
    %dma_start3A_264 = tpu.memref_slice %arg4[%select_n3A_224, %select_n3A_240, %dma_start3A_263] : memref<26x16x16384xf32, #tpu.memory_space<hbm>> -> memref<1x1x4096xf32, #tpu.memory_space<hbm>>
    %dma_start3A_265 = tpu.memref_squeeze %dma_start3A_264 : memref<1x1x4096xf32, #tpu.memory_space<hbm>> -> memref<4096xf32, #tpu.memory_space<hbm>>
    tpu.enqueue_dma source(%arg7 : memref<4096xf32, #tpu.memory_space<vmem>>) target(%dma_start3A_265 : memref<4096xf32, #tpu.memory_space<hbm>>) target_semaphore(%arg10 : memref<!tpu.dma_semaphore, #tpu.memory_space<semaphore_mem>>)
    %dma_wait3A_266 = arith.constant 4096 : i32
    %dma_wait3A_267 = tpu.memref_slice %arg4[%select_n3A_224, %select_n3A_240, %dma_wait3A_266] : memref<26x16x16384xf32, #tpu.memory_space<hbm>> -> memref<1x1x4096xf32, #tpu.memory_space<hbm>>
    %dma_wait3A_268 = tpu.memref_squeeze %dma_wait3A_267 : memref<1x1x4096xf32, #tpu.memory_space<hbm>> -> memref<4096xf32, #tpu.memory_space<hbm>>
    %dma_wait3A_269 = arith.constant 4096 : i32
    %dma_wait3A_270 = tpu.memref_slice %arg4[%select_n3A_224, %select_n3A_240, %dma_wait3A_269] : memref<26x16x16384xf32, #tpu.memory_space<hbm>> -> memref<1x1x4096xf32, #tpu.memory_space<hbm>>
    %dma_wait3A_271 = tpu.memref_squeeze %dma_wait3A_270 : memref<1x1x4096xf32, #tpu.memory_space<hbm>> -> memref<4096xf32, #tpu.memory_space<hbm>>
    tpu.wait_dma2 semaphore(%arg11 : memref<!tpu.dma_semaphore, #tpu.memory_space<semaphore_mem>>) src(%arg8 : memref<4096xf32, #tpu.memory_space<vmem>>) dst(%dma_wait3A_271 : memref<4096xf32, #tpu.memory_space<hbm>>)
    %parallel_loop3A_272 = arith.constant 0 : i32
    %parallel_loop3A_273 = arith.constant 4096 : i32
    %parallel_loop3A_274 = arith.constant 16 : i32
    scf.for %parallel_loop3A_1447 = %parallel_loop3A_272 to %parallel_loop3A_273 step %parallel_loop3A_274  : i32 {
      %parallel_loop3A_1448 = arith.constant 4096 : i32
      %parallel_loop3A_1449 = arith.addi %parallel_loop3A_1448, %parallel_loop3A_1447 : i32
      %parallel_loop3A_1450 = arith.index_cast %parallel_loop3A_1449 : i32 to index
      %parallel_loop3A_1451 = tpu.vector_load %arg5[%parallel_loop3A_1450] {strides = array<i32>} : memref<16384xi32, #tpu.memory_space<vmem>>, vector<16xi32>,
      %parallel_loop3A_1452 = tpu.vector_load_idx %arg6[%parallel_loop3A_1451] : memref<100000xf32, #tpu.memory_space<vmem>>[vector<16xi32>], vector<16xf32>,
      %parallel_loop3A_1453 = arith.index_cast %parallel_loop3A_1447 : i32 to index
      %parallel_loop3A_1454 = tpu.vector_load %arg8[%parallel_loop3A_1453] {strides = array<i32>} : memref<4096xf32, #tpu.memory_space<vmem>>, vector<16xf32>,
      tpu.vector_store %arg8[%parallel_loop3A_1453], %parallel_loop3A_1452 {strides = array<i32>} : memref<4096xf32, #tpu.memory_space<vmem>>, vector<16xf32>,
    } {sc.loop_unroll_factor = 8 : i64, sc.parallel_access}
    %dma_start3A_275 = arith.constant 4096 : i32
    %dma_start3A_276 = tpu.memref_slice %arg4[%select_n3A_224, %select_n3A_240, %dma_start3A_275] : memref<26x16x16384xf32, #tpu.memory_space<hbm>> -> memref<1x1x4096xf32, #tpu.memory_space<hbm>>
    %dma_start3A_277 = tpu.memref_squeeze %dma_start3A_276 : memref<1x1x4096xf32, #tpu.memory_space<hbm>> -> memref<4096xf32, #tpu.memory_space<hbm>>
    %dma_start3A_278 = arith.constant 4096 : i32
    %dma_start3A_279 = tpu.memref_slice %arg4[%select_n3A_224, %select_n3A_240, %dma_start3A_278] : memref<26x16x16384xf32, #tpu.memory_space<hbm>> -> memref<1x1x4096xf32, #tpu.memory_space<hbm>>
    %dma_start3A_280 = tpu.memref_squeeze %dma_start3A_279 : memref<1x1x4096xf32, #tpu.memory_space<hbm>> -> memref<4096xf32, #tpu.memory_space<hbm>>
    tpu.enqueue_dma source(%arg8 : memref<4096xf32, #tpu.memory_space<vmem>>) target(%dma_start3A_280 : memref<4096xf32, #tpu.memory_space<hbm>>) target_semaphore(%arg11 : memref<!tpu.dma_semaphore, #tpu.memory_space<semaphore_mem>>)
    %dma_wait3A_281 = arith.constant 8192 : i32
    %dma_wait3A_282 = tpu.memref_slice %arg4[%select_n3A_224, %select_n3A_240, %dma_wait3A_281] : memref<26x16x16384xf32, #tpu.memory_space<hbm>> -> memref<1x1x4096xf32, #tpu.memory_space<hbm>>
    %dma_wait3A_283 = tpu.memref_squeeze %dma_wait3A_282 : memref<1x1x4096xf32, #tpu.memory_space<hbm>> -> memref<4096xf32, #tpu.memory_space<hbm>>
    %dma_wait3A_284 = arith.constant 8192 : i32
    %dma_wait3A_285 = tpu.memref_slice %arg4[%select_n3A_224, %select_n3A_240, %dma_wait3A_284] : memref<26x16x16384xf32, #tpu.memory_space<hbm>> -> memref<1x1x4096xf32, #tpu.memory_space<hbm>>
    %dma_wait3A_286 = tpu.memref_squeeze %dma_wait3A_285 : memref<1x1x4096xf32, #tpu.memory_space<hbm>> -> memref<4096xf32, #tpu.memory_space<hbm>>
    tpu.wait_dma2 semaphore(%arg10 : memref<!tpu.dma_semaphore, #tpu.memory_space<semaphore_mem>>) src(%arg7 : memref<4096xf32, #tpu.memory_space<vmem>>) dst(%dma_wait3A_286 : memref<4096xf32, #tpu.memory_space<hbm>>)
    %parallel_loop3A_287 = arith.constant 0 : i32
    %parallel_loop3A_288 = arith.constant 4096 : i32
    %parallel_loop3A_289 = arith.constant 16 : i32
    scf.for %parallel_loop3A_1447 = %parallel_loop3A_287 to %parallel_loop3A_288 step %parallel_loop3A_289  : i32 {
      %parallel_loop3A_1448 = arith.constant 8192 : i32
      %parallel_loop3A_1449 = arith.addi %parallel_loop3A_1448, %parallel_loop3A_1447 : i32
      %parallel_loop3A_1450 = arith.index_cast %parallel_loop3A_1449 : i32 to index
      %parallel_loop3A_1451 = tpu.vector_load %arg5[%parallel_loop3A_1450] {strides = array<i32>} : memref<16384xi32, #tpu.memory_space<vmem>>, vector<16xi32>,
      %parallel_loop3A_1452 = tpu.vector_load_idx %arg6[%parallel_loop3A_1451] : memref<100000xf32, #tpu.memory_space<vmem>>[vector<16xi32>], vector<16xf32>,
      %parallel_loop3A_1453 = arith.index_cast %parallel_loop3A_1447 : i32 to index
      %parallel_loop3A_1454 = tpu.vector_load %arg7[%parallel_loop3A_1453] {strides = array<i32>} : memref<4096xf32, #tpu.memory_space<vmem>>, vector<16xf32>,
      tpu.vector_store %arg7[%parallel_loop3A_1453], %parallel_loop3A_1452 {strides = array<i32>} : memref<4096xf32, #tpu.memory_space<vmem>>, vector<16xf32>,
    } {sc.loop_unroll_factor = 8 : i64, sc.parallel_access}
    %dma_start3A_290 = arith.constant 8192 : i32
    %dma_start3A_291 = tpu.memref_slice %arg4[%select_n3A_224, %select_n3A_240, %dma_start3A_290] : memref<26x16x16384xf32, #tpu.memory_space<hbm>> -> memref<1x1x4096xf32, #tpu.memory_space<hbm>>
    %dma_start3A_292 = tpu.memref_squeeze %dma_start3A_291 : memref<1x1x4096xf32, #tpu.memory_space<hbm>> -> memref<4096xf32, #tpu.memory_space<hbm>>
    %dma_start3A_293 = arith.constant 8192 : i32
    %dma_start3A_294 = tpu.memref_slice %arg4[%select_n3A_224, %select_n3A_240, %dma_start3A_293] : memref<26x16x16384xf32, #tpu.memory_space<hbm>> -> memref<1x1x4096xf32, #tpu.memory_space<hbm>>
    %dma_start3A_295 = tpu.memref_squeeze %dma_start3A_294 : memref<1x1x4096xf32, #tpu.memory_space<hbm>> -> memref<4096xf32, #tpu.memory_space<hbm>>
    tpu.enqueue_dma source(%arg7 : memref<4096xf32, #tpu.memory_space<vmem>>) target(%dma_start3A_295 : memref<4096xf32, #tpu.memory_space<hbm>>) target_semaphore(%arg10 : memref<!tpu.dma_semaphore, #tpu.memory_space<semaphore_mem>>)
    %dma_wait3A_296 = arith.constant 12288 : i32
    %dma_wait3A_297 = tpu.memref_slice %arg4[%select_n3A_224, %select_n3A_240, %dma_wait3A_296] : memref<26x16x16384xf32, #tpu.memory_space<hbm>> -> memref<1x1x4096xf32, #tpu.memory_space<hbm>>
    %dma_wait3A_298 = tpu.memref_squeeze %dma_wait3A_297 : memref<1x1x4096xf32, #tpu.memory_space<hbm>> -> memref<4096xf32, #tpu.memory_space<hbm>>
    %dma_wait3A_299 = arith.constant 12288 : i32
    %dma_wait3A_300 = tpu.memref_slice %arg4[%select_n3A_224, %select_n3A_240, %dma_wait3A_299] : memref<26x16x16384xf32, #tpu.memory_space<hbm>> -> memref<1x1x4096xf32, #tpu.memory_space<hbm>>
    %dma_wait3A_301 = tpu.memref_squeeze %dma_wait3A_300 : memref<1x1x4096xf32, #tpu.memory_space<hbm>> -> memref<4096xf32, #tpu.memory_space<hbm>>
    tpu.wait_dma2 semaphore(%arg11 : memref<!tpu.dma_semaphore, #tpu.memory_space<semaphore_mem>>) src(%arg8 : memref<4096xf32, #tpu.memory_space<vmem>>) dst(%dma_wait3A_301 : memref<4096xf32, #tpu.memory_space<hbm>>)
    %parallel_loop3A_302 = arith.constant 0 : i32
    %parallel_loop3A_303 = arith.constant 4096 : i32
    %parallel_loop3A_304 = arith.constant 16 : i32
    scf.for %parallel_loop3A_1447 = %parallel_loop3A_302 to %parallel_loop3A_303 step %parallel_loop3A_304  : i32 {
      %parallel_loop3A_1448 = arith.constant 12288 : i32
      %parallel_loop3A_1449 = arith.addi %parallel_loop3A_1448, %parallel_loop3A_1447 : i32
      %parallel_loop3A_1450 = arith.index_cast %parallel_loop3A_1449 : i32 to index
      %parallel_loop3A_1451 = tpu.vector_load %arg5[%parallel_loop3A_1450] {strides = array<i32>} : memref<16384xi32, #tpu.memory_space<vmem>>, vector<16xi32>,
      %parallel_loop3A_1452 = tpu.vector_load_idx %arg6[%parallel_loop3A_1451] : memref<100000xf32, #tpu.memory_space<vmem>>[vector<16xi32>], vector<16xf32>,
      %parallel_loop3A_1453 = arith.index_cast %parallel_loop3A_1447 : i32 to index
      %parallel_loop3A_1454 = tpu.vector_load %arg8[%parallel_loop3A_1453] {strides = array<i32>} : memref<4096xf32, #tpu.memory_space<vmem>>, vector<16xf32>,
      tpu.vector_store %arg8[%parallel_loop3A_1453], %parallel_loop3A_1452 {strides = array<i32>} : memref<4096xf32, #tpu.memory_space<vmem>>, vector<16xf32>,
    } {sc.loop_unroll_factor = 8 : i64, sc.parallel_access}
    %dma_start3A_305 = arith.constant 12288 : i32
    %dma_start3A_306 = tpu.memref_slice %arg4[%select_n3A_224, %select_n3A_240, %dma_start3A_305] : memref<26x16x16384xf32, #tpu.memory_space<hbm>> -> memref<1x1x4096xf32, #tpu.memory_space<hbm>>
    %dma_start3A_307 = tpu.memref_squeeze %dma_start3A_306 : memref<1x1x4096xf32, #tpu.memory_space<hbm>> -> memref<4096xf32, #tpu.memory_space<hbm>>
    %dma_start3A_308 = arith.constant 12288 : i32
    %dma_start3A_309 = tpu.memref_slice %arg4[%select_n3A_224, %select_n3A_240, %dma_start3A_308] : memref<26x16x16384xf32, #tpu.memory_space<hbm>> -> memref<1x1x4096xf32, #tpu.memory_space<hbm>>
    %dma_start3A_310 = tpu.memref_squeeze %dma_start3A_309 : memref<1x1x4096xf32, #tpu.memory_space<hbm>> -> memref<4096xf32, #tpu.memory_space<hbm>>
    tpu.enqueue_dma source(%arg8 : memref<4096xf32, #tpu.memory_space<vmem>>) target(%dma_start3A_310 : memref<4096xf32, #tpu.memory_space<hbm>>) target_semaphore(%arg11 : memref<!tpu.dma_semaphore, #tpu.memory_space<semaphore_mem>>)
    %add3A_311 = arith.constant 3 : i32
    %add3A_312 = arith.addi %mul3A_2, %add3A_311 : i32
    %jit3A_313 = arith.constant 16 : i32
    %div3A_314 = arith.divsi %add3A_312, %jit3A_313 : i32
    %sign3A_315 = arith.constant 0 : i32
    %sign3A_316 = arith.cmpi sgt, %add3A_312, %sign3A_315 : i32
    %sign3A_317 = arith.extui %sign3A_316 : i1 to i32
    %sign3A_318 = arith.constant 0 : i32
    %sign3A_319 = arith.cmpi slt, %add3A_312, %sign3A_318 : i32
    %sign3A_320 = arith.extui %sign3A_319 : i1 to i32
    %sign3A_321 = arith.subi %sign3A_317, %sign3A_320 : i32
    %sign3A_322 = arith.constant 0 : i32
    %sign3A_323 = arith.cmpi sgt, %jit3A_313, %sign3A_322 : i32
    %sign3A_324 = arith.extui %sign3A_323 : i1 to i32
    %sign3A_325 = arith.constant 0 : i32
    %sign3A_326 = arith.cmpi slt, %jit3A_313, %sign3A_325 : i32
    %sign3A_327 = arith.extui %sign3A_326 : i1 to i32
    %sign3A_328 = arith.subi %sign3A_324, %sign3A_327 : i32
    %ne3A_329 = arith.cmpi ne, %sign3A_321, %sign3A_328 : i32
    %rem3A_330 = arith.remsi %add3A_312, %jit3A_313 : i32
    %ne3A_331 = arith.constant 0 : i32
    %ne3A_332 = arith.cmpi ne, %rem3A_330, %ne3A_331 : i32
    %and3A_333 = arith.andi %ne3A_329, %ne3A_332 : i1
    %sub3A_334 = arith.constant 1 : i32
    %sub3A_335 = arith.subi %div3A_314, %sub3A_334 : i32
    %select_n3A_336 = arith.select %and3A_333, %sub3A_335, %div3A_314 : i32
    %jit3A_337 = arith.constant 16 : i32
    %eq3A_338 = arith.constant 0 : i32
    %eq3A_339 = arith.cmpi eq, %jit3A_337, %eq3A_338 : i32
    %jit3A_340 = arith.constant 1 : i32
    %select_n3A_341 = arith.select %eq3A_339, %jit3A_340, %jit3A_337 : i32
    %rem3A_342 = arith.remsi %add3A_312, %select_n3A_341 : i32
    %ne3A_343 = arith.constant 0 : i32
    %ne3A_344 = arith.cmpi ne, %rem3A_342, %ne3A_343 : i32
    %lt3A_345 = arith.constant 0 : i32
    %lt3A_346 = arith.cmpi slt, %rem3A_342, %lt3A_345 : i32
    %lt3A_347 = arith.constant 0 : i32
    %lt3A_348 = arith.cmpi slt, %select_n3A_341, %lt3A_347 : i32
    %ne3A_349 = arith.xori %lt3A_346, %lt3A_348 : i1
    %and3A_350 = arith.andi %ne3A_349, %ne3A_344 : i1
    %add3A_351 = arith.addi %rem3A_342, %select_n3A_341 : i32
    %select_n3A_352 = arith.select %and3A_350, %add3A_351, %rem3A_342 : i32
    %eq3A_353 = arith.constant 0 : i32
    %eq3A_354 = arith.cmpi eq, %select_n3A_352, %eq3A_353 : i32
    %or3A_355 = arith.constant false
    %or3A_356 = arith.ori %or3A_355, %eq3A_354 : i1
    %convert_element_type3A_357 = arith.extui %or3A_356 : i1 to i32
    %cond3A_358 = arith.constant 0 : i32
    %cond3A_359 = arith.cmpi ne, %convert_element_type3A_357, %cond3A_358 : i32
    scf.if %cond3A_359 {
      %dma_start3A_1447 = arith.constant 0 : i32
      %dma_start3A_1448 = tpu.memref_slice %arg3[%select_n3A_336, %dma_start3A_1447] : memref<26x16384xi32, #tpu.memory_space<hbm>> -> memref<1x16384xi32, #tpu.memory_space<hbm>>
      %dma_start3A_1449 = tpu.memref_squeeze %dma_start3A_1448 : memref<1x16384xi32, #tpu.memory_space<hbm>> -> memref<16384xi32, #tpu.memory_space<hbm>>
      %dma_start3A_1450 = arith.constant 0 : i32
      %dma_start3A_1451 = tpu.memref_slice %arg3[%select_n3A_336, %dma_start3A_1450] : memref<26x16384xi32, #tpu.memory_space<hbm>> -> memref<1x16384xi32, #tpu.memory_space<hbm>>
      %dma_start3A_1452 = tpu.memref_squeeze %dma_start3A_1451 : memref<1x16384xi32, #tpu.memory_space<hbm>> -> memref<16384xi32, #tpu.memory_space<hbm>>
      tpu.enqueue_dma source(%dma_start3A_1452 : memref<16384xi32, #tpu.memory_space<hbm>>) target(%arg5 : memref<16384xi32, #tpu.memory_space<vmem>>) target_semaphore(%arg9 : memref<!tpu.dma_semaphore, #tpu.memory_space<semaphore_mem>>)
    } else {
    }
    "tpu.region"() ({
      %run_scoped3A = tpu.sem_alloc : memref<!tpu.dma_semaphore, #tpu.memory_space<semaphore_mem>>
      %dma_start3A_1447 = arith.constant 0 : i32
      %dma_start3A_1448 = tpu.memref_slice %arg2[%select_n3A_336, %select_n3A_352, %dma_start3A_1447] : memref<26x16x100000xf32, #tpu.memory_space<hbm>> -> memref<1x1x100000xf32, #tpu.memory_space<hbm>>
      %dma_start3A_1449 = tpu.memref_squeeze %dma_start3A_1448 : memref<1x1x100000xf32, #tpu.memory_space<hbm>> -> memref<100000xf32, #tpu.memory_space<hbm>>
      %dma_start3A_1450 = arith.constant 0 : i32
      %dma_start3A_1451 = tpu.memref_slice %arg2[%select_n3A_336, %select_n3A_352, %dma_start3A_1450] : memref<26x16x100000xf32, #tpu.memory_space<hbm>> -> memref<1x1x100000xf32, #tpu.memory_space<hbm>>
      %dma_start3A_1452 = tpu.memref_squeeze %dma_start3A_1451 : memref<1x1x100000xf32, #tpu.memory_space<hbm>> -> memref<100000xf32, #tpu.memory_space<hbm>>
      tpu.enqueue_dma source(%dma_start3A_1452 : memref<100000xf32, #tpu.memory_space<hbm>>) target(%arg6 : memref<100000xf32, #tpu.memory_space<vmem>>) target_semaphore(%run_scoped3A : memref<!tpu.dma_semaphore, #tpu.memory_space<semaphore_mem>>)
      %dma_wait3A_1453 = arith.constant 0 : i32
      %dma_wait3A_1454 = tpu.memref_slice %arg2[%select_n3A_336, %select_n3A_352, %dma_wait3A_1453] : memref<26x16x100000xf32, #tpu.memory_space<hbm>> -> memref<1x1x100000xf32, #tpu.memory_space<hbm>>
      %dma_wait3A_1455 = tpu.memref_squeeze %dma_wait3A_1454 : memref<1x1x100000xf32, #tpu.memory_space<hbm>> -> memref<100000xf32, #tpu.memory_space<hbm>>
      %dma_wait3A_1456 = arith.constant 0 : i32
      %dma_wait3A_1457 = tpu.memref_slice %arg2[%select_n3A_336, %select_n3A_352, %dma_wait3A_1456] : memref<26x16x100000xf32, #tpu.memory_space<hbm>> -> memref<1x1x100000xf32, #tpu.memory_space<hbm>>
      %dma_wait3A_1458 = tpu.memref_squeeze %dma_wait3A_1457 : memref<1x1x100000xf32, #tpu.memory_space<hbm>> -> memref<100000xf32, #tpu.memory_space<hbm>>
      tpu.wait_dma2 semaphore(%run_scoped3A : memref<!tpu.dma_semaphore, #tpu.memory_space<semaphore_mem>>) src(%dma_wait3A_1458 : memref<100000xf32, #tpu.memory_space<hbm>>) dst(%arg6 : memref<100000xf32, #tpu.memory_space<vmem>>)
      tpu.yield
    }) : () -> ()
    %convert_element_type3A_360 = arith.extui %or3A_356 : i1 to i32
    %cond3A_361 = arith.constant 0 : i32
    %cond3A_362 = arith.cmpi ne, %convert_element_type3A_360, %cond3A_361 : i32
    scf.if %cond3A_362 {
      %dma_wait3A_1447 = arith.constant 0 : i32
      %dma_wait3A_1448 = tpu.memref_slice %arg3[%select_n3A_336, %dma_wait3A_1447] : memref<26x16384xi32, #tpu.memory_space<hbm>> -> memref<1x16384xi32, #tpu.memory_space<hbm>>
      %dma_wait3A_1449 = tpu.memref_squeeze %dma_wait3A_1448 : memref<1x16384xi32, #tpu.memory_space<hbm>> -> memref<16384xi32, #tpu.memory_space<hbm>>
      %dma_wait3A_1450 = arith.constant 0 : i32
      %dma_wait3A_1451 = tpu.memref_slice %arg3[%select_n3A_336, %dma_wait3A_1450] : memref<26x16384xi32, #tpu.memory_space<hbm>> -> memref<1x16384xi32, #tpu.memory_space<hbm>>
      %dma_wait3A_1452 = tpu.memref_squeeze %dma_wait3A_1451 : memref<1x16384xi32, #tpu.memory_space<hbm>> -> memref<16384xi32, #tpu.memory_space<hbm>>
      tpu.wait_dma2 semaphore(%arg9 : memref<!tpu.dma_semaphore, #tpu.memory_space<semaphore_mem>>) src(%dma_wait3A_1452 : memref<16384xi32, #tpu.memory_space<hbm>>) dst(%arg5 : memref<16384xi32, #tpu.memory_space<vmem>>)
    } else {
    }
    %dma_wait3A_363 = arith.constant 0 : i32
    %dma_wait3A_364 = tpu.memref_slice %arg4[%select_n3A_336, %select_n3A_352, %dma_wait3A_363] : memref<26x16x16384xf32, #tpu.memory_space<hbm>> -> memref<1x1x4096xf32, #tpu.memory_space<hbm>>
    %dma_wait3A_365 = tpu.memref_squeeze %dma_wait3A_364 : memref<1x1x4096xf32, #tpu.memory_space<hbm>> -> memref<4096xf32, #tpu.memory_space<hbm>>
    %dma_wait3A_366 = arith.constant 0 : i32
    %dma_wait3A_367 = tpu.memref_slice %arg4[%select_n3A_336, %select_n3A_352, %dma_wait3A_366] : memref<26x16x16384xf32, #tpu.memory_space<hbm>> -> memref<1x1x4096xf32, #tpu.memory_space<hbm>>
    %dma_wait3A_368 = tpu.memref_squeeze %dma_wait3A_367 : memref<1x1x4096xf32, #tpu.memory_space<hbm>> -> memref<4096xf32, #tpu.memory_space<hbm>>
    tpu.wait_dma2 semaphore(%arg10 : memref<!tpu.dma_semaphore, #tpu.memory_space<semaphore_mem>>) src(%arg7 : memref<4096xf32, #tpu.memory_space<vmem>>) dst(%dma_wait3A_368 : memref<4096xf32, #tpu.memory_space<hbm>>)
    %parallel_loop3A_369 = arith.constant 0 : i32
    %parallel_loop3A_370 = arith.constant 4096 : i32
    %parallel_loop3A_371 = arith.constant 16 : i32
    scf.for %parallel_loop3A_1447 = %parallel_loop3A_369 to %parallel_loop3A_370 step %parallel_loop3A_371  : i32 {
      %parallel_loop3A_1448 = arith.constant 0 : i32
      %parallel_loop3A_1449 = arith.addi %parallel_loop3A_1448, %parallel_loop3A_1447 : i32
      %parallel_loop3A_1450 = arith.index_cast %parallel_loop3A_1449 : i32 to index
      %parallel_loop3A_1451 = tpu.vector_load %arg5[%parallel_loop3A_1450] {strides = array<i32>} : memref<16384xi32, #tpu.memory_space<vmem>>, vector<16xi32>,
      %parallel_loop3A_1452 = tpu.vector_load_idx %arg6[%parallel_loop3A_1451] : memref<100000xf32, #tpu.memory_space<vmem>>[vector<16xi32>], vector<16xf32>,
      %parallel_loop3A_1453 = arith.index_cast %parallel_loop3A_1447 : i32 to index
      %parallel_loop3A_1454 = tpu.vector_load %arg7[%parallel_loop3A_1453] {strides = array<i32>} : memref<4096xf32, #tpu.memory_space<vmem>>, vector<16xf32>,
      tpu.vector_store %arg7[%parallel_loop3A_1453], %parallel_loop3A_1452 {strides = array<i32>} : memref<4096xf32, #tpu.memory_space<vmem>>, vector<16xf32>,
    } {sc.loop_unroll_factor = 8 : i64, sc.parallel_access}
    %dma_start3A_372 = arith.constant 0 : i32
    %dma_start3A_373 = tpu.memref_slice %arg4[%select_n3A_336, %select_n3A_352, %dma_start3A_372] : memref<26x16x16384xf32, #tpu.memory_space<hbm>> -> memref<1x1x4096xf32, #tpu.memory_space<hbm>>
    %dma_start3A_374 = tpu.memref_squeeze %dma_start3A_373 : memref<1x1x4096xf32, #tpu.memory_space<hbm>> -> memref<4096xf32, #tpu.memory_space<hbm>>
    %dma_start3A_375 = arith.constant 0 : i32
    %dma_start3A_376 = tpu.memref_slice %arg4[%select_n3A_336, %select_n3A_352, %dma_start3A_375] : memref<26x16x16384xf32, #tpu.memory_space<hbm>> -> memref<1x1x4096xf32, #tpu.memory_space<hbm>>
    %dma_start3A_377 = tpu.memref_squeeze %dma_start3A_376 : memref<1x1x4096xf32, #tpu.memory_space<hbm>> -> memref<4096xf32, #tpu.memory_space<hbm>>
    tpu.enqueue_dma source(%arg7 : memref<4096xf32, #tpu.memory_space<vmem>>) target(%dma_start3A_377 : memref<4096xf32, #tpu.memory_space<hbm>>) target_semaphore(%arg10 : memref<!tpu.dma_semaphore, #tpu.memory_space<semaphore_mem>>)
    %dma_wait3A_378 = arith.constant 4096 : i32
    %dma_wait3A_379 = tpu.memref_slice %arg4[%select_n3A_336, %select_n3A_352, %dma_wait3A_378] : memref<26x16x16384xf32, #tpu.memory_space<hbm>> -> memref<1x1x4096xf32, #tpu.memory_space<hbm>>
    %dma_wait3A_380 = tpu.memref_squeeze %dma_wait3A_379 : memref<1x1x4096xf32, #tpu.memory_space<hbm>> -> memref<4096xf32, #tpu.memory_space<hbm>>
    %dma_wait3A_381 = arith.constant 4096 : i32
    %dma_wait3A_382 = tpu.memref_slice %arg4[%select_n3A_336, %select_n3A_352, %dma_wait3A_381] : memref<26x16x16384xf32, #tpu.memory_space<hbm>> -> memref<1x1x4096xf32, #tpu.memory_space<hbm>>
    %dma_wait3A_383 = tpu.memref_squeeze %dma_wait3A_382 : memref<1x1x4096xf32, #tpu.memory_space<hbm>> -> memref<4096xf32, #tpu.memory_space<hbm>>
    tpu.wait_dma2 semaphore(%arg11 : memref<!tpu.dma_semaphore, #tpu.memory_space<semaphore_mem>>) src(%arg8 : memref<4096xf32, #tpu.memory_space<vmem>>) dst(%dma_wait3A_383 : memref<4096xf32, #tpu.memory_space<hbm>>)
    %parallel_loop3A_384 = arith.constant 0 : i32
    %parallel_loop3A_385 = arith.constant 4096 : i32
    %parallel_loop3A_386 = arith.constant 16 : i32
    scf.for %parallel_loop3A_1447 = %parallel_loop3A_384 to %parallel_loop3A_385 step %parallel_loop3A_386  : i32 {
      %parallel_loop3A_1448 = arith.constant 4096 : i32
      %parallel_loop3A_1449 = arith.addi %parallel_loop3A_1448, %parallel_loop3A_1447 : i32
      %parallel_loop3A_1450 = arith.index_cast %parallel_loop3A_1449 : i32 to index
      %parallel_loop3A_1451 = tpu.vector_load %arg5[%parallel_loop3A_1450] {strides = array<i32>} : memref<16384xi32, #tpu.memory_space<vmem>>, vector<16xi32>,
      %parallel_loop3A_1452 = tpu.vector_load_idx %arg6[%parallel_loop3A_1451] : memref<100000xf32, #tpu.memory_space<vmem>>[vector<16xi32>], vector<16xf32>,
      %parallel_loop3A_1453 = arith.index_cast %parallel_loop3A_1447 : i32 to index
      %parallel_loop3A_1454 = tpu.vector_load %arg8[%parallel_loop3A_1453] {strides = array<i32>} : memref<4096xf32, #tpu.memory_space<vmem>>, vector<16xf32>,
      tpu.vector_store %arg8[%parallel_loop3A_1453], %parallel_loop3A_1452 {strides = array<i32>} : memref<4096xf32, #tpu.memory_space<vmem>>, vector<16xf32>,
    } {sc.loop_unroll_factor = 8 : i64, sc.parallel_access}
    %dma_start3A_387 = arith.constant 4096 : i32
    %dma_start3A_388 = tpu.memref_slice %arg4[%select_n3A_336, %select_n3A_352, %dma_start3A_387] : memref<26x16x16384xf32, #tpu.memory_space<hbm>> -> memref<1x1x4096xf32, #tpu.memory_space<hbm>>
    %dma_start3A_389 = tpu.memref_squeeze %dma_start3A_388 : memref<1x1x4096xf32, #tpu.memory_space<hbm>> -> memref<4096xf32, #tpu.memory_space<hbm>>
    %dma_start3A_390 = arith.constant 4096 : i32
    %dma_start3A_391 = tpu.memref_slice %arg4[%select_n3A_336, %select_n3A_352, %dma_start3A_390] : memref<26x16x16384xf32, #tpu.memory_space<hbm>> -> memref<1x1x4096xf32, #tpu.memory_space<hbm>>
    %dma_start3A_392 = tpu.memref_squeeze %dma_start3A_391 : memref<1x1x4096xf32, #tpu.memory_space<hbm>> -> memref<4096xf32, #tpu.memory_space<hbm>>
    tpu.enqueue_dma source(%arg8 : memref<4096xf32, #tpu.memory_space<vmem>>) target(%dma_start3A_392 : memref<4096xf32, #tpu.memory_space<hbm>>) target_semaphore(%arg11 : memref<!tpu.dma_semaphore, #tpu.memory_space<semaphore_mem>>)
    %dma_wait3A_393 = arith.constant 8192 : i32
    %dma_wait3A_394 = tpu.memref_slice %arg4[%select_n3A_336, %select_n3A_352, %dma_wait3A_393] : memref<26x16x16384xf32, #tpu.memory_space<hbm>> -> memref<1x1x4096xf32, #tpu.memory_space<hbm>>
    %dma_wait3A_395 = tpu.memref_squeeze %dma_wait3A_394 : memref<1x1x4096xf32, #tpu.memory_space<hbm>> -> memref<4096xf32, #tpu.memory_space<hbm>>
    %dma_wait3A_396 = arith.constant 8192 : i32
    %dma_wait3A_397 = tpu.memref_slice %arg4[%select_n3A_336, %select_n3A_352, %dma_wait3A_396] : memref<26x16x16384xf32, #tpu.memory_space<hbm>> -> memref<1x1x4096xf32, #tpu.memory_space<hbm>>
    %dma_wait3A_398 = tpu.memref_squeeze %dma_wait3A_397 : memref<1x1x4096xf32, #tpu.memory_space<hbm>> -> memref<4096xf32, #tpu.memory_space<hbm>>
    tpu.wait_dma2 semaphore(%arg10 : memref<!tpu.dma_semaphore, #tpu.memory_space<semaphore_mem>>) src(%arg7 : memref<4096xf32, #tpu.memory_space<vmem>>) dst(%dma_wait3A_398 : memref<4096xf32, #tpu.memory_space<hbm>>)
    %parallel_loop3A_399 = arith.constant 0 : i32
    %parallel_loop3A_400 = arith.constant 4096 : i32
    %parallel_loop3A_401 = arith.constant 16 : i32
    scf.for %parallel_loop3A_1447 = %parallel_loop3A_399 to %parallel_loop3A_400 step %parallel_loop3A_401  : i32 {
      %parallel_loop3A_1448 = arith.constant 8192 : i32
      %parallel_loop3A_1449 = arith.addi %parallel_loop3A_1448, %parallel_loop3A_1447 : i32
      %parallel_loop3A_1450 = arith.index_cast %parallel_loop3A_1449 : i32 to index
      %parallel_loop3A_1451 = tpu.vector_load %arg5[%parallel_loop3A_1450] {strides = array<i32>} : memref<16384xi32, #tpu.memory_space<vmem>>, vector<16xi32>,
      %parallel_loop3A_1452 = tpu.vector_load_idx %arg6[%parallel_loop3A_1451] : memref<100000xf32, #tpu.memory_space<vmem>>[vector<16xi32>], vector<16xf32>,
      %parallel_loop3A_1453 = arith.index_cast %parallel_loop3A_1447 : i32 to index
      %parallel_loop3A_1454 = tpu.vector_load %arg7[%parallel_loop3A_1453] {strides = array<i32>} : memref<4096xf32, #tpu.memory_space<vmem>>, vector<16xf32>,
      tpu.vector_store %arg7[%parallel_loop3A_1453], %parallel_loop3A_1452 {strides = array<i32>} : memref<4096xf32, #tpu.memory_space<vmem>>, vector<16xf32>,
    } {sc.loop_unroll_factor = 8 : i64, sc.parallel_access}
    %dma_start3A_402 = arith.constant 8192 : i32
    %dma_start3A_403 = tpu.memref_slice %arg4[%select_n3A_336, %select_n3A_352, %dma_start3A_402] : memref<26x16x16384xf32, #tpu.memory_space<hbm>> -> memref<1x1x4096xf32, #tpu.memory_space<hbm>>
    %dma_start3A_404 = tpu.memref_squeeze %dma_start3A_403 : memref<1x1x4096xf32, #tpu.memory_space<hbm>> -> memref<4096xf32, #tpu.memory_space<hbm>>
    %dma_start3A_405 = arith.constant 8192 : i32
    %dma_start3A_406 = tpu.memref_slice %arg4[%select_n3A_336, %select_n3A_352, %dma_start3A_405] : memref<26x16x16384xf32, #tpu.memory_space<hbm>> -> memref<1x1x4096xf32, #tpu.memory_space<hbm>>
    %dma_start3A_407 = tpu.memref_squeeze %dma_start3A_406 : memref<1x1x4096xf32, #tpu.memory_space<hbm>> -> memref<4096xf32, #tpu.memory_space<hbm>>
    tpu.enqueue_dma source(%arg7 : memref<4096xf32, #tpu.memory_space<vmem>>) target(%dma_start3A_407 : memref<4096xf32, #tpu.memory_space<hbm>>) target_semaphore(%arg10 : memref<!tpu.dma_semaphore, #tpu.memory_space<semaphore_mem>>)
    %dma_wait3A_408 = arith.constant 12288 : i32
    %dma_wait3A_409 = tpu.memref_slice %arg4[%select_n3A_336, %select_n3A_352, %dma_wait3A_408] : memref<26x16x16384xf32, #tpu.memory_space<hbm>> -> memref<1x1x4096xf32, #tpu.memory_space<hbm>>
    %dma_wait3A_410 = tpu.memref_squeeze %dma_wait3A_409 : memref<1x1x4096xf32, #tpu.memory_space<hbm>> -> memref<4096xf32, #tpu.memory_space<hbm>>
    %dma_wait3A_411 = arith.constant 12288 : i32
    %dma_wait3A_412 = tpu.memref_slice %arg4[%select_n3A_336, %select_n3A_352, %dma_wait3A_411] : memref<26x16x16384xf32, #tpu.memory_space<hbm>> -> memref<1x1x4096xf32, #tpu.memory_space<hbm>>
    %dma_wait3A_413 = tpu.memref_squeeze %dma_wait3A_412 : memref<1x1x4096xf32, #tpu.memory_space<hbm>> -> memref<4096xf32, #tpu.memory_space<hbm>>
    tpu.wait_dma2 semaphore(%arg11 : memref<!tpu.dma_semaphore, #tpu.memory_space<semaphore_mem>>) src(%arg8 : memref<4096xf32, #tpu.memory_space<vmem>>) dst(%dma_wait3A_413 : memref<4096xf32, #tpu.memory_space<hbm>>)
    %parallel_loop3A_414 = arith.constant 0 : i32
    %parallel_loop3A_415 = arith.constant 4096 : i32
    %parallel_loop3A_416 = arith.constant 16 : i32
    scf.for %parallel_loop3A_1447 = %parallel_loop3A_414 to %parallel_loop3A_415 step %parallel_loop3A_416  : i32 {
      %parallel_loop3A_1448 = arith.constant 12288 : i32
      %parallel_loop3A_1449 = arith.addi %parallel_loop3A_1448, %parallel_loop3A_1447 : i32
      %parallel_loop3A_1450 = arith.index_cast %parallel_loop3A_1449 : i32 to index
      %parallel_loop3A_1451 = tpu.vector_load %arg5[%parallel_loop3A_1450] {strides = array<i32>} : memref<16384xi32, #tpu.memory_space<vmem>>, vector<16xi32>,
      %parallel_loop3A_1452 = tpu.vector_load_idx %arg6[%parallel_loop3A_1451] : memref<100000xf32, #tpu.memory_space<vmem>>[vector<16xi32>], vector<16xf32>,
      %parallel_loop3A_1453 = arith.index_cast %parallel_loop3A_1447 : i32 to index
      %parallel_loop3A_1454 = tpu.vector_load %arg8[%parallel_loop3A_1453] {strides = array<i32>} : memref<4096xf32, #tpu.memory_space<vmem>>, vector<16xf32>,
      tpu.vector_store %arg8[%parallel_loop3A_1453], %parallel_loop3A_1452 {strides = array<i32>} : memref<4096xf32, #tpu.memory_space<vmem>>, vector<16xf32>,
    } {sc.loop_unroll_factor = 8 : i64, sc.parallel_access}
    %dma_start3A_417 = arith.constant 12288 : i32
    %dma_start3A_418 = tpu.memref_slice %arg4[%select_n3A_336, %select_n3A_352, %dma_start3A_417] : memref<26x16x16384xf32, #tpu.memory_space<hbm>> -> memref<1x1x4096xf32, #tpu.memory_space<hbm>>
    %dma_start3A_419 = tpu.memref_squeeze %dma_start3A_418 : memref<1x1x4096xf32, #tpu.memory_space<hbm>> -> memref<4096xf32, #tpu.memory_space<hbm>>
    %dma_start3A_420 = arith.constant 12288 : i32
    %dma_start3A_421 = tpu.memref_slice %arg4[%select_n3A_336, %select_n3A_352, %dma_start3A_420] : memref<26x16x16384xf32, #tpu.memory_space<hbm>> -> memref<1x1x4096xf32, #tpu.memory_space<hbm>>
    %dma_start3A_422 = tpu.memref_squeeze %dma_start3A_421 : memref<1x1x4096xf32, #tpu.memory_space<hbm>> -> memref<4096xf32, #tpu.memory_space<hbm>>
    tpu.enqueue_dma source(%arg8 : memref<4096xf32, #tpu.memory_space<vmem>>) target(%dma_start3A_422 : memref<4096xf32, #tpu.memory_space<hbm>>) target_semaphore(%arg11 : memref<!tpu.dma_semaphore, #tpu.memory_space<semaphore_mem>>)
    %add3A_423 = arith.constant 4 : i32
    %add3A_424 = arith.addi %mul3A_2, %add3A_423 : i32
    %jit3A_425 = arith.constant 16 : i32
    %div3A_426 = arith.divsi %add3A_424, %jit3A_425 : i32
    %sign3A_427 = arith.constant 0 : i32
    %sign3A_428 = arith.cmpi sgt, %add3A_424, %sign3A_427 : i32
    %sign3A_429 = arith.extui %sign3A_428 : i1 to i32
    %sign3A_430 = arith.constant 0 : i32
    %sign3A_431 = arith.cmpi slt, %add3A_424, %sign3A_430 : i32
    %sign3A_432 = arith.extui %sign3A_431 : i1 to i32
    %sign3A_433 = arith.subi %sign3A_429, %sign3A_432 : i32
    %sign3A_434 = arith.constant 0 : i32
    %sign3A_435 = arith.cmpi sgt, %jit3A_425, %sign3A_434 : i32
    %sign3A_436 = arith.extui %sign3A_435 : i1 to i32
    %sign3A_437 = arith.constant 0 : i32
    %sign3A_438 = arith.cmpi slt, %jit3A_425, %sign3A_437 : i32
    %sign3A_439 = arith.extui %sign3A_438 : i1 to i32
    %sign3A_440 = arith.subi %sign3A_436, %sign3A_439 : i32
    %ne3A_441 = arith.cmpi ne, %sign3A_433, %sign3A_440 : i32
    %rem3A_442 = arith.remsi %add3A_424, %jit3A_425 : i32
    %ne3A_443 = arith.constant 0 : i32
    %ne3A_444 = arith.cmpi ne, %rem3A_442, %ne3A_443 : i32
    %and3A_445 = arith.andi %ne3A_441, %ne3A_444 : i1
    %sub3A_446 = arith.constant 1 : i32
    %sub3A_447 = arith.subi %div3A_426, %sub3A_446 : i32
    %select_n3A_448 = arith.select %and3A_445, %sub3A_447, %div3A_426 : i32
    %jit3A_449 = arith.constant 16 : i32
    %eq3A_450 = arith.constant 0 : i32
    %eq3A_451 = arith.cmpi eq, %jit3A_449, %eq3A_450 : i32
    %jit3A_452 = arith.constant 1 : i32
    %select_n3A_453 = arith.select %eq3A_451, %jit3A_452, %jit3A_449 : i32
    %rem3A_454 = arith.remsi %add3A_424, %select_n3A_453 : i32
    %ne3A_455 = arith.constant 0 : i32
    %ne3A_456 = arith.cmpi ne, %rem3A_454, %ne3A_455 : i32
    %lt3A_457 = arith.constant 0 : i32
    %lt3A_458 = arith.cmpi slt, %rem3A_454, %lt3A_457 : i32
    %lt3A_459 = arith.constant 0 : i32
    %lt3A_460 = arith.cmpi slt, %select_n3A_453, %lt3A_459 : i32
    %ne3A_461 = arith.xori %lt3A_458, %lt3A_460 : i1
    %and3A_462 = arith.andi %ne3A_461, %ne3A_456 : i1
    %add3A_463 = arith.addi %rem3A_454, %select_n3A_453 : i32
    %select_n3A_464 = arith.select %and3A_462, %add3A_463, %rem3A_454 : i32
    %eq3A_465 = arith.constant 0 : i32
    %eq3A_466 = arith.cmpi eq, %select_n3A_464, %eq3A_465 : i32
    %or3A_467 = arith.constant false
    %or3A_468 = arith.ori %or3A_467, %eq3A_466 : i1
    %convert_element_type3A_469 = arith.extui %or3A_468 : i1 to i32
    %cond3A_470 = arith.constant 0 : i32
    %cond3A_471 = arith.cmpi ne, %convert_element_type3A_469, %cond3A_470 : i32
    scf.if %cond3A_471 {
      %dma_start3A_1447 = arith.constant 0 : i32
      %dma_start3A_1448 = tpu.memref_slice %arg3[%select_n3A_448, %dma_start3A_1447] : memref<26x16384xi32, #tpu.memory_space<hbm>> -> memref<1x16384xi32, #tpu.memory_space<hbm>>
      %dma_start3A_1449 = tpu.memref_squeeze %dma_start3A_1448 : memref<1x16384xi32, #tpu.memory_space<hbm>> -> memref<16384xi32, #tpu.memory_space<hbm>>
      %dma_start3A_1450 = arith.constant 0 : i32
      %dma_start3A_1451 = tpu.memref_slice %arg3[%select_n3A_448, %dma_start3A_1450] : memref<26x16384xi32, #tpu.memory_space<hbm>> -> memref<1x16384xi32, #tpu.memory_space<hbm>>
      %dma_start3A_1452 = tpu.memref_squeeze %dma_start3A_1451 : memref<1x16384xi32, #tpu.memory_space<hbm>> -> memref<16384xi32, #tpu.memory_space<hbm>>
      tpu.enqueue_dma source(%dma_start3A_1452 : memref<16384xi32, #tpu.memory_space<hbm>>) target(%arg5 : memref<16384xi32, #tpu.memory_space<vmem>>) target_semaphore(%arg9 : memref<!tpu.dma_semaphore, #tpu.memory_space<semaphore_mem>>)
    } else {
    }
    "tpu.region"() ({
      %run_scoped3A = tpu.sem_alloc : memref<!tpu.dma_semaphore, #tpu.memory_space<semaphore_mem>>
      %dma_start3A_1447 = arith.constant 0 : i32
      %dma_start3A_1448 = tpu.memref_slice %arg2[%select_n3A_448, %select_n3A_464, %dma_start3A_1447] : memref<26x16x100000xf32, #tpu.memory_space<hbm>> -> memref<1x1x100000xf32, #tpu.memory_space<hbm>>
      %dma_start3A_1449 = tpu.memref_squeeze %dma_start3A_1448 : memref<1x1x100000xf32, #tpu.memory_space<hbm>> -> memref<100000xf32, #tpu.memory_space<hbm>>
      %dma_start3A_1450 = arith.constant 0 : i32
      %dma_start3A_1451 = tpu.memref_slice %arg2[%select_n3A_448, %select_n3A_464, %dma_start3A_1450] : memref<26x16x100000xf32, #tpu.memory_space<hbm>> -> memref<1x1x100000xf32, #tpu.memory_space<hbm>>
      %dma_start3A_1452 = tpu.memref_squeeze %dma_start3A_1451 : memref<1x1x100000xf32, #tpu.memory_space<hbm>> -> memref<100000xf32, #tpu.memory_space<hbm>>
      tpu.enqueue_dma source(%dma_start3A_1452 : memref<100000xf32, #tpu.memory_space<hbm>>) target(%arg6 : memref<100000xf32, #tpu.memory_space<vmem>>) target_semaphore(%run_scoped3A : memref<!tpu.dma_semaphore, #tpu.memory_space<semaphore_mem>>)
      %dma_wait3A_1453 = arith.constant 0 : i32
      %dma_wait3A_1454 = tpu.memref_slice %arg2[%select_n3A_448, %select_n3A_464, %dma_wait3A_1453] : memref<26x16x100000xf32, #tpu.memory_space<hbm>> -> memref<1x1x100000xf32, #tpu.memory_space<hbm>>
      %dma_wait3A_1455 = tpu.memref_squeeze %dma_wait3A_1454 : memref<1x1x100000xf32, #tpu.memory_space<hbm>> -> memref<100000xf32, #tpu.memory_space<hbm>>
      %dma_wait3A_1456 = arith.constant 0 : i32
      %dma_wait3A_1457 = tpu.memref_slice %arg2[%select_n3A_448, %select_n3A_464, %dma_wait3A_1456] : memref<26x16x100000xf32, #tpu.memory_space<hbm>> -> memref<1x1x100000xf32, #tpu.memory_space<hbm>>
      %dma_wait3A_1458 = tpu.memref_squeeze %dma_wait3A_1457 : memref<1x1x100000xf32, #tpu.memory_space<hbm>> -> memref<100000xf32, #tpu.memory_space<hbm>>
      tpu.wait_dma2 semaphore(%run_scoped3A : memref<!tpu.dma_semaphore, #tpu.memory_space<semaphore_mem>>) src(%dma_wait3A_1458 : memref<100000xf32, #tpu.memory_space<hbm>>) dst(%arg6 : memref<100000xf32, #tpu.memory_space<vmem>>)
      tpu.yield
    }) : () -> ()
    %convert_element_type3A_472 = arith.extui %or3A_468 : i1 to i32
    %cond3A_473 = arith.constant 0 : i32
    %cond3A_474 = arith.cmpi ne, %convert_element_type3A_472, %cond3A_473 : i32
    scf.if %cond3A_474 {
      %dma_wait3A_1447 = arith.constant 0 : i32
      %dma_wait3A_1448 = tpu.memref_slice %arg3[%select_n3A_448, %dma_wait3A_1447] : memref<26x16384xi32, #tpu.memory_space<hbm>> -> memref<1x16384xi32, #tpu.memory_space<hbm>>
      %dma_wait3A_1449 = tpu.memref_squeeze %dma_wait3A_1448 : memref<1x16384xi32, #tpu.memory_space<hbm>> -> memref<16384xi32, #tpu.memory_space<hbm>>
      %dma_wait3A_1450 = arith.constant 0 : i32
      %dma_wait3A_1451 = tpu.memref_slice %arg3[%select_n3A_448, %dma_wait3A_1450] : memref<26x16384xi32, #tpu.memory_space<hbm>> -> memref<1x16384xi32, #tpu.memory_space<hbm>>
      %dma_wait3A_1452 = tpu.memref_squeeze %dma_wait3A_1451 : memref<1x16384xi32, #tpu.memory_space<hbm>> -> memref<16384xi32, #tpu.memory_space<hbm>>
      tpu.wait_dma2 semaphore(%arg9 : memref<!tpu.dma_semaphore, #tpu.memory_space<semaphore_mem>>) src(%dma_wait3A_1452 : memref<16384xi32, #tpu.memory_space<hbm>>) dst(%arg5 : memref<16384xi32, #tpu.memory_space<vmem>>)
    } else {
    }
    %dma_wait3A_475 = arith.constant 0 : i32
    %dma_wait3A_476 = tpu.memref_slice %arg4[%select_n3A_448, %select_n3A_464, %dma_wait3A_475] : memref<26x16x16384xf32, #tpu.memory_space<hbm>> -> memref<1x1x4096xf32, #tpu.memory_space<hbm>>
    %dma_wait3A_477 = tpu.memref_squeeze %dma_wait3A_476 : memref<1x1x4096xf32, #tpu.memory_space<hbm>> -> memref<4096xf32, #tpu.memory_space<hbm>>
    %dma_wait3A_478 = arith.constant 0 : i32
    %dma_wait3A_479 = tpu.memref_slice %arg4[%select_n3A_448, %select_n3A_464, %dma_wait3A_478] : memref<26x16x16384xf32, #tpu.memory_space<hbm>> -> memref<1x1x4096xf32, #tpu.memory_space<hbm>>
    %dma_wait3A_480 = tpu.memref_squeeze %dma_wait3A_479 : memref<1x1x4096xf32, #tpu.memory_space<hbm>> -> memref<4096xf32, #tpu.memory_space<hbm>>
    tpu.wait_dma2 semaphore(%arg10 : memref<!tpu.dma_semaphore, #tpu.memory_space<semaphore_mem>>) src(%arg7 : memref<4096xf32, #tpu.memory_space<vmem>>) dst(%dma_wait3A_480 : memref<4096xf32, #tpu.memory_space<hbm>>)
    %parallel_loop3A_481 = arith.constant 0 : i32
    %parallel_loop3A_482 = arith.constant 4096 : i32
    %parallel_loop3A_483 = arith.constant 16 : i32
    scf.for %parallel_loop3A_1447 = %parallel_loop3A_481 to %parallel_loop3A_482 step %parallel_loop3A_483  : i32 {
      %parallel_loop3A_1448 = arith.constant 0 : i32
      %parallel_loop3A_1449 = arith.addi %parallel_loop3A_1448, %parallel_loop3A_1447 : i32
      %parallel_loop3A_1450 = arith.index_cast %parallel_loop3A_1449 : i32 to index
      %parallel_loop3A_1451 = tpu.vector_load %arg5[%parallel_loop3A_1450] {strides = array<i32>} : memref<16384xi32, #tpu.memory_space<vmem>>, vector<16xi32>,
      %parallel_loop3A_1452 = tpu.vector_load_idx %arg6[%parallel_loop3A_1451] : memref<100000xf32, #tpu.memory_space<vmem>>[vector<16xi32>], vector<16xf32>,
      %parallel_loop3A_1453 = arith.index_cast %parallel_loop3A_1447 : i32 to index
      %parallel_loop3A_1454 = tpu.vector_load %arg7[%parallel_loop3A_1453] {strides = array<i32>} : memref<4096xf32, #tpu.memory_space<vmem>>, vector<16xf32>,
      tpu.vector_store %arg7[%parallel_loop3A_1453], %parallel_loop3A_1452 {strides = array<i32>} : memref<4096xf32, #tpu.memory_space<vmem>>, vector<16xf32>,
    } {sc.loop_unroll_factor = 8 : i64, sc.parallel_access}
    %dma_start3A_484 = arith.constant 0 : i32
    %dma_start3A_485 = tpu.memref_slice %arg4[%select_n3A_448, %select_n3A_464, %dma_start3A_484] : memref<26x16x16384xf32, #tpu.memory_space<hbm>> -> memref<1x1x4096xf32, #tpu.memory_space<hbm>>
    %dma_start3A_486 = tpu.memref_squeeze %dma_start3A_485 : memref<1x1x4096xf32, #tpu.memory_space<hbm>> -> memref<4096xf32, #tpu.memory_space<hbm>>
    %dma_start3A_487 = arith.constant 0 : i32
    %dma_start3A_488 = tpu.memref_slice %arg4[%select_n3A_448, %select_n3A_464, %dma_start3A_487] : memref<26x16x16384xf32, #tpu.memory_space<hbm>> -> memref<1x1x4096xf32, #tpu.memory_space<hbm>>
    %dma_start3A_489 = tpu.memref_squeeze %dma_start3A_488 : memref<1x1x4096xf32, #tpu.memory_space<hbm>> -> memref<4096xf32, #tpu.memory_space<hbm>>
    tpu.enqueue_dma source(%arg7 : memref<4096xf32, #tpu.memory_space<vmem>>) target(%dma_start3A_489 : memref<4096xf32, #tpu.memory_space<hbm>>) target_semaphore(%arg10 : memref<!tpu.dma_semaphore, #tpu.memory_space<semaphore_mem>>)
    %dma_wait3A_490 = arith.constant 4096 : i32
    %dma_wait3A_491 = tpu.memref_slice %arg4[%select_n3A_448, %select_n3A_464, %dma_wait3A_490] : memref<26x16x16384xf32, #tpu.memory_space<hbm>> -> memref<1x1x4096xf32, #tpu.memory_space<hbm>>
    %dma_wait3A_492 = tpu.memref_squeeze %dma_wait3A_491 : memref<1x1x4096xf32, #tpu.memory_space<hbm>> -> memref<4096xf32, #tpu.memory_space<hbm>>
    %dma_wait3A_493 = arith.constant 4096 : i32
    %dma_wait3A_494 = tpu.memref_slice %arg4[%select_n3A_448, %select_n3A_464, %dma_wait3A_493] : memref<26x16x16384xf32, #tpu.memory_space<hbm>> -> memref<1x1x4096xf32, #tpu.memory_space<hbm>>
    %dma_wait3A_495 = tpu.memref_squeeze %dma_wait3A_494 : memref<1x1x4096xf32, #tpu.memory_space<hbm>> -> memref<4096xf32, #tpu.memory_space<hbm>>
    tpu.wait_dma2 semaphore(%arg11 : memref<!tpu.dma_semaphore, #tpu.memory_space<semaphore_mem>>) src(%arg8 : memref<4096xf32, #tpu.memory_space<vmem>>) dst(%dma_wait3A_495 : memref<4096xf32, #tpu.memory_space<hbm>>)
    %parallel_loop3A_496 = arith.constant 0 : i32
    %parallel_loop3A_497 = arith.constant 4096 : i32
    %parallel_loop3A_498 = arith.constant 16 : i32
    scf.for %parallel_loop3A_1447 = %parallel_loop3A_496 to %parallel_loop3A_497 step %parallel_loop3A_498  : i32 {
      %parallel_loop3A_1448 = arith.constant 4096 : i32
      %parallel_loop3A_1449 = arith.addi %parallel_loop3A_1448, %parallel_loop3A_1447 : i32
      %parallel_loop3A_1450 = arith.index_cast %parallel_loop3A_1449 : i32 to index
      %parallel_loop3A_1451 = tpu.vector_load %arg5[%parallel_loop3A_1450] {strides = array<i32>} : memref<16384xi32, #tpu.memory_space<vmem>>, vector<16xi32>,
      %parallel_loop3A_1452 = tpu.vector_load_idx %arg6[%parallel_loop3A_1451] : memref<100000xf32, #tpu.memory_space<vmem>>[vector<16xi32>], vector<16xf32>,
      %parallel_loop3A_1453 = arith.index_cast %parallel_loop3A_1447 : i32 to index
      %parallel_loop3A_1454 = tpu.vector_load %arg8[%parallel_loop3A_1453] {strides = array<i32>} : memref<4096xf32, #tpu.memory_space<vmem>>, vector<16xf32>,
      tpu.vector_store %arg8[%parallel_loop3A_1453], %parallel_loop3A_1452 {strides = array<i32>} : memref<4096xf32, #tpu.memory_space<vmem>>, vector<16xf32>,
    } {sc.loop_unroll_factor = 8 : i64, sc.parallel_access}
    %dma_start3A_499 = arith.constant 4096 : i32
    %dma_start3A_500 = tpu.memref_slice %arg4[%select_n3A_448, %select_n3A_464, %dma_start3A_499] : memref<26x16x16384xf32, #tpu.memory_space<hbm>> -> memref<1x1x4096xf32, #tpu.memory_space<hbm>>
    %dma_start3A_501 = tpu.memref_squeeze %dma_start3A_500 : memref<1x1x4096xf32, #tpu.memory_space<hbm>> -> memref<4096xf32, #tpu.memory_space<hbm>>
    %dma_start3A_502 = arith.constant 4096 : i32
    %dma_start3A_503 = tpu.memref_slice %arg4[%select_n3A_448, %select_n3A_464, %dma_start3A_502] : memref<26x16x16384xf32, #tpu.memory_space<hbm>> -> memref<1x1x4096xf32, #tpu.memory_space<hbm>>
    %dma_start3A_504 = tpu.memref_squeeze %dma_start3A_503 : memref<1x1x4096xf32, #tpu.memory_space<hbm>> -> memref<4096xf32, #tpu.memory_space<hbm>>
    tpu.enqueue_dma source(%arg8 : memref<4096xf32, #tpu.memory_space<vmem>>) target(%dma_start3A_504 : memref<4096xf32, #tpu.memory_space<hbm>>) target_semaphore(%arg11 : memref<!tpu.dma_semaphore, #tpu.memory_space<semaphore_mem>>)
    %dma_wait3A_505 = arith.constant 8192 : i32
    %dma_wait3A_506 = tpu.memref_slice %arg4[%select_n3A_448, %select_n3A_464, %dma_wait3A_505] : memref<26x16x16384xf32, #tpu.memory_space<hbm>> -> memref<1x1x4096xf32, #tpu.memory_space<hbm>>
    %dma_wait3A_507 = tpu.memref_squeeze %dma_wait3A_506 : memref<1x1x4096xf32, #tpu.memory_space<hbm>> -> memref<4096xf32, #tpu.memory_space<hbm>>
    %dma_wait3A_508 = arith.constant 8192 : i32
    %dma_wait3A_509 = tpu.memref_slice %arg4[%select_n3A_448, %select_n3A_464, %dma_wait3A_508] : memref<26x16x16384xf32, #tpu.memory_space<hbm>> -> memref<1x1x4096xf32, #tpu.memory_space<hbm>>
    %dma_wait3A_510 = tpu.memref_squeeze %dma_wait3A_509 : memref<1x1x4096xf32, #tpu.memory_space<hbm>> -> memref<4096xf32, #tpu.memory_space<hbm>>
    tpu.wait_dma2 semaphore(%arg10 : memref<!tpu.dma_semaphore, #tpu.memory_space<semaphore_mem>>) src(%arg7 : memref<4096xf32, #tpu.memory_space<vmem>>) dst(%dma_wait3A_510 : memref<4096xf32, #tpu.memory_space<hbm>>)
    %parallel_loop3A_511 = arith.constant 0 : i32
    %parallel_loop3A_512 = arith.constant 4096 : i32
    %parallel_loop3A_513 = arith.constant 16 : i32
    scf.for %parallel_loop3A_1447 = %parallel_loop3A_511 to %parallel_loop3A_512 step %parallel_loop3A_513  : i32 {
      %parallel_loop3A_1448 = arith.constant 8192 : i32
      %parallel_loop3A_1449 = arith.addi %parallel_loop3A_1448, %parallel_loop3A_1447 : i32
      %parallel_loop3A_1450 = arith.index_cast %parallel_loop3A_1449 : i32 to index
      %parallel_loop3A_1451 = tpu.vector_load %arg5[%parallel_loop3A_1450] {strides = array<i32>} : memref<16384xi32, #tpu.memory_space<vmem>>, vector<16xi32>,
      %parallel_loop3A_1452 = tpu.vector_load_idx %arg6[%parallel_loop3A_1451] : memref<100000xf32, #tpu.memory_space<vmem>>[vector<16xi32>], vector<16xf32>,
      %parallel_loop3A_1453 = arith.index_cast %parallel_loop3A_1447 : i32 to index
      %parallel_loop3A_1454 = tpu.vector_load %arg7[%parallel_loop3A_1453] {strides = array<i32>} : memref<4096xf32, #tpu.memory_space<vmem>>, vector<16xf32>,
      tpu.vector_store %arg7[%parallel_loop3A_1453], %parallel_loop3A_1452 {strides = array<i32>} : memref<4096xf32, #tpu.memory_space<vmem>>, vector<16xf32>,
    } {sc.loop_unroll_factor = 8 : i64, sc.parallel_access}
    %dma_start3A_514 = arith.constant 8192 : i32
    %dma_start3A_515 = tpu.memref_slice %arg4[%select_n3A_448, %select_n3A_464, %dma_start3A_514] : memref<26x16x16384xf32, #tpu.memory_space<hbm>> -> memref<1x1x4096xf32, #tpu.memory_space<hbm>>
    %dma_start3A_516 = tpu.memref_squeeze %dma_start3A_515 : memref<1x1x4096xf32, #tpu.memory_space<hbm>> -> memref<4096xf32, #tpu.memory_space<hbm>>
    %dma_start3A_517 = arith.constant 8192 : i32
    %dma_start3A_518 = tpu.memref_slice %arg4[%select_n3A_448, %select_n3A_464, %dma_start3A_517] : memref<26x16x16384xf32, #tpu.memory_space<hbm>> -> memref<1x1x4096xf32, #tpu.memory_space<hbm>>
    %dma_start3A_519 = tpu.memref_squeeze %dma_start3A_518 : memref<1x1x4096xf32, #tpu.memory_space<hbm>> -> memref<4096xf32, #tpu.memory_space<hbm>>
    tpu.enqueue_dma source(%arg7 : memref<4096xf32, #tpu.memory_space<vmem>>) target(%dma_start3A_519 : memref<4096xf32, #tpu.memory_space<hbm>>) target_semaphore(%arg10 : memref<!tpu.dma_semaphore, #tpu.memory_space<semaphore_mem>>)
    %dma_wait3A_520 = arith.constant 12288 : i32
    %dma_wait3A_521 = tpu.memref_slice %arg4[%select_n3A_448, %select_n3A_464, %dma_wait3A_520] : memref<26x16x16384xf32, #tpu.memory_space<hbm>> -> memref<1x1x4096xf32, #tpu.memory_space<hbm>>
    %dma_wait3A_522 = tpu.memref_squeeze %dma_wait3A_521 : memref<1x1x4096xf32, #tpu.memory_space<hbm>> -> memref<4096xf32, #tpu.memory_space<hbm>>
    %dma_wait3A_523 = arith.constant 12288 : i32
    %dma_wait3A_524 = tpu.memref_slice %arg4[%select_n3A_448, %select_n3A_464, %dma_wait3A_523] : memref<26x16x16384xf32, #tpu.memory_space<hbm>> -> memref<1x1x4096xf32, #tpu.memory_space<hbm>>
    %dma_wait3A_525 = tpu.memref_squeeze %dma_wait3A_524 : memref<1x1x4096xf32, #tpu.memory_space<hbm>> -> memref<4096xf32, #tpu.memory_space<hbm>>
    tpu.wait_dma2 semaphore(%arg11 : memref<!tpu.dma_semaphore, #tpu.memory_space<semaphore_mem>>) src(%arg8 : memref<4096xf32, #tpu.memory_space<vmem>>) dst(%dma_wait3A_525 : memref<4096xf32, #tpu.memory_space<hbm>>)
    %parallel_loop3A_526 = arith.constant 0 : i32
    %parallel_loop3A_527 = arith.constant 4096 : i32
    %parallel_loop3A_528 = arith.constant 16 : i32
    scf.for %parallel_loop3A_1447 = %parallel_loop3A_526 to %parallel_loop3A_527 step %parallel_loop3A_528  : i32 {
      %parallel_loop3A_1448 = arith.constant 12288 : i32
      %parallel_loop3A_1449 = arith.addi %parallel_loop3A_1448, %parallel_loop3A_1447 : i32
      %parallel_loop3A_1450 = arith.index_cast %parallel_loop3A_1449 : i32 to index
      %parallel_loop3A_1451 = tpu.vector_load %arg5[%parallel_loop3A_1450] {strides = array<i32>} : memref<16384xi32, #tpu.memory_space<vmem>>, vector<16xi32>,
      %parallel_loop3A_1452 = tpu.vector_load_idx %arg6[%parallel_loop3A_1451] : memref<100000xf32, #tpu.memory_space<vmem>>[vector<16xi32>], vector<16xf32>,
      %parallel_loop3A_1453 = arith.index_cast %parallel_loop3A_1447 : i32 to index
      %parallel_loop3A_1454 = tpu.vector_load %arg8[%parallel_loop3A_1453] {strides = array<i32>} : memref<4096xf32, #tpu.memory_space<vmem>>, vector<16xf32>,
      tpu.vector_store %arg8[%parallel_loop3A_1453], %parallel_loop3A_1452 {strides = array<i32>} : memref<4096xf32, #tpu.memory_space<vmem>>, vector<16xf32>,
    } {sc.loop_unroll_factor = 8 : i64, sc.parallel_access}
    %dma_start3A_529 = arith.constant 12288 : i32
    %dma_start3A_530 = tpu.memref_slice %arg4[%select_n3A_448, %select_n3A_464, %dma_start3A_529] : memref<26x16x16384xf32, #tpu.memory_space<hbm>> -> memref<1x1x4096xf32, #tpu.memory_space<hbm>>
    %dma_start3A_531 = tpu.memref_squeeze %dma_start3A_530 : memref<1x1x4096xf32, #tpu.memory_space<hbm>> -> memref<4096xf32, #tpu.memory_space<hbm>>
    %dma_start3A_532 = arith.constant 12288 : i32
    %dma_start3A_533 = tpu.memref_slice %arg4[%select_n3A_448, %select_n3A_464, %dma_start3A_532] : memref<26x16x16384xf32, #tpu.memory_space<hbm>> -> memref<1x1x4096xf32, #tpu.memory_space<hbm>>
    %dma_start3A_534 = tpu.memref_squeeze %dma_start3A_533 : memref<1x1x4096xf32, #tpu.memory_space<hbm>> -> memref<4096xf32, #tpu.memory_space<hbm>>
    tpu.enqueue_dma source(%arg8 : memref<4096xf32, #tpu.memory_space<vmem>>) target(%dma_start3A_534 : memref<4096xf32, #tpu.memory_space<hbm>>) target_semaphore(%arg11 : memref<!tpu.dma_semaphore, #tpu.memory_space<semaphore_mem>>)
    %add3A_535 = arith.constant 5 : i32
    %add3A_536 = arith.addi %mul3A_2, %add3A_535 : i32
    %jit3A_537 = arith.constant 16 : i32
    %div3A_538 = arith.divsi %add3A_536, %jit3A_537 : i32
    %sign3A_539 = arith.constant 0 : i32
    %sign3A_540 = arith.cmpi sgt, %add3A_536, %sign3A_539 : i32
    %sign3A_541 = arith.extui %sign3A_540 : i1 to i32
    %sign3A_542 = arith.constant 0 : i32
    %sign3A_543 = arith.cmpi slt, %add3A_536, %sign3A_542 : i32
    %sign3A_544 = arith.extui %sign3A_543 : i1 to i32
    %sign3A_545 = arith.subi %sign3A_541, %sign3A_544 : i32
    %sign3A_546 = arith.constant 0 : i32
    %sign3A_547 = arith.cmpi sgt, %jit3A_537, %sign3A_546 : i32
    %sign3A_548 = arith.extui %sign3A_547 : i1 to i32
    %sign3A_549 = arith.constant 0 : i32
    %sign3A_550 = arith.cmpi slt, %jit3A_537, %sign3A_549 : i32
    %sign3A_551 = arith.extui %sign3A_550 : i1 to i32
    %sign3A_552 = arith.subi %sign3A_548, %sign3A_551 : i32
    %ne3A_553 = arith.cmpi ne, %sign3A_545, %sign3A_552 : i32
    %rem3A_554 = arith.remsi %add3A_536, %jit3A_537 : i32
    %ne3A_555 = arith.constant 0 : i32
    %ne3A_556 = arith.cmpi ne, %rem3A_554, %ne3A_555 : i32
    %and3A_557 = arith.andi %ne3A_553, %ne3A_556 : i1
    %sub3A_558 = arith.constant 1 : i32
    %sub3A_559 = arith.subi %div3A_538, %sub3A_558 : i32
    %select_n3A_560 = arith.select %and3A_557, %sub3A_559, %div3A_538 : i32
    %jit3A_561 = arith.constant 16 : i32
    %eq3A_562 = arith.constant 0 : i32
    %eq3A_563 = arith.cmpi eq, %jit3A_561, %eq3A_562 : i32
    %jit3A_564 = arith.constant 1 : i32
    %select_n3A_565 = arith.select %eq3A_563, %jit3A_564, %jit3A_561 : i32
    %rem3A_566 = arith.remsi %add3A_536, %select_n3A_565 : i32
    %ne3A_567 = arith.constant 0 : i32
    %ne3A_568 = arith.cmpi ne, %rem3A_566, %ne3A_567 : i32
    %lt3A_569 = arith.constant 0 : i32
    %lt3A_570 = arith.cmpi slt, %rem3A_566, %lt3A_569 : i32
    %lt3A_571 = arith.constant 0 : i32
    %lt3A_572 = arith.cmpi slt, %select_n3A_565, %lt3A_571 : i32
    %ne3A_573 = arith.xori %lt3A_570, %lt3A_572 : i1
    %and3A_574 = arith.andi %ne3A_573, %ne3A_568 : i1
    %add3A_575 = arith.addi %rem3A_566, %select_n3A_565 : i32
    %select_n3A_576 = arith.select %and3A_574, %add3A_575, %rem3A_566 : i32
    %eq3A_577 = arith.constant 0 : i32
    %eq3A_578 = arith.cmpi eq, %select_n3A_576, %eq3A_577 : i32
    %or3A_579 = arith.constant false
    %or3A_580 = arith.ori %or3A_579, %eq3A_578 : i1
    %convert_element_type3A_581 = arith.extui %or3A_580 : i1 to i32
    %cond3A_582 = arith.constant 0 : i32
    %cond3A_583 = arith.cmpi ne, %convert_element_type3A_581, %cond3A_582 : i32
    scf.if %cond3A_583 {
      %dma_start3A_1447 = arith.constant 0 : i32
      %dma_start3A_1448 = tpu.memref_slice %arg3[%select_n3A_560, %dma_start3A_1447] : memref<26x16384xi32, #tpu.memory_space<hbm>> -> memref<1x16384xi32, #tpu.memory_space<hbm>>
      %dma_start3A_1449 = tpu.memref_squeeze %dma_start3A_1448 : memref<1x16384xi32, #tpu.memory_space<hbm>> -> memref<16384xi32, #tpu.memory_space<hbm>>
      %dma_start3A_1450 = arith.constant 0 : i32
      %dma_start3A_1451 = tpu.memref_slice %arg3[%select_n3A_560, %dma_start3A_1450] : memref<26x16384xi32, #tpu.memory_space<hbm>> -> memref<1x16384xi32, #tpu.memory_space<hbm>>
      %dma_start3A_1452 = tpu.memref_squeeze %dma_start3A_1451 : memref<1x16384xi32, #tpu.memory_space<hbm>> -> memref<16384xi32, #tpu.memory_space<hbm>>
      tpu.enqueue_dma source(%dma_start3A_1452 : memref<16384xi32, #tpu.memory_space<hbm>>) target(%arg5 : memref<16384xi32, #tpu.memory_space<vmem>>) target_semaphore(%arg9 : memref<!tpu.dma_semaphore, #tpu.memory_space<semaphore_mem>>)
    } else {
    }
    "tpu.region"() ({
      %run_scoped3A = tpu.sem_alloc : memref<!tpu.dma_semaphore, #tpu.memory_space<semaphore_mem>>
      %dma_start3A_1447 = arith.constant 0 : i32
      %dma_start3A_1448 = tpu.memref_slice %arg2[%select_n3A_560, %select_n3A_576, %dma_start3A_1447] : memref<26x16x100000xf32, #tpu.memory_space<hbm>> -> memref<1x1x100000xf32, #tpu.memory_space<hbm>>
      %dma_start3A_1449 = tpu.memref_squeeze %dma_start3A_1448 : memref<1x1x100000xf32, #tpu.memory_space<hbm>> -> memref<100000xf32, #tpu.memory_space<hbm>>
      %dma_start3A_1450 = arith.constant 0 : i32
      %dma_start3A_1451 = tpu.memref_slice %arg2[%select_n3A_560, %select_n3A_576, %dma_start3A_1450] : memref<26x16x100000xf32, #tpu.memory_space<hbm>> -> memref<1x1x100000xf32, #tpu.memory_space<hbm>>
      %dma_start3A_1452 = tpu.memref_squeeze %dma_start3A_1451 : memref<1x1x100000xf32, #tpu.memory_space<hbm>> -> memref<100000xf32, #tpu.memory_space<hbm>>
      tpu.enqueue_dma source(%dma_start3A_1452 : memref<100000xf32, #tpu.memory_space<hbm>>) target(%arg6 : memref<100000xf32, #tpu.memory_space<vmem>>) target_semaphore(%run_scoped3A : memref<!tpu.dma_semaphore, #tpu.memory_space<semaphore_mem>>)
      %dma_wait3A_1453 = arith.constant 0 : i32
      %dma_wait3A_1454 = tpu.memref_slice %arg2[%select_n3A_560, %select_n3A_576, %dma_wait3A_1453] : memref<26x16x100000xf32, #tpu.memory_space<hbm>> -> memref<1x1x100000xf32, #tpu.memory_space<hbm>>
      %dma_wait3A_1455 = tpu.memref_squeeze %dma_wait3A_1454 : memref<1x1x100000xf32, #tpu.memory_space<hbm>> -> memref<100000xf32, #tpu.memory_space<hbm>>
      %dma_wait3A_1456 = arith.constant 0 : i32
      %dma_wait3A_1457 = tpu.memref_slice %arg2[%select_n3A_560, %select_n3A_576, %dma_wait3A_1456] : memref<26x16x100000xf32, #tpu.memory_space<hbm>> -> memref<1x1x100000xf32, #tpu.memory_space<hbm>>
      %dma_wait3A_1458 = tpu.memref_squeeze %dma_wait3A_1457 : memref<1x1x100000xf32, #tpu.memory_space<hbm>> -> memref<100000xf32, #tpu.memory_space<hbm>>
      tpu.wait_dma2 semaphore(%run_scoped3A : memref<!tpu.dma_semaphore, #tpu.memory_space<semaphore_mem>>) src(%dma_wait3A_1458 : memref<100000xf32, #tpu.memory_space<hbm>>) dst(%arg6 : memref<100000xf32, #tpu.memory_space<vmem>>)
      tpu.yield
    }) : () -> ()
    %convert_element_type3A_584 = arith.extui %or3A_580 : i1 to i32
    %cond3A_585 = arith.constant 0 : i32
    %cond3A_586 = arith.cmpi ne, %convert_element_type3A_584, %cond3A_585 : i32
    scf.if %cond3A_586 {
      %dma_wait3A_1447 = arith.constant 0 : i32
      %dma_wait3A_1448 = tpu.memref_slice %arg3[%select_n3A_560, %dma_wait3A_1447] : memref<26x16384xi32, #tpu.memory_space<hbm>> -> memref<1x16384xi32, #tpu.memory_space<hbm>>
      %dma_wait3A_1449 = tpu.memref_squeeze %dma_wait3A_1448 : memref<1x16384xi32, #tpu.memory_space<hbm>> -> memref<16384xi32, #tpu.memory_space<hbm>>
      %dma_wait3A_1450 = arith.constant 0 : i32
      %dma_wait3A_1451 = tpu.memref_slice %arg3[%select_n3A_560, %dma_wait3A_1450] : memref<26x16384xi32, #tpu.memory_space<hbm>> -> memref<1x16384xi32, #tpu.memory_space<hbm>>
      %dma_wait3A_1452 = tpu.memref_squeeze %dma_wait3A_1451 : memref<1x16384xi32, #tpu.memory_space<hbm>> -> memref<16384xi32, #tpu.memory_space<hbm>>
      tpu.wait_dma2 semaphore(%arg9 : memref<!tpu.dma_semaphore, #tpu.memory_space<semaphore_mem>>) src(%dma_wait3A_1452 : memref<16384xi32, #tpu.memory_space<hbm>>) dst(%arg5 : memref<16384xi32, #tpu.memory_space<vmem>>)
    } else {
    }
    %dma_wait3A_587 = arith.constant 0 : i32
    %dma_wait3A_588 = tpu.memref_slice %arg4[%select_n3A_560, %select_n3A_576, %dma_wait3A_587] : memref<26x16x16384xf32, #tpu.memory_space<hbm>> -> memref<1x1x4096xf32, #tpu.memory_space<hbm>>
    %dma_wait3A_589 = tpu.memref_squeeze %dma_wait3A_588 : memref<1x1x4096xf32, #tpu.memory_space<hbm>> -> memref<4096xf32, #tpu.memory_space<hbm>>
    %dma_wait3A_590 = arith.constant 0 : i32
    %dma_wait3A_591 = tpu.memref_slice %arg4[%select_n3A_560, %select_n3A_576, %dma_wait3A_590] : memref<26x16x16384xf32, #tpu.memory_space<hbm>> -> memref<1x1x4096xf32, #tpu.memory_space<hbm>>
    %dma_wait3A_592 = tpu.memref_squeeze %dma_wait3A_591 : memref<1x1x4096xf32, #tpu.memory_space<hbm>> -> memref<4096xf32, #tpu.memory_space<hbm>>
    tpu.wait_dma2 semaphore(%arg10 : memref<!tpu.dma_semaphore, #tpu.memory_space<semaphore_mem>>) src(%arg7 : memref<4096xf32, #tpu.memory_space<vmem>>) dst(%dma_wait3A_592 : memref<4096xf32, #tpu.memory_space<hbm>>)
    %parallel_loop3A_593 = arith.constant 0 : i32
    %parallel_loop3A_594 = arith.constant 4096 : i32
    %parallel_loop3A_595 = arith.constant 16 : i32
    scf.for %parallel_loop3A_1447 = %parallel_loop3A_593 to %parallel_loop3A_594 step %parallel_loop3A_595  : i32 {
      %parallel_loop3A_1448 = arith.constant 0 : i32
      %parallel_loop3A_1449 = arith.addi %parallel_loop3A_1448, %parallel_loop3A_1447 : i32
      %parallel_loop3A_1450 = arith.index_cast %parallel_loop3A_1449 : i32 to index
      %parallel_loop3A_1451 = tpu.vector_load %arg5[%parallel_loop3A_1450] {strides = array<i32>} : memref<16384xi32, #tpu.memory_space<vmem>>, vector<16xi32>,
      %parallel_loop3A_1452 = tpu.vector_load_idx %arg6[%parallel_loop3A_1451] : memref<100000xf32, #tpu.memory_space<vmem>>[vector<16xi32>], vector<16xf32>,
      %parallel_loop3A_1453 = arith.index_cast %parallel_loop3A_1447 : i32 to index
      %parallel_loop3A_1454 = tpu.vector_load %arg7[%parallel_loop3A_1453] {strides = array<i32>} : memref<4096xf32, #tpu.memory_space<vmem>>, vector<16xf32>,
      tpu.vector_store %arg7[%parallel_loop3A_1453], %parallel_loop3A_1452 {strides = array<i32>} : memref<4096xf32, #tpu.memory_space<vmem>>, vector<16xf32>,
    } {sc.loop_unroll_factor = 8 : i64, sc.parallel_access}
    %dma_start3A_596 = arith.constant 0 : i32
    %dma_start3A_597 = tpu.memref_slice %arg4[%select_n3A_560, %select_n3A_576, %dma_start3A_596] : memref<26x16x16384xf32, #tpu.memory_space<hbm>> -> memref<1x1x4096xf32, #tpu.memory_space<hbm>>
    %dma_start3A_598 = tpu.memref_squeeze %dma_start3A_597 : memref<1x1x4096xf32, #tpu.memory_space<hbm>> -> memref<4096xf32, #tpu.memory_space<hbm>>
    %dma_start3A_599 = arith.constant 0 : i32
    %dma_start3A_600 = tpu.memref_slice %arg4[%select_n3A_560, %select_n3A_576, %dma_start3A_599] : memref<26x16x16384xf32, #tpu.memory_space<hbm>> -> memref<1x1x4096xf32, #tpu.memory_space<hbm>>
    %dma_start3A_601 = tpu.memref_squeeze %dma_start3A_600 : memref<1x1x4096xf32, #tpu.memory_space<hbm>> -> memref<4096xf32, #tpu.memory_space<hbm>>
    tpu.enqueue_dma source(%arg7 : memref<4096xf32, #tpu.memory_space<vmem>>) target(%dma_start3A_601 : memref<4096xf32, #tpu.memory_space<hbm>>) target_semaphore(%arg10 : memref<!tpu.dma_semaphore, #tpu.memory_space<semaphore_mem>>)
    %dma_wait3A_602 = arith.constant 4096 : i32
    %dma_wait3A_603 = tpu.memref_slice %arg4[%select_n3A_560, %select_n3A_576, %dma_wait3A_602] : memref<26x16x16384xf32, #tpu.memory_space<hbm>> -> memref<1x1x4096xf32, #tpu.memory_space<hbm>>
    %dma_wait3A_604 = tpu.memref_squeeze %dma_wait3A_603 : memref<1x1x4096xf32, #tpu.memory_space<hbm>> -> memref<4096xf32, #tpu.memory_space<hbm>>
    %dma_wait3A_605 = arith.constant 4096 : i32
    %dma_wait3A_606 = tpu.memref_slice %arg4[%select_n3A_560, %select_n3A_576, %dma_wait3A_605] : memref<26x16x16384xf32, #tpu.memory_space<hbm>> -> memref<1x1x4096xf32, #tpu.memory_space<hbm>>
    %dma_wait3A_607 = tpu.memref_squeeze %dma_wait3A_606 : memref<1x1x4096xf32, #tpu.memory_space<hbm>> -> memref<4096xf32, #tpu.memory_space<hbm>>
    tpu.wait_dma2 semaphore(%arg11 : memref<!tpu.dma_semaphore, #tpu.memory_space<semaphore_mem>>) src(%arg8 : memref<4096xf32, #tpu.memory_space<vmem>>) dst(%dma_wait3A_607 : memref<4096xf32, #tpu.memory_space<hbm>>)
    %parallel_loop3A_608 = arith.constant 0 : i32
    %parallel_loop3A_609 = arith.constant 4096 : i32
    %parallel_loop3A_610 = arith.constant 16 : i32
    scf.for %parallel_loop3A_1447 = %parallel_loop3A_608 to %parallel_loop3A_609 step %parallel_loop3A_610  : i32 {
      %parallel_loop3A_1448 = arith.constant 4096 : i32
      %parallel_loop3A_1449 = arith.addi %parallel_loop3A_1448, %parallel_loop3A_1447 : i32
      %parallel_loop3A_1450 = arith.index_cast %parallel_loop3A_1449 : i32 to index
      %parallel_loop3A_1451 = tpu.vector_load %arg5[%parallel_loop3A_1450] {strides = array<i32>} : memref<16384xi32, #tpu.memory_space<vmem>>, vector<16xi32>,
      %parallel_loop3A_1452 = tpu.vector_load_idx %arg6[%parallel_loop3A_1451] : memref<100000xf32, #tpu.memory_space<vmem>>[vector<16xi32>], vector<16xf32>,
      %parallel_loop3A_1453 = arith.index_cast %parallel_loop3A_1447 : i32 to index
      %parallel_loop3A_1454 = tpu.vector_load %arg8[%parallel_loop3A_1453] {strides = array<i32>} : memref<4096xf32, #tpu.memory_space<vmem>>, vector<16xf32>,
      tpu.vector_store %arg8[%parallel_loop3A_1453], %parallel_loop3A_1452 {strides = array<i32>} : memref<4096xf32, #tpu.memory_space<vmem>>, vector<16xf32>,
    } {sc.loop_unroll_factor = 8 : i64, sc.parallel_access}
    %dma_start3A_611 = arith.constant 4096 : i32
    %dma_start3A_612 = tpu.memref_slice %arg4[%select_n3A_560, %select_n3A_576, %dma_start3A_611] : memref<26x16x16384xf32, #tpu.memory_space<hbm>> -> memref<1x1x4096xf32, #tpu.memory_space<hbm>>
    %dma_start3A_613 = tpu.memref_squeeze %dma_start3A_612 : memref<1x1x4096xf32, #tpu.memory_space<hbm>> -> memref<4096xf32, #tpu.memory_space<hbm>>
    %dma_start3A_614 = arith.constant 4096 : i32
    %dma_start3A_615 = tpu.memref_slice %arg4[%select_n3A_560, %select_n3A_576, %dma_start3A_614] : memref<26x16x16384xf32, #tpu.memory_space<hbm>> -> memref<1x1x4096xf32, #tpu.memory_space<hbm>>
    %dma_start3A_616 = tpu.memref_squeeze %dma_start3A_615 : memref<1x1x4096xf32, #tpu.memory_space<hbm>> -> memref<4096xf32, #tpu.memory_space<hbm>>
    tpu.enqueue_dma source(%arg8 : memref<4096xf32, #tpu.memory_space<vmem>>) target(%dma_start3A_616 : memref<4096xf32, #tpu.memory_space<hbm>>) target_semaphore(%arg11 : memref<!tpu.dma_semaphore, #tpu.memory_space<semaphore_mem>>)
    %dma_wait3A_617 = arith.constant 8192 : i32
    %dma_wait3A_618 = tpu.memref_slice %arg4[%select_n3A_560, %select_n3A_576, %dma_wait3A_617] : memref<26x16x16384xf32, #tpu.memory_space<hbm>> -> memref<1x1x4096xf32, #tpu.memory_space<hbm>>
    %dma_wait3A_619 = tpu.memref_squeeze %dma_wait3A_618 : memref<1x1x4096xf32, #tpu.memory_space<hbm>> -> memref<4096xf32, #tpu.memory_space<hbm>>
    %dma_wait3A_620 = arith.constant 8192 : i32
    %dma_wait3A_621 = tpu.memref_slice %arg4[%select_n3A_560, %select_n3A_576, %dma_wait3A_620] : memref<26x16x16384xf32, #tpu.memory_space<hbm>> -> memref<1x1x4096xf32, #tpu.memory_space<hbm>>
    %dma_wait3A_622 = tpu.memref_squeeze %dma_wait3A_621 : memref<1x1x4096xf32, #tpu.memory_space<hbm>> -> memref<4096xf32, #tpu.memory_space<hbm>>
    tpu.wait_dma2 semaphore(%arg10 : memref<!tpu.dma_semaphore, #tpu.memory_space<semaphore_mem>>) src(%arg7 : memref<4096xf32, #tpu.memory_space<vmem>>) dst(%dma_wait3A_622 : memref<4096xf32, #tpu.memory_space<hbm>>)
    %parallel_loop3A_623 = arith.constant 0 : i32
    %parallel_loop3A_624 = arith.constant 4096 : i32
    %parallel_loop3A_625 = arith.constant 16 : i32
    scf.for %parallel_loop3A_1447 = %parallel_loop3A_623 to %parallel_loop3A_624 step %parallel_loop3A_625  : i32 {
      %parallel_loop3A_1448 = arith.constant 8192 : i32
      %parallel_loop3A_1449 = arith.addi %parallel_loop3A_1448, %parallel_loop3A_1447 : i32
      %parallel_loop3A_1450 = arith.index_cast %parallel_loop3A_1449 : i32 to index
      %parallel_loop3A_1451 = tpu.vector_load %arg5[%parallel_loop3A_1450] {strides = array<i32>} : memref<16384xi32, #tpu.memory_space<vmem>>, vector<16xi32>,
      %parallel_loop3A_1452 = tpu.vector_load_idx %arg6[%parallel_loop3A_1451] : memref<100000xf32, #tpu.memory_space<vmem>>[vector<16xi32>], vector<16xf32>,
      %parallel_loop3A_1453 = arith.index_cast %parallel_loop3A_1447 : i32 to index
      %parallel_loop3A_1454 = tpu.vector_load %arg7[%parallel_loop3A_1453] {strides = array<i32>} : memref<4096xf32, #tpu.memory_space<vmem>>, vector<16xf32>,
      tpu.vector_store %arg7[%parallel_loop3A_1453], %parallel_loop3A_1452 {strides = array<i32>} : memref<4096xf32, #tpu.memory_space<vmem>>, vector<16xf32>,
    } {sc.loop_unroll_factor = 8 : i64, sc.parallel_access}
    %dma_start3A_626 = arith.constant 8192 : i32
    %dma_start3A_627 = tpu.memref_slice %arg4[%select_n3A_560, %select_n3A_576, %dma_start3A_626] : memref<26x16x16384xf32, #tpu.memory_space<hbm>> -> memref<1x1x4096xf32, #tpu.memory_space<hbm>>
    %dma_start3A_628 = tpu.memref_squeeze %dma_start3A_627 : memref<1x1x4096xf32, #tpu.memory_space<hbm>> -> memref<4096xf32, #tpu.memory_space<hbm>>
    %dma_start3A_629 = arith.constant 8192 : i32
    %dma_start3A_630 = tpu.memref_slice %arg4[%select_n3A_560, %select_n3A_576, %dma_start3A_629] : memref<26x16x16384xf32, #tpu.memory_space<hbm>> -> memref<1x1x4096xf32, #tpu.memory_space<hbm>>
    %dma_start3A_631 = tpu.memref_squeeze %dma_start3A_630 : memref<1x1x4096xf32, #tpu.memory_space<hbm>> -> memref<4096xf32, #tpu.memory_space<hbm>>
    tpu.enqueue_dma source(%arg7 : memref<4096xf32, #tpu.memory_space<vmem>>) target(%dma_start3A_631 : memref<4096xf32, #tpu.memory_space<hbm>>) target_semaphore(%arg10 : memref<!tpu.dma_semaphore, #tpu.memory_space<semaphore_mem>>)
    %dma_wait3A_632 = arith.constant 12288 : i32
    %dma_wait3A_633 = tpu.memref_slice %arg4[%select_n3A_560, %select_n3A_576, %dma_wait3A_632] : memref<26x16x16384xf32, #tpu.memory_space<hbm>> -> memref<1x1x4096xf32, #tpu.memory_space<hbm>>
    %dma_wait3A_634 = tpu.memref_squeeze %dma_wait3A_633 : memref<1x1x4096xf32, #tpu.memory_space<hbm>> -> memref<4096xf32, #tpu.memory_space<hbm>>
    %dma_wait3A_635 = arith.constant 12288 : i32
    %dma_wait3A_636 = tpu.memref_slice %arg4[%select_n3A_560, %select_n3A_576, %dma_wait3A_635] : memref<26x16x16384xf32, #tpu.memory_space<hbm>> -> memref<1x1x4096xf32, #tpu.memory_space<hbm>>
    %dma_wait3A_637 = tpu.memref_squeeze %dma_wait3A_636 : memref<1x1x4096xf32, #tpu.memory_space<hbm>> -> memref<4096xf32, #tpu.memory_space<hbm>>
    tpu.wait_dma2 semaphore(%arg11 : memref<!tpu.dma_semaphore, #tpu.memory_space<semaphore_mem>>) src(%arg8 : memref<4096xf32, #tpu.memory_space<vmem>>) dst(%dma_wait3A_637 : memref<4096xf32, #tpu.memory_space<hbm>>)
    %parallel_loop3A_638 = arith.constant 0 : i32
    %parallel_loop3A_639 = arith.constant 4096 : i32
    %parallel_loop3A_640 = arith.constant 16 : i32
    scf.for %parallel_loop3A_1447 = %parallel_loop3A_638 to %parallel_loop3A_639 step %parallel_loop3A_640  : i32 {
      %parallel_loop3A_1448 = arith.constant 12288 : i32
      %parallel_loop3A_1449 = arith.addi %parallel_loop3A_1448, %parallel_loop3A_1447 : i32
      %parallel_loop3A_1450 = arith.index_cast %parallel_loop3A_1449 : i32 to index
      %parallel_loop3A_1451 = tpu.vector_load %arg5[%parallel_loop3A_1450] {strides = array<i32>} : memref<16384xi32, #tpu.memory_space<vmem>>, vector<16xi32>,
      %parallel_loop3A_1452 = tpu.vector_load_idx %arg6[%parallel_loop3A_1451] : memref<100000xf32, #tpu.memory_space<vmem>>[vector<16xi32>], vector<16xf32>,
      %parallel_loop3A_1453 = arith.index_cast %parallel_loop3A_1447 : i32 to index
      %parallel_loop3A_1454 = tpu.vector_load %arg8[%parallel_loop3A_1453] {strides = array<i32>} : memref<4096xf32, #tpu.memory_space<vmem>>, vector<16xf32>,
      tpu.vector_store %arg8[%parallel_loop3A_1453], %parallel_loop3A_1452 {strides = array<i32>} : memref<4096xf32, #tpu.memory_space<vmem>>, vector<16xf32>,
    } {sc.loop_unroll_factor = 8 : i64, sc.parallel_access}
    %dma_start3A_641 = arith.constant 12288 : i32
    %dma_start3A_642 = tpu.memref_slice %arg4[%select_n3A_560, %select_n3A_576, %dma_start3A_641] : memref<26x16x16384xf32, #tpu.memory_space<hbm>> -> memref<1x1x4096xf32, #tpu.memory_space<hbm>>
    %dma_start3A_643 = tpu.memref_squeeze %dma_start3A_642 : memref<1x1x4096xf32, #tpu.memory_space<hbm>> -> memref<4096xf32, #tpu.memory_space<hbm>>
    %dma_start3A_644 = arith.constant 12288 : i32
    %dma_start3A_645 = tpu.memref_slice %arg4[%select_n3A_560, %select_n3A_576, %dma_start3A_644] : memref<26x16x16384xf32, #tpu.memory_space<hbm>> -> memref<1x1x4096xf32, #tpu.memory_space<hbm>>
    %dma_start3A_646 = tpu.memref_squeeze %dma_start3A_645 : memref<1x1x4096xf32, #tpu.memory_space<hbm>> -> memref<4096xf32, #tpu.memory_space<hbm>>
    tpu.enqueue_dma source(%arg8 : memref<4096xf32, #tpu.memory_space<vmem>>) target(%dma_start3A_646 : memref<4096xf32, #tpu.memory_space<hbm>>) target_semaphore(%arg11 : memref<!tpu.dma_semaphore, #tpu.memory_space<semaphore_mem>>)
    %add3A_647 = arith.constant 6 : i32
    %add3A_648 = arith.addi %mul3A_2, %add3A_647 : i32
    %jit3A_649 = arith.constant 16 : i32
    %div3A_650 = arith.divsi %add3A_648, %jit3A_649 : i32
    %sign3A_651 = arith.constant 0 : i32
    %sign3A_652 = arith.cmpi sgt, %add3A_648, %sign3A_651 : i32
    %sign3A_653 = arith.extui %sign3A_652 : i1 to i32
    %sign3A_654 = arith.constant 0 : i32
    %sign3A_655 = arith.cmpi slt, %add3A_648, %sign3A_654 : i32
    %sign3A_656 = arith.extui %sign3A_655 : i1 to i32
    %sign3A_657 = arith.subi %sign3A_653, %sign3A_656 : i32
    %sign3A_658 = arith.constant 0 : i32
    %sign3A_659 = arith.cmpi sgt, %jit3A_649, %sign3A_658 : i32
    %sign3A_660 = arith.extui %sign3A_659 : i1 to i32
    %sign3A_661 = arith.constant 0 : i32
    %sign3A_662 = arith.cmpi slt, %jit3A_649, %sign3A_661 : i32
    %sign3A_663 = arith.extui %sign3A_662 : i1 to i32
    %sign3A_664 = arith.subi %sign3A_660, %sign3A_663 : i32
    %ne3A_665 = arith.cmpi ne, %sign3A_657, %sign3A_664 : i32
    %rem3A_666 = arith.remsi %add3A_648, %jit3A_649 : i32
    %ne3A_667 = arith.constant 0 : i32
    %ne3A_668 = arith.cmpi ne, %rem3A_666, %ne3A_667 : i32
    %and3A_669 = arith.andi %ne3A_665, %ne3A_668 : i1
    %sub3A_670 = arith.constant 1 : i32
    %sub3A_671 = arith.subi %div3A_650, %sub3A_670 : i32
    %select_n3A_672 = arith.select %and3A_669, %sub3A_671, %div3A_650 : i32
    %jit3A_673 = arith.constant 16 : i32
    %eq3A_674 = arith.constant 0 : i32
    %eq3A_675 = arith.cmpi eq, %jit3A_673, %eq3A_674 : i32
    %jit3A_676 = arith.constant 1 : i32
    %select_n3A_677 = arith.select %eq3A_675, %jit3A_676, %jit3A_673 : i32
    %rem3A_678 = arith.remsi %add3A_648, %select_n3A_677 : i32
    %ne3A_679 = arith.constant 0 : i32
    %ne3A_680 = arith.cmpi ne, %rem3A_678, %ne3A_679 : i32
    %lt3A_681 = arith.constant 0 : i32
    %lt3A_682 = arith.cmpi slt, %rem3A_678, %lt3A_681 : i32
    %lt3A_683 = arith.constant 0 : i32
    %lt3A_684 = arith.cmpi slt, %select_n3A_677, %lt3A_683 : i32
    %ne3A_685 = arith.xori %lt3A_682, %lt3A_684 : i1
    %and3A_686 = arith.andi %ne3A_685, %ne3A_680 : i1
    %add3A_687 = arith.addi %rem3A_678, %select_n3A_677 : i32
    %select_n3A_688 = arith.select %and3A_686, %add3A_687, %rem3A_678 : i32
    %eq3A_689 = arith.constant 0 : i32
    %eq3A_690 = arith.cmpi eq, %select_n3A_688, %eq3A_689 : i32
    %or3A_691 = arith.constant false
    %or3A_692 = arith.ori %or3A_691, %eq3A_690 : i1
    %convert_element_type3A_693 = arith.extui %or3A_692 : i1 to i32
    %cond3A_694 = arith.constant 0 : i32
    %cond3A_695 = arith.cmpi ne, %convert_element_type3A_693, %cond3A_694 : i32
    scf.if %cond3A_695 {
      %dma_start3A_1447 = arith.constant 0 : i32
      %dma_start3A_1448 = tpu.memref_slice %arg3[%select_n3A_672, %dma_start3A_1447] : memref<26x16384xi32, #tpu.memory_space<hbm>> -> memref<1x16384xi32, #tpu.memory_space<hbm>>
      %dma_start3A_1449 = tpu.memref_squeeze %dma_start3A_1448 : memref<1x16384xi32, #tpu.memory_space<hbm>> -> memref<16384xi32, #tpu.memory_space<hbm>>
      %dma_start3A_1450 = arith.constant 0 : i32
      %dma_start3A_1451 = tpu.memref_slice %arg3[%select_n3A_672, %dma_start3A_1450] : memref<26x16384xi32, #tpu.memory_space<hbm>> -> memref<1x16384xi32, #tpu.memory_space<hbm>>
      %dma_start3A_1452 = tpu.memref_squeeze %dma_start3A_1451 : memref<1x16384xi32, #tpu.memory_space<hbm>> -> memref<16384xi32, #tpu.memory_space<hbm>>
      tpu.enqueue_dma source(%dma_start3A_1452 : memref<16384xi32, #tpu.memory_space<hbm>>) target(%arg5 : memref<16384xi32, #tpu.memory_space<vmem>>) target_semaphore(%arg9 : memref<!tpu.dma_semaphore, #tpu.memory_space<semaphore_mem>>)
    } else {
    }
    "tpu.region"() ({
      %run_scoped3A = tpu.sem_alloc : memref<!tpu.dma_semaphore, #tpu.memory_space<semaphore_mem>>
      %dma_start3A_1447 = arith.constant 0 : i32
      %dma_start3A_1448 = tpu.memref_slice %arg2[%select_n3A_672, %select_n3A_688, %dma_start3A_1447] : memref<26x16x100000xf32, #tpu.memory_space<hbm>> -> memref<1x1x100000xf32, #tpu.memory_space<hbm>>
      %dma_start3A_1449 = tpu.memref_squeeze %dma_start3A_1448 : memref<1x1x100000xf32, #tpu.memory_space<hbm>> -> memref<100000xf32, #tpu.memory_space<hbm>>
      %dma_start3A_1450 = arith.constant 0 : i32
      %dma_start3A_1451 = tpu.memref_slice %arg2[%select_n3A_672, %select_n3A_688, %dma_start3A_1450] : memref<26x16x100000xf32, #tpu.memory_space<hbm>> -> memref<1x1x100000xf32, #tpu.memory_space<hbm>>
      %dma_start3A_1452 = tpu.memref_squeeze %dma_start3A_1451 : memref<1x1x100000xf32, #tpu.memory_space<hbm>> -> memref<100000xf32, #tpu.memory_space<hbm>>
      tpu.enqueue_dma source(%dma_start3A_1452 : memref<100000xf32, #tpu.memory_space<hbm>>) target(%arg6 : memref<100000xf32, #tpu.memory_space<vmem>>) target_semaphore(%run_scoped3A : memref<!tpu.dma_semaphore, #tpu.memory_space<semaphore_mem>>)
      %dma_wait3A_1453 = arith.constant 0 : i32
      %dma_wait3A_1454 = tpu.memref_slice %arg2[%select_n3A_672, %select_n3A_688, %dma_wait3A_1453] : memref<26x16x100000xf32, #tpu.memory_space<hbm>> -> memref<1x1x100000xf32, #tpu.memory_space<hbm>>
      %dma_wait3A_1455 = tpu.memref_squeeze %dma_wait3A_1454 : memref<1x1x100000xf32, #tpu.memory_space<hbm>> -> memref<100000xf32, #tpu.memory_space<hbm>>
      %dma_wait3A_1456 = arith.constant 0 : i32
      %dma_wait3A_1457 = tpu.memref_slice %arg2[%select_n3A_672, %select_n3A_688, %dma_wait3A_1456] : memref<26x16x100000xf32, #tpu.memory_space<hbm>> -> memref<1x1x100000xf32, #tpu.memory_space<hbm>>
      %dma_wait3A_1458 = tpu.memref_squeeze %dma_wait3A_1457 : memref<1x1x100000xf32, #tpu.memory_space<hbm>> -> memref<100000xf32, #tpu.memory_space<hbm>>
      tpu.wait_dma2 semaphore(%run_scoped3A : memref<!tpu.dma_semaphore, #tpu.memory_space<semaphore_mem>>) src(%dma_wait3A_1458 : memref<100000xf32, #tpu.memory_space<hbm>>) dst(%arg6 : memref<100000xf32, #tpu.memory_space<vmem>>)
      tpu.yield
    }) : () -> ()
    %convert_element_type3A_696 = arith.extui %or3A_692 : i1 to i32
    %cond3A_697 = arith.constant 0 : i32
    %cond3A_698 = arith.cmpi ne, %convert_element_type3A_696, %cond3A_697 : i32
    scf.if %cond3A_698 {
      %dma_wait3A_1447 = arith.constant 0 : i32
      %dma_wait3A_1448 = tpu.memref_slice %arg3[%select_n3A_672, %dma_wait3A_1447] : memref<26x16384xi32, #tpu.memory_space<hbm>> -> memref<1x16384xi32, #tpu.memory_space<hbm>>
      %dma_wait3A_1449 = tpu.memref_squeeze %dma_wait3A_1448 : memref<1x16384xi32, #tpu.memory_space<hbm>> -> memref<16384xi32, #tpu.memory_space<hbm>>
      %dma_wait3A_1450 = arith.constant 0 : i32
      %dma_wait3A_1451 = tpu.memref_slice %arg3[%select_n3A_672, %dma_wait3A_1450] : memref<26x16384xi32, #tpu.memory_space<hbm>> -> memref<1x16384xi32, #tpu.memory_space<hbm>>
      %dma_wait3A_1452 = tpu.memref_squeeze %dma_wait3A_1451 : memref<1x16384xi32, #tpu.memory_space<hbm>> -> memref<16384xi32, #tpu.memory_space<hbm>>
      tpu.wait_dma2 semaphore(%arg9 : memref<!tpu.dma_semaphore, #tpu.memory_space<semaphore_mem>>) src(%dma_wait3A_1452 : memref<16384xi32, #tpu.memory_space<hbm>>) dst(%arg5 : memref<16384xi32, #tpu.memory_space<vmem>>)
    } else {
    }
    %dma_wait3A_699 = arith.constant 0 : i32
    %dma_wait3A_700 = tpu.memref_slice %arg4[%select_n3A_672, %select_n3A_688, %dma_wait3A_699] : memref<26x16x16384xf32, #tpu.memory_space<hbm>> -> memref<1x1x4096xf32, #tpu.memory_space<hbm>>
    %dma_wait3A_701 = tpu.memref_squeeze %dma_wait3A_700 : memref<1x1x4096xf32, #tpu.memory_space<hbm>> -> memref<4096xf32, #tpu.memory_space<hbm>>
    %dma_wait3A_702 = arith.constant 0 : i32
    %dma_wait3A_703 = tpu.memref_slice %arg4[%select_n3A_672, %select_n3A_688, %dma_wait3A_702] : memref<26x16x16384xf32, #tpu.memory_space<hbm>> -> memref<1x1x4096xf32, #tpu.memory_space<hbm>>
    %dma_wait3A_704 = tpu.memref_squeeze %dma_wait3A_703 : memref<1x1x4096xf32, #tpu.memory_space<hbm>> -> memref<4096xf32, #tpu.memory_space<hbm>>
    tpu.wait_dma2 semaphore(%arg10 : memref<!tpu.dma_semaphore, #tpu.memory_space<semaphore_mem>>) src(%arg7 : memref<4096xf32, #tpu.memory_space<vmem>>) dst(%dma_wait3A_704 : memref<4096xf32, #tpu.memory_space<hbm>>)
    %parallel_loop3A_705 = arith.constant 0 : i32
    %parallel_loop3A_706 = arith.constant 4096 : i32
    %parallel_loop3A_707 = arith.constant 16 : i32
    scf.for %parallel_loop3A_1447 = %parallel_loop3A_705 to %parallel_loop3A_706 step %parallel_loop3A_707  : i32 {
      %parallel_loop3A_1448 = arith.constant 0 : i32
      %parallel_loop3A_1449 = arith.addi %parallel_loop3A_1448, %parallel_loop3A_1447 : i32
      %parallel_loop3A_1450 = arith.index_cast %parallel_loop3A_1449 : i32 to index
      %parallel_loop3A_1451 = tpu.vector_load %arg5[%parallel_loop3A_1450] {strides = array<i32>} : memref<16384xi32, #tpu.memory_space<vmem>>, vector<16xi32>,
      %parallel_loop3A_1452 = tpu.vector_load_idx %arg6[%parallel_loop3A_1451] : memref<100000xf32, #tpu.memory_space<vmem>>[vector<16xi32>], vector<16xf32>,
      %parallel_loop3A_1453 = arith.index_cast %parallel_loop3A_1447 : i32 to index
      %parallel_loop3A_1454 = tpu.vector_load %arg7[%parallel_loop3A_1453] {strides = array<i32>} : memref<4096xf32, #tpu.memory_space<vmem>>, vector<16xf32>,
      tpu.vector_store %arg7[%parallel_loop3A_1453], %parallel_loop3A_1452 {strides = array<i32>} : memref<4096xf32, #tpu.memory_space<vmem>>, vector<16xf32>,
    } {sc.loop_unroll_factor = 8 : i64, sc.parallel_access}
    %dma_start3A_708 = arith.constant 0 : i32
    %dma_start3A_709 = tpu.memref_slice %arg4[%select_n3A_672, %select_n3A_688, %dma_start3A_708] : memref<26x16x16384xf32, #tpu.memory_space<hbm>> -> memref<1x1x4096xf32, #tpu.memory_space<hbm>>
    %dma_start3A_710 = tpu.memref_squeeze %dma_start3A_709 : memref<1x1x4096xf32, #tpu.memory_space<hbm>> -> memref<4096xf32, #tpu.memory_space<hbm>>
    %dma_start3A_711 = arith.constant 0 : i32
    %dma_start3A_712 = tpu.memref_slice %arg4[%select_n3A_672, %select_n3A_688, %dma_start3A_711] : memref<26x16x16384xf32, #tpu.memory_space<hbm>> -> memref<1x1x4096xf32, #tpu.memory_space<hbm>>
    %dma_start3A_713 = tpu.memref_squeeze %dma_start3A_712 : memref<1x1x4096xf32, #tpu.memory_space<hbm>> -> memref<4096xf32, #tpu.memory_space<hbm>>
    tpu.enqueue_dma source(%arg7 : memref<4096xf32, #tpu.memory_space<vmem>>) target(%dma_start3A_713 : memref<4096xf32, #tpu.memory_space<hbm>>) target_semaphore(%arg10 : memref<!tpu.dma_semaphore, #tpu.memory_space<semaphore_mem>>)
    %dma_wait3A_714 = arith.constant 4096 : i32
    %dma_wait3A_715 = tpu.memref_slice %arg4[%select_n3A_672, %select_n3A_688, %dma_wait3A_714] : memref<26x16x16384xf32, #tpu.memory_space<hbm>> -> memref<1x1x4096xf32, #tpu.memory_space<hbm>>
    %dma_wait3A_716 = tpu.memref_squeeze %dma_wait3A_715 : memref<1x1x4096xf32, #tpu.memory_space<hbm>> -> memref<4096xf32, #tpu.memory_space<hbm>>
    %dma_wait3A_717 = arith.constant 4096 : i32
    %dma_wait3A_718 = tpu.memref_slice %arg4[%select_n3A_672, %select_n3A_688, %dma_wait3A_717] : memref<26x16x16384xf32, #tpu.memory_space<hbm>> -> memref<1x1x4096xf32, #tpu.memory_space<hbm>>
    %dma_wait3A_719 = tpu.memref_squeeze %dma_wait3A_718 : memref<1x1x4096xf32, #tpu.memory_space<hbm>> -> memref<4096xf32, #tpu.memory_space<hbm>>
    tpu.wait_dma2 semaphore(%arg11 : memref<!tpu.dma_semaphore, #tpu.memory_space<semaphore_mem>>) src(%arg8 : memref<4096xf32, #tpu.memory_space<vmem>>) dst(%dma_wait3A_719 : memref<4096xf32, #tpu.memory_space<hbm>>)
    %parallel_loop3A_720 = arith.constant 0 : i32
    %parallel_loop3A_721 = arith.constant 4096 : i32
    %parallel_loop3A_722 = arith.constant 16 : i32
    scf.for %parallel_loop3A_1447 = %parallel_loop3A_720 to %parallel_loop3A_721 step %parallel_loop3A_722  : i32 {
      %parallel_loop3A_1448 = arith.constant 4096 : i32
      %parallel_loop3A_1449 = arith.addi %parallel_loop3A_1448, %parallel_loop3A_1447 : i32
      %parallel_loop3A_1450 = arith.index_cast %parallel_loop3A_1449 : i32 to index
      %parallel_loop3A_1451 = tpu.vector_load %arg5[%parallel_loop3A_1450] {strides = array<i32>} : memref<16384xi32, #tpu.memory_space<vmem>>, vector<16xi32>,
      %parallel_loop3A_1452 = tpu.vector_load_idx %arg6[%parallel_loop3A_1451] : memref<100000xf32, #tpu.memory_space<vmem>>[vector<16xi32>], vector<16xf32>,
      %parallel_loop3A_1453 = arith.index_cast %parallel_loop3A_1447 : i32 to index
      %parallel_loop3A_1454 = tpu.vector_load %arg8[%parallel_loop3A_1453] {strides = array<i32>} : memref<4096xf32, #tpu.memory_space<vmem>>, vector<16xf32>,
      tpu.vector_store %arg8[%parallel_loop3A_1453], %parallel_loop3A_1452 {strides = array<i32>} : memref<4096xf32, #tpu.memory_space<vmem>>, vector<16xf32>,
    } {sc.loop_unroll_factor = 8 : i64, sc.parallel_access}
    %dma_start3A_723 = arith.constant 4096 : i32
    %dma_start3A_724 = tpu.memref_slice %arg4[%select_n3A_672, %select_n3A_688, %dma_start3A_723] : memref<26x16x16384xf32, #tpu.memory_space<hbm>> -> memref<1x1x4096xf32, #tpu.memory_space<hbm>>
    %dma_start3A_725 = tpu.memref_squeeze %dma_start3A_724 : memref<1x1x4096xf32, #tpu.memory_space<hbm>> -> memref<4096xf32, #tpu.memory_space<hbm>>
    %dma_start3A_726 = arith.constant 4096 : i32
    %dma_start3A_727 = tpu.memref_slice %arg4[%select_n3A_672, %select_n3A_688, %dma_start3A_726] : memref<26x16x16384xf32, #tpu.memory_space<hbm>> -> memref<1x1x4096xf32, #tpu.memory_space<hbm>>
    %dma_start3A_728 = tpu.memref_squeeze %dma_start3A_727 : memref<1x1x4096xf32, #tpu.memory_space<hbm>> -> memref<4096xf32, #tpu.memory_space<hbm>>
    tpu.enqueue_dma source(%arg8 : memref<4096xf32, #tpu.memory_space<vmem>>) target(%dma_start3A_728 : memref<4096xf32, #tpu.memory_space<hbm>>) target_semaphore(%arg11 : memref<!tpu.dma_semaphore, #tpu.memory_space<semaphore_mem>>)
    %dma_wait3A_729 = arith.constant 8192 : i32
    %dma_wait3A_730 = tpu.memref_slice %arg4[%select_n3A_672, %select_n3A_688, %dma_wait3A_729] : memref<26x16x16384xf32, #tpu.memory_space<hbm>> -> memref<1x1x4096xf32, #tpu.memory_space<hbm>>
    %dma_wait3A_731 = tpu.memref_squeeze %dma_wait3A_730 : memref<1x1x4096xf32, #tpu.memory_space<hbm>> -> memref<4096xf32, #tpu.memory_space<hbm>>
    %dma_wait3A_732 = arith.constant 8192 : i32
    %dma_wait3A_733 = tpu.memref_slice %arg4[%select_n3A_672, %select_n3A_688, %dma_wait3A_732] : memref<26x16x16384xf32, #tpu.memory_space<hbm>> -> memref<1x1x4096xf32, #tpu.memory_space<hbm>>
    %dma_wait3A_734 = tpu.memref_squeeze %dma_wait3A_733 : memref<1x1x4096xf32, #tpu.memory_space<hbm>> -> memref<4096xf32, #tpu.memory_space<hbm>>
    tpu.wait_dma2 semaphore(%arg10 : memref<!tpu.dma_semaphore, #tpu.memory_space<semaphore_mem>>) src(%arg7 : memref<4096xf32, #tpu.memory_space<vmem>>) dst(%dma_wait3A_734 : memref<4096xf32, #tpu.memory_space<hbm>>)
    %parallel_loop3A_735 = arith.constant 0 : i32
    %parallel_loop3A_736 = arith.constant 4096 : i32
    %parallel_loop3A_737 = arith.constant 16 : i32
    scf.for %parallel_loop3A_1447 = %parallel_loop3A_735 to %parallel_loop3A_736 step %parallel_loop3A_737  : i32 {
      %parallel_loop3A_1448 = arith.constant 8192 : i32
      %parallel_loop3A_1449 = arith.addi %parallel_loop3A_1448, %parallel_loop3A_1447 : i32
      %parallel_loop3A_1450 = arith.index_cast %parallel_loop3A_1449 : i32 to index
      %parallel_loop3A_1451 = tpu.vector_load %arg5[%parallel_loop3A_1450] {strides = array<i32>} : memref<16384xi32, #tpu.memory_space<vmem>>, vector<16xi32>,
      %parallel_loop3A_1452 = tpu.vector_load_idx %arg6[%parallel_loop3A_1451] : memref<100000xf32, #tpu.memory_space<vmem>>[vector<16xi32>], vector<16xf32>,
      %parallel_loop3A_1453 = arith.index_cast %parallel_loop3A_1447 : i32 to index
      %parallel_loop3A_1454 = tpu.vector_load %arg7[%parallel_loop3A_1453] {strides = array<i32>} : memref<4096xf32, #tpu.memory_space<vmem>>, vector<16xf32>,
      tpu.vector_store %arg7[%parallel_loop3A_1453], %parallel_loop3A_1452 {strides = array<i32>} : memref<4096xf32, #tpu.memory_space<vmem>>, vector<16xf32>,
    } {sc.loop_unroll_factor = 8 : i64, sc.parallel_access}
    %dma_start3A_738 = arith.constant 8192 : i32
    %dma_start3A_739 = tpu.memref_slice %arg4[%select_n3A_672, %select_n3A_688, %dma_start3A_738] : memref<26x16x16384xf32, #tpu.memory_space<hbm>> -> memref<1x1x4096xf32, #tpu.memory_space<hbm>>
    %dma_start3A_740 = tpu.memref_squeeze %dma_start3A_739 : memref<1x1x4096xf32, #tpu.memory_space<hbm>> -> memref<4096xf32, #tpu.memory_space<hbm>>
    %dma_start3A_741 = arith.constant 8192 : i32
    %dma_start3A_742 = tpu.memref_slice %arg4[%select_n3A_672, %select_n3A_688, %dma_start3A_741] : memref<26x16x16384xf32, #tpu.memory_space<hbm>> -> memref<1x1x4096xf32, #tpu.memory_space<hbm>>
    %dma_start3A_743 = tpu.memref_squeeze %dma_start3A_742 : memref<1x1x4096xf32, #tpu.memory_space<hbm>> -> memref<4096xf32, #tpu.memory_space<hbm>>
    tpu.enqueue_dma source(%arg7 : memref<4096xf32, #tpu.memory_space<vmem>>) target(%dma_start3A_743 : memref<4096xf32, #tpu.memory_space<hbm>>) target_semaphore(%arg10 : memref<!tpu.dma_semaphore, #tpu.memory_space<semaphore_mem>>)
    %dma_wait3A_744 = arith.constant 12288 : i32
    %dma_wait3A_745 = tpu.memref_slice %arg4[%select_n3A_672, %select_n3A_688, %dma_wait3A_744] : memref<26x16x16384xf32, #tpu.memory_space<hbm>> -> memref<1x1x4096xf32, #tpu.memory_space<hbm>>
    %dma_wait3A_746 = tpu.memref_squeeze %dma_wait3A_745 : memref<1x1x4096xf32, #tpu.memory_space<hbm>> -> memref<4096xf32, #tpu.memory_space<hbm>>
    %dma_wait3A_747 = arith.constant 12288 : i32
    %dma_wait3A_748 = tpu.memref_slice %arg4[%select_n3A_672, %select_n3A_688, %dma_wait3A_747] : memref<26x16x16384xf32, #tpu.memory_space<hbm>> -> memref<1x1x4096xf32, #tpu.memory_space<hbm>>
    %dma_wait3A_749 = tpu.memref_squeeze %dma_wait3A_748 : memref<1x1x4096xf32, #tpu.memory_space<hbm>> -> memref<4096xf32, #tpu.memory_space<hbm>>
    tpu.wait_dma2 semaphore(%arg11 : memref<!tpu.dma_semaphore, #tpu.memory_space<semaphore_mem>>) src(%arg8 : memref<4096xf32, #tpu.memory_space<vmem>>) dst(%dma_wait3A_749 : memref<4096xf32, #tpu.memory_space<hbm>>)
    %parallel_loop3A_750 = arith.constant 0 : i32
    %parallel_loop3A_751 = arith.constant 4096 : i32
    %parallel_loop3A_752 = arith.constant 16 : i32
    scf.for %parallel_loop3A_1447 = %parallel_loop3A_750 to %parallel_loop3A_751 step %parallel_loop3A_752  : i32 {
      %parallel_loop3A_1448 = arith.constant 12288 : i32
      %parallel_loop3A_1449 = arith.addi %parallel_loop3A_1448, %parallel_loop3A_1447 : i32
      %parallel_loop3A_1450 = arith.index_cast %parallel_loop3A_1449 : i32 to index
      %parallel_loop3A_1451 = tpu.vector_load %arg5[%parallel_loop3A_1450] {strides = array<i32>} : memref<16384xi32, #tpu.memory_space<vmem>>, vector<16xi32>,
      %parallel_loop3A_1452 = tpu.vector_load_idx %arg6[%parallel_loop3A_1451] : memref<100000xf32, #tpu.memory_space<vmem>>[vector<16xi32>], vector<16xf32>,
      %parallel_loop3A_1453 = arith.index_cast %parallel_loop3A_1447 : i32 to index
      %parallel_loop3A_1454 = tpu.vector_load %arg8[%parallel_loop3A_1453] {strides = array<i32>} : memref<4096xf32, #tpu.memory_space<vmem>>, vector<16xf32>,
      tpu.vector_store %arg8[%parallel_loop3A_1453], %parallel_loop3A_1452 {strides = array<i32>} : memref<4096xf32, #tpu.memory_space<vmem>>, vector<16xf32>,
    } {sc.loop_unroll_factor = 8 : i64, sc.parallel_access}
    %dma_start3A_753 = arith.constant 12288 : i32
    %dma_start3A_754 = tpu.memref_slice %arg4[%select_n3A_672, %select_n3A_688, %dma_start3A_753] : memref<26x16x16384xf32, #tpu.memory_space<hbm>> -> memref<1x1x4096xf32, #tpu.memory_space<hbm>>
    %dma_start3A_755 = tpu.memref_squeeze %dma_start3A_754 : memref<1x1x4096xf32, #tpu.memory_space<hbm>> -> memref<4096xf32, #tpu.memory_space<hbm>>
    %dma_start3A_756 = arith.constant 12288 : i32
    %dma_start3A_757 = tpu.memref_slice %arg4[%select_n3A_672, %select_n3A_688, %dma_start3A_756] : memref<26x16x16384xf32, #tpu.memory_space<hbm>> -> memref<1x1x4096xf32, #tpu.memory_space<hbm>>
    %dma_start3A_758 = tpu.memref_squeeze %dma_start3A_757 : memref<1x1x4096xf32, #tpu.memory_space<hbm>> -> memref<4096xf32, #tpu.memory_space<hbm>>
    tpu.enqueue_dma source(%arg8 : memref<4096xf32, #tpu.memory_space<vmem>>) target(%dma_start3A_758 : memref<4096xf32, #tpu.memory_space<hbm>>) target_semaphore(%arg11 : memref<!tpu.dma_semaphore, #tpu.memory_space<semaphore_mem>>)
    %add3A_759 = arith.constant 7 : i32
    %add3A_760 = arith.addi %mul3A_2, %add3A_759 : i32
    %jit3A_761 = arith.constant 16 : i32
    %div3A_762 = arith.divsi %add3A_760, %jit3A_761 : i32
    %sign3A_763 = arith.constant 0 : i32
    %sign3A_764 = arith.cmpi sgt, %add3A_760, %sign3A_763 : i32
    %sign3A_765 = arith.extui %sign3A_764 : i1 to i32
    %sign3A_766 = arith.constant 0 : i32
    %sign3A_767 = arith.cmpi slt, %add3A_760, %sign3A_766 : i32
    %sign3A_768 = arith.extui %sign3A_767 : i1 to i32
    %sign3A_769 = arith.subi %sign3A_765, %sign3A_768 : i32
    %sign3A_770 = arith.constant 0 : i32
    %sign3A_771 = arith.cmpi sgt, %jit3A_761, %sign3A_770 : i32
    %sign3A_772 = arith.extui %sign3A_771 : i1 to i32
    %sign3A_773 = arith.constant 0 : i32
    %sign3A_774 = arith.cmpi slt, %jit3A_761, %sign3A_773 : i32
    %sign3A_775 = arith.extui %sign3A_774 : i1 to i32
    %sign3A_776 = arith.subi %sign3A_772, %sign3A_775 : i32
    %ne3A_777 = arith.cmpi ne, %sign3A_769, %sign3A_776 : i32
    %rem3A_778 = arith.remsi %add3A_760, %jit3A_761 : i32
    %ne3A_779 = arith.constant 0 : i32
    %ne3A_780 = arith.cmpi ne, %rem3A_778, %ne3A_779 : i32
    %and3A_781 = arith.andi %ne3A_777, %ne3A_780 : i1
    %sub3A_782 = arith.constant 1 : i32
    %sub3A_783 = arith.subi %div3A_762, %sub3A_782 : i32
    %select_n3A_784 = arith.select %and3A_781, %sub3A_783, %div3A_762 : i32
    %jit3A_785 = arith.constant 16 : i32
    %eq3A_786 = arith.constant 0 : i32
    %eq3A_787 = arith.cmpi eq, %jit3A_785, %eq3A_786 : i32
    %jit3A_788 = arith.constant 1 : i32
    %select_n3A_789 = arith.select %eq3A_787, %jit3A_788, %jit3A_785 : i32
    %rem3A_790 = arith.remsi %add3A_760, %select_n3A_789 : i32
    %ne3A_791 = arith.constant 0 : i32
    %ne3A_792 = arith.cmpi ne, %rem3A_790, %ne3A_791 : i32
    %lt3A_793 = arith.constant 0 : i32
    %lt3A_794 = arith.cmpi slt, %rem3A_790, %lt3A_793 : i32
    %lt3A_795 = arith.constant 0 : i32
    %lt3A_796 = arith.cmpi slt, %select_n3A_789, %lt3A_795 : i32
    %ne3A_797 = arith.xori %lt3A_794, %lt3A_796 : i1
    %and3A_798 = arith.andi %ne3A_797, %ne3A_792 : i1
    %add3A_799 = arith.addi %rem3A_790, %select_n3A_789 : i32
    %select_n3A_800 = arith.select %and3A_798, %add3A_799, %rem3A_790 : i32
    %eq3A_801 = arith.constant 0 : i32
    %eq3A_802 = arith.cmpi eq, %select_n3A_800, %eq3A_801 : i32
    %or3A_803 = arith.constant false
    %or3A_804 = arith.ori %or3A_803, %eq3A_802 : i1
    %convert_element_type3A_805 = arith.extui %or3A_804 : i1 to i32
    %cond3A_806 = arith.constant 0 : i32
    %cond3A_807 = arith.cmpi ne, %convert_element_type3A_805, %cond3A_806 : i32
    scf.if %cond3A_807 {
      %dma_start3A_1447 = arith.constant 0 : i32
      %dma_start3A_1448 = tpu.memref_slice %arg3[%select_n3A_784, %dma_start3A_1447] : memref<26x16384xi32, #tpu.memory_space<hbm>> -> memref<1x16384xi32, #tpu.memory_space<hbm>>
      %dma_start3A_1449 = tpu.memref_squeeze %dma_start3A_1448 : memref<1x16384xi32, #tpu.memory_space<hbm>> -> memref<16384xi32, #tpu.memory_space<hbm>>
      %dma_start3A_1450 = arith.constant 0 : i32
      %dma_start3A_1451 = tpu.memref_slice %arg3[%select_n3A_784, %dma_start3A_1450] : memref<26x16384xi32, #tpu.memory_space<hbm>> -> memref<1x16384xi32, #tpu.memory_space<hbm>>
      %dma_start3A_1452 = tpu.memref_squeeze %dma_start3A_1451 : memref<1x16384xi32, #tpu.memory_space<hbm>> -> memref<16384xi32, #tpu.memory_space<hbm>>
      tpu.enqueue_dma source(%dma_start3A_1452 : memref<16384xi32, #tpu.memory_space<hbm>>) target(%arg5 : memref<16384xi32, #tpu.memory_space<vmem>>) target_semaphore(%arg9 : memref<!tpu.dma_semaphore, #tpu.memory_space<semaphore_mem>>)
    } else {
    }
    "tpu.region"() ({
      %run_scoped3A = tpu.sem_alloc : memref<!tpu.dma_semaphore, #tpu.memory_space<semaphore_mem>>
      %dma_start3A_1447 = arith.constant 0 : i32
      %dma_start3A_1448 = tpu.memref_slice %arg2[%select_n3A_784, %select_n3A_800, %dma_start3A_1447] : memref<26x16x100000xf32, #tpu.memory_space<hbm>> -> memref<1x1x100000xf32, #tpu.memory_space<hbm>>
      %dma_start3A_1449 = tpu.memref_squeeze %dma_start3A_1448 : memref<1x1x100000xf32, #tpu.memory_space<hbm>> -> memref<100000xf32, #tpu.memory_space<hbm>>
      %dma_start3A_1450 = arith.constant 0 : i32
      %dma_start3A_1451 = tpu.memref_slice %arg2[%select_n3A_784, %select_n3A_800, %dma_start3A_1450] : memref<26x16x100000xf32, #tpu.memory_space<hbm>> -> memref<1x1x100000xf32, #tpu.memory_space<hbm>>
      %dma_start3A_1452 = tpu.memref_squeeze %dma_start3A_1451 : memref<1x1x100000xf32, #tpu.memory_space<hbm>> -> memref<100000xf32, #tpu.memory_space<hbm>>
      tpu.enqueue_dma source(%dma_start3A_1452 : memref<100000xf32, #tpu.memory_space<hbm>>) target(%arg6 : memref<100000xf32, #tpu.memory_space<vmem>>) target_semaphore(%run_scoped3A : memref<!tpu.dma_semaphore, #tpu.memory_space<semaphore_mem>>)
      %dma_wait3A_1453 = arith.constant 0 : i32
      %dma_wait3A_1454 = tpu.memref_slice %arg2[%select_n3A_784, %select_n3A_800, %dma_wait3A_1453] : memref<26x16x100000xf32, #tpu.memory_space<hbm>> -> memref<1x1x100000xf32, #tpu.memory_space<hbm>>
      %dma_wait3A_1455 = tpu.memref_squeeze %dma_wait3A_1454 : memref<1x1x100000xf32, #tpu.memory_space<hbm>> -> memref<100000xf32, #tpu.memory_space<hbm>>
      %dma_wait3A_1456 = arith.constant 0 : i32
      %dma_wait3A_1457 = tpu.memref_slice %arg2[%select_n3A_784, %select_n3A_800, %dma_wait3A_1456] : memref<26x16x100000xf32, #tpu.memory_space<hbm>> -> memref<1x1x100000xf32, #tpu.memory_space<hbm>>
      %dma_wait3A_1458 = tpu.memref_squeeze %dma_wait3A_1457 : memref<1x1x100000xf32, #tpu.memory_space<hbm>> -> memref<100000xf32, #tpu.memory_space<hbm>>
      tpu.wait_dma2 semaphore(%run_scoped3A : memref<!tpu.dma_semaphore, #tpu.memory_space<semaphore_mem>>) src(%dma_wait3A_1458 : memref<100000xf32, #tpu.memory_space<hbm>>) dst(%arg6 : memref<100000xf32, #tpu.memory_space<vmem>>)
      tpu.yield
    }) : () -> ()
    %convert_element_type3A_808 = arith.extui %or3A_804 : i1 to i32
    %cond3A_809 = arith.constant 0 : i32
    %cond3A_810 = arith.cmpi ne, %convert_element_type3A_808, %cond3A_809 : i32
    scf.if %cond3A_810 {
      %dma_wait3A_1447 = arith.constant 0 : i32
      %dma_wait3A_1448 = tpu.memref_slice %arg3[%select_n3A_784, %dma_wait3A_1447] : memref<26x16384xi32, #tpu.memory_space<hbm>> -> memref<1x16384xi32, #tpu.memory_space<hbm>>
      %dma_wait3A_1449 = tpu.memref_squeeze %dma_wait3A_1448 : memref<1x16384xi32, #tpu.memory_space<hbm>> -> memref<16384xi32, #tpu.memory_space<hbm>>
      %dma_wait3A_1450 = arith.constant 0 : i32
      %dma_wait3A_1451 = tpu.memref_slice %arg3[%select_n3A_784, %dma_wait3A_1450] : memref<26x16384xi32, #tpu.memory_space<hbm>> -> memref<1x16384xi32, #tpu.memory_space<hbm>>
      %dma_wait3A_1452 = tpu.memref_squeeze %dma_wait3A_1451 : memref<1x16384xi32, #tpu.memory_space<hbm>> -> memref<16384xi32, #tpu.memory_space<hbm>>
      tpu.wait_dma2 semaphore(%arg9 : memref<!tpu.dma_semaphore, #tpu.memory_space<semaphore_mem>>) src(%dma_wait3A_1452 : memref<16384xi32, #tpu.memory_space<hbm>>) dst(%arg5 : memref<16384xi32, #tpu.memory_space<vmem>>)
    } else {
    }
    %dma_wait3A_811 = arith.constant 0 : i32
    %dma_wait3A_812 = tpu.memref_slice %arg4[%select_n3A_784, %select_n3A_800, %dma_wait3A_811] : memref<26x16x16384xf32, #tpu.memory_space<hbm>> -> memref<1x1x4096xf32, #tpu.memory_space<hbm>>
    %dma_wait3A_813 = tpu.memref_squeeze %dma_wait3A_812 : memref<1x1x4096xf32, #tpu.memory_space<hbm>> -> memref<4096xf32, #tpu.memory_space<hbm>>
    %dma_wait3A_814 = arith.constant 0 : i32
    %dma_wait3A_815 = tpu.memref_slice %arg4[%select_n3A_784, %select_n3A_800, %dma_wait3A_814] : memref<26x16x16384xf32, #tpu.memory_space<hbm>> -> memref<1x1x4096xf32, #tpu.memory_space<hbm>>
    %dma_wait3A_816 = tpu.memref_squeeze %dma_wait3A_815 : memref<1x1x4096xf32, #tpu.memory_space<hbm>> -> memref<4096xf32, #tpu.memory_space<hbm>>
    tpu.wait_dma2 semaphore(%arg10 : memref<!tpu.dma_semaphore, #tpu.memory_space<semaphore_mem>>) src(%arg7 : memref<4096xf32, #tpu.memory_space<vmem>>) dst(%dma_wait3A_816 : memref<4096xf32, #tpu.memory_space<hbm>>)
    %parallel_loop3A_817 = arith.constant 0 : i32
    %parallel_loop3A_818 = arith.constant 4096 : i32
    %parallel_loop3A_819 = arith.constant 16 : i32
    scf.for %parallel_loop3A_1447 = %parallel_loop3A_817 to %parallel_loop3A_818 step %parallel_loop3A_819  : i32 {
      %parallel_loop3A_1448 = arith.constant 0 : i32
      %parallel_loop3A_1449 = arith.addi %parallel_loop3A_1448, %parallel_loop3A_1447 : i32
      %parallel_loop3A_1450 = arith.index_cast %parallel_loop3A_1449 : i32 to index
      %parallel_loop3A_1451 = tpu.vector_load %arg5[%parallel_loop3A_1450] {strides = array<i32>} : memref<16384xi32, #tpu.memory_space<vmem>>, vector<16xi32>,
      %parallel_loop3A_1452 = tpu.vector_load_idx %arg6[%parallel_loop3A_1451] : memref<100000xf32, #tpu.memory_space<vmem>>[vector<16xi32>], vector<16xf32>,
      %parallel_loop3A_1453 = arith.index_cast %parallel_loop3A_1447 : i32 to index
      %parallel_loop3A_1454 = tpu.vector_load %arg7[%parallel_loop3A_1453] {strides = array<i32>} : memref<4096xf32, #tpu.memory_space<vmem>>, vector<16xf32>,
      tpu.vector_store %arg7[%parallel_loop3A_1453], %parallel_loop3A_1452 {strides = array<i32>} : memref<4096xf32, #tpu.memory_space<vmem>>, vector<16xf32>,
    } {sc.loop_unroll_factor = 8 : i64, sc.parallel_access}
    %dma_start3A_820 = arith.constant 0 : i32
    %dma_start3A_821 = tpu.memref_slice %arg4[%select_n3A_784, %select_n3A_800, %dma_start3A_820] : memref<26x16x16384xf32, #tpu.memory_space<hbm>> -> memref<1x1x4096xf32, #tpu.memory_space<hbm>>
    %dma_start3A_822 = tpu.memref_squeeze %dma_start3A_821 : memref<1x1x4096xf32, #tpu.memory_space<hbm>> -> memref<4096xf32, #tpu.memory_space<hbm>>
    %dma_start3A_823 = arith.constant 0 : i32
    %dma_start3A_824 = tpu.memref_slice %arg4[%select_n3A_784, %select_n3A_800, %dma_start3A_823] : memref<26x16x16384xf32, #tpu.memory_space<hbm>> -> memref<1x1x4096xf32, #tpu.memory_space<hbm>>
    %dma_start3A_825 = tpu.memref_squeeze %dma_start3A_824 : memref<1x1x4096xf32, #tpu.memory_space<hbm>> -> memref<4096xf32, #tpu.memory_space<hbm>>
    tpu.enqueue_dma source(%arg7 : memref<4096xf32, #tpu.memory_space<vmem>>) target(%dma_start3A_825 : memref<4096xf32, #tpu.memory_space<hbm>>) target_semaphore(%arg10 : memref<!tpu.dma_semaphore, #tpu.memory_space<semaphore_mem>>)
    %dma_wait3A_826 = arith.constant 4096 : i32
    %dma_wait3A_827 = tpu.memref_slice %arg4[%select_n3A_784, %select_n3A_800, %dma_wait3A_826] : memref<26x16x16384xf32, #tpu.memory_space<hbm>> -> memref<1x1x4096xf32, #tpu.memory_space<hbm>>
    %dma_wait3A_828 = tpu.memref_squeeze %dma_wait3A_827 : memref<1x1x4096xf32, #tpu.memory_space<hbm>> -> memref<4096xf32, #tpu.memory_space<hbm>>
    %dma_wait3A_829 = arith.constant 4096 : i32
    %dma_wait3A_830 = tpu.memref_slice %arg4[%select_n3A_784, %select_n3A_800, %dma_wait3A_829] : memref<26x16x16384xf32, #tpu.memory_space<hbm>> -> memref<1x1x4096xf32, #tpu.memory_space<hbm>>
    %dma_wait3A_831 = tpu.memref_squeeze %dma_wait3A_830 : memref<1x1x4096xf32, #tpu.memory_space<hbm>> -> memref<4096xf32, #tpu.memory_space<hbm>>
    tpu.wait_dma2 semaphore(%arg11 : memref<!tpu.dma_semaphore, #tpu.memory_space<semaphore_mem>>) src(%arg8 : memref<4096xf32, #tpu.memory_space<vmem>>) dst(%dma_wait3A_831 : memref<4096xf32, #tpu.memory_space<hbm>>)
    %parallel_loop3A_832 = arith.constant 0 : i32
    %parallel_loop3A_833 = arith.constant 4096 : i32
    %parallel_loop3A_834 = arith.constant 16 : i32
    scf.for %parallel_loop3A_1447 = %parallel_loop3A_832 to %parallel_loop3A_833 step %parallel_loop3A_834  : i32 {
      %parallel_loop3A_1448 = arith.constant 4096 : i32
      %parallel_loop3A_1449 = arith.addi %parallel_loop3A_1448, %parallel_loop3A_1447 : i32
      %parallel_loop3A_1450 = arith.index_cast %parallel_loop3A_1449 : i32 to index
      %parallel_loop3A_1451 = tpu.vector_load %arg5[%parallel_loop3A_1450] {strides = array<i32>} : memref<16384xi32, #tpu.memory_space<vmem>>, vector<16xi32>,
      %parallel_loop3A_1452 = tpu.vector_load_idx %arg6[%parallel_loop3A_1451] : memref<100000xf32, #tpu.memory_space<vmem>>[vector<16xi32>], vector<16xf32>,
      %parallel_loop3A_1453 = arith.index_cast %parallel_loop3A_1447 : i32 to index
      %parallel_loop3A_1454 = tpu.vector_load %arg8[%parallel_loop3A_1453] {strides = array<i32>} : memref<4096xf32, #tpu.memory_space<vmem>>, vector<16xf32>,
      tpu.vector_store %arg8[%parallel_loop3A_1453], %parallel_loop3A_1452 {strides = array<i32>} : memref<4096xf32, #tpu.memory_space<vmem>>, vector<16xf32>,
    } {sc.loop_unroll_factor = 8 : i64, sc.parallel_access}
    %dma_start3A_835 = arith.constant 4096 : i32
    %dma_start3A_836 = tpu.memref_slice %arg4[%select_n3A_784, %select_n3A_800, %dma_start3A_835] : memref<26x16x16384xf32, #tpu.memory_space<hbm>> -> memref<1x1x4096xf32, #tpu.memory_space<hbm>>
    %dma_start3A_837 = tpu.memref_squeeze %dma_start3A_836 : memref<1x1x4096xf32, #tpu.memory_space<hbm>> -> memref<4096xf32, #tpu.memory_space<hbm>>
    %dma_start3A_838 = arith.constant 4096 : i32
    %dma_start3A_839 = tpu.memref_slice %arg4[%select_n3A_784, %select_n3A_800, %dma_start3A_838] : memref<26x16x16384xf32, #tpu.memory_space<hbm>> -> memref<1x1x4096xf32, #tpu.memory_space<hbm>>
    %dma_start3A_840 = tpu.memref_squeeze %dma_start3A_839 : memref<1x1x4096xf32, #tpu.memory_space<hbm>> -> memref<4096xf32, #tpu.memory_space<hbm>>
    tpu.enqueue_dma source(%arg8 : memref<4096xf32, #tpu.memory_space<vmem>>) target(%dma_start3A_840 : memref<4096xf32, #tpu.memory_space<hbm>>) target_semaphore(%arg11 : memref<!tpu.dma_semaphore, #tpu.memory_space<semaphore_mem>>)
    %dma_wait3A_841 = arith.constant 8192 : i32
    %dma_wait3A_842 = tpu.memref_slice %arg4[%select_n3A_784, %select_n3A_800, %dma_wait3A_841] : memref<26x16x16384xf32, #tpu.memory_space<hbm>> -> memref<1x1x4096xf32, #tpu.memory_space<hbm>>
    %dma_wait3A_843 = tpu.memref_squeeze %dma_wait3A_842 : memref<1x1x4096xf32, #tpu.memory_space<hbm>> -> memref<4096xf32, #tpu.memory_space<hbm>>
    %dma_wait3A_844 = arith.constant 8192 : i32
    %dma_wait3A_845 = tpu.memref_slice %arg4[%select_n3A_784, %select_n3A_800, %dma_wait3A_844] : memref<26x16x16384xf32, #tpu.memory_space<hbm>> -> memref<1x1x4096xf32, #tpu.memory_space<hbm>>
    %dma_wait3A_846 = tpu.memref_squeeze %dma_wait3A_845 : memref<1x1x4096xf32, #tpu.memory_space<hbm>> -> memref<4096xf32, #tpu.memory_space<hbm>>
    tpu.wait_dma2 semaphore(%arg10 : memref<!tpu.dma_semaphore, #tpu.memory_space<semaphore_mem>>) src(%arg7 : memref<4096xf32, #tpu.memory_space<vmem>>) dst(%dma_wait3A_846 : memref<4096xf32, #tpu.memory_space<hbm>>)
    %parallel_loop3A_847 = arith.constant 0 : i32
    %parallel_loop3A_848 = arith.constant 4096 : i32
    %parallel_loop3A_849 = arith.constant 16 : i32
    scf.for %parallel_loop3A_1447 = %parallel_loop3A_847 to %parallel_loop3A_848 step %parallel_loop3A_849  : i32 {
      %parallel_loop3A_1448 = arith.constant 8192 : i32
      %parallel_loop3A_1449 = arith.addi %parallel_loop3A_1448, %parallel_loop3A_1447 : i32
      %parallel_loop3A_1450 = arith.index_cast %parallel_loop3A_1449 : i32 to index
      %parallel_loop3A_1451 = tpu.vector_load %arg5[%parallel_loop3A_1450] {strides = array<i32>} : memref<16384xi32, #tpu.memory_space<vmem>>, vector<16xi32>,
      %parallel_loop3A_1452 = tpu.vector_load_idx %arg6[%parallel_loop3A_1451] : memref<100000xf32, #tpu.memory_space<vmem>>[vector<16xi32>], vector<16xf32>,
      %parallel_loop3A_1453 = arith.index_cast %parallel_loop3A_1447 : i32 to index
      %parallel_loop3A_1454 = tpu.vector_load %arg7[%parallel_loop3A_1453] {strides = array<i32>} : memref<4096xf32, #tpu.memory_space<vmem>>, vector<16xf32>,
      tpu.vector_store %arg7[%parallel_loop3A_1453], %parallel_loop3A_1452 {strides = array<i32>} : memref<4096xf32, #tpu.memory_space<vmem>>, vector<16xf32>,
    } {sc.loop_unroll_factor = 8 : i64, sc.parallel_access}
    %dma_start3A_850 = arith.constant 8192 : i32
    %dma_start3A_851 = tpu.memref_slice %arg4[%select_n3A_784, %select_n3A_800, %dma_start3A_850] : memref<26x16x16384xf32, #tpu.memory_space<hbm>> -> memref<1x1x4096xf32, #tpu.memory_space<hbm>>
    %dma_start3A_852 = tpu.memref_squeeze %dma_start3A_851 : memref<1x1x4096xf32, #tpu.memory_space<hbm>> -> memref<4096xf32, #tpu.memory_space<hbm>>
    %dma_start3A_853 = arith.constant 8192 : i32
    %dma_start3A_854 = tpu.memref_slice %arg4[%select_n3A_784, %select_n3A_800, %dma_start3A_853] : memref<26x16x16384xf32, #tpu.memory_space<hbm>> -> memref<1x1x4096xf32, #tpu.memory_space<hbm>>
    %dma_start3A_855 = tpu.memref_squeeze %dma_start3A_854 : memref<1x1x4096xf32, #tpu.memory_space<hbm>> -> memref<4096xf32, #tpu.memory_space<hbm>>
    tpu.enqueue_dma source(%arg7 : memref<4096xf32, #tpu.memory_space<vmem>>) target(%dma_start3A_855 : memref<4096xf32, #tpu.memory_space<hbm>>) target_semaphore(%arg10 : memref<!tpu.dma_semaphore, #tpu.memory_space<semaphore_mem>>)
    %dma_wait3A_856 = arith.constant 12288 : i32
    %dma_wait3A_857 = tpu.memref_slice %arg4[%select_n3A_784, %select_n3A_800, %dma_wait3A_856] : memref<26x16x16384xf32, #tpu.memory_space<hbm>> -> memref<1x1x4096xf32, #tpu.memory_space<hbm>>
    %dma_wait3A_858 = tpu.memref_squeeze %dma_wait3A_857 : memref<1x1x4096xf32, #tpu.memory_space<hbm>> -> memref<4096xf32, #tpu.memory_space<hbm>>
    %dma_wait3A_859 = arith.constant 12288 : i32
    %dma_wait3A_860 = tpu.memref_slice %arg4[%select_n3A_784, %select_n3A_800, %dma_wait3A_859] : memref<26x16x16384xf32, #tpu.memory_space<hbm>> -> memref<1x1x4096xf32, #tpu.memory_space<hbm>>
    %dma_wait3A_861 = tpu.memref_squeeze %dma_wait3A_860 : memref<1x1x4096xf32, #tpu.memory_space<hbm>> -> memref<4096xf32, #tpu.memory_space<hbm>>
    tpu.wait_dma2 semaphore(%arg11 : memref<!tpu.dma_semaphore, #tpu.memory_space<semaphore_mem>>) src(%arg8 : memref<4096xf32, #tpu.memory_space<vmem>>) dst(%dma_wait3A_861 : memref<4096xf32, #tpu.memory_space<hbm>>)
    %parallel_loop3A_862 = arith.constant 0 : i32
    %parallel_loop3A_863 = arith.constant 4096 : i32
    %parallel_loop3A_864 = arith.constant 16 : i32
    scf.for %parallel_loop3A_1447 = %parallel_loop3A_862 to %parallel_loop3A_863 step %parallel_loop3A_864  : i32 {
      %parallel_loop3A_1448 = arith.constant 12288 : i32
      %parallel_loop3A_1449 = arith.addi %parallel_loop3A_1448, %parallel_loop3A_1447 : i32
      %parallel_loop3A_1450 = arith.index_cast %parallel_loop3A_1449 : i32 to index
      %parallel_loop3A_1451 = tpu.vector_load %arg5[%parallel_loop3A_1450] {strides = array<i32>} : memref<16384xi32, #tpu.memory_space<vmem>>, vector<16xi32>,
      %parallel_loop3A_1452 = tpu.vector_load_idx %arg6[%parallel_loop3A_1451] : memref<100000xf32, #tpu.memory_space<vmem>>[vector<16xi32>], vector<16xf32>,
      %parallel_loop3A_1453 = arith.index_cast %parallel_loop3A_1447 : i32 to index
      %parallel_loop3A_1454 = tpu.vector_load %arg8[%parallel_loop3A_1453] {strides = array<i32>} : memref<4096xf32, #tpu.memory_space<vmem>>, vector<16xf32>,
      tpu.vector_store %arg8[%parallel_loop3A_1453], %parallel_loop3A_1452 {strides = array<i32>} : memref<4096xf32, #tpu.memory_space<vmem>>, vector<16xf32>,
    } {sc.loop_unroll_factor = 8 : i64, sc.parallel_access}
    %dma_start3A_865 = arith.constant 12288 : i32
    %dma_start3A_866 = tpu.memref_slice %arg4[%select_n3A_784, %select_n3A_800, %dma_start3A_865] : memref<26x16x16384xf32, #tpu.memory_space<hbm>> -> memref<1x1x4096xf32, #tpu.memory_space<hbm>>
    %dma_start3A_867 = tpu.memref_squeeze %dma_start3A_866 : memref<1x1x4096xf32, #tpu.memory_space<hbm>> -> memref<4096xf32, #tpu.memory_space<hbm>>
    %dma_start3A_868 = arith.constant 12288 : i32
    %dma_start3A_869 = tpu.memref_slice %arg4[%select_n3A_784, %select_n3A_800, %dma_start3A_868] : memref<26x16x16384xf32, #tpu.memory_space<hbm>> -> memref<1x1x4096xf32, #tpu.memory_space<hbm>>
    %dma_start3A_870 = tpu.memref_squeeze %dma_start3A_869 : memref<1x1x4096xf32, #tpu.memory_space<hbm>> -> memref<4096xf32, #tpu.memory_space<hbm>>
    tpu.enqueue_dma source(%arg8 : memref<4096xf32, #tpu.memory_space<vmem>>) target(%dma_start3A_870 : memref<4096xf32, #tpu.memory_space<hbm>>) target_semaphore(%arg11 : memref<!tpu.dma_semaphore, #tpu.memory_space<semaphore_mem>>)
    %add3A_871 = arith.constant 8 : i32
    %add3A_872 = arith.addi %mul3A_2, %add3A_871 : i32
    %jit3A_873 = arith.constant 16 : i32
    %div3A_874 = arith.divsi %add3A_872, %jit3A_873 : i32
    %sign3A_875 = arith.constant 0 : i32
    %sign3A_876 = arith.cmpi sgt, %add3A_872, %sign3A_875 : i32
    %sign3A_877 = arith.extui %sign3A_876 : i1 to i32
    %sign3A_878 = arith.constant 0 : i32
    %sign3A_879 = arith.cmpi slt, %add3A_872, %sign3A_878 : i32
    %sign3A_880 = arith.extui %sign3A_879 : i1 to i32
    %sign3A_881 = arith.subi %sign3A_877, %sign3A_880 : i32
    %sign3A_882 = arith.constant 0 : i32
    %sign3A_883 = arith.cmpi sgt, %jit3A_873, %sign3A_882 : i32
    %sign3A_884 = arith.extui %sign3A_883 : i1 to i32
    %sign3A_885 = arith.constant 0 : i32
    %sign3A_886 = arith.cmpi slt, %jit3A_873, %sign3A_885 : i32
    %sign3A_887 = arith.extui %sign3A_886 : i1 to i32
    %sign3A_888 = arith.subi %sign3A_884, %sign3A_887 : i32
    %ne3A_889 = arith.cmpi ne, %sign3A_881, %sign3A_888 : i32
    %rem3A_890 = arith.remsi %add3A_872, %jit3A_873 : i32
    %ne3A_891 = arith.constant 0 : i32
    %ne3A_892 = arith.cmpi ne, %rem3A_890, %ne3A_891 : i32
    %and3A_893 = arith.andi %ne3A_889, %ne3A_892 : i1
    %sub3A_894 = arith.constant 1 : i32
    %sub3A_895 = arith.subi %div3A_874, %sub3A_894 : i32
    %select_n3A_896 = arith.select %and3A_893, %sub3A_895, %div3A_874 : i32
    %jit3A_897 = arith.constant 16 : i32
    %eq3A_898 = arith.constant 0 : i32
    %eq3A_899 = arith.cmpi eq, %jit3A_897, %eq3A_898 : i32
    %jit3A_900 = arith.constant 1 : i32
    %select_n3A_901 = arith.select %eq3A_899, %jit3A_900, %jit3A_897 : i32
    %rem3A_902 = arith.remsi %add3A_872, %select_n3A_901 : i32
    %ne3A_903 = arith.constant 0 : i32
    %ne3A_904 = arith.cmpi ne, %rem3A_902, %ne3A_903 : i32
    %lt3A_905 = arith.constant 0 : i32
    %lt3A_906 = arith.cmpi slt, %rem3A_902, %lt3A_905 : i32
    %lt3A_907 = arith.constant 0 : i32
    %lt3A_908 = arith.cmpi slt, %select_n3A_901, %lt3A_907 : i32
    %ne3A_909 = arith.xori %lt3A_906, %lt3A_908 : i1
    %and3A_910 = arith.andi %ne3A_909, %ne3A_904 : i1
    %add3A_911 = arith.addi %rem3A_902, %select_n3A_901 : i32
    %select_n3A_912 = arith.select %and3A_910, %add3A_911, %rem3A_902 : i32
    %eq3A_913 = arith.constant 0 : i32
    %eq3A_914 = arith.cmpi eq, %select_n3A_912, %eq3A_913 : i32
    %or3A_915 = arith.constant false
    %or3A_916 = arith.ori %or3A_915, %eq3A_914 : i1
    %convert_element_type3A_917 = arith.extui %or3A_916 : i1 to i32
    %cond3A_918 = arith.constant 0 : i32
    %cond3A_919 = arith.cmpi ne, %convert_element_type3A_917, %cond3A_918 : i32
    scf.if %cond3A_919 {
      %dma_start3A_1447 = arith.constant 0 : i32
      %dma_start3A_1448 = tpu.memref_slice %arg3[%select_n3A_896, %dma_start3A_1447] : memref<26x16384xi32, #tpu.memory_space<hbm>> -> memref<1x16384xi32, #tpu.memory_space<hbm>>
      %dma_start3A_1449 = tpu.memref_squeeze %dma_start3A_1448 : memref<1x16384xi32, #tpu.memory_space<hbm>> -> memref<16384xi32, #tpu.memory_space<hbm>>
      %dma_start3A_1450 = arith.constant 0 : i32
      %dma_start3A_1451 = tpu.memref_slice %arg3[%select_n3A_896, %dma_start3A_1450] : memref<26x16384xi32, #tpu.memory_space<hbm>> -> memref<1x16384xi32, #tpu.memory_space<hbm>>
      %dma_start3A_1452 = tpu.memref_squeeze %dma_start3A_1451 : memref<1x16384xi32, #tpu.memory_space<hbm>> -> memref<16384xi32, #tpu.memory_space<hbm>>
      tpu.enqueue_dma source(%dma_start3A_1452 : memref<16384xi32, #tpu.memory_space<hbm>>) target(%arg5 : memref<16384xi32, #tpu.memory_space<vmem>>) target_semaphore(%arg9 : memref<!tpu.dma_semaphore, #tpu.memory_space<semaphore_mem>>)
    } else {
    }
    "tpu.region"() ({
      %run_scoped3A = tpu.sem_alloc : memref<!tpu.dma_semaphore, #tpu.memory_space<semaphore_mem>>
      %dma_start3A_1447 = arith.constant 0 : i32
      %dma_start3A_1448 = tpu.memref_slice %arg2[%select_n3A_896, %select_n3A_912, %dma_start3A_1447] : memref<26x16x100000xf32, #tpu.memory_space<hbm>> -> memref<1x1x100000xf32, #tpu.memory_space<hbm>>
      %dma_start3A_1449 = tpu.memref_squeeze %dma_start3A_1448 : memref<1x1x100000xf32, #tpu.memory_space<hbm>> -> memref<100000xf32, #tpu.memory_space<hbm>>
      %dma_start3A_1450 = arith.constant 0 : i32
      %dma_start3A_1451 = tpu.memref_slice %arg2[%select_n3A_896, %select_n3A_912, %dma_start3A_1450] : memref<26x16x100000xf32, #tpu.memory_space<hbm>> -> memref<1x1x100000xf32, #tpu.memory_space<hbm>>
      %dma_start3A_1452 = tpu.memref_squeeze %dma_start3A_1451 : memref<1x1x100000xf32, #tpu.memory_space<hbm>> -> memref<100000xf32, #tpu.memory_space<hbm>>
      tpu.enqueue_dma source(%dma_start3A_1452 : memref<100000xf32, #tpu.memory_space<hbm>>) target(%arg6 : memref<100000xf32, #tpu.memory_space<vmem>>) target_semaphore(%run_scoped3A : memref<!tpu.dma_semaphore, #tpu.memory_space<semaphore_mem>>)
      %dma_wait3A_1453 = arith.constant 0 : i32
      %dma_wait3A_1454 = tpu.memref_slice %arg2[%select_n3A_896, %select_n3A_912, %dma_wait3A_1453] : memref<26x16x100000xf32, #tpu.memory_space<hbm>> -> memref<1x1x100000xf32, #tpu.memory_space<hbm>>
      %dma_wait3A_1455 = tpu.memref_squeeze %dma_wait3A_1454 : memref<1x1x100000xf32, #tpu.memory_space<hbm>> -> memref<100000xf32, #tpu.memory_space<hbm>>
      %dma_wait3A_1456 = arith.constant 0 : i32
      %dma_wait3A_1457 = tpu.memref_slice %arg2[%select_n3A_896, %select_n3A_912, %dma_wait3A_1456] : memref<26x16x100000xf32, #tpu.memory_space<hbm>> -> memref<1x1x100000xf32, #tpu.memory_space<hbm>>
      %dma_wait3A_1458 = tpu.memref_squeeze %dma_wait3A_1457 : memref<1x1x100000xf32, #tpu.memory_space<hbm>> -> memref<100000xf32, #tpu.memory_space<hbm>>
      tpu.wait_dma2 semaphore(%run_scoped3A : memref<!tpu.dma_semaphore, #tpu.memory_space<semaphore_mem>>) src(%dma_wait3A_1458 : memref<100000xf32, #tpu.memory_space<hbm>>) dst(%arg6 : memref<100000xf32, #tpu.memory_space<vmem>>)
      tpu.yield
    }) : () -> ()
    %convert_element_type3A_920 = arith.extui %or3A_916 : i1 to i32
    %cond3A_921 = arith.constant 0 : i32
    %cond3A_922 = arith.cmpi ne, %convert_element_type3A_920, %cond3A_921 : i32
    scf.if %cond3A_922 {
      %dma_wait3A_1447 = arith.constant 0 : i32
      %dma_wait3A_1448 = tpu.memref_slice %arg3[%select_n3A_896, %dma_wait3A_1447] : memref<26x16384xi32, #tpu.memory_space<hbm>> -> memref<1x16384xi32, #tpu.memory_space<hbm>>
      %dma_wait3A_1449 = tpu.memref_squeeze %dma_wait3A_1448 : memref<1x16384xi32, #tpu.memory_space<hbm>> -> memref<16384xi32, #tpu.memory_space<hbm>>
      %dma_wait3A_1450 = arith.constant 0 : i32
      %dma_wait3A_1451 = tpu.memref_slice %arg3[%select_n3A_896, %dma_wait3A_1450] : memref<26x16384xi32, #tpu.memory_space<hbm>> -> memref<1x16384xi32, #tpu.memory_space<hbm>>
      %dma_wait3A_1452 = tpu.memref_squeeze %dma_wait3A_1451 : memref<1x16384xi32, #tpu.memory_space<hbm>> -> memref<16384xi32, #tpu.memory_space<hbm>>
      tpu.wait_dma2 semaphore(%arg9 : memref<!tpu.dma_semaphore, #tpu.memory_space<semaphore_mem>>) src(%dma_wait3A_1452 : memref<16384xi32, #tpu.memory_space<hbm>>) dst(%arg5 : memref<16384xi32, #tpu.memory_space<vmem>>)
    } else {
    }
    %dma_wait3A_923 = arith.constant 0 : i32
    %dma_wait3A_924 = tpu.memref_slice %arg4[%select_n3A_896, %select_n3A_912, %dma_wait3A_923] : memref<26x16x16384xf32, #tpu.memory_space<hbm>> -> memref<1x1x4096xf32, #tpu.memory_space<hbm>>
    %dma_wait3A_925 = tpu.memref_squeeze %dma_wait3A_924 : memref<1x1x4096xf32, #tpu.memory_space<hbm>> -> memref<4096xf32, #tpu.memory_space<hbm>>
    %dma_wait3A_926 = arith.constant 0 : i32
    %dma_wait3A_927 = tpu.memref_slice %arg4[%select_n3A_896, %select_n3A_912, %dma_wait3A_926] : memref<26x16x16384xf32, #tpu.memory_space<hbm>> -> memref<1x1x4096xf32, #tpu.memory_space<hbm>>
    %dma_wait3A_928 = tpu.memref_squeeze %dma_wait3A_927 : memref<1x1x4096xf32, #tpu.memory_space<hbm>> -> memref<4096xf32, #tpu.memory_space<hbm>>
    tpu.wait_dma2 semaphore(%arg10 : memref<!tpu.dma_semaphore, #tpu.memory_space<semaphore_mem>>) src(%arg7 : memref<4096xf32, #tpu.memory_space<vmem>>) dst(%dma_wait3A_928 : memref<4096xf32, #tpu.memory_space<hbm>>)
    %parallel_loop3A_929 = arith.constant 0 : i32
    %parallel_loop3A_930 = arith.constant 4096 : i32
    %parallel_loop3A_931 = arith.constant 16 : i32
    scf.for %parallel_loop3A_1447 = %parallel_loop3A_929 to %parallel_loop3A_930 step %parallel_loop3A_931  : i32 {
      %parallel_loop3A_1448 = arith.constant 0 : i32
      %parallel_loop3A_1449 = arith.addi %parallel_loop3A_1448, %parallel_loop3A_1447 : i32
      %parallel_loop3A_1450 = arith.index_cast %parallel_loop3A_1449 : i32 to index
      %parallel_loop3A_1451 = tpu.vector_load %arg5[%parallel_loop3A_1450] {strides = array<i32>} : memref<16384xi32, #tpu.memory_space<vmem>>, vector<16xi32>,
      %parallel_loop3A_1452 = tpu.vector_load_idx %arg6[%parallel_loop3A_1451] : memref<100000xf32, #tpu.memory_space<vmem>>[vector<16xi32>], vector<16xf32>,
      %parallel_loop3A_1453 = arith.index_cast %parallel_loop3A_1447 : i32 to index
      %parallel_loop3A_1454 = tpu.vector_load %arg7[%parallel_loop3A_1453] {strides = array<i32>} : memref<4096xf32, #tpu.memory_space<vmem>>, vector<16xf32>,
      tpu.vector_store %arg7[%parallel_loop3A_1453], %parallel_loop3A_1452 {strides = array<i32>} : memref<4096xf32, #tpu.memory_space<vmem>>, vector<16xf32>,
    } {sc.loop_unroll_factor = 8 : i64, sc.parallel_access}
    %dma_start3A_932 = arith.constant 0 : i32
    %dma_start3A_933 = tpu.memref_slice %arg4[%select_n3A_896, %select_n3A_912, %dma_start3A_932] : memref<26x16x16384xf32, #tpu.memory_space<hbm>> -> memref<1x1x4096xf32, #tpu.memory_space<hbm>>
    %dma_start3A_934 = tpu.memref_squeeze %dma_start3A_933 : memref<1x1x4096xf32, #tpu.memory_space<hbm>> -> memref<4096xf32, #tpu.memory_space<hbm>>
    %dma_start3A_935 = arith.constant 0 : i32
    %dma_start3A_936 = tpu.memref_slice %arg4[%select_n3A_896, %select_n3A_912, %dma_start3A_935] : memref<26x16x16384xf32, #tpu.memory_space<hbm>> -> memref<1x1x4096xf32, #tpu.memory_space<hbm>>
    %dma_start3A_937 = tpu.memref_squeeze %dma_start3A_936 : memref<1x1x4096xf32, #tpu.memory_space<hbm>> -> memref<4096xf32, #tpu.memory_space<hbm>>
    tpu.enqueue_dma source(%arg7 : memref<4096xf32, #tpu.memory_space<vmem>>) target(%dma_start3A_937 : memref<4096xf32, #tpu.memory_space<hbm>>) target_semaphore(%arg10 : memref<!tpu.dma_semaphore, #tpu.memory_space<semaphore_mem>>)
    %dma_wait3A_938 = arith.constant 4096 : i32
    %dma_wait3A_939 = tpu.memref_slice %arg4[%select_n3A_896, %select_n3A_912, %dma_wait3A_938] : memref<26x16x16384xf32, #tpu.memory_space<hbm>> -> memref<1x1x4096xf32, #tpu.memory_space<hbm>>
    %dma_wait3A_940 = tpu.memref_squeeze %dma_wait3A_939 : memref<1x1x4096xf32, #tpu.memory_space<hbm>> -> memref<4096xf32, #tpu.memory_space<hbm>>
    %dma_wait3A_941 = arith.constant 4096 : i32
    %dma_wait3A_942 = tpu.memref_slice %arg4[%select_n3A_896, %select_n3A_912, %dma_wait3A_941] : memref<26x16x16384xf32, #tpu.memory_space<hbm>> -> memref<1x1x4096xf32, #tpu.memory_space<hbm>>
    %dma_wait3A_943 = tpu.memref_squeeze %dma_wait3A_942 : memref<1x1x4096xf32, #tpu.memory_space<hbm>> -> memref<4096xf32, #tpu.memory_space<hbm>>
    tpu.wait_dma2 semaphore(%arg11 : memref<!tpu.dma_semaphore, #tpu.memory_space<semaphore_mem>>) src(%arg8 : memref<4096xf32, #tpu.memory_space<vmem>>) dst(%dma_wait3A_943 : memref<4096xf32, #tpu.memory_space<hbm>>)
    %parallel_loop3A_944 = arith.constant 0 : i32
    %parallel_loop3A_945 = arith.constant 4096 : i32
    %parallel_loop3A_946 = arith.constant 16 : i32
    scf.for %parallel_loop3A_1447 = %parallel_loop3A_944 to %parallel_loop3A_945 step %parallel_loop3A_946  : i32 {
      %parallel_loop3A_1448 = arith.constant 4096 : i32
      %parallel_loop3A_1449 = arith.addi %parallel_loop3A_1448, %parallel_loop3A_1447 : i32
      %parallel_loop3A_1450 = arith.index_cast %parallel_loop3A_1449 : i32 to index
      %parallel_loop3A_1451 = tpu.vector_load %arg5[%parallel_loop3A_1450] {strides = array<i32>} : memref<16384xi32, #tpu.memory_space<vmem>>, vector<16xi32>,
      %parallel_loop3A_1452 = tpu.vector_load_idx %arg6[%parallel_loop3A_1451] : memref<100000xf32, #tpu.memory_space<vmem>>[vector<16xi32>], vector<16xf32>,
      %parallel_loop3A_1453 = arith.index_cast %parallel_loop3A_1447 : i32 to index
      %parallel_loop3A_1454 = tpu.vector_load %arg8[%parallel_loop3A_1453] {strides = array<i32>} : memref<4096xf32, #tpu.memory_space<vmem>>, vector<16xf32>,
      tpu.vector_store %arg8[%parallel_loop3A_1453], %parallel_loop3A_1452 {strides = array<i32>} : memref<4096xf32, #tpu.memory_space<vmem>>, vector<16xf32>,
    } {sc.loop_unroll_factor = 8 : i64, sc.parallel_access}
    %dma_start3A_947 = arith.constant 4096 : i32
    %dma_start3A_948 = tpu.memref_slice %arg4[%select_n3A_896, %select_n3A_912, %dma_start3A_947] : memref<26x16x16384xf32, #tpu.memory_space<hbm>> -> memref<1x1x4096xf32, #tpu.memory_space<hbm>>
    %dma_start3A_949 = tpu.memref_squeeze %dma_start3A_948 : memref<1x1x4096xf32, #tpu.memory_space<hbm>> -> memref<4096xf32, #tpu.memory_space<hbm>>
    %dma_start3A_950 = arith.constant 4096 : i32
    %dma_start3A_951 = tpu.memref_slice %arg4[%select_n3A_896, %select_n3A_912, %dma_start3A_950] : memref<26x16x16384xf32, #tpu.memory_space<hbm>> -> memref<1x1x4096xf32, #tpu.memory_space<hbm>>
    %dma_start3A_952 = tpu.memref_squeeze %dma_start3A_951 : memref<1x1x4096xf32, #tpu.memory_space<hbm>> -> memref<4096xf32, #tpu.memory_space<hbm>>
    tpu.enqueue_dma source(%arg8 : memref<4096xf32, #tpu.memory_space<vmem>>) target(%dma_start3A_952 : memref<4096xf32, #tpu.memory_space<hbm>>) target_semaphore(%arg11 : memref<!tpu.dma_semaphore, #tpu.memory_space<semaphore_mem>>)
    %dma_wait3A_953 = arith.constant 8192 : i32
    %dma_wait3A_954 = tpu.memref_slice %arg4[%select_n3A_896, %select_n3A_912, %dma_wait3A_953] : memref<26x16x16384xf32, #tpu.memory_space<hbm>> -> memref<1x1x4096xf32, #tpu.memory_space<hbm>>
    %dma_wait3A_955 = tpu.memref_squeeze %dma_wait3A_954 : memref<1x1x4096xf32, #tpu.memory_space<hbm>> -> memref<4096xf32, #tpu.memory_space<hbm>>
    %dma_wait3A_956 = arith.constant 8192 : i32
    %dma_wait3A_957 = tpu.memref_slice %arg4[%select_n3A_896, %select_n3A_912, %dma_wait3A_956] : memref<26x16x16384xf32, #tpu.memory_space<hbm>> -> memref<1x1x4096xf32, #tpu.memory_space<hbm>>
    %dma_wait3A_958 = tpu.memref_squeeze %dma_wait3A_957 : memref<1x1x4096xf32, #tpu.memory_space<hbm>> -> memref<4096xf32, #tpu.memory_space<hbm>>
    tpu.wait_dma2 semaphore(%arg10 : memref<!tpu.dma_semaphore, #tpu.memory_space<semaphore_mem>>) src(%arg7 : memref<4096xf32, #tpu.memory_space<vmem>>) dst(%dma_wait3A_958 : memref<4096xf32, #tpu.memory_space<hbm>>)
    %parallel_loop3A_959 = arith.constant 0 : i32
    %parallel_loop3A_960 = arith.constant 4096 : i32
    %parallel_loop3A_961 = arith.constant 16 : i32
    scf.for %parallel_loop3A_1447 = %parallel_loop3A_959 to %parallel_loop3A_960 step %parallel_loop3A_961  : i32 {
      %parallel_loop3A_1448 = arith.constant 8192 : i32
      %parallel_loop3A_1449 = arith.addi %parallel_loop3A_1448, %parallel_loop3A_1447 : i32
      %parallel_loop3A_1450 = arith.index_cast %parallel_loop3A_1449 : i32 to index
      %parallel_loop3A_1451 = tpu.vector_load %arg5[%parallel_loop3A_1450] {strides = array<i32>} : memref<16384xi32, #tpu.memory_space<vmem>>, vector<16xi32>,
      %parallel_loop3A_1452 = tpu.vector_load_idx %arg6[%parallel_loop3A_1451] : memref<100000xf32, #tpu.memory_space<vmem>>[vector<16xi32>], vector<16xf32>,
      %parallel_loop3A_1453 = arith.index_cast %parallel_loop3A_1447 : i32 to index
      %parallel_loop3A_1454 = tpu.vector_load %arg7[%parallel_loop3A_1453] {strides = array<i32>} : memref<4096xf32, #tpu.memory_space<vmem>>, vector<16xf32>,
      tpu.vector_store %arg7[%parallel_loop3A_1453], %parallel_loop3A_1452 {strides = array<i32>} : memref<4096xf32, #tpu.memory_space<vmem>>, vector<16xf32>,
    } {sc.loop_unroll_factor = 8 : i64, sc.parallel_access}
    %dma_start3A_962 = arith.constant 8192 : i32
    %dma_start3A_963 = tpu.memref_slice %arg4[%select_n3A_896, %select_n3A_912, %dma_start3A_962] : memref<26x16x16384xf32, #tpu.memory_space<hbm>> -> memref<1x1x4096xf32, #tpu.memory_space<hbm>>
    %dma_start3A_964 = tpu.memref_squeeze %dma_start3A_963 : memref<1x1x4096xf32, #tpu.memory_space<hbm>> -> memref<4096xf32, #tpu.memory_space<hbm>>
    %dma_start3A_965 = arith.constant 8192 : i32
    %dma_start3A_966 = tpu.memref_slice %arg4[%select_n3A_896, %select_n3A_912, %dma_start3A_965] : memref<26x16x16384xf32, #tpu.memory_space<hbm>> -> memref<1x1x4096xf32, #tpu.memory_space<hbm>>
    %dma_start3A_967 = tpu.memref_squeeze %dma_start3A_966 : memref<1x1x4096xf32, #tpu.memory_space<hbm>> -> memref<4096xf32, #tpu.memory_space<hbm>>
    tpu.enqueue_dma source(%arg7 : memref<4096xf32, #tpu.memory_space<vmem>>) target(%dma_start3A_967 : memref<4096xf32, #tpu.memory_space<hbm>>) target_semaphore(%arg10 : memref<!tpu.dma_semaphore, #tpu.memory_space<semaphore_mem>>)
    %dma_wait3A_968 = arith.constant 12288 : i32
    %dma_wait3A_969 = tpu.memref_slice %arg4[%select_n3A_896, %select_n3A_912, %dma_wait3A_968] : memref<26x16x16384xf32, #tpu.memory_space<hbm>> -> memref<1x1x4096xf32, #tpu.memory_space<hbm>>
    %dma_wait3A_970 = tpu.memref_squeeze %dma_wait3A_969 : memref<1x1x4096xf32, #tpu.memory_space<hbm>> -> memref<4096xf32, #tpu.memory_space<hbm>>
    %dma_wait3A_971 = arith.constant 12288 : i32
    %dma_wait3A_972 = tpu.memref_slice %arg4[%select_n3A_896, %select_n3A_912, %dma_wait3A_971] : memref<26x16x16384xf32, #tpu.memory_space<hbm>> -> memref<1x1x4096xf32, #tpu.memory_space<hbm>>
    %dma_wait3A_973 = tpu.memref_squeeze %dma_wait3A_972 : memref<1x1x4096xf32, #tpu.memory_space<hbm>> -> memref<4096xf32, #tpu.memory_space<hbm>>
    tpu.wait_dma2 semaphore(%arg11 : memref<!tpu.dma_semaphore, #tpu.memory_space<semaphore_mem>>) src(%arg8 : memref<4096xf32, #tpu.memory_space<vmem>>) dst(%dma_wait3A_973 : memref<4096xf32, #tpu.memory_space<hbm>>)
    %parallel_loop3A_974 = arith.constant 0 : i32
    %parallel_loop3A_975 = arith.constant 4096 : i32
    %parallel_loop3A_976 = arith.constant 16 : i32
    scf.for %parallel_loop3A_1447 = %parallel_loop3A_974 to %parallel_loop3A_975 step %parallel_loop3A_976  : i32 {
      %parallel_loop3A_1448 = arith.constant 12288 : i32
      %parallel_loop3A_1449 = arith.addi %parallel_loop3A_1448, %parallel_loop3A_1447 : i32
      %parallel_loop3A_1450 = arith.index_cast %parallel_loop3A_1449 : i32 to index
      %parallel_loop3A_1451 = tpu.vector_load %arg5[%parallel_loop3A_1450] {strides = array<i32>} : memref<16384xi32, #tpu.memory_space<vmem>>, vector<16xi32>,
      %parallel_loop3A_1452 = tpu.vector_load_idx %arg6[%parallel_loop3A_1451] : memref<100000xf32, #tpu.memory_space<vmem>>[vector<16xi32>], vector<16xf32>,
      %parallel_loop3A_1453 = arith.index_cast %parallel_loop3A_1447 : i32 to index
      %parallel_loop3A_1454 = tpu.vector_load %arg8[%parallel_loop3A_1453] {strides = array<i32>} : memref<4096xf32, #tpu.memory_space<vmem>>, vector<16xf32>,
      tpu.vector_store %arg8[%parallel_loop3A_1453], %parallel_loop3A_1452 {strides = array<i32>} : memref<4096xf32, #tpu.memory_space<vmem>>, vector<16xf32>,
    } {sc.loop_unroll_factor = 8 : i64, sc.parallel_access}
    %dma_start3A_977 = arith.constant 12288 : i32
    %dma_start3A_978 = tpu.memref_slice %arg4[%select_n3A_896, %select_n3A_912, %dma_start3A_977] : memref<26x16x16384xf32, #tpu.memory_space<hbm>> -> memref<1x1x4096xf32, #tpu.memory_space<hbm>>
    %dma_start3A_979 = tpu.memref_squeeze %dma_start3A_978 : memref<1x1x4096xf32, #tpu.memory_space<hbm>> -> memref<4096xf32, #tpu.memory_space<hbm>>
    %dma_start3A_980 = arith.constant 12288 : i32
    %dma_start3A_981 = tpu.memref_slice %arg4[%select_n3A_896, %select_n3A_912, %dma_start3A_980] : memref<26x16x16384xf32, #tpu.memory_space<hbm>> -> memref<1x1x4096xf32, #tpu.memory_space<hbm>>
    %dma_start3A_982 = tpu.memref_squeeze %dma_start3A_981 : memref<1x1x4096xf32, #tpu.memory_space<hbm>> -> memref<4096xf32, #tpu.memory_space<hbm>>
    tpu.enqueue_dma source(%arg8 : memref<4096xf32, #tpu.memory_space<vmem>>) target(%dma_start3A_982 : memref<4096xf32, #tpu.memory_space<hbm>>) target_semaphore(%arg11 : memref<!tpu.dma_semaphore, #tpu.memory_space<semaphore_mem>>)
    %add3A_983 = arith.constant 9 : i32
    %add3A_984 = arith.addi %mul3A_2, %add3A_983 : i32
    %jit3A_985 = arith.constant 16 : i32
    %div3A_986 = arith.divsi %add3A_984, %jit3A_985 : i32
    %sign3A_987 = arith.constant 0 : i32
    %sign3A_988 = arith.cmpi sgt, %add3A_984, %sign3A_987 : i32
    %sign3A_989 = arith.extui %sign3A_988 : i1 to i32
    %sign3A_990 = arith.constant 0 : i32
    %sign3A_991 = arith.cmpi slt, %add3A_984, %sign3A_990 : i32
    %sign3A_992 = arith.extui %sign3A_991 : i1 to i32
    %sign3A_993 = arith.subi %sign3A_989, %sign3A_992 : i32
    %sign3A_994 = arith.constant 0 : i32
    %sign3A_995 = arith.cmpi sgt, %jit3A_985, %sign3A_994 : i32
    %sign3A_996 = arith.extui %sign3A_995 : i1 to i32
    %sign3A_997 = arith.constant 0 : i32
    %sign3A_998 = arith.cmpi slt, %jit3A_985, %sign3A_997 : i32
    %sign3A_999 = arith.extui %sign3A_998 : i1 to i32
    %sign3A_1000 = arith.subi %sign3A_996, %sign3A_999 : i32
    %ne3A_1001 = arith.cmpi ne, %sign3A_993, %sign3A_1000 : i32
    %rem3A_1002 = arith.remsi %add3A_984, %jit3A_985 : i32
    %ne3A_1003 = arith.constant 0 : i32
    %ne3A_1004 = arith.cmpi ne, %rem3A_1002, %ne3A_1003 : i32
    %and3A_1005 = arith.andi %ne3A_1001, %ne3A_1004 : i1
    %sub3A_1006 = arith.constant 1 : i32
    %sub3A_1007 = arith.subi %div3A_986, %sub3A_1006 : i32
    %select_n3A_1008 = arith.select %and3A_1005, %sub3A_1007, %div3A_986 : i32
    %jit3A_1009 = arith.constant 16 : i32
    %eq3A_1010 = arith.constant 0 : i32
    %eq3A_1011 = arith.cmpi eq, %jit3A_1009, %eq3A_1010 : i32
    %jit3A_1012 = arith.constant 1 : i32
    %select_n3A_1013 = arith.select %eq3A_1011, %jit3A_1012, %jit3A_1009 : i32
    %rem3A_1014 = arith.remsi %add3A_984, %select_n3A_1013 : i32
    %ne3A_1015 = arith.constant 0 : i32
    %ne3A_1016 = arith.cmpi ne, %rem3A_1014, %ne3A_1015 : i32
    %lt3A_1017 = arith.constant 0 : i32
    %lt3A_1018 = arith.cmpi slt, %rem3A_1014, %lt3A_1017 : i32
    %lt3A_1019 = arith.constant 0 : i32
    %lt3A_1020 = arith.cmpi slt, %select_n3A_1013, %lt3A_1019 : i32
    %ne3A_1021 = arith.xori %lt3A_1018, %lt3A_1020 : i1
    %and3A_1022 = arith.andi %ne3A_1021, %ne3A_1016 : i1
    %add3A_1023 = arith.addi %rem3A_1014, %select_n3A_1013 : i32
    %select_n3A_1024 = arith.select %and3A_1022, %add3A_1023, %rem3A_1014 : i32
    %eq3A_1025 = arith.constant 0 : i32
    %eq3A_1026 = arith.cmpi eq, %select_n3A_1024, %eq3A_1025 : i32
    %or3A_1027 = arith.constant false
    %or3A_1028 = arith.ori %or3A_1027, %eq3A_1026 : i1
    %convert_element_type3A_1029 = arith.extui %or3A_1028 : i1 to i32
    %cond3A_1030 = arith.constant 0 : i32
    %cond3A_1031 = arith.cmpi ne, %convert_element_type3A_1029, %cond3A_1030 : i32
    scf.if %cond3A_1031 {
      %dma_start3A_1447 = arith.constant 0 : i32
      %dma_start3A_1448 = tpu.memref_slice %arg3[%select_n3A_1008, %dma_start3A_1447] : memref<26x16384xi32, #tpu.memory_space<hbm>> -> memref<1x16384xi32, #tpu.memory_space<hbm>>
      %dma_start3A_1449 = tpu.memref_squeeze %dma_start3A_1448 : memref<1x16384xi32, #tpu.memory_space<hbm>> -> memref<16384xi32, #tpu.memory_space<hbm>>
      %dma_start3A_1450 = arith.constant 0 : i32
      %dma_start3A_1451 = tpu.memref_slice %arg3[%select_n3A_1008, %dma_start3A_1450] : memref<26x16384xi32, #tpu.memory_space<hbm>> -> memref<1x16384xi32, #tpu.memory_space<hbm>>
      %dma_start3A_1452 = tpu.memref_squeeze %dma_start3A_1451 : memref<1x16384xi32, #tpu.memory_space<hbm>> -> memref<16384xi32, #tpu.memory_space<hbm>>
      tpu.enqueue_dma source(%dma_start3A_1452 : memref<16384xi32, #tpu.memory_space<hbm>>) target(%arg5 : memref<16384xi32, #tpu.memory_space<vmem>>) target_semaphore(%arg9 : memref<!tpu.dma_semaphore, #tpu.memory_space<semaphore_mem>>)
    } else {
    }
    "tpu.region"() ({
      %run_scoped3A = tpu.sem_alloc : memref<!tpu.dma_semaphore, #tpu.memory_space<semaphore_mem>>
      %dma_start3A_1447 = arith.constant 0 : i32
      %dma_start3A_1448 = tpu.memref_slice %arg2[%select_n3A_1008, %select_n3A_1024, %dma_start3A_1447] : memref<26x16x100000xf32, #tpu.memory_space<hbm>> -> memref<1x1x100000xf32, #tpu.memory_space<hbm>>
      %dma_start3A_1449 = tpu.memref_squeeze %dma_start3A_1448 : memref<1x1x100000xf32, #tpu.memory_space<hbm>> -> memref<100000xf32, #tpu.memory_space<hbm>>
      %dma_start3A_1450 = arith.constant 0 : i32
      %dma_start3A_1451 = tpu.memref_slice %arg2[%select_n3A_1008, %select_n3A_1024, %dma_start3A_1450] : memref<26x16x100000xf32, #tpu.memory_space<hbm>> -> memref<1x1x100000xf32, #tpu.memory_space<hbm>>
      %dma_start3A_1452 = tpu.memref_squeeze %dma_start3A_1451 : memref<1x1x100000xf32, #tpu.memory_space<hbm>> -> memref<100000xf32, #tpu.memory_space<hbm>>
      tpu.enqueue_dma source(%dma_start3A_1452 : memref<100000xf32, #tpu.memory_space<hbm>>) target(%arg6 : memref<100000xf32, #tpu.memory_space<vmem>>) target_semaphore(%run_scoped3A : memref<!tpu.dma_semaphore, #tpu.memory_space<semaphore_mem>>)
      %dma_wait3A_1453 = arith.constant 0 : i32
      %dma_wait3A_1454 = tpu.memref_slice %arg2[%select_n3A_1008, %select_n3A_1024, %dma_wait3A_1453] : memref<26x16x100000xf32, #tpu.memory_space<hbm>> -> memref<1x1x100000xf32, #tpu.memory_space<hbm>>
      %dma_wait3A_1455 = tpu.memref_squeeze %dma_wait3A_1454 : memref<1x1x100000xf32, #tpu.memory_space<hbm>> -> memref<100000xf32, #tpu.memory_space<hbm>>
      %dma_wait3A_1456 = arith.constant 0 : i32
      %dma_wait3A_1457 = tpu.memref_slice %arg2[%select_n3A_1008, %select_n3A_1024, %dma_wait3A_1456] : memref<26x16x100000xf32, #tpu.memory_space<hbm>> -> memref<1x1x100000xf32, #tpu.memory_space<hbm>>
      %dma_wait3A_1458 = tpu.memref_squeeze %dma_wait3A_1457 : memref<1x1x100000xf32, #tpu.memory_space<hbm>> -> memref<100000xf32, #tpu.memory_space<hbm>>
      tpu.wait_dma2 semaphore(%run_scoped3A : memref<!tpu.dma_semaphore, #tpu.memory_space<semaphore_mem>>) src(%dma_wait3A_1458 : memref<100000xf32, #tpu.memory_space<hbm>>) dst(%arg6 : memref<100000xf32, #tpu.memory_space<vmem>>)
      tpu.yield
    }) : () -> ()
    %convert_element_type3A_1032 = arith.extui %or3A_1028 : i1 to i32
    %cond3A_1033 = arith.constant 0 : i32
    %cond3A_1034 = arith.cmpi ne, %convert_element_type3A_1032, %cond3A_1033 : i32
    scf.if %cond3A_1034 {
      %dma_wait3A_1447 = arith.constant 0 : i32
      %dma_wait3A_1448 = tpu.memref_slice %arg3[%select_n3A_1008, %dma_wait3A_1447] : memref<26x16384xi32, #tpu.memory_space<hbm>> -> memref<1x16384xi32, #tpu.memory_space<hbm>>
      %dma_wait3A_1449 = tpu.memref_squeeze %dma_wait3A_1448 : memref<1x16384xi32, #tpu.memory_space<hbm>> -> memref<16384xi32, #tpu.memory_space<hbm>>
      %dma_wait3A_1450 = arith.constant 0 : i32
      %dma_wait3A_1451 = tpu.memref_slice %arg3[%select_n3A_1008, %dma_wait3A_1450] : memref<26x16384xi32, #tpu.memory_space<hbm>> -> memref<1x16384xi32, #tpu.memory_space<hbm>>
      %dma_wait3A_1452 = tpu.memref_squeeze %dma_wait3A_1451 : memref<1x16384xi32, #tpu.memory_space<hbm>> -> memref<16384xi32, #tpu.memory_space<hbm>>
      tpu.wait_dma2 semaphore(%arg9 : memref<!tpu.dma_semaphore, #tpu.memory_space<semaphore_mem>>) src(%dma_wait3A_1452 : memref<16384xi32, #tpu.memory_space<hbm>>) dst(%arg5 : memref<16384xi32, #tpu.memory_space<vmem>>)
    } else {
    }
    %dma_wait3A_1035 = arith.constant 0 : i32
    %dma_wait3A_1036 = tpu.memref_slice %arg4[%select_n3A_1008, %select_n3A_1024, %dma_wait3A_1035] : memref<26x16x16384xf32, #tpu.memory_space<hbm>> -> memref<1x1x4096xf32, #tpu.memory_space<hbm>>
    %dma_wait3A_1037 = tpu.memref_squeeze %dma_wait3A_1036 : memref<1x1x4096xf32, #tpu.memory_space<hbm>> -> memref<4096xf32, #tpu.memory_space<hbm>>
    %dma_wait3A_1038 = arith.constant 0 : i32
    %dma_wait3A_1039 = tpu.memref_slice %arg4[%select_n3A_1008, %select_n3A_1024, %dma_wait3A_1038] : memref<26x16x16384xf32, #tpu.memory_space<hbm>> -> memref<1x1x4096xf32, #tpu.memory_space<hbm>>
    %dma_wait3A_1040 = tpu.memref_squeeze %dma_wait3A_1039 : memref<1x1x4096xf32, #tpu.memory_space<hbm>> -> memref<4096xf32, #tpu.memory_space<hbm>>
    tpu.wait_dma2 semaphore(%arg10 : memref<!tpu.dma_semaphore, #tpu.memory_space<semaphore_mem>>) src(%arg7 : memref<4096xf32, #tpu.memory_space<vmem>>) dst(%dma_wait3A_1040 : memref<4096xf32, #tpu.memory_space<hbm>>)
    %parallel_loop3A_1041 = arith.constant 0 : i32
    %parallel_loop3A_1042 = arith.constant 4096 : i32
    %parallel_loop3A_1043 = arith.constant 16 : i32
    scf.for %parallel_loop3A_1447 = %parallel_loop3A_1041 to %parallel_loop3A_1042 step %parallel_loop3A_1043  : i32 {
      %parallel_loop3A_1448 = arith.constant 0 : i32
      %parallel_loop3A_1449 = arith.addi %parallel_loop3A_1448, %parallel_loop3A_1447 : i32
      %parallel_loop3A_1450 = arith.index_cast %parallel_loop3A_1449 : i32 to index
      %parallel_loop3A_1451 = tpu.vector_load %arg5[%parallel_loop3A_1450] {strides = array<i32>} : memref<16384xi32, #tpu.memory_space<vmem>>, vector<16xi32>,
      %parallel_loop3A_1452 = tpu.vector_load_idx %arg6[%parallel_loop3A_1451] : memref<100000xf32, #tpu.memory_space<vmem>>[vector<16xi32>], vector<16xf32>,
      %parallel_loop3A_1453 = arith.index_cast %parallel_loop3A_1447 : i32 to index
      %parallel_loop3A_1454 = tpu.vector_load %arg7[%parallel_loop3A_1453] {strides = array<i32>} : memref<4096xf32, #tpu.memory_space<vmem>>, vector<16xf32>,
      tpu.vector_store %arg7[%parallel_loop3A_1453], %parallel_loop3A_1452 {strides = array<i32>} : memref<4096xf32, #tpu.memory_space<vmem>>, vector<16xf32>,
    } {sc.loop_unroll_factor = 8 : i64, sc.parallel_access}
    %dma_start3A_1044 = arith.constant 0 : i32
    %dma_start3A_1045 = tpu.memref_slice %arg4[%select_n3A_1008, %select_n3A_1024, %dma_start3A_1044] : memref<26x16x16384xf32, #tpu.memory_space<hbm>> -> memref<1x1x4096xf32, #tpu.memory_space<hbm>>
    %dma_start3A_1046 = tpu.memref_squeeze %dma_start3A_1045 : memref<1x1x4096xf32, #tpu.memory_space<hbm>> -> memref<4096xf32, #tpu.memory_space<hbm>>
    %dma_start3A_1047 = arith.constant 0 : i32
    %dma_start3A_1048 = tpu.memref_slice %arg4[%select_n3A_1008, %select_n3A_1024, %dma_start3A_1047] : memref<26x16x16384xf32, #tpu.memory_space<hbm>> -> memref<1x1x4096xf32, #tpu.memory_space<hbm>>
    %dma_start3A_1049 = tpu.memref_squeeze %dma_start3A_1048 : memref<1x1x4096xf32, #tpu.memory_space<hbm>> -> memref<4096xf32, #tpu.memory_space<hbm>>
    tpu.enqueue_dma source(%arg7 : memref<4096xf32, #tpu.memory_space<vmem>>) target(%dma_start3A_1049 : memref<4096xf32, #tpu.memory_space<hbm>>) target_semaphore(%arg10 : memref<!tpu.dma_semaphore, #tpu.memory_space<semaphore_mem>>)
    %dma_wait3A_1050 = arith.constant 4096 : i32
    %dma_wait3A_1051 = tpu.memref_slice %arg4[%select_n3A_1008, %select_n3A_1024, %dma_wait3A_1050] : memref<26x16x16384xf32, #tpu.memory_space<hbm>> -> memref<1x1x4096xf32, #tpu.memory_space<hbm>>
    %dma_wait3A_1052 = tpu.memref_squeeze %dma_wait3A_1051 : memref<1x1x4096xf32, #tpu.memory_space<hbm>> -> memref<4096xf32, #tpu.memory_space<hbm>>
    %dma_wait3A_1053 = arith.constant 4096 : i32
    %dma_wait3A_1054 = tpu.memref_slice %arg4[%select_n3A_1008, %select_n3A_1024, %dma_wait3A_1053] : memref<26x16x16384xf32, #tpu.memory_space<hbm>> -> memref<1x1x4096xf32, #tpu.memory_space<hbm>>
    %dma_wait3A_1055 = tpu.memref_squeeze %dma_wait3A_1054 : memref<1x1x4096xf32, #tpu.memory_space<hbm>> -> memref<4096xf32, #tpu.memory_space<hbm>>
    tpu.wait_dma2 semaphore(%arg11 : memref<!tpu.dma_semaphore, #tpu.memory_space<semaphore_mem>>) src(%arg8 : memref<4096xf32, #tpu.memory_space<vmem>>) dst(%dma_wait3A_1055 : memref<4096xf32, #tpu.memory_space<hbm>>)
    %parallel_loop3A_1056 = arith.constant 0 : i32
    %parallel_loop3A_1057 = arith.constant 4096 : i32
    %parallel_loop3A_1058 = arith.constant 16 : i32
    scf.for %parallel_loop3A_1447 = %parallel_loop3A_1056 to %parallel_loop3A_1057 step %parallel_loop3A_1058  : i32 {
      %parallel_loop3A_1448 = arith.constant 4096 : i32
      %parallel_loop3A_1449 = arith.addi %parallel_loop3A_1448, %parallel_loop3A_1447 : i32
      %parallel_loop3A_1450 = arith.index_cast %parallel_loop3A_1449 : i32 to index
      %parallel_loop3A_1451 = tpu.vector_load %arg5[%parallel_loop3A_1450] {strides = array<i32>} : memref<16384xi32, #tpu.memory_space<vmem>>, vector<16xi32>,
      %parallel_loop3A_1452 = tpu.vector_load_idx %arg6[%parallel_loop3A_1451] : memref<100000xf32, #tpu.memory_space<vmem>>[vector<16xi32>], vector<16xf32>,
      %parallel_loop3A_1453 = arith.index_cast %parallel_loop3A_1447 : i32 to index
      %parallel_loop3A_1454 = tpu.vector_load %arg8[%parallel_loop3A_1453] {strides = array<i32>} : memref<4096xf32, #tpu.memory_space<vmem>>, vector<16xf32>,
      tpu.vector_store %arg8[%parallel_loop3A_1453], %parallel_loop3A_1452 {strides = array<i32>} : memref<4096xf32, #tpu.memory_space<vmem>>, vector<16xf32>,
    } {sc.loop_unroll_factor = 8 : i64, sc.parallel_access}
    %dma_start3A_1059 = arith.constant 4096 : i32
    %dma_start3A_1060 = tpu.memref_slice %arg4[%select_n3A_1008, %select_n3A_1024, %dma_start3A_1059] : memref<26x16x16384xf32, #tpu.memory_space<hbm>> -> memref<1x1x4096xf32, #tpu.memory_space<hbm>>
    %dma_start3A_1061 = tpu.memref_squeeze %dma_start3A_1060 : memref<1x1x4096xf32, #tpu.memory_space<hbm>> -> memref<4096xf32, #tpu.memory_space<hbm>>
    %dma_start3A_1062 = arith.constant 4096 : i32
    %dma_start3A_1063 = tpu.memref_slice %arg4[%select_n3A_1008, %select_n3A_1024, %dma_start3A_1062] : memref<26x16x16384xf32, #tpu.memory_space<hbm>> -> memref<1x1x4096xf32, #tpu.memory_space<hbm>>
    %dma_start3A_1064 = tpu.memref_squeeze %dma_start3A_1063 : memref<1x1x4096xf32, #tpu.memory_space<hbm>> -> memref<4096xf32, #tpu.memory_space<hbm>>
    tpu.enqueue_dma source(%arg8 : memref<4096xf32, #tpu.memory_space<vmem>>) target(%dma_start3A_1064 : memref<4096xf32, #tpu.memory_space<hbm>>) target_semaphore(%arg11 : memref<!tpu.dma_semaphore, #tpu.memory_space<semaphore_mem>>)
    %dma_wait3A_1065 = arith.constant 8192 : i32
    %dma_wait3A_1066 = tpu.memref_slice %arg4[%select_n3A_1008, %select_n3A_1024, %dma_wait3A_1065] : memref<26x16x16384xf32, #tpu.memory_space<hbm>> -> memref<1x1x4096xf32, #tpu.memory_space<hbm>>
    %dma_wait3A_1067 = tpu.memref_squeeze %dma_wait3A_1066 : memref<1x1x4096xf32, #tpu.memory_space<hbm>> -> memref<4096xf32, #tpu.memory_space<hbm>>
    %dma_wait3A_1068 = arith.constant 8192 : i32
    %dma_wait3A_1069 = tpu.memref_slice %arg4[%select_n3A_1008, %select_n3A_1024, %dma_wait3A_1068] : memref<26x16x16384xf32, #tpu.memory_space<hbm>> -> memref<1x1x4096xf32, #tpu.memory_space<hbm>>
    %dma_wait3A_1070 = tpu.memref_squeeze %dma_wait3A_1069 : memref<1x1x4096xf32, #tpu.memory_space<hbm>> -> memref<4096xf32, #tpu.memory_space<hbm>>
    tpu.wait_dma2 semaphore(%arg10 : memref<!tpu.dma_semaphore, #tpu.memory_space<semaphore_mem>>) src(%arg7 : memref<4096xf32, #tpu.memory_space<vmem>>) dst(%dma_wait3A_1070 : memref<4096xf32, #tpu.memory_space<hbm>>)
    %parallel_loop3A_1071 = arith.constant 0 : i32
    %parallel_loop3A_1072 = arith.constant 4096 : i32
    %parallel_loop3A_1073 = arith.constant 16 : i32
    scf.for %parallel_loop3A_1447 = %parallel_loop3A_1071 to %parallel_loop3A_1072 step %parallel_loop3A_1073  : i32 {
      %parallel_loop3A_1448 = arith.constant 8192 : i32
      %parallel_loop3A_1449 = arith.addi %parallel_loop3A_1448, %parallel_loop3A_1447 : i32
      %parallel_loop3A_1450 = arith.index_cast %parallel_loop3A_1449 : i32 to index
      %parallel_loop3A_1451 = tpu.vector_load %arg5[%parallel_loop3A_1450] {strides = array<i32>} : memref<16384xi32, #tpu.memory_space<vmem>>, vector<16xi32>,
      %parallel_loop3A_1452 = tpu.vector_load_idx %arg6[%parallel_loop3A_1451] : memref<100000xf32, #tpu.memory_space<vmem>>[vector<16xi32>], vector<16xf32>,
      %parallel_loop3A_1453 = arith.index_cast %parallel_loop3A_1447 : i32 to index
      %parallel_loop3A_1454 = tpu.vector_load %arg7[%parallel_loop3A_1453] {strides = array<i32>} : memref<4096xf32, #tpu.memory_space<vmem>>, vector<16xf32>,
      tpu.vector_store %arg7[%parallel_loop3A_1453], %parallel_loop3A_1452 {strides = array<i32>} : memref<4096xf32, #tpu.memory_space<vmem>>, vector<16xf32>,
    } {sc.loop_unroll_factor = 8 : i64, sc.parallel_access}
    %dma_start3A_1074 = arith.constant 8192 : i32
    %dma_start3A_1075 = tpu.memref_slice %arg4[%select_n3A_1008, %select_n3A_1024, %dma_start3A_1074] : memref<26x16x16384xf32, #tpu.memory_space<hbm>> -> memref<1x1x4096xf32, #tpu.memory_space<hbm>>
    %dma_start3A_1076 = tpu.memref_squeeze %dma_start3A_1075 : memref<1x1x4096xf32, #tpu.memory_space<hbm>> -> memref<4096xf32, #tpu.memory_space<hbm>>
    %dma_start3A_1077 = arith.constant 8192 : i32
    %dma_start3A_1078 = tpu.memref_slice %arg4[%select_n3A_1008, %select_n3A_1024, %dma_start3A_1077] : memref<26x16x16384xf32, #tpu.memory_space<hbm>> -> memref<1x1x4096xf32, #tpu.memory_space<hbm>>
    %dma_start3A_1079 = tpu.memref_squeeze %dma_start3A_1078 : memref<1x1x4096xf32, #tpu.memory_space<hbm>> -> memref<4096xf32, #tpu.memory_space<hbm>>
    tpu.enqueue_dma source(%arg7 : memref<4096xf32, #tpu.memory_space<vmem>>) target(%dma_start3A_1079 : memref<4096xf32, #tpu.memory_space<hbm>>) target_semaphore(%arg10 : memref<!tpu.dma_semaphore, #tpu.memory_space<semaphore_mem>>)
    %dma_wait3A_1080 = arith.constant 12288 : i32
    %dma_wait3A_1081 = tpu.memref_slice %arg4[%select_n3A_1008, %select_n3A_1024, %dma_wait3A_1080] : memref<26x16x16384xf32, #tpu.memory_space<hbm>> -> memref<1x1x4096xf32, #tpu.memory_space<hbm>>
    %dma_wait3A_1082 = tpu.memref_squeeze %dma_wait3A_1081 : memref<1x1x4096xf32, #tpu.memory_space<hbm>> -> memref<4096xf32, #tpu.memory_space<hbm>>
    %dma_wait3A_1083 = arith.constant 12288 : i32
    %dma_wait3A_1084 = tpu.memref_slice %arg4[%select_n3A_1008, %select_n3A_1024, %dma_wait3A_1083] : memref<26x16x16384xf32, #tpu.memory_space<hbm>> -> memref<1x1x4096xf32, #tpu.memory_space<hbm>>
    %dma_wait3A_1085 = tpu.memref_squeeze %dma_wait3A_1084 : memref<1x1x4096xf32, #tpu.memory_space<hbm>> -> memref<4096xf32, #tpu.memory_space<hbm>>
    tpu.wait_dma2 semaphore(%arg11 : memref<!tpu.dma_semaphore, #tpu.memory_space<semaphore_mem>>) src(%arg8 : memref<4096xf32, #tpu.memory_space<vmem>>) dst(%dma_wait3A_1085 : memref<4096xf32, #tpu.memory_space<hbm>>)
    %parallel_loop3A_1086 = arith.constant 0 : i32
    %parallel_loop3A_1087 = arith.constant 4096 : i32
    %parallel_loop3A_1088 = arith.constant 16 : i32
    scf.for %parallel_loop3A_1447 = %parallel_loop3A_1086 to %parallel_loop3A_1087 step %parallel_loop3A_1088  : i32 {
      %parallel_loop3A_1448 = arith.constant 12288 : i32
      %parallel_loop3A_1449 = arith.addi %parallel_loop3A_1448, %parallel_loop3A_1447 : i32
      %parallel_loop3A_1450 = arith.index_cast %parallel_loop3A_1449 : i32 to index
      %parallel_loop3A_1451 = tpu.vector_load %arg5[%parallel_loop3A_1450] {strides = array<i32>} : memref<16384xi32, #tpu.memory_space<vmem>>, vector<16xi32>,
      %parallel_loop3A_1452 = tpu.vector_load_idx %arg6[%parallel_loop3A_1451] : memref<100000xf32, #tpu.memory_space<vmem>>[vector<16xi32>], vector<16xf32>,
      %parallel_loop3A_1453 = arith.index_cast %parallel_loop3A_1447 : i32 to index
      %parallel_loop3A_1454 = tpu.vector_load %arg8[%parallel_loop3A_1453] {strides = array<i32>} : memref<4096xf32, #tpu.memory_space<vmem>>, vector<16xf32>,
      tpu.vector_store %arg8[%parallel_loop3A_1453], %parallel_loop3A_1452 {strides = array<i32>} : memref<4096xf32, #tpu.memory_space<vmem>>, vector<16xf32>,
    } {sc.loop_unroll_factor = 8 : i64, sc.parallel_access}
    %dma_start3A_1089 = arith.constant 12288 : i32
    %dma_start3A_1090 = tpu.memref_slice %arg4[%select_n3A_1008, %select_n3A_1024, %dma_start3A_1089] : memref<26x16x16384xf32, #tpu.memory_space<hbm>> -> memref<1x1x4096xf32, #tpu.memory_space<hbm>>
    %dma_start3A_1091 = tpu.memref_squeeze %dma_start3A_1090 : memref<1x1x4096xf32, #tpu.memory_space<hbm>> -> memref<4096xf32, #tpu.memory_space<hbm>>
    %dma_start3A_1092 = arith.constant 12288 : i32
    %dma_start3A_1093 = tpu.memref_slice %arg4[%select_n3A_1008, %select_n3A_1024, %dma_start3A_1092] : memref<26x16x16384xf32, #tpu.memory_space<hbm>> -> memref<1x1x4096xf32, #tpu.memory_space<hbm>>
    %dma_start3A_1094 = tpu.memref_squeeze %dma_start3A_1093 : memref<1x1x4096xf32, #tpu.memory_space<hbm>> -> memref<4096xf32, #tpu.memory_space<hbm>>
    tpu.enqueue_dma source(%arg8 : memref<4096xf32, #tpu.memory_space<vmem>>) target(%dma_start3A_1094 : memref<4096xf32, #tpu.memory_space<hbm>>) target_semaphore(%arg11 : memref<!tpu.dma_semaphore, #tpu.memory_space<semaphore_mem>>)
    %add3A_1095 = arith.constant 10 : i32
    %add3A_1096 = arith.addi %mul3A_2, %add3A_1095 : i32
    %jit3A_1097 = arith.constant 16 : i32
    %div3A_1098 = arith.divsi %add3A_1096, %jit3A_1097 : i32
    %sign3A_1099 = arith.constant 0 : i32
    %sign3A_1100 = arith.cmpi sgt, %add3A_1096, %sign3A_1099 : i32
    %sign3A_1101 = arith.extui %sign3A_1100 : i1 to i32
    %sign3A_1102 = arith.constant 0 : i32
    %sign3A_1103 = arith.cmpi slt, %add3A_1096, %sign3A_1102 : i32
    %sign3A_1104 = arith.extui %sign3A_1103 : i1 to i32
    %sign3A_1105 = arith.subi %sign3A_1101, %sign3A_1104 : i32
    %sign3A_1106 = arith.constant 0 : i32
    %sign3A_1107 = arith.cmpi sgt, %jit3A_1097, %sign3A_1106 : i32
    %sign3A_1108 = arith.extui %sign3A_1107 : i1 to i32
    %sign3A_1109 = arith.constant 0 : i32
    %sign3A_1110 = arith.cmpi slt, %jit3A_1097, %sign3A_1109 : i32
    %sign3A_1111 = arith.extui %sign3A_1110 : i1 to i32
    %sign3A_1112 = arith.subi %sign3A_1108, %sign3A_1111 : i32
    %ne3A_1113 = arith.cmpi ne, %sign3A_1105, %sign3A_1112 : i32
    %rem3A_1114 = arith.remsi %add3A_1096, %jit3A_1097 : i32
    %ne3A_1115 = arith.constant 0 : i32
    %ne3A_1116 = arith.cmpi ne, %rem3A_1114, %ne3A_1115 : i32
    %and3A_1117 = arith.andi %ne3A_1113, %ne3A_1116 : i1
    %sub3A_1118 = arith.constant 1 : i32
    %sub3A_1119 = arith.subi %div3A_1098, %sub3A_1118 : i32
    %select_n3A_1120 = arith.select %and3A_1117, %sub3A_1119, %div3A_1098 : i32
    %jit3A_1121 = arith.constant 16 : i32
    %eq3A_1122 = arith.constant 0 : i32
    %eq3A_1123 = arith.cmpi eq, %jit3A_1121, %eq3A_1122 : i32
    %jit3A_1124 = arith.constant 1 : i32
    %select_n3A_1125 = arith.select %eq3A_1123, %jit3A_1124, %jit3A_1121 : i32
    %rem3A_1126 = arith.remsi %add3A_1096, %select_n3A_1125 : i32
    %ne3A_1127 = arith.constant 0 : i32
    %ne3A_1128 = arith.cmpi ne, %rem3A_1126, %ne3A_1127 : i32
    %lt3A_1129 = arith.constant 0 : i32
    %lt3A_1130 = arith.cmpi slt, %rem3A_1126, %lt3A_1129 : i32
    %lt3A_1131 = arith.constant 0 : i32
    %lt3A_1132 = arith.cmpi slt, %select_n3A_1125, %lt3A_1131 : i32
    %ne3A_1133 = arith.xori %lt3A_1130, %lt3A_1132 : i1
    %and3A_1134 = arith.andi %ne3A_1133, %ne3A_1128 : i1
    %add3A_1135 = arith.addi %rem3A_1126, %select_n3A_1125 : i32
    %select_n3A_1136 = arith.select %and3A_1134, %add3A_1135, %rem3A_1126 : i32
    %eq3A_1137 = arith.constant 0 : i32
    %eq3A_1138 = arith.cmpi eq, %select_n3A_1136, %eq3A_1137 : i32
    %or3A_1139 = arith.constant false
    %or3A_1140 = arith.ori %or3A_1139, %eq3A_1138 : i1
    %convert_element_type3A_1141 = arith.extui %or3A_1140 : i1 to i32
    %cond3A_1142 = arith.constant 0 : i32
    %cond3A_1143 = arith.cmpi ne, %convert_element_type3A_1141, %cond3A_1142 : i32
    scf.if %cond3A_1143 {
      %dma_start3A_1447 = arith.constant 0 : i32
      %dma_start3A_1448 = tpu.memref_slice %arg3[%select_n3A_1120, %dma_start3A_1447] : memref<26x16384xi32, #tpu.memory_space<hbm>> -> memref<1x16384xi32, #tpu.memory_space<hbm>>
      %dma_start3A_1449 = tpu.memref_squeeze %dma_start3A_1448 : memref<1x16384xi32, #tpu.memory_space<hbm>> -> memref<16384xi32, #tpu.memory_space<hbm>>
      %dma_start3A_1450 = arith.constant 0 : i32
      %dma_start3A_1451 = tpu.memref_slice %arg3[%select_n3A_1120, %dma_start3A_1450] : memref<26x16384xi32, #tpu.memory_space<hbm>> -> memref<1x16384xi32, #tpu.memory_space<hbm>>
      %dma_start3A_1452 = tpu.memref_squeeze %dma_start3A_1451 : memref<1x16384xi32, #tpu.memory_space<hbm>> -> memref<16384xi32, #tpu.memory_space<hbm>>
      tpu.enqueue_dma source(%dma_start3A_1452 : memref<16384xi32, #tpu.memory_space<hbm>>) target(%arg5 : memref<16384xi32, #tpu.memory_space<vmem>>) target_semaphore(%arg9 : memref<!tpu.dma_semaphore, #tpu.memory_space<semaphore_mem>>)
    } else {
    }
    "tpu.region"() ({
      %run_scoped3A = tpu.sem_alloc : memref<!tpu.dma_semaphore, #tpu.memory_space<semaphore_mem>>
      %dma_start3A_1447 = arith.constant 0 : i32
      %dma_start3A_1448 = tpu.memref_slice %arg2[%select_n3A_1120, %select_n3A_1136, %dma_start3A_1447] : memref<26x16x100000xf32, #tpu.memory_space<hbm>> -> memref<1x1x100000xf32, #tpu.memory_space<hbm>>
      %dma_start3A_1449 = tpu.memref_squeeze %dma_start3A_1448 : memref<1x1x100000xf32, #tpu.memory_space<hbm>> -> memref<100000xf32, #tpu.memory_space<hbm>>
      %dma_start3A_1450 = arith.constant 0 : i32
      %dma_start3A_1451 = tpu.memref_slice %arg2[%select_n3A_1120, %select_n3A_1136, %dma_start3A_1450] : memref<26x16x100000xf32, #tpu.memory_space<hbm>> -> memref<1x1x100000xf32, #tpu.memory_space<hbm>>
      %dma_start3A_1452 = tpu.memref_squeeze %dma_start3A_1451 : memref<1x1x100000xf32, #tpu.memory_space<hbm>> -> memref<100000xf32, #tpu.memory_space<hbm>>
      tpu.enqueue_dma source(%dma_start3A_1452 : memref<100000xf32, #tpu.memory_space<hbm>>) target(%arg6 : memref<100000xf32, #tpu.memory_space<vmem>>) target_semaphore(%run_scoped3A : memref<!tpu.dma_semaphore, #tpu.memory_space<semaphore_mem>>)
      %dma_wait3A_1453 = arith.constant 0 : i32
      %dma_wait3A_1454 = tpu.memref_slice %arg2[%select_n3A_1120, %select_n3A_1136, %dma_wait3A_1453] : memref<26x16x100000xf32, #tpu.memory_space<hbm>> -> memref<1x1x100000xf32, #tpu.memory_space<hbm>>
      %dma_wait3A_1455 = tpu.memref_squeeze %dma_wait3A_1454 : memref<1x1x100000xf32, #tpu.memory_space<hbm>> -> memref<100000xf32, #tpu.memory_space<hbm>>
      %dma_wait3A_1456 = arith.constant 0 : i32
      %dma_wait3A_1457 = tpu.memref_slice %arg2[%select_n3A_1120, %select_n3A_1136, %dma_wait3A_1456] : memref<26x16x100000xf32, #tpu.memory_space<hbm>> -> memref<1x1x100000xf32, #tpu.memory_space<hbm>>
      %dma_wait3A_1458 = tpu.memref_squeeze %dma_wait3A_1457 : memref<1x1x100000xf32, #tpu.memory_space<hbm>> -> memref<100000xf32, #tpu.memory_space<hbm>>
      tpu.wait_dma2 semaphore(%run_scoped3A : memref<!tpu.dma_semaphore, #tpu.memory_space<semaphore_mem>>) src(%dma_wait3A_1458 : memref<100000xf32, #tpu.memory_space<hbm>>) dst(%arg6 : memref<100000xf32, #tpu.memory_space<vmem>>)
      tpu.yield
    }) : () -> ()
    %convert_element_type3A_1144 = arith.extui %or3A_1140 : i1 to i32
    %cond3A_1145 = arith.constant 0 : i32
    %cond3A_1146 = arith.cmpi ne, %convert_element_type3A_1144, %cond3A_1145 : i32
    scf.if %cond3A_1146 {
      %dma_wait3A_1447 = arith.constant 0 : i32
      %dma_wait3A_1448 = tpu.memref_slice %arg3[%select_n3A_1120, %dma_wait3A_1447] : memref<26x16384xi32, #tpu.memory_space<hbm>> -> memref<1x16384xi32, #tpu.memory_space<hbm>>
      %dma_wait3A_1449 = tpu.memref_squeeze %dma_wait3A_1448 : memref<1x16384xi32, #tpu.memory_space<hbm>> -> memref<16384xi32, #tpu.memory_space<hbm>>
      %dma_wait3A_1450 = arith.constant 0 : i32
      %dma_wait3A_1451 = tpu.memref_slice %arg3[%select_n3A_1120, %dma_wait3A_1450] : memref<26x16384xi32, #tpu.memory_space<hbm>> -> memref<1x16384xi32, #tpu.memory_space<hbm>>
      %dma_wait3A_1452 = tpu.memref_squeeze %dma_wait3A_1451 : memref<1x16384xi32, #tpu.memory_space<hbm>> -> memref<16384xi32, #tpu.memory_space<hbm>>
      tpu.wait_dma2 semaphore(%arg9 : memref<!tpu.dma_semaphore, #tpu.memory_space<semaphore_mem>>) src(%dma_wait3A_1452 : memref<16384xi32, #tpu.memory_space<hbm>>) dst(%arg5 : memref<16384xi32, #tpu.memory_space<vmem>>)
    } else {
    }
    %dma_wait3A_1147 = arith.constant 0 : i32
    %dma_wait3A_1148 = tpu.memref_slice %arg4[%select_n3A_1120, %select_n3A_1136, %dma_wait3A_1147] : memref<26x16x16384xf32, #tpu.memory_space<hbm>> -> memref<1x1x4096xf32, #tpu.memory_space<hbm>>
    %dma_wait3A_1149 = tpu.memref_squeeze %dma_wait3A_1148 : memref<1x1x4096xf32, #tpu.memory_space<hbm>> -> memref<4096xf32, #tpu.memory_space<hbm>>
    %dma_wait3A_1150 = arith.constant 0 : i32
    %dma_wait3A_1151 = tpu.memref_slice %arg4[%select_n3A_1120, %select_n3A_1136, %dma_wait3A_1150] : memref<26x16x16384xf32, #tpu.memory_space<hbm>> -> memref<1x1x4096xf32, #tpu.memory_space<hbm>>
    %dma_wait3A_1152 = tpu.memref_squeeze %dma_wait3A_1151 : memref<1x1x4096xf32, #tpu.memory_space<hbm>> -> memref<4096xf32, #tpu.memory_space<hbm>>
    tpu.wait_dma2 semaphore(%arg10 : memref<!tpu.dma_semaphore, #tpu.memory_space<semaphore_mem>>) src(%arg7 : memref<4096xf32, #tpu.memory_space<vmem>>) dst(%dma_wait3A_1152 : memref<4096xf32, #tpu.memory_space<hbm>>)
    %parallel_loop3A_1153 = arith.constant 0 : i32
    %parallel_loop3A_1154 = arith.constant 4096 : i32
    %parallel_loop3A_1155 = arith.constant 16 : i32
    scf.for %parallel_loop3A_1447 = %parallel_loop3A_1153 to %parallel_loop3A_1154 step %parallel_loop3A_1155  : i32 {
      %parallel_loop3A_1448 = arith.constant 0 : i32
      %parallel_loop3A_1449 = arith.addi %parallel_loop3A_1448, %parallel_loop3A_1447 : i32
      %parallel_loop3A_1450 = arith.index_cast %parallel_loop3A_1449 : i32 to index
      %parallel_loop3A_1451 = tpu.vector_load %arg5[%parallel_loop3A_1450] {strides = array<i32>} : memref<16384xi32, #tpu.memory_space<vmem>>, vector<16xi32>,
      %parallel_loop3A_1452 = tpu.vector_load_idx %arg6[%parallel_loop3A_1451] : memref<100000xf32, #tpu.memory_space<vmem>>[vector<16xi32>], vector<16xf32>,
      %parallel_loop3A_1453 = arith.index_cast %parallel_loop3A_1447 : i32 to index
      %parallel_loop3A_1454 = tpu.vector_load %arg7[%parallel_loop3A_1453] {strides = array<i32>} : memref<4096xf32, #tpu.memory_space<vmem>>, vector<16xf32>,
      tpu.vector_store %arg7[%parallel_loop3A_1453], %parallel_loop3A_1452 {strides = array<i32>} : memref<4096xf32, #tpu.memory_space<vmem>>, vector<16xf32>,
    } {sc.loop_unroll_factor = 8 : i64, sc.parallel_access}
    %dma_start3A_1156 = arith.constant 0 : i32
    %dma_start3A_1157 = tpu.memref_slice %arg4[%select_n3A_1120, %select_n3A_1136, %dma_start3A_1156] : memref<26x16x16384xf32, #tpu.memory_space<hbm>> -> memref<1x1x4096xf32, #tpu.memory_space<hbm>>
    %dma_start3A_1158 = tpu.memref_squeeze %dma_start3A_1157 : memref<1x1x4096xf32, #tpu.memory_space<hbm>> -> memref<4096xf32, #tpu.memory_space<hbm>>
    %dma_start3A_1159 = arith.constant 0 : i32
    %dma_start3A_1160 = tpu.memref_slice %arg4[%select_n3A_1120, %select_n3A_1136, %dma_start3A_1159] : memref<26x16x16384xf32, #tpu.memory_space<hbm>> -> memref<1x1x4096xf32, #tpu.memory_space<hbm>>
    %dma_start3A_1161 = tpu.memref_squeeze %dma_start3A_1160 : memref<1x1x4096xf32, #tpu.memory_space<hbm>> -> memref<4096xf32, #tpu.memory_space<hbm>>
    tpu.enqueue_dma source(%arg7 : memref<4096xf32, #tpu.memory_space<vmem>>) target(%dma_start3A_1161 : memref<4096xf32, #tpu.memory_space<hbm>>) target_semaphore(%arg10 : memref<!tpu.dma_semaphore, #tpu.memory_space<semaphore_mem>>)
    %dma_wait3A_1162 = arith.constant 4096 : i32
    %dma_wait3A_1163 = tpu.memref_slice %arg4[%select_n3A_1120, %select_n3A_1136, %dma_wait3A_1162] : memref<26x16x16384xf32, #tpu.memory_space<hbm>> -> memref<1x1x4096xf32, #tpu.memory_space<hbm>>
    %dma_wait3A_1164 = tpu.memref_squeeze %dma_wait3A_1163 : memref<1x1x4096xf32, #tpu.memory_space<hbm>> -> memref<4096xf32, #tpu.memory_space<hbm>>
    %dma_wait3A_1165 = arith.constant 4096 : i32
    %dma_wait3A_1166 = tpu.memref_slice %arg4[%select_n3A_1120, %select_n3A_1136, %dma_wait3A_1165] : memref<26x16x16384xf32, #tpu.memory_space<hbm>> -> memref<1x1x4096xf32, #tpu.memory_space<hbm>>
    %dma_wait3A_1167 = tpu.memref_squeeze %dma_wait3A_1166 : memref<1x1x4096xf32, #tpu.memory_space<hbm>> -> memref<4096xf32, #tpu.memory_space<hbm>>
    tpu.wait_dma2 semaphore(%arg11 : memref<!tpu.dma_semaphore, #tpu.memory_space<semaphore_mem>>) src(%arg8 : memref<4096xf32, #tpu.memory_space<vmem>>) dst(%dma_wait3A_1167 : memref<4096xf32, #tpu.memory_space<hbm>>)
    %parallel_loop3A_1168 = arith.constant 0 : i32
    %parallel_loop3A_1169 = arith.constant 4096 : i32
    %parallel_loop3A_1170 = arith.constant 16 : i32
    scf.for %parallel_loop3A_1447 = %parallel_loop3A_1168 to %parallel_loop3A_1169 step %parallel_loop3A_1170  : i32 {
      %parallel_loop3A_1448 = arith.constant 4096 : i32
      %parallel_loop3A_1449 = arith.addi %parallel_loop3A_1448, %parallel_loop3A_1447 : i32
      %parallel_loop3A_1450 = arith.index_cast %parallel_loop3A_1449 : i32 to index
      %parallel_loop3A_1451 = tpu.vector_load %arg5[%parallel_loop3A_1450] {strides = array<i32>} : memref<16384xi32, #tpu.memory_space<vmem>>, vector<16xi32>,
      %parallel_loop3A_1452 = tpu.vector_load_idx %arg6[%parallel_loop3A_1451] : memref<100000xf32, #tpu.memory_space<vmem>>[vector<16xi32>], vector<16xf32>,
      %parallel_loop3A_1453 = arith.index_cast %parallel_loop3A_1447 : i32 to index
      %parallel_loop3A_1454 = tpu.vector_load %arg8[%parallel_loop3A_1453] {strides = array<i32>} : memref<4096xf32, #tpu.memory_space<vmem>>, vector<16xf32>,
      tpu.vector_store %arg8[%parallel_loop3A_1453], %parallel_loop3A_1452 {strides = array<i32>} : memref<4096xf32, #tpu.memory_space<vmem>>, vector<16xf32>,
    } {sc.loop_unroll_factor = 8 : i64, sc.parallel_access}
    %dma_start3A_1171 = arith.constant 4096 : i32
    %dma_start3A_1172 = tpu.memref_slice %arg4[%select_n3A_1120, %select_n3A_1136, %dma_start3A_1171] : memref<26x16x16384xf32, #tpu.memory_space<hbm>> -> memref<1x1x4096xf32, #tpu.memory_space<hbm>>
    %dma_start3A_1173 = tpu.memref_squeeze %dma_start3A_1172 : memref<1x1x4096xf32, #tpu.memory_space<hbm>> -> memref<4096xf32, #tpu.memory_space<hbm>>
    %dma_start3A_1174 = arith.constant 4096 : i32
    %dma_start3A_1175 = tpu.memref_slice %arg4[%select_n3A_1120, %select_n3A_1136, %dma_start3A_1174] : memref<26x16x16384xf32, #tpu.memory_space<hbm>> -> memref<1x1x4096xf32, #tpu.memory_space<hbm>>
    %dma_start3A_1176 = tpu.memref_squeeze %dma_start3A_1175 : memref<1x1x4096xf32, #tpu.memory_space<hbm>> -> memref<4096xf32, #tpu.memory_space<hbm>>
    tpu.enqueue_dma source(%arg8 : memref<4096xf32, #tpu.memory_space<vmem>>) target(%dma_start3A_1176 : memref<4096xf32, #tpu.memory_space<hbm>>) target_semaphore(%arg11 : memref<!tpu.dma_semaphore, #tpu.memory_space<semaphore_mem>>)
    %dma_wait3A_1177 = arith.constant 8192 : i32
    %dma_wait3A_1178 = tpu.memref_slice %arg4[%select_n3A_1120, %select_n3A_1136, %dma_wait3A_1177] : memref<26x16x16384xf32, #tpu.memory_space<hbm>> -> memref<1x1x4096xf32, #tpu.memory_space<hbm>>
    %dma_wait3A_1179 = tpu.memref_squeeze %dma_wait3A_1178 : memref<1x1x4096xf32, #tpu.memory_space<hbm>> -> memref<4096xf32, #tpu.memory_space<hbm>>
    %dma_wait3A_1180 = arith.constant 8192 : i32
    %dma_wait3A_1181 = tpu.memref_slice %arg4[%select_n3A_1120, %select_n3A_1136, %dma_wait3A_1180] : memref<26x16x16384xf32, #tpu.memory_space<hbm>> -> memref<1x1x4096xf32, #tpu.memory_space<hbm>>
    %dma_wait3A_1182 = tpu.memref_squeeze %dma_wait3A_1181 : memref<1x1x4096xf32, #tpu.memory_space<hbm>> -> memref<4096xf32, #tpu.memory_space<hbm>>
    tpu.wait_dma2 semaphore(%arg10 : memref<!tpu.dma_semaphore, #tpu.memory_space<semaphore_mem>>) src(%arg7 : memref<4096xf32, #tpu.memory_space<vmem>>) dst(%dma_wait3A_1182 : memref<4096xf32, #tpu.memory_space<hbm>>)
    %parallel_loop3A_1183 = arith.constant 0 : i32
    %parallel_loop3A_1184 = arith.constant 4096 : i32
    %parallel_loop3A_1185 = arith.constant 16 : i32
    scf.for %parallel_loop3A_1447 = %parallel_loop3A_1183 to %parallel_loop3A_1184 step %parallel_loop3A_1185  : i32 {
      %parallel_loop3A_1448 = arith.constant 8192 : i32
      %parallel_loop3A_1449 = arith.addi %parallel_loop3A_1448, %parallel_loop3A_1447 : i32
      %parallel_loop3A_1450 = arith.index_cast %parallel_loop3A_1449 : i32 to index
      %parallel_loop3A_1451 = tpu.vector_load %arg5[%parallel_loop3A_1450] {strides = array<i32>} : memref<16384xi32, #tpu.memory_space<vmem>>, vector<16xi32>,
      %parallel_loop3A_1452 = tpu.vector_load_idx %arg6[%parallel_loop3A_1451] : memref<100000xf32, #tpu.memory_space<vmem>>[vector<16xi32>], vector<16xf32>,
      %parallel_loop3A_1453 = arith.index_cast %parallel_loop3A_1447 : i32 to index
      %parallel_loop3A_1454 = tpu.vector_load %arg7[%parallel_loop3A_1453] {strides = array<i32>} : memref<4096xf32, #tpu.memory_space<vmem>>, vector<16xf32>,
      tpu.vector_store %arg7[%parallel_loop3A_1453], %parallel_loop3A_1452 {strides = array<i32>} : memref<4096xf32, #tpu.memory_space<vmem>>, vector<16xf32>,
    } {sc.loop_unroll_factor = 8 : i64, sc.parallel_access}
    %dma_start3A_1186 = arith.constant 8192 : i32
    %dma_start3A_1187 = tpu.memref_slice %arg4[%select_n3A_1120, %select_n3A_1136, %dma_start3A_1186] : memref<26x16x16384xf32, #tpu.memory_space<hbm>> -> memref<1x1x4096xf32, #tpu.memory_space<hbm>>
    %dma_start3A_1188 = tpu.memref_squeeze %dma_start3A_1187 : memref<1x1x4096xf32, #tpu.memory_space<hbm>> -> memref<4096xf32, #tpu.memory_space<hbm>>
    %dma_start3A_1189 = arith.constant 8192 : i32
    %dma_start3A_1190 = tpu.memref_slice %arg4[%select_n3A_1120, %select_n3A_1136, %dma_start3A_1189] : memref<26x16x16384xf32, #tpu.memory_space<hbm>> -> memref<1x1x4096xf32, #tpu.memory_space<hbm>>
    %dma_start3A_1191 = tpu.memref_squeeze %dma_start3A_1190 : memref<1x1x4096xf32, #tpu.memory_space<hbm>> -> memref<4096xf32, #tpu.memory_space<hbm>>
    tpu.enqueue_dma source(%arg7 : memref<4096xf32, #tpu.memory_space<vmem>>) target(%dma_start3A_1191 : memref<4096xf32, #tpu.memory_space<hbm>>) target_semaphore(%arg10 : memref<!tpu.dma_semaphore, #tpu.memory_space<semaphore_mem>>)
    %dma_wait3A_1192 = arith.constant 12288 : i32
    %dma_wait3A_1193 = tpu.memref_slice %arg4[%select_n3A_1120, %select_n3A_1136, %dma_wait3A_1192] : memref<26x16x16384xf32, #tpu.memory_space<hbm>> -> memref<1x1x4096xf32, #tpu.memory_space<hbm>>
    %dma_wait3A_1194 = tpu.memref_squeeze %dma_wait3A_1193 : memref<1x1x4096xf32, #tpu.memory_space<hbm>> -> memref<4096xf32, #tpu.memory_space<hbm>>
    %dma_wait3A_1195 = arith.constant 12288 : i32
    %dma_wait3A_1196 = tpu.memref_slice %arg4[%select_n3A_1120, %select_n3A_1136, %dma_wait3A_1195] : memref<26x16x16384xf32, #tpu.memory_space<hbm>> -> memref<1x1x4096xf32, #tpu.memory_space<hbm>>
    %dma_wait3A_1197 = tpu.memref_squeeze %dma_wait3A_1196 : memref<1x1x4096xf32, #tpu.memory_space<hbm>> -> memref<4096xf32, #tpu.memory_space<hbm>>
    tpu.wait_dma2 semaphore(%arg11 : memref<!tpu.dma_semaphore, #tpu.memory_space<semaphore_mem>>) src(%arg8 : memref<4096xf32, #tpu.memory_space<vmem>>) dst(%dma_wait3A_1197 : memref<4096xf32, #tpu.memory_space<hbm>>)
    %parallel_loop3A_1198 = arith.constant 0 : i32
    %parallel_loop3A_1199 = arith.constant 4096 : i32
    %parallel_loop3A_1200 = arith.constant 16 : i32
    scf.for %parallel_loop3A_1447 = %parallel_loop3A_1198 to %parallel_loop3A_1199 step %parallel_loop3A_1200  : i32 {
      %parallel_loop3A_1448 = arith.constant 12288 : i32
      %parallel_loop3A_1449 = arith.addi %parallel_loop3A_1448, %parallel_loop3A_1447 : i32
      %parallel_loop3A_1450 = arith.index_cast %parallel_loop3A_1449 : i32 to index
      %parallel_loop3A_1451 = tpu.vector_load %arg5[%parallel_loop3A_1450] {strides = array<i32>} : memref<16384xi32, #tpu.memory_space<vmem>>, vector<16xi32>,
      %parallel_loop3A_1452 = tpu.vector_load_idx %arg6[%parallel_loop3A_1451] : memref<100000xf32, #tpu.memory_space<vmem>>[vector<16xi32>], vector<16xf32>,
      %parallel_loop3A_1453 = arith.index_cast %parallel_loop3A_1447 : i32 to index
      %parallel_loop3A_1454 = tpu.vector_load %arg8[%parallel_loop3A_1453] {strides = array<i32>} : memref<4096xf32, #tpu.memory_space<vmem>>, vector<16xf32>,
      tpu.vector_store %arg8[%parallel_loop3A_1453], %parallel_loop3A_1452 {strides = array<i32>} : memref<4096xf32, #tpu.memory_space<vmem>>, vector<16xf32>,
    } {sc.loop_unroll_factor = 8 : i64, sc.parallel_access}
    %dma_start3A_1201 = arith.constant 12288 : i32
    %dma_start3A_1202 = tpu.memref_slice %arg4[%select_n3A_1120, %select_n3A_1136, %dma_start3A_1201] : memref<26x16x16384xf32, #tpu.memory_space<hbm>> -> memref<1x1x4096xf32, #tpu.memory_space<hbm>>
    %dma_start3A_1203 = tpu.memref_squeeze %dma_start3A_1202 : memref<1x1x4096xf32, #tpu.memory_space<hbm>> -> memref<4096xf32, #tpu.memory_space<hbm>>
    %dma_start3A_1204 = arith.constant 12288 : i32
    %dma_start3A_1205 = tpu.memref_slice %arg4[%select_n3A_1120, %select_n3A_1136, %dma_start3A_1204] : memref<26x16x16384xf32, #tpu.memory_space<hbm>> -> memref<1x1x4096xf32, #tpu.memory_space<hbm>>
    %dma_start3A_1206 = tpu.memref_squeeze %dma_start3A_1205 : memref<1x1x4096xf32, #tpu.memory_space<hbm>> -> memref<4096xf32, #tpu.memory_space<hbm>>
    tpu.enqueue_dma source(%arg8 : memref<4096xf32, #tpu.memory_space<vmem>>) target(%dma_start3A_1206 : memref<4096xf32, #tpu.memory_space<hbm>>) target_semaphore(%arg11 : memref<!tpu.dma_semaphore, #tpu.memory_space<semaphore_mem>>)
    %add3A_1207 = arith.constant 11 : i32
    %add3A_1208 = arith.addi %mul3A_2, %add3A_1207 : i32
    %jit3A_1209 = arith.constant 16 : i32
    %div3A_1210 = arith.divsi %add3A_1208, %jit3A_1209 : i32
    %sign3A_1211 = arith.constant 0 : i32
    %sign3A_1212 = arith.cmpi sgt, %add3A_1208, %sign3A_1211 : i32
    %sign3A_1213 = arith.extui %sign3A_1212 : i1 to i32
    %sign3A_1214 = arith.constant 0 : i32
    %sign3A_1215 = arith.cmpi slt, %add3A_1208, %sign3A_1214 : i32
    %sign3A_1216 = arith.extui %sign3A_1215 : i1 to i32
    %sign3A_1217 = arith.subi %sign3A_1213, %sign3A_1216 : i32
    %sign3A_1218 = arith.constant 0 : i32
    %sign3A_1219 = arith.cmpi sgt, %jit3A_1209, %sign3A_1218 : i32
    %sign3A_1220 = arith.extui %sign3A_1219 : i1 to i32
    %sign3A_1221 = arith.constant 0 : i32
    %sign3A_1222 = arith.cmpi slt, %jit3A_1209, %sign3A_1221 : i32
    %sign3A_1223 = arith.extui %sign3A_1222 : i1 to i32
    %sign3A_1224 = arith.subi %sign3A_1220, %sign3A_1223 : i32
    %ne3A_1225 = arith.cmpi ne, %sign3A_1217, %sign3A_1224 : i32
    %rem3A_1226 = arith.remsi %add3A_1208, %jit3A_1209 : i32
    %ne3A_1227 = arith.constant 0 : i32
    %ne3A_1228 = arith.cmpi ne, %rem3A_1226, %ne3A_1227 : i32
    %and3A_1229 = arith.andi %ne3A_1225, %ne3A_1228 : i1
    %sub3A_1230 = arith.constant 1 : i32
    %sub3A_1231 = arith.subi %div3A_1210, %sub3A_1230 : i32
    %select_n3A_1232 = arith.select %and3A_1229, %sub3A_1231, %div3A_1210 : i32
    %jit3A_1233 = arith.constant 16 : i32
    %eq3A_1234 = arith.constant 0 : i32
    %eq3A_1235 = arith.cmpi eq, %jit3A_1233, %eq3A_1234 : i32
    %jit3A_1236 = arith.constant 1 : i32
    %select_n3A_1237 = arith.select %eq3A_1235, %jit3A_1236, %jit3A_1233 : i32
    %rem3A_1238 = arith.remsi %add3A_1208, %select_n3A_1237 : i32
    %ne3A_1239 = arith.constant 0 : i32
    %ne3A_1240 = arith.cmpi ne, %rem3A_1238, %ne3A_1239 : i32
    %lt3A_1241 = arith.constant 0 : i32
    %lt3A_1242 = arith.cmpi slt, %rem3A_1238, %lt3A_1241 : i32
    %lt3A_1243 = arith.constant 0 : i32
    %lt3A_1244 = arith.cmpi slt, %select_n3A_1237, %lt3A_1243 : i32
    %ne3A_1245 = arith.xori %lt3A_1242, %lt3A_1244 : i1
    %and3A_1246 = arith.andi %ne3A_1245, %ne3A_1240 : i1
    %add3A_1247 = arith.addi %rem3A_1238, %select_n3A_1237 : i32
    %select_n3A_1248 = arith.select %and3A_1246, %add3A_1247, %rem3A_1238 : i32
    %eq3A_1249 = arith.constant 0 : i32
    %eq3A_1250 = arith.cmpi eq, %select_n3A_1248, %eq3A_1249 : i32
    %or3A_1251 = arith.constant false
    %or3A_1252 = arith.ori %or3A_1251, %eq3A_1250 : i1
    %convert_element_type3A_1253 = arith.extui %or3A_1252 : i1 to i32
    %cond3A_1254 = arith.constant 0 : i32
    %cond3A_1255 = arith.cmpi ne, %convert_element_type3A_1253, %cond3A_1254 : i32
    scf.if %cond3A_1255 {
      %dma_start3A_1447 = arith.constant 0 : i32
      %dma_start3A_1448 = tpu.memref_slice %arg3[%select_n3A_1232, %dma_start3A_1447] : memref<26x16384xi32, #tpu.memory_space<hbm>> -> memref<1x16384xi32, #tpu.memory_space<hbm>>
      %dma_start3A_1449 = tpu.memref_squeeze %dma_start3A_1448 : memref<1x16384xi32, #tpu.memory_space<hbm>> -> memref<16384xi32, #tpu.memory_space<hbm>>
      %dma_start3A_1450 = arith.constant 0 : i32
      %dma_start3A_1451 = tpu.memref_slice %arg3[%select_n3A_1232, %dma_start3A_1450] : memref<26x16384xi32, #tpu.memory_space<hbm>> -> memref<1x16384xi32, #tpu.memory_space<hbm>>
      %dma_start3A_1452 = tpu.memref_squeeze %dma_start3A_1451 : memref<1x16384xi32, #tpu.memory_space<hbm>> -> memref<16384xi32, #tpu.memory_space<hbm>>
      tpu.enqueue_dma source(%dma_start3A_1452 : memref<16384xi32, #tpu.memory_space<hbm>>) target(%arg5 : memref<16384xi32, #tpu.memory_space<vmem>>) target_semaphore(%arg9 : memref<!tpu.dma_semaphore, #tpu.memory_space<semaphore_mem>>)
    } else {
    }
    "tpu.region"() ({
      %run_scoped3A = tpu.sem_alloc : memref<!tpu.dma_semaphore, #tpu.memory_space<semaphore_mem>>
      %dma_start3A_1447 = arith.constant 0 : i32
      %dma_start3A_1448 = tpu.memref_slice %arg2[%select_n3A_1232, %select_n3A_1248, %dma_start3A_1447] : memref<26x16x100000xf32, #tpu.memory_space<hbm>> -> memref<1x1x100000xf32, #tpu.memory_space<hbm>>
      %dma_start3A_1449 = tpu.memref_squeeze %dma_start3A_1448 : memref<1x1x100000xf32, #tpu.memory_space<hbm>> -> memref<100000xf32, #tpu.memory_space<hbm>>
      %dma_start3A_1450 = arith.constant 0 : i32
      %dma_start3A_1451 = tpu.memref_slice %arg2[%select_n3A_1232, %select_n3A_1248, %dma_start3A_1450] : memref<26x16x100000xf32, #tpu.memory_space<hbm>> -> memref<1x1x100000xf32, #tpu.memory_space<hbm>>
      %dma_start3A_1452 = tpu.memref_squeeze %dma_start3A_1451 : memref<1x1x100000xf32, #tpu.memory_space<hbm>> -> memref<100000xf32, #tpu.memory_space<hbm>>
      tpu.enqueue_dma source(%dma_start3A_1452 : memref<100000xf32, #tpu.memory_space<hbm>>) target(%arg6 : memref<100000xf32, #tpu.memory_space<vmem>>) target_semaphore(%run_scoped3A : memref<!tpu.dma_semaphore, #tpu.memory_space<semaphore_mem>>)
      %dma_wait3A_1453 = arith.constant 0 : i32
      %dma_wait3A_1454 = tpu.memref_slice %arg2[%select_n3A_1232, %select_n3A_1248, %dma_wait3A_1453] : memref<26x16x100000xf32, #tpu.memory_space<hbm>> -> memref<1x1x100000xf32, #tpu.memory_space<hbm>>
      %dma_wait3A_1455 = tpu.memref_squeeze %dma_wait3A_1454 : memref<1x1x100000xf32, #tpu.memory_space<hbm>> -> memref<100000xf32, #tpu.memory_space<hbm>>
      %dma_wait3A_1456 = arith.constant 0 : i32
      %dma_wait3A_1457 = tpu.memref_slice %arg2[%select_n3A_1232, %select_n3A_1248, %dma_wait3A_1456] : memref<26x16x100000xf32, #tpu.memory_space<hbm>> -> memref<1x1x100000xf32, #tpu.memory_space<hbm>>
      %dma_wait3A_1458 = tpu.memref_squeeze %dma_wait3A_1457 : memref<1x1x100000xf32, #tpu.memory_space<hbm>> -> memref<100000xf32, #tpu.memory_space<hbm>>
      tpu.wait_dma2 semaphore(%run_scoped3A : memref<!tpu.dma_semaphore, #tpu.memory_space<semaphore_mem>>) src(%dma_wait3A_1458 : memref<100000xf32, #tpu.memory_space<hbm>>) dst(%arg6 : memref<100000xf32, #tpu.memory_space<vmem>>)
      tpu.yield
    }) : () -> ()
    %convert_element_type3A_1256 = arith.extui %or3A_1252 : i1 to i32
    %cond3A_1257 = arith.constant 0 : i32
    %cond3A_1258 = arith.cmpi ne, %convert_element_type3A_1256, %cond3A_1257 : i32
    scf.if %cond3A_1258 {
      %dma_wait3A_1447 = arith.constant 0 : i32
      %dma_wait3A_1448 = tpu.memref_slice %arg3[%select_n3A_1232, %dma_wait3A_1447] : memref<26x16384xi32, #tpu.memory_space<hbm>> -> memref<1x16384xi32, #tpu.memory_space<hbm>>
      %dma_wait3A_1449 = tpu.memref_squeeze %dma_wait3A_1448 : memref<1x16384xi32, #tpu.memory_space<hbm>> -> memref<16384xi32, #tpu.memory_space<hbm>>
      %dma_wait3A_1450 = arith.constant 0 : i32
      %dma_wait3A_1451 = tpu.memref_slice %arg3[%select_n3A_1232, %dma_wait3A_1450] : memref<26x16384xi32, #tpu.memory_space<hbm>> -> memref<1x16384xi32, #tpu.memory_space<hbm>>
      %dma_wait3A_1452 = tpu.memref_squeeze %dma_wait3A_1451 : memref<1x16384xi32, #tpu.memory_space<hbm>> -> memref<16384xi32, #tpu.memory_space<hbm>>
      tpu.wait_dma2 semaphore(%arg9 : memref<!tpu.dma_semaphore, #tpu.memory_space<semaphore_mem>>) src(%dma_wait3A_1452 : memref<16384xi32, #tpu.memory_space<hbm>>) dst(%arg5 : memref<16384xi32, #tpu.memory_space<vmem>>)
    } else {
    }
    %dma_wait3A_1259 = arith.constant 0 : i32
    %dma_wait3A_1260 = tpu.memref_slice %arg4[%select_n3A_1232, %select_n3A_1248, %dma_wait3A_1259] : memref<26x16x16384xf32, #tpu.memory_space<hbm>> -> memref<1x1x4096xf32, #tpu.memory_space<hbm>>
    %dma_wait3A_1261 = tpu.memref_squeeze %dma_wait3A_1260 : memref<1x1x4096xf32, #tpu.memory_space<hbm>> -> memref<4096xf32, #tpu.memory_space<hbm>>
    %dma_wait3A_1262 = arith.constant 0 : i32
    %dma_wait3A_1263 = tpu.memref_slice %arg4[%select_n3A_1232, %select_n3A_1248, %dma_wait3A_1262] : memref<26x16x16384xf32, #tpu.memory_space<hbm>> -> memref<1x1x4096xf32, #tpu.memory_space<hbm>>
    %dma_wait3A_1264 = tpu.memref_squeeze %dma_wait3A_1263 : memref<1x1x4096xf32, #tpu.memory_space<hbm>> -> memref<4096xf32, #tpu.memory_space<hbm>>
    tpu.wait_dma2 semaphore(%arg10 : memref<!tpu.dma_semaphore, #tpu.memory_space<semaphore_mem>>) src(%arg7 : memref<4096xf32, #tpu.memory_space<vmem>>) dst(%dma_wait3A_1264 : memref<4096xf32, #tpu.memory_space<hbm>>)
    %parallel_loop3A_1265 = arith.constant 0 : i32
    %parallel_loop3A_1266 = arith.constant 4096 : i32
    %parallel_loop3A_1267 = arith.constant 16 : i32
    scf.for %parallel_loop3A_1447 = %parallel_loop3A_1265 to %parallel_loop3A_1266 step %parallel_loop3A_1267  : i32 {
      %parallel_loop3A_1448 = arith.constant 0 : i32
      %parallel_loop3A_1449 = arith.addi %parallel_loop3A_1448, %parallel_loop3A_1447 : i32
      %parallel_loop3A_1450 = arith.index_cast %parallel_loop3A_1449 : i32 to index
      %parallel_loop3A_1451 = tpu.vector_load %arg5[%parallel_loop3A_1450] {strides = array<i32>} : memref<16384xi32, #tpu.memory_space<vmem>>, vector<16xi32>,
      %parallel_loop3A_1452 = tpu.vector_load_idx %arg6[%parallel_loop3A_1451] : memref<100000xf32, #tpu.memory_space<vmem>>[vector<16xi32>], vector<16xf32>,
      %parallel_loop3A_1453 = arith.index_cast %parallel_loop3A_1447 : i32 to index
      %parallel_loop3A_1454 = tpu.vector_load %arg7[%parallel_loop3A_1453] {strides = array<i32>} : memref<4096xf32, #tpu.memory_space<vmem>>, vector<16xf32>,
      tpu.vector_store %arg7[%parallel_loop3A_1453], %parallel_loop3A_1452 {strides = array<i32>} : memref<4096xf32, #tpu.memory_space<vmem>>, vector<16xf32>,
    } {sc.loop_unroll_factor = 8 : i64, sc.parallel_access}
    %dma_start3A_1268 = arith.constant 0 : i32
    %dma_start3A_1269 = tpu.memref_slice %arg4[%select_n3A_1232, %select_n3A_1248, %dma_start3A_1268] : memref<26x16x16384xf32, #tpu.memory_space<hbm>> -> memref<1x1x4096xf32, #tpu.memory_space<hbm>>
    %dma_start3A_1270 = tpu.memref_squeeze %dma_start3A_1269 : memref<1x1x4096xf32, #tpu.memory_space<hbm>> -> memref<4096xf32, #tpu.memory_space<hbm>>
    %dma_start3A_1271 = arith.constant 0 : i32
    %dma_start3A_1272 = tpu.memref_slice %arg4[%select_n3A_1232, %select_n3A_1248, %dma_start3A_1271] : memref<26x16x16384xf32, #tpu.memory_space<hbm>> -> memref<1x1x4096xf32, #tpu.memory_space<hbm>>
    %dma_start3A_1273 = tpu.memref_squeeze %dma_start3A_1272 : memref<1x1x4096xf32, #tpu.memory_space<hbm>> -> memref<4096xf32, #tpu.memory_space<hbm>>
    tpu.enqueue_dma source(%arg7 : memref<4096xf32, #tpu.memory_space<vmem>>) target(%dma_start3A_1273 : memref<4096xf32, #tpu.memory_space<hbm>>) target_semaphore(%arg10 : memref<!tpu.dma_semaphore, #tpu.memory_space<semaphore_mem>>)
    %dma_wait3A_1274 = arith.constant 4096 : i32
    %dma_wait3A_1275 = tpu.memref_slice %arg4[%select_n3A_1232, %select_n3A_1248, %dma_wait3A_1274] : memref<26x16x16384xf32, #tpu.memory_space<hbm>> -> memref<1x1x4096xf32, #tpu.memory_space<hbm>>
    %dma_wait3A_1276 = tpu.memref_squeeze %dma_wait3A_1275 : memref<1x1x4096xf32, #tpu.memory_space<hbm>> -> memref<4096xf32, #tpu.memory_space<hbm>>
    %dma_wait3A_1277 = arith.constant 4096 : i32
    %dma_wait3A_1278 = tpu.memref_slice %arg4[%select_n3A_1232, %select_n3A_1248, %dma_wait3A_1277] : memref<26x16x16384xf32, #tpu.memory_space<hbm>> -> memref<1x1x4096xf32, #tpu.memory_space<hbm>>
    %dma_wait3A_1279 = tpu.memref_squeeze %dma_wait3A_1278 : memref<1x1x4096xf32, #tpu.memory_space<hbm>> -> memref<4096xf32, #tpu.memory_space<hbm>>
    tpu.wait_dma2 semaphore(%arg11 : memref<!tpu.dma_semaphore, #tpu.memory_space<semaphore_mem>>) src(%arg8 : memref<4096xf32, #tpu.memory_space<vmem>>) dst(%dma_wait3A_1279 : memref<4096xf32, #tpu.memory_space<hbm>>)
    %parallel_loop3A_1280 = arith.constant 0 : i32
    %parallel_loop3A_1281 = arith.constant 4096 : i32
    %parallel_loop3A_1282 = arith.constant 16 : i32
    scf.for %parallel_loop3A_1447 = %parallel_loop3A_1280 to %parallel_loop3A_1281 step %parallel_loop3A_1282  : i32 {
      %parallel_loop3A_1448 = arith.constant 4096 : i32
      %parallel_loop3A_1449 = arith.addi %parallel_loop3A_1448, %parallel_loop3A_1447 : i32
      %parallel_loop3A_1450 = arith.index_cast %parallel_loop3A_1449 : i32 to index
      %parallel_loop3A_1451 = tpu.vector_load %arg5[%parallel_loop3A_1450] {strides = array<i32>} : memref<16384xi32, #tpu.memory_space<vmem>>, vector<16xi32>,
      %parallel_loop3A_1452 = tpu.vector_load_idx %arg6[%parallel_loop3A_1451] : memref<100000xf32, #tpu.memory_space<vmem>>[vector<16xi32>], vector<16xf32>,
      %parallel_loop3A_1453 = arith.index_cast %parallel_loop3A_1447 : i32 to index
      %parallel_loop3A_1454 = tpu.vector_load %arg8[%parallel_loop3A_1453] {strides = array<i32>} : memref<4096xf32, #tpu.memory_space<vmem>>, vector<16xf32>,
      tpu.vector_store %arg8[%parallel_loop3A_1453], %parallel_loop3A_1452 {strides = array<i32>} : memref<4096xf32, #tpu.memory_space<vmem>>, vector<16xf32>,
    } {sc.loop_unroll_factor = 8 : i64, sc.parallel_access}
    %dma_start3A_1283 = arith.constant 4096 : i32
    %dma_start3A_1284 = tpu.memref_slice %arg4[%select_n3A_1232, %select_n3A_1248, %dma_start3A_1283] : memref<26x16x16384xf32, #tpu.memory_space<hbm>> -> memref<1x1x4096xf32, #tpu.memory_space<hbm>>
    %dma_start3A_1285 = tpu.memref_squeeze %dma_start3A_1284 : memref<1x1x4096xf32, #tpu.memory_space<hbm>> -> memref<4096xf32, #tpu.memory_space<hbm>>
    %dma_start3A_1286 = arith.constant 4096 : i32
    %dma_start3A_1287 = tpu.memref_slice %arg4[%select_n3A_1232, %select_n3A_1248, %dma_start3A_1286] : memref<26x16x16384xf32, #tpu.memory_space<hbm>> -> memref<1x1x4096xf32, #tpu.memory_space<hbm>>
    %dma_start3A_1288 = tpu.memref_squeeze %dma_start3A_1287 : memref<1x1x4096xf32, #tpu.memory_space<hbm>> -> memref<4096xf32, #tpu.memory_space<hbm>>
    tpu.enqueue_dma source(%arg8 : memref<4096xf32, #tpu.memory_space<vmem>>) target(%dma_start3A_1288 : memref<4096xf32, #tpu.memory_space<hbm>>) target_semaphore(%arg11 : memref<!tpu.dma_semaphore, #tpu.memory_space<semaphore_mem>>)
    %dma_wait3A_1289 = arith.constant 8192 : i32
    %dma_wait3A_1290 = tpu.memref_slice %arg4[%select_n3A_1232, %select_n3A_1248, %dma_wait3A_1289] : memref<26x16x16384xf32, #tpu.memory_space<hbm>> -> memref<1x1x4096xf32, #tpu.memory_space<hbm>>
    %dma_wait3A_1291 = tpu.memref_squeeze %dma_wait3A_1290 : memref<1x1x4096xf32, #tpu.memory_space<hbm>> -> memref<4096xf32, #tpu.memory_space<hbm>>
    %dma_wait3A_1292 = arith.constant 8192 : i32
    %dma_wait3A_1293 = tpu.memref_slice %arg4[%select_n3A_1232, %select_n3A_1248, %dma_wait3A_1292] : memref<26x16x16384xf32, #tpu.memory_space<hbm>> -> memref<1x1x4096xf32, #tpu.memory_space<hbm>>
    %dma_wait3A_1294 = tpu.memref_squeeze %dma_wait3A_1293 : memref<1x1x4096xf32, #tpu.memory_space<hbm>> -> memref<4096xf32, #tpu.memory_space<hbm>>
    tpu.wait_dma2 semaphore(%arg10 : memref<!tpu.dma_semaphore, #tpu.memory_space<semaphore_mem>>) src(%arg7 : memref<4096xf32, #tpu.memory_space<vmem>>) dst(%dma_wait3A_1294 : memref<4096xf32, #tpu.memory_space<hbm>>)
    %parallel_loop3A_1295 = arith.constant 0 : i32
    %parallel_loop3A_1296 = arith.constant 4096 : i32
    %parallel_loop3A_1297 = arith.constant 16 : i32
    scf.for %parallel_loop3A_1447 = %parallel_loop3A_1295 to %parallel_loop3A_1296 step %parallel_loop3A_1297  : i32 {
      %parallel_loop3A_1448 = arith.constant 8192 : i32
      %parallel_loop3A_1449 = arith.addi %parallel_loop3A_1448, %parallel_loop3A_1447 : i32
      %parallel_loop3A_1450 = arith.index_cast %parallel_loop3A_1449 : i32 to index
      %parallel_loop3A_1451 = tpu.vector_load %arg5[%parallel_loop3A_1450] {strides = array<i32>} : memref<16384xi32, #tpu.memory_space<vmem>>, vector<16xi32>,
      %parallel_loop3A_1452 = tpu.vector_load_idx %arg6[%parallel_loop3A_1451] : memref<100000xf32, #tpu.memory_space<vmem>>[vector<16xi32>], vector<16xf32>,
      %parallel_loop3A_1453 = arith.index_cast %parallel_loop3A_1447 : i32 to index
      %parallel_loop3A_1454 = tpu.vector_load %arg7[%parallel_loop3A_1453] {strides = array<i32>} : memref<4096xf32, #tpu.memory_space<vmem>>, vector<16xf32>,
      tpu.vector_store %arg7[%parallel_loop3A_1453], %parallel_loop3A_1452 {strides = array<i32>} : memref<4096xf32, #tpu.memory_space<vmem>>, vector<16xf32>,
    } {sc.loop_unroll_factor = 8 : i64, sc.parallel_access}
    %dma_start3A_1298 = arith.constant 8192 : i32
    %dma_start3A_1299 = tpu.memref_slice %arg4[%select_n3A_1232, %select_n3A_1248, %dma_start3A_1298] : memref<26x16x16384xf32, #tpu.memory_space<hbm>> -> memref<1x1x4096xf32, #tpu.memory_space<hbm>>
    %dma_start3A_1300 = tpu.memref_squeeze %dma_start3A_1299 : memref<1x1x4096xf32, #tpu.memory_space<hbm>> -> memref<4096xf32, #tpu.memory_space<hbm>>
    %dma_start3A_1301 = arith.constant 8192 : i32
    %dma_start3A_1302 = tpu.memref_slice %arg4[%select_n3A_1232, %select_n3A_1248, %dma_start3A_1301] : memref<26x16x16384xf32, #tpu.memory_space<hbm>> -> memref<1x1x4096xf32, #tpu.memory_space<hbm>>
    %dma_start3A_1303 = tpu.memref_squeeze %dma_start3A_1302 : memref<1x1x4096xf32, #tpu.memory_space<hbm>> -> memref<4096xf32, #tpu.memory_space<hbm>>
    tpu.enqueue_dma source(%arg7 : memref<4096xf32, #tpu.memory_space<vmem>>) target(%dma_start3A_1303 : memref<4096xf32, #tpu.memory_space<hbm>>) target_semaphore(%arg10 : memref<!tpu.dma_semaphore, #tpu.memory_space<semaphore_mem>>)
    %dma_wait3A_1304 = arith.constant 12288 : i32
    %dma_wait3A_1305 = tpu.memref_slice %arg4[%select_n3A_1232, %select_n3A_1248, %dma_wait3A_1304] : memref<26x16x16384xf32, #tpu.memory_space<hbm>> -> memref<1x1x4096xf32, #tpu.memory_space<hbm>>
    %dma_wait3A_1306 = tpu.memref_squeeze %dma_wait3A_1305 : memref<1x1x4096xf32, #tpu.memory_space<hbm>> -> memref<4096xf32, #tpu.memory_space<hbm>>
    %dma_wait3A_1307 = arith.constant 12288 : i32
    %dma_wait3A_1308 = tpu.memref_slice %arg4[%select_n3A_1232, %select_n3A_1248, %dma_wait3A_1307] : memref<26x16x16384xf32, #tpu.memory_space<hbm>> -> memref<1x1x4096xf32, #tpu.memory_space<hbm>>
    %dma_wait3A_1309 = tpu.memref_squeeze %dma_wait3A_1308 : memref<1x1x4096xf32, #tpu.memory_space<hbm>> -> memref<4096xf32, #tpu.memory_space<hbm>>
    tpu.wait_dma2 semaphore(%arg11 : memref<!tpu.dma_semaphore, #tpu.memory_space<semaphore_mem>>) src(%arg8 : memref<4096xf32, #tpu.memory_space<vmem>>) dst(%dma_wait3A_1309 : memref<4096xf32, #tpu.memory_space<hbm>>)
    %parallel_loop3A_1310 = arith.constant 0 : i32
    %parallel_loop3A_1311 = arith.constant 4096 : i32
    %parallel_loop3A_1312 = arith.constant 16 : i32
    scf.for %parallel_loop3A_1447 = %parallel_loop3A_1310 to %parallel_loop3A_1311 step %parallel_loop3A_1312  : i32 {
      %parallel_loop3A_1448 = arith.constant 12288 : i32
      %parallel_loop3A_1449 = arith.addi %parallel_loop3A_1448, %parallel_loop3A_1447 : i32
      %parallel_loop3A_1450 = arith.index_cast %parallel_loop3A_1449 : i32 to index
      %parallel_loop3A_1451 = tpu.vector_load %arg5[%parallel_loop3A_1450] {strides = array<i32>} : memref<16384xi32, #tpu.memory_space<vmem>>, vector<16xi32>,
      %parallel_loop3A_1452 = tpu.vector_load_idx %arg6[%parallel_loop3A_1451] : memref<100000xf32, #tpu.memory_space<vmem>>[vector<16xi32>], vector<16xf32>,
      %parallel_loop3A_1453 = arith.index_cast %parallel_loop3A_1447 : i32 to index
      %parallel_loop3A_1454 = tpu.vector_load %arg8[%parallel_loop3A_1453] {strides = array<i32>} : memref<4096xf32, #tpu.memory_space<vmem>>, vector<16xf32>,
      tpu.vector_store %arg8[%parallel_loop3A_1453], %parallel_loop3A_1452 {strides = array<i32>} : memref<4096xf32, #tpu.memory_space<vmem>>, vector<16xf32>,
    } {sc.loop_unroll_factor = 8 : i64, sc.parallel_access}
    %dma_start3A_1313 = arith.constant 12288 : i32
    %dma_start3A_1314 = tpu.memref_slice %arg4[%select_n3A_1232, %select_n3A_1248, %dma_start3A_1313] : memref<26x16x16384xf32, #tpu.memory_space<hbm>> -> memref<1x1x4096xf32, #tpu.memory_space<hbm>>
    %dma_start3A_1315 = tpu.memref_squeeze %dma_start3A_1314 : memref<1x1x4096xf32, #tpu.memory_space<hbm>> -> memref<4096xf32, #tpu.memory_space<hbm>>
    %dma_start3A_1316 = arith.constant 12288 : i32
    %dma_start3A_1317 = tpu.memref_slice %arg4[%select_n3A_1232, %select_n3A_1248, %dma_start3A_1316] : memref<26x16x16384xf32, #tpu.memory_space<hbm>> -> memref<1x1x4096xf32, #tpu.memory_space<hbm>>
    %dma_start3A_1318 = tpu.memref_squeeze %dma_start3A_1317 : memref<1x1x4096xf32, #tpu.memory_space<hbm>> -> memref<4096xf32, #tpu.memory_space<hbm>>
    tpu.enqueue_dma source(%arg8 : memref<4096xf32, #tpu.memory_space<vmem>>) target(%dma_start3A_1318 : memref<4096xf32, #tpu.memory_space<hbm>>) target_semaphore(%arg11 : memref<!tpu.dma_semaphore, #tpu.memory_space<semaphore_mem>>)
    %add3A_1319 = arith.constant 12 : i32
    %add3A_1320 = arith.addi %mul3A_2, %add3A_1319 : i32
    %jit3A_1321 = arith.constant 16 : i32
    %div3A_1322 = arith.divsi %add3A_1320, %jit3A_1321 : i32
    %sign3A_1323 = arith.constant 0 : i32
    %sign3A_1324 = arith.cmpi sgt, %add3A_1320, %sign3A_1323 : i32
    %sign3A_1325 = arith.extui %sign3A_1324 : i1 to i32
    %sign3A_1326 = arith.constant 0 : i32
    %sign3A_1327 = arith.cmpi slt, %add3A_1320, %sign3A_1326 : i32
    %sign3A_1328 = arith.extui %sign3A_1327 : i1 to i32
    %sign3A_1329 = arith.subi %sign3A_1325, %sign3A_1328 : i32
    %sign3A_1330 = arith.constant 0 : i32
    %sign3A_1331 = arith.cmpi sgt, %jit3A_1321, %sign3A_1330 : i32
    %sign3A_1332 = arith.extui %sign3A_1331 : i1 to i32
    %sign3A_1333 = arith.constant 0 : i32
    %sign3A_1334 = arith.cmpi slt, %jit3A_1321, %sign3A_1333 : i32
    %sign3A_1335 = arith.extui %sign3A_1334 : i1 to i32
    %sign3A_1336 = arith.subi %sign3A_1332, %sign3A_1335 : i32
    %ne3A_1337 = arith.cmpi ne, %sign3A_1329, %sign3A_1336 : i32
    %rem3A_1338 = arith.remsi %add3A_1320, %jit3A_1321 : i32
    %ne3A_1339 = arith.constant 0 : i32
    %ne3A_1340 = arith.cmpi ne, %rem3A_1338, %ne3A_1339 : i32
    %and3A_1341 = arith.andi %ne3A_1337, %ne3A_1340 : i1
    %sub3A_1342 = arith.constant 1 : i32
    %sub3A_1343 = arith.subi %div3A_1322, %sub3A_1342 : i32
    %select_n3A_1344 = arith.select %and3A_1341, %sub3A_1343, %div3A_1322 : i32
    %jit3A_1345 = arith.constant 16 : i32
    %eq3A_1346 = arith.constant 0 : i32
    %eq3A_1347 = arith.cmpi eq, %jit3A_1345, %eq3A_1346 : i32
    %jit3A_1348 = arith.constant 1 : i32
    %select_n3A_1349 = arith.select %eq3A_1347, %jit3A_1348, %jit3A_1345 : i32
    %rem3A_1350 = arith.remsi %add3A_1320, %select_n3A_1349 : i32
    %ne3A_1351 = arith.constant 0 : i32
    %ne3A_1352 = arith.cmpi ne, %rem3A_1350, %ne3A_1351 : i32
    %lt3A_1353 = arith.constant 0 : i32
    %lt3A_1354 = arith.cmpi slt, %rem3A_1350, %lt3A_1353 : i32
    %lt3A_1355 = arith.constant 0 : i32
    %lt3A_1356 = arith.cmpi slt, %select_n3A_1349, %lt3A_1355 : i32
    %ne3A_1357 = arith.xori %lt3A_1354, %lt3A_1356 : i1
    %and3A_1358 = arith.andi %ne3A_1357, %ne3A_1352 : i1
    %add3A_1359 = arith.addi %rem3A_1350, %select_n3A_1349 : i32
    %select_n3A_1360 = arith.select %and3A_1358, %add3A_1359, %rem3A_1350 : i32
    %eq3A_1361 = arith.constant 0 : i32
    %eq3A_1362 = arith.cmpi eq, %select_n3A_1360, %eq3A_1361 : i32
    %or3A_1363 = arith.constant false
    %or3A_1364 = arith.ori %or3A_1363, %eq3A_1362 : i1
    %convert_element_type3A_1365 = arith.extui %or3A_1364 : i1 to i32
    %cond3A_1366 = arith.constant 0 : i32
    %cond3A_1367 = arith.cmpi ne, %convert_element_type3A_1365, %cond3A_1366 : i32
    scf.if %cond3A_1367 {
      %dma_start3A_1447 = arith.constant 0 : i32
      %dma_start3A_1448 = tpu.memref_slice %arg3[%select_n3A_1344, %dma_start3A_1447] : memref<26x16384xi32, #tpu.memory_space<hbm>> -> memref<1x16384xi32, #tpu.memory_space<hbm>>
      %dma_start3A_1449 = tpu.memref_squeeze %dma_start3A_1448 : memref<1x16384xi32, #tpu.memory_space<hbm>> -> memref<16384xi32, #tpu.memory_space<hbm>>
      %dma_start3A_1450 = arith.constant 0 : i32
      %dma_start3A_1451 = tpu.memref_slice %arg3[%select_n3A_1344, %dma_start3A_1450] : memref<26x16384xi32, #tpu.memory_space<hbm>> -> memref<1x16384xi32, #tpu.memory_space<hbm>>
      %dma_start3A_1452 = tpu.memref_squeeze %dma_start3A_1451 : memref<1x16384xi32, #tpu.memory_space<hbm>> -> memref<16384xi32, #tpu.memory_space<hbm>>
      tpu.enqueue_dma source(%dma_start3A_1452 : memref<16384xi32, #tpu.memory_space<hbm>>) target(%arg5 : memref<16384xi32, #tpu.memory_space<vmem>>) target_semaphore(%arg9 : memref<!tpu.dma_semaphore, #tpu.memory_space<semaphore_mem>>)
    } else {
    }
    "tpu.region"() ({
      %run_scoped3A = tpu.sem_alloc : memref<!tpu.dma_semaphore, #tpu.memory_space<semaphore_mem>>
      %dma_start3A_1447 = arith.constant 0 : i32
      %dma_start3A_1448 = tpu.memref_slice %arg2[%select_n3A_1344, %select_n3A_1360, %dma_start3A_1447] : memref<26x16x100000xf32, #tpu.memory_space<hbm>> -> memref<1x1x100000xf32, #tpu.memory_space<hbm>>
      %dma_start3A_1449 = tpu.memref_squeeze %dma_start3A_1448 : memref<1x1x100000xf32, #tpu.memory_space<hbm>> -> memref<100000xf32, #tpu.memory_space<hbm>>
      %dma_start3A_1450 = arith.constant 0 : i32
      %dma_start3A_1451 = tpu.memref_slice %arg2[%select_n3A_1344, %select_n3A_1360, %dma_start3A_1450] : memref<26x16x100000xf32, #tpu.memory_space<hbm>> -> memref<1x1x100000xf32, #tpu.memory_space<hbm>>
      %dma_start3A_1452 = tpu.memref_squeeze %dma_start3A_1451 : memref<1x1x100000xf32, #tpu.memory_space<hbm>> -> memref<100000xf32, #tpu.memory_space<hbm>>
      tpu.enqueue_dma source(%dma_start3A_1452 : memref<100000xf32, #tpu.memory_space<hbm>>) target(%arg6 : memref<100000xf32, #tpu.memory_space<vmem>>) target_semaphore(%run_scoped3A : memref<!tpu.dma_semaphore, #tpu.memory_space<semaphore_mem>>)
      %dma_wait3A_1453 = arith.constant 0 : i32
      %dma_wait3A_1454 = tpu.memref_slice %arg2[%select_n3A_1344, %select_n3A_1360, %dma_wait3A_1453] : memref<26x16x100000xf32, #tpu.memory_space<hbm>> -> memref<1x1x100000xf32, #tpu.memory_space<hbm>>
      %dma_wait3A_1455 = tpu.memref_squeeze %dma_wait3A_1454 : memref<1x1x100000xf32, #tpu.memory_space<hbm>> -> memref<100000xf32, #tpu.memory_space<hbm>>
      %dma_wait3A_1456 = arith.constant 0 : i32
      %dma_wait3A_1457 = tpu.memref_slice %arg2[%select_n3A_1344, %select_n3A_1360, %dma_wait3A_1456] : memref<26x16x100000xf32, #tpu.memory_space<hbm>> -> memref<1x1x100000xf32, #tpu.memory_space<hbm>>
      %dma_wait3A_1458 = tpu.memref_squeeze %dma_wait3A_1457 : memref<1x1x100000xf32, #tpu.memory_space<hbm>> -> memref<100000xf32, #tpu.memory_space<hbm>>
      tpu.wait_dma2 semaphore(%run_scoped3A : memref<!tpu.dma_semaphore, #tpu.memory_space<semaphore_mem>>) src(%dma_wait3A_1458 : memref<100000xf32, #tpu.memory_space<hbm>>) dst(%arg6 : memref<100000xf32, #tpu.memory_space<vmem>>)
      tpu.yield
    }) : () -> ()
    %convert_element_type3A_1368 = arith.extui %or3A_1364 : i1 to i32
    %cond3A_1369 = arith.constant 0 : i32
    %cond3A_1370 = arith.cmpi ne, %convert_element_type3A_1368, %cond3A_1369 : i32
    scf.if %cond3A_1370 {
      %dma_wait3A_1447 = arith.constant 0 : i32
      %dma_wait3A_1448 = tpu.memref_slice %arg3[%select_n3A_1344, %dma_wait3A_1447] : memref<26x16384xi32, #tpu.memory_space<hbm>> -> memref<1x16384xi32, #tpu.memory_space<hbm>>
      %dma_wait3A_1449 = tpu.memref_squeeze %dma_wait3A_1448 : memref<1x16384xi32, #tpu.memory_space<hbm>> -> memref<16384xi32, #tpu.memory_space<hbm>>
      %dma_wait3A_1450 = arith.constant 0 : i32
      %dma_wait3A_1451 = tpu.memref_slice %arg3[%select_n3A_1344, %dma_wait3A_1450] : memref<26x16384xi32, #tpu.memory_space<hbm>> -> memref<1x16384xi32, #tpu.memory_space<hbm>>
      %dma_wait3A_1452 = tpu.memref_squeeze %dma_wait3A_1451 : memref<1x16384xi32, #tpu.memory_space<hbm>> -> memref<16384xi32, #tpu.memory_space<hbm>>
      tpu.wait_dma2 semaphore(%arg9 : memref<!tpu.dma_semaphore, #tpu.memory_space<semaphore_mem>>) src(%dma_wait3A_1452 : memref<16384xi32, #tpu.memory_space<hbm>>) dst(%arg5 : memref<16384xi32, #tpu.memory_space<vmem>>)
    } else {
    }
    %dma_wait3A_1371 = arith.constant 0 : i32
    %dma_wait3A_1372 = tpu.memref_slice %arg4[%select_n3A_1344, %select_n3A_1360, %dma_wait3A_1371] : memref<26x16x16384xf32, #tpu.memory_space<hbm>> -> memref<1x1x4096xf32, #tpu.memory_space<hbm>>
    %dma_wait3A_1373 = tpu.memref_squeeze %dma_wait3A_1372 : memref<1x1x4096xf32, #tpu.memory_space<hbm>> -> memref<4096xf32, #tpu.memory_space<hbm>>
    %dma_wait3A_1374 = arith.constant 0 : i32
    %dma_wait3A_1375 = tpu.memref_slice %arg4[%select_n3A_1344, %select_n3A_1360, %dma_wait3A_1374] : memref<26x16x16384xf32, #tpu.memory_space<hbm>> -> memref<1x1x4096xf32, #tpu.memory_space<hbm>>
    %dma_wait3A_1376 = tpu.memref_squeeze %dma_wait3A_1375 : memref<1x1x4096xf32, #tpu.memory_space<hbm>> -> memref<4096xf32, #tpu.memory_space<hbm>>
    tpu.wait_dma2 semaphore(%arg10 : memref<!tpu.dma_semaphore, #tpu.memory_space<semaphore_mem>>) src(%arg7 : memref<4096xf32, #tpu.memory_space<vmem>>) dst(%dma_wait3A_1376 : memref<4096xf32, #tpu.memory_space<hbm>>)
    %parallel_loop3A_1377 = arith.constant 0 : i32
    %parallel_loop3A_1378 = arith.constant 4096 : i32
    %parallel_loop3A_1379 = arith.constant 16 : i32
    scf.for %parallel_loop3A_1447 = %parallel_loop3A_1377 to %parallel_loop3A_1378 step %parallel_loop3A_1379  : i32 {
      %parallel_loop3A_1448 = arith.constant 0 : i32
      %parallel_loop3A_1449 = arith.addi %parallel_loop3A_1448, %parallel_loop3A_1447 : i32
      %parallel_loop3A_1450 = arith.index_cast %parallel_loop3A_1449 : i32 to index
      %parallel_loop3A_1451 = tpu.vector_load %arg5[%parallel_loop3A_1450] {strides = array<i32>} : memref<16384xi32, #tpu.memory_space<vmem>>, vector<16xi32>,
      %parallel_loop3A_1452 = tpu.vector_load_idx %arg6[%parallel_loop3A_1451] : memref<100000xf32, #tpu.memory_space<vmem>>[vector<16xi32>], vector<16xf32>,
      %parallel_loop3A_1453 = arith.index_cast %parallel_loop3A_1447 : i32 to index
      %parallel_loop3A_1454 = tpu.vector_load %arg7[%parallel_loop3A_1453] {strides = array<i32>} : memref<4096xf32, #tpu.memory_space<vmem>>, vector<16xf32>,
      tpu.vector_store %arg7[%parallel_loop3A_1453], %parallel_loop3A_1452 {strides = array<i32>} : memref<4096xf32, #tpu.memory_space<vmem>>, vector<16xf32>,
    } {sc.loop_unroll_factor = 8 : i64, sc.parallel_access}
    %dma_start3A_1380 = arith.constant 0 : i32
    %dma_start3A_1381 = tpu.memref_slice %arg4[%select_n3A_1344, %select_n3A_1360, %dma_start3A_1380] : memref<26x16x16384xf32, #tpu.memory_space<hbm>> -> memref<1x1x4096xf32, #tpu.memory_space<hbm>>
    %dma_start3A_1382 = tpu.memref_squeeze %dma_start3A_1381 : memref<1x1x4096xf32, #tpu.memory_space<hbm>> -> memref<4096xf32, #tpu.memory_space<hbm>>
    %dma_start3A_1383 = arith.constant 0 : i32
    %dma_start3A_1384 = tpu.memref_slice %arg4[%select_n3A_1344, %select_n3A_1360, %dma_start3A_1383] : memref<26x16x16384xf32, #tpu.memory_space<hbm>> -> memref<1x1x4096xf32, #tpu.memory_space<hbm>>
    %dma_start3A_1385 = tpu.memref_squeeze %dma_start3A_1384 : memref<1x1x4096xf32, #tpu.memory_space<hbm>> -> memref<4096xf32, #tpu.memory_space<hbm>>
    tpu.enqueue_dma source(%arg7 : memref<4096xf32, #tpu.memory_space<vmem>>) target(%dma_start3A_1385 : memref<4096xf32, #tpu.memory_space<hbm>>) target_semaphore(%arg10 : memref<!tpu.dma_semaphore, #tpu.memory_space<semaphore_mem>>)
    %dma_wait3A_1386 = arith.constant 4096 : i32
    %dma_wait3A_1387 = tpu.memref_slice %arg4[%select_n3A_1344, %select_n3A_1360, %dma_wait3A_1386] : memref<26x16x16384xf32, #tpu.memory_space<hbm>> -> memref<1x1x4096xf32, #tpu.memory_space<hbm>>
    %dma_wait3A_1388 = tpu.memref_squeeze %dma_wait3A_1387 : memref<1x1x4096xf32, #tpu.memory_space<hbm>> -> memref<4096xf32, #tpu.memory_space<hbm>>
    %dma_wait3A_1389 = arith.constant 4096 : i32
    %dma_wait3A_1390 = tpu.memref_slice %arg4[%select_n3A_1344, %select_n3A_1360, %dma_wait3A_1389] : memref<26x16x16384xf32, #tpu.memory_space<hbm>> -> memref<1x1x4096xf32, #tpu.memory_space<hbm>>
    %dma_wait3A_1391 = tpu.memref_squeeze %dma_wait3A_1390 : memref<1x1x4096xf32, #tpu.memory_space<hbm>> -> memref<4096xf32, #tpu.memory_space<hbm>>
    tpu.wait_dma2 semaphore(%arg11 : memref<!tpu.dma_semaphore, #tpu.memory_space<semaphore_mem>>) src(%arg8 : memref<4096xf32, #tpu.memory_space<vmem>>) dst(%dma_wait3A_1391 : memref<4096xf32, #tpu.memory_space<hbm>>)
    %parallel_loop3A_1392 = arith.constant 0 : i32
    %parallel_loop3A_1393 = arith.constant 4096 : i32
    %parallel_loop3A_1394 = arith.constant 16 : i32
    scf.for %parallel_loop3A_1447 = %parallel_loop3A_1392 to %parallel_loop3A_1393 step %parallel_loop3A_1394  : i32 {
      %parallel_loop3A_1448 = arith.constant 4096 : i32
      %parallel_loop3A_1449 = arith.addi %parallel_loop3A_1448, %parallel_loop3A_1447 : i32
      %parallel_loop3A_1450 = arith.index_cast %parallel_loop3A_1449 : i32 to index
      %parallel_loop3A_1451 = tpu.vector_load %arg5[%parallel_loop3A_1450] {strides = array<i32>} : memref<16384xi32, #tpu.memory_space<vmem>>, vector<16xi32>,
      %parallel_loop3A_1452 = tpu.vector_load_idx %arg6[%parallel_loop3A_1451] : memref<100000xf32, #tpu.memory_space<vmem>>[vector<16xi32>], vector<16xf32>,
      %parallel_loop3A_1453 = arith.index_cast %parallel_loop3A_1447 : i32 to index
      %parallel_loop3A_1454 = tpu.vector_load %arg8[%parallel_loop3A_1453] {strides = array<i32>} : memref<4096xf32, #tpu.memory_space<vmem>>, vector<16xf32>,
      tpu.vector_store %arg8[%parallel_loop3A_1453], %parallel_loop3A_1452 {strides = array<i32>} : memref<4096xf32, #tpu.memory_space<vmem>>, vector<16xf32>,
    } {sc.loop_unroll_factor = 8 : i64, sc.parallel_access}
    %dma_start3A_1395 = arith.constant 4096 : i32
    %dma_start3A_1396 = tpu.memref_slice %arg4[%select_n3A_1344, %select_n3A_1360, %dma_start3A_1395] : memref<26x16x16384xf32, #tpu.memory_space<hbm>> -> memref<1x1x4096xf32, #tpu.memory_space<hbm>>
    %dma_start3A_1397 = tpu.memref_squeeze %dma_start3A_1396 : memref<1x1x4096xf32, #tpu.memory_space<hbm>> -> memref<4096xf32, #tpu.memory_space<hbm>>
    %dma_start3A_1398 = arith.constant 4096 : i32
    %dma_start3A_1399 = tpu.memref_slice %arg4[%select_n3A_1344, %select_n3A_1360, %dma_start3A_1398] : memref<26x16x16384xf32, #tpu.memory_space<hbm>> -> memref<1x1x4096xf32, #tpu.memory_space<hbm>>
    %dma_start3A_1400 = tpu.memref_squeeze %dma_start3A_1399 : memref<1x1x4096xf32, #tpu.memory_space<hbm>> -> memref<4096xf32, #tpu.memory_space<hbm>>
    tpu.enqueue_dma source(%arg8 : memref<4096xf32, #tpu.memory_space<vmem>>) target(%dma_start3A_1400 : memref<4096xf32, #tpu.memory_space<hbm>>) target_semaphore(%arg11 : memref<!tpu.dma_semaphore, #tpu.memory_space<semaphore_mem>>)
    %dma_wait3A_1401 = arith.constant 8192 : i32
    %dma_wait3A_1402 = tpu.memref_slice %arg4[%select_n3A_1344, %select_n3A_1360, %dma_wait3A_1401] : memref<26x16x16384xf32, #tpu.memory_space<hbm>> -> memref<1x1x4096xf32, #tpu.memory_space<hbm>>
    %dma_wait3A_1403 = tpu.memref_squeeze %dma_wait3A_1402 : memref<1x1x4096xf32, #tpu.memory_space<hbm>> -> memref<4096xf32, #tpu.memory_space<hbm>>
    %dma_wait3A_1404 = arith.constant 8192 : i32
    %dma_wait3A_1405 = tpu.memref_slice %arg4[%select_n3A_1344, %select_n3A_1360, %dma_wait3A_1404] : memref<26x16x16384xf32, #tpu.memory_space<hbm>> -> memref<1x1x4096xf32, #tpu.memory_space<hbm>>
    %dma_wait3A_1406 = tpu.memref_squeeze %dma_wait3A_1405 : memref<1x1x4096xf32, #tpu.memory_space<hbm>> -> memref<4096xf32, #tpu.memory_space<hbm>>
    tpu.wait_dma2 semaphore(%arg10 : memref<!tpu.dma_semaphore, #tpu.memory_space<semaphore_mem>>) src(%arg7 : memref<4096xf32, #tpu.memory_space<vmem>>) dst(%dma_wait3A_1406 : memref<4096xf32, #tpu.memory_space<hbm>>)
    %parallel_loop3A_1407 = arith.constant 0 : i32
    %parallel_loop3A_1408 = arith.constant 4096 : i32
    %parallel_loop3A_1409 = arith.constant 16 : i32
    scf.for %parallel_loop3A_1447 = %parallel_loop3A_1407 to %parallel_loop3A_1408 step %parallel_loop3A_1409  : i32 {
      %parallel_loop3A_1448 = arith.constant 8192 : i32
      %parallel_loop3A_1449 = arith.addi %parallel_loop3A_1448, %parallel_loop3A_1447 : i32
      %parallel_loop3A_1450 = arith.index_cast %parallel_loop3A_1449 : i32 to index
      %parallel_loop3A_1451 = tpu.vector_load %arg5[%parallel_loop3A_1450] {strides = array<i32>} : memref<16384xi32, #tpu.memory_space<vmem>>, vector<16xi32>,
      %parallel_loop3A_1452 = tpu.vector_load_idx %arg6[%parallel_loop3A_1451] : memref<100000xf32, #tpu.memory_space<vmem>>[vector<16xi32>], vector<16xf32>,
      %parallel_loop3A_1453 = arith.index_cast %parallel_loop3A_1447 : i32 to index
      %parallel_loop3A_1454 = tpu.vector_load %arg7[%parallel_loop3A_1453] {strides = array<i32>} : memref<4096xf32, #tpu.memory_space<vmem>>, vector<16xf32>,
      tpu.vector_store %arg7[%parallel_loop3A_1453], %parallel_loop3A_1452 {strides = array<i32>} : memref<4096xf32, #tpu.memory_space<vmem>>, vector<16xf32>,
    } {sc.loop_unroll_factor = 8 : i64, sc.parallel_access}
    %dma_start3A_1410 = arith.constant 8192 : i32
    %dma_start3A_1411 = tpu.memref_slice %arg4[%select_n3A_1344, %select_n3A_1360, %dma_start3A_1410] : memref<26x16x16384xf32, #tpu.memory_space<hbm>> -> memref<1x1x4096xf32, #tpu.memory_space<hbm>>
    %dma_start3A_1412 = tpu.memref_squeeze %dma_start3A_1411 : memref<1x1x4096xf32, #tpu.memory_space<hbm>> -> memref<4096xf32, #tpu.memory_space<hbm>>
    %dma_start3A_1413 = arith.constant 8192 : i32
    %dma_start3A_1414 = tpu.memref_slice %arg4[%select_n3A_1344, %select_n3A_1360, %dma_start3A_1413] : memref<26x16x16384xf32, #tpu.memory_space<hbm>> -> memref<1x1x4096xf32, #tpu.memory_space<hbm>>
    %dma_start3A_1415 = tpu.memref_squeeze %dma_start3A_1414 : memref<1x1x4096xf32, #tpu.memory_space<hbm>> -> memref<4096xf32, #tpu.memory_space<hbm>>
    tpu.enqueue_dma source(%arg7 : memref<4096xf32, #tpu.memory_space<vmem>>) target(%dma_start3A_1415 : memref<4096xf32, #tpu.memory_space<hbm>>) target_semaphore(%arg10 : memref<!tpu.dma_semaphore, #tpu.memory_space<semaphore_mem>>)
    %dma_wait3A_1416 = arith.constant 12288 : i32
    %dma_wait3A_1417 = tpu.memref_slice %arg4[%select_n3A_1344, %select_n3A_1360, %dma_wait3A_1416] : memref<26x16x16384xf32, #tpu.memory_space<hbm>> -> memref<1x1x4096xf32, #tpu.memory_space<hbm>>
    %dma_wait3A_1418 = tpu.memref_squeeze %dma_wait3A_1417 : memref<1x1x4096xf32, #tpu.memory_space<hbm>> -> memref<4096xf32, #tpu.memory_space<hbm>>
    %dma_wait3A_1419 = arith.constant 12288 : i32
    %dma_wait3A_1420 = tpu.memref_slice %arg4[%select_n3A_1344, %select_n3A_1360, %dma_wait3A_1419] : memref<26x16x16384xf32, #tpu.memory_space<hbm>> -> memref<1x1x4096xf32, #tpu.memory_space<hbm>>
    %dma_wait3A_1421 = tpu.memref_squeeze %dma_wait3A_1420 : memref<1x1x4096xf32, #tpu.memory_space<hbm>> -> memref<4096xf32, #tpu.memory_space<hbm>>
    tpu.wait_dma2 semaphore(%arg11 : memref<!tpu.dma_semaphore, #tpu.memory_space<semaphore_mem>>) src(%arg8 : memref<4096xf32, #tpu.memory_space<vmem>>) dst(%dma_wait3A_1421 : memref<4096xf32, #tpu.memory_space<hbm>>)
    %parallel_loop3A_1422 = arith.constant 0 : i32
    %parallel_loop3A_1423 = arith.constant 4096 : i32
    %parallel_loop3A_1424 = arith.constant 16 : i32
    scf.for %parallel_loop3A_1447 = %parallel_loop3A_1422 to %parallel_loop3A_1423 step %parallel_loop3A_1424  : i32 {
      %parallel_loop3A_1448 = arith.constant 12288 : i32
      %parallel_loop3A_1449 = arith.addi %parallel_loop3A_1448, %parallel_loop3A_1447 : i32
      %parallel_loop3A_1450 = arith.index_cast %parallel_loop3A_1449 : i32 to index
      %parallel_loop3A_1451 = tpu.vector_load %arg5[%parallel_loop3A_1450] {strides = array<i32>} : memref<16384xi32, #tpu.memory_space<vmem>>, vector<16xi32>,
      %parallel_loop3A_1452 = tpu.vector_load_idx %arg6[%parallel_loop3A_1451] : memref<100000xf32, #tpu.memory_space<vmem>>[vector<16xi32>], vector<16xf32>,
      %parallel_loop3A_1453 = arith.index_cast %parallel_loop3A_1447 : i32 to index
      %parallel_loop3A_1454 = tpu.vector_load %arg8[%parallel_loop3A_1453] {strides = array<i32>} : memref<4096xf32, #tpu.memory_space<vmem>>, vector<16xf32>,
      tpu.vector_store %arg8[%parallel_loop3A_1453], %parallel_loop3A_1452 {strides = array<i32>} : memref<4096xf32, #tpu.memory_space<vmem>>, vector<16xf32>,
    } {sc.loop_unroll_factor = 8 : i64, sc.parallel_access}
    %dma_start3A_1425 = arith.constant 12288 : i32
    %dma_start3A_1426 = tpu.memref_slice %arg4[%select_n3A_1344, %select_n3A_1360, %dma_start3A_1425] : memref<26x16x16384xf32, #tpu.memory_space<hbm>> -> memref<1x1x4096xf32, #tpu.memory_space<hbm>>
    %dma_start3A_1427 = tpu.memref_squeeze %dma_start3A_1426 : memref<1x1x4096xf32, #tpu.memory_space<hbm>> -> memref<4096xf32, #tpu.memory_space<hbm>>
    %dma_start3A_1428 = arith.constant 12288 : i32
    %dma_start3A_1429 = tpu.memref_slice %arg4[%select_n3A_1344, %select_n3A_1360, %dma_start3A_1428] : memref<26x16x16384xf32, #tpu.memory_space<hbm>> -> memref<1x1x4096xf32, #tpu.memory_space<hbm>>
    %dma_start3A_1430 = tpu.memref_squeeze %dma_start3A_1429 : memref<1x1x4096xf32, #tpu.memory_space<hbm>> -> memref<4096xf32, #tpu.memory_space<hbm>>
    tpu.enqueue_dma source(%arg8 : memref<4096xf32, #tpu.memory_space<vmem>>) target(%dma_start3A_1430 : memref<4096xf32, #tpu.memory_space<hbm>>) target_semaphore(%arg11 : memref<!tpu.dma_semaphore, #tpu.memory_space<semaphore_mem>>)
    %dma_wait3A_1431 = arith.constant 0 : i32
    %dma_wait3A_1432 = arith.constant 0 : i32
    %dma_wait3A_1433 = arith.constant 0 : i32
    %dma_wait3A_1434 = tpu.memref_slice %arg4[%dma_wait3A_1431, %dma_wait3A_1432, %dma_wait3A_1433] : memref<26x16x16384xf32, #tpu.memory_space<hbm>> -> memref<1x1x4096xf32, #tpu.memory_space<hbm>>
    %dma_wait3A_1435 = tpu.memref_squeeze %dma_wait3A_1434 : memref<1x1x4096xf32, #tpu.memory_space<hbm>> -> memref<4096xf32, #tpu.memory_space<hbm>>
    %dma_wait3A_1436 = arith.constant 0 : i32
    %dma_wait3A_1437 = tpu.memref_slice %arg4[%dma_wait3A_1431, %dma_wait3A_1432, %dma_wait3A_1436] : memref<26x16x16384xf32, #tpu.memory_space<hbm>> -> memref<1x1x4096xf32, #tpu.memory_space<hbm>>
    %dma_wait3A_1438 = tpu.memref_squeeze %dma_wait3A_1437 : memref<1x1x4096xf32, #tpu.memory_space<hbm>> -> memref<4096xf32, #tpu.memory_space<hbm>>
    tpu.wait_dma2 semaphore(%arg10 : memref<!tpu.dma_semaphore, #tpu.memory_space<semaphore_mem>>) src(%arg7 : memref<4096xf32, #tpu.memory_space<vmem>>) dst(%dma_wait3A_1438 : memref<4096xf32, #tpu.memory_space<hbm>>)
    %dma_wait3A_1439 = arith.constant 0 : i32
    %dma_wait3A_1440 = arith.constant 0 : i32
    %dma_wait3A_1441 = arith.constant 0 : i32
    %dma_wait3A_1442 = tpu.memref_slice %arg4[%dma_wait3A_1439, %dma_wait3A_1440, %dma_wait3A_1441] : memref<26x16x16384xf32, #tpu.memory_space<hbm>> -> memref<1x1x4096xf32, #tpu.memory_space<hbm>>
    %dma_wait3A_1443 = tpu.memref_squeeze %dma_wait3A_1442 : memref<1x1x4096xf32, #tpu.memory_space<hbm>> -> memref<4096xf32, #tpu.memory_space<hbm>>
    %dma_wait3A_1444 = arith.constant 0 : i32
    %dma_wait3A_1445 = tpu.memref_slice %arg4[%dma_wait3A_1439, %dma_wait3A_1440, %dma_wait3A_1444] : memref<26x16x16384xf32, #tpu.memory_space<hbm>> -> memref<1x1x4096xf32, #tpu.memory_space<hbm>>
    %dma_wait3A_1446 = tpu.memref_squeeze %dma_wait3A_1445 : memref<1x1x4096xf32, #tpu.memory_space<hbm>> -> memref<4096xf32, #tpu.memory_space<hbm>>
    tpu.wait_dma2 semaphore(%arg11 : memref<!tpu.dma_semaphore, #tpu.memory_space<semaphore_mem>>) src(%arg8 : memref<4096xf32, #tpu.memory_space<vmem>>) dst(%dma_wait3A_1446 : memref<4096xf32, #tpu.memory_space<hbm>>)
    return
  }
}

</mosaic_0001>

<sc_bundles>
// kernel: kernel.3.cloned.1.call-start
scs
__scs_entry_jumppad:
0x0: {  	(pc) =	sbr.rel $0x88, $3  }
0x1: {  	(tag) =	ssettag $0x0;
	lr =	simm.s32 $0x1  }
0x2: {  	[smem:$0x3F9F] =	sst lr;
	_ =	strace $0xD0000000  }
0x3: {  	_ = 	snop  }
0x4: {  	_ = 	snop  }
0x5: {  	_ = 	snop  }
0x6: {  	_ = 	snop  }
0x7: {  	_ = 	snop  }
__scs_overlays_trampoline_lowered:
0x8: {  	[smem:$0x3FAE] =	sst s0  }
0x9: {  	[smem:$0x3FAF] =	sst s1  }
0xa: {  	[smem:$0x3FB0] =	sst s2  }
0xb: {  	[smem:$0x3FB1] =	sst s3  }
0xc: {  	[smem:$0x3FB2] =	sst s4  }
0xd: {  	[smem:$0x3FB3] =	sst s5  }
0xe: {  	[smem:$0x3FB4] =	sst s6  }
0xf: {  	[smem:$0x3FB5] =	sst s7  }
0x10: {  	[smem:$0x3FB6] =	sst s8  }
0x11: {  	[smem:$0x3FB7] =	sst s9;
	s0 =	simm.s32 @!p0 $0x0  }
0x12: {  	s1 =	sld [smem:$0x3F9D];
	s0 =	simm.s32 @p0 $0x1  }
0x13: {  	[smem:$0x3FB8] =	sst s0;
	s0 =	simm.s32 @!p1 $0x0  }
0x14: {  	s2 =	sld [smem:$0x3F9C];
	s0 =	simm.s32 @p1 $0x1  }
0x15: {  	[smem:$0x3FB9] =	sst s0;
	s0 =	simm.s32 @!p2 $0x0  }
0x16: {  	s3 =	sld [smem:$0x3FDB];
	s0 =	simm.s32 @p2 $0x1  }
0x17: {  	s4 =	simm.s32 $0x1BF5;
	[smem:$0x3FBB] =	sst s0  }
0x18: {  	s0 =	sld [smem:$0x3F9E];
	_ =	swait.ge [sflag:s4], $0x0  }
0x19: {  	s7 =	sld [smem:$0x3F9F]  }
0x1a: {  	s8 =	sadd.s32 $0xFFFFE003, lr  }
0x1b: {  	s9 =	sadd.s32 $0xFFFFFEF7, lr;
	s5 =	simm.s32 $0xFFFFFFFF;
	p2 =	slt.u32 s8, $0xFFFFF086  }
0x1c: {  	p1 =	slt.u32 s9, $0xF7A;
	s5 =	simm.s32 @!p2 $0x0  }
0x1d: {  	s5 =	simm.s32 @p1 $0x1;
	p0 =	seq.s32 s7, s2  }
0x1e: {  	s7 =	smul.u32 @!p0 $0xF7A, s2;
	p2 =	seq.s32 @!p0 s5, $0x0  }
0x1f: {  	s9 =	smul.u32 $0xF7A, s1;
	s8 =	simm.s32 @!p0 $0x1BF5;
	p2 =	por !p2, p0  }
0x20: {  	[sflag:s8] =	ssyncset.s32 @!p0 $0xFFFFF086;
	s6 =	sadd.s32 @!p0 s3, s7;
	s7 =	simm.s32 @!p0 $0x108  }
0x21: {  	s3 =	sadd.s32 s3, s9;
	s6 =	sadd.s32 @!p0 $0x88, s6;
	s7 =	simm.s32 @p2 $0x1082  }
0x22: {  	[simem:s7], [sflag:s8] =	dma.local @!p0 [hbm:s6], $0xF7A  }
0x23: {  	s9 =	sor.u32 $0xD0000000, s2;
	s6 =	simm.s32 $0x108;
	_ =	swait.ge @!p0 [sflag:s8], $0x0  }
0x24: {  	s3 =	sadd.s32 $0x88, s3;
	s6 =	simm.s32 @!p1 $0x1082;
	[sflag:s4] =	ssyncset.s32 $0xFFFFF086  }
0x25: {  	[simem:s6], [sflag:s4] =	dma.local [hbm:s3], $0xF7A  }
0x26: {  	[smem:$0x3F9F] =	sst s1;
	(tag) =	ssettag s2;
	_ =	strace s9  }
0x27: {  	s1 =	sld [smem:$0x3FAF]  }
0x28: {  	s2 =	sld [smem:$0x3FB0]  }
0x29: {  	s4 =	sld [smem:$0x3FB2]  }
0x2a: {  	p0 =	seq.s32 s5, $0x0;
	s5 =	sld [smem:$0x3FB3]  }
0x2b: {  	s6 =	sld [smem:$0x3FB4]  }
0x2c: {  	s7 =	sld [smem:$0x3FB5]  }
0x2d: {  	s3 =	simm.s32 $0x108;
	s8 =	sld [smem:$0x3FB6]  }
0x2e: {  	s3 =	simm.s32 @!p0 $0x1082;
	s9 =	sld [smem:$0x3FB7]  }
0x2f: {  	lr =	sadd.s32 s0, s3;
	s0 =	sld [smem:$0x3FAE]  }
0x30: {  	s3 =	sld [smem:$0x3FB1]  }
0x31: {  	[smem:$0x3FBA] =	sst s10  }
0x32: {  	s10 =	sld [smem:$0x3FB8];
	_ =	sdelay $0x3  }
0x33: {  	p0 =	seq.s32 s10, $0x1;
	s10 =	sld [smem:$0x3FBA];
	_ =	sdelay $0x3  }
0x34: {  	[smem:$0x3FBA] =	sst s10  }
0x35: {  	s10 =	sld [smem:$0x3FB9];
	_ =	sdelay $0x3  }
0x36: {  	p1 =	seq.s32 s10, $0x1;
	s10 =	sld [smem:$0x3FBA];
	_ =	sdelay $0x3  }
0x37: {  	[smem:$0x3FBA] =	sst s10  }
0x38: {  	s10 =	sld [smem:$0x3FBB]  }
0x39: {  	_ = 	snop;
	(pc) =	sbr.ind lr, $3  }
0x3a: {  	_ = 	snop  }
0x3b: {  	_ = 	snop  }
0x3c: {  	p2 =	seq.s32 s10, $0x1;
	s10 =	sld [smem:$0x3FBA]  }
0x3d: {  	_ =	shalt  }
0x3e: {  	_ =	shalt  }
0x3f: {  	_ =	shalt  }
0x40: {  	_ =	shalt  }
0x41: {  	_ =	shalt  }
0x42: {  	_ =	shalt  }
0x43: {  	_ =	shalt  }
0x44: {  	_ =	shalt  }
0x45: {  	_ =	shalt  }
0x46: {  	_ =	shalt  }
0x47: {  	_ =	shalt  }
0x48: {  	_ =	shalt  }
0x49: {  	_ =	shalt  }
0x4a: {  	_ =	shalt  }
0x4b: {  	_ =	shalt  }
0x4c: {  	_ =	shalt  }
0x4d: {  	_ =	shalt  }
0x4e: {  	_ =	shalt  }
0x4f: {  	_ =	shalt  }
0x50: {  	_ =	shalt  }
0x51: {  	_ =	shalt  }
0x52: {  	_ =	shalt  }
0x53: {  	_ =	shalt  }
0x54: {  	_ =	shalt  }
0x55: {  	_ =	shalt  }
0x56: {  	_ =	shalt  }
0x57: {  	_ =	shalt  }
0x58: {  	_ =	shalt  }
0x59: {  	_ =	shalt  }
0x5a: {  	_ =	shalt  }
0x5b: {  	_ =	shalt  }
0x5c: {  	_ =	shalt  }
0x5d: {  	_ =	shalt  }
0x5e: {  	_ =	shalt  }
0x5f: {  	_ =	shalt  }
0x60: {  	_ =	shalt  }
0x61: {  	_ =	shalt  }
0x62: {  	_ =	shalt  }
0x63: {  	_ =	shalt  }
0x64: {  	_ =	shalt  }
0x65: {  	_ =	shalt  }
0x66: {  	_ =	shalt  }
0x67: {  	_ =	shalt  }
0x68: {  	_ =	shalt  }
0x69: {  	_ =	shalt  }
0x6a: {  	_ =	shalt  }
0x6b: {  	_ =	shalt  }
0x6c: {  	_ =	shalt  }
0x6d: {  	_ =	shalt  }
0x6e: {  	_ =	shalt  }
0x6f: {  	_ =	shalt  }
0x70: {  	_ =	shalt  }
0x71: {  	_ =	shalt  }
0x72: {  	_ =	shalt  }
0x73: {  	_ =	shalt  }
0x74: {  	_ =	shalt  }
0x75: {  	_ =	shalt  }
0x76: {  	_ =	shalt  }
0x77: {  	_ =	shalt  }
0x78: {  	_ =	shalt  }
0x79: {  	_ =	shalt  }
0x7a: {  	_ =	shalt  }
0x7b: {  	_ =	shalt  }
0x7c: {  	_ =	shalt  }
0x7d: {  	_ =	shalt  }
0x7e: {  	_ =	shalt  }
0x7f: {  	_ =	shalt  }
0x80: {  	_ =	shalt  }
0x81: {  	_ =	shalt  }
0x82: {  	_ =	shalt  }
0x83: {  	_ =	shalt  }
0x84: {  	_ =	shalt  }
0x85: {  	_ =	shalt  }
0x86: {  	_ =	shalt  }
0x87: {  	_ =	shalt  }
.Lfunc_end0:
.L_simem_size_0:
called_computation_lowered:
.L_overlay_start_0:
0x88: {  	s2 =	sld [smem:$0x3FD9]  }
0x89: {  	s3 =	sld [smem:$0x3FFE];
	_ =	sdelay $0x1  }
0x8a: {  	s1 =	srdreg.scid  }
0x8b: {  	s0 =	sand.u32 $0x1, s1  }
0x8c: {  	s18 =	sshll.u32 s0, $0xA;
	s2 =	sadd.s32 s3, s2  }
0x8d: {  	s2 =	sadd.s32 s2, s18  }
0x8e: {  	[smem:$0x3FC6] =	sst s2  }
0x8f: {  	_ = 	snop  }
0x90: {  	s2 =	sld [smem:$0x3FC9]  }
0x91: {  	s19 =	sld [smem:$0x3FC8]  }
0x92: {  	s4 =	sld [smem:$0x3FD0];
	(tm) =	ssettm $0x1  }
0x93: {  	s5 =	sld [smem:$0x3FFB];
	_ =	sdelay $0x3  }
0x94: {  	_ =	strace s5  }
0x95: {  	s5 =	sld [smem:$0x3FFC];
	_ =	sdelay $0x3  }
0x96: {  	_ =	strace s5  }
0x97: {  	s5 =	sld [smem:$0x3FFD];
	_ =	sdelay $0x3  }
0x98: {  	_ =	strace s5  }
0x99: {  	_ =	strace $0x8FFFFFFF  }
0x9a: {  	s20 =	sld [smem:$0x3FDB];
	_ =	sdelay $0x1  }
0x9b: {  	s6 =	simm.s32 $_scs_section_size  }
0x9c: {  	s7 =	simm.s32 $_size__tile_overlayer_lowered;
	s8 =	simm.s32 $_tile_overlayer_lowered  }
0x9d: {  	s23 =	simm.s32 $0x1BFF;
	s22 =	sshll.u32 s8, $0x1;
	s5 =	sadd.s32 s6, s20  }
0x9e: {  	s9 =	simm.s32 $0x0;
	s21 =	sshll.u32 s7, $0x1;
	s7 =	sadd.s32 s22, s5  }
0x9f: {  	[timem:s9], [sflag:s23] =	dma.local [hbm:s7], s21  }
0xa0: {  	_ =	swait.ge [sflag:s23], s21  }
0xa1: {  	s6 =	ssub.s32 $0x0, s21;
	[sflag:s23] =	ssyncset.done $0x0  }
0xa2: {  	[sflag:s23] =	ssyncadd.s32 s6;
	_ =	sdelay $0x1  }
0xa3: {  	s24 =	simm.s32 $0x1B8B  }
0xa4: {  	_ =	swait.ge [sflag:s24], $0x1  }
0xa5: {  	[sflag:s24] =	ssyncset.done $0x0  }
0xa6: {  	s25 =	simm.s32 $0x1B8E;
	[sflag:s24] =	ssyncadd.s32 $0xFFFFFFFF  }
0xa7: {  	s26 =	simm.s32 $execute0_lowered;
	[smem:$0x3FD2] =	sst s25  }
0xa8: {  	s6 =	sshll.u32 s26, $0x1;
	_ =	strace $0x80000046;
	[dreg:$0x1] =	wrdreg $0xFFFFFFFF  }
0xa9: {  	s28 =	simm.s32 $_size_execute0_lowered;
	s5 =	sadd.s32 s5, s6;
	[dreg:$0x0] =	wrdreg $0x0  }
0xaa: {  	s6 =	sshll.u32 s28, $0x1;
	[dreg:$0x2] =	wrdreg s5  }
0xab: {  	[dreg:$0x3] =	wrdreg s6  }
0xac: {  	[dreg:$0x4] =	wrdreg $0xC0  }
0xad: {  	_ =	task [dreg:s9], $0x5FFFF  }
0xae: {  	[dreg:$0x1] =	wrdreg $0xFFFFFFFF  }
0xaf: {  	[dreg:$0x0] =	wrdreg $0x60  }
0xb0: {  	[dreg:$0x2] =	wrdreg s2  }
0xb1: {  	[dreg:$0x3] =	wrdreg s19  }
0xb2: {  	[dreg:$0x4] =	wrdreg s4  }
0xb3: {  	[dreg:$0x5] =	wrdreg $0x9  }
0xb4: {  	_ =	task.clear_ibuf [dreg:s9], $0x6FFFF;
	_ =	strace $0x90000046  }
0xb5: {  	s29 =	simm.s32 $0x9;
	_ =	strace $0x80000048  }
0xb6: {  	_ =	swait.ge [sflag:s29], $0x1  }
0xb7: {  	[sflag:s29] =	ssyncadd.s32 $0xFFFFFFFF  }
0xb8: {  	_ =	strace $0x90000048  }
0xb9: {  	_ =	sfence  }
0xba: {  	s30 =	sld [smem:$0x0];
	_ =	sdelay $0x2  }
0xbb: {  	s31 =	sshll.u32 s1, $0xD;
	s1 =	sshrl.u32 s1, $0x2  }
0xbc: {  	s3 =	sand.u32 $0x4000, s31;
	s1 =	sadd.s32 s1, s30  }
0xbd: {  	s0 =	sor.u32 s3, s0;
	s1 =	sshll.u32 s1, $0x11  }
0xbe: {  	s0 =	sor.u32 s1, s0  }
0xbf: {  	s0 =	sadd.s32 $0x8F2B, s0  }
0xc0: {  	[sflag:s0] =	ssyncadd.remote.s32 $0x1  }
0xc1: {  	_ =	sfence.sel $0xFFFF  }
0xc2: {  	[dreg:$0x0] =	wrdreg $0xFFFFFFFF;
	(pc) =	sbr.abs _section_cstart, $3  }
0xc3: {  	[dreg:$0x1] =	wrdreg $0xFFFFFFFF  }
0xc4: {  	_ =	task.clear_ibuf [dreg:s9], $0x2FFFF;
	_ =	strace $0x9FFFFFFF  }
0xc5: {  	(tm) =	ssettm $0x7FFFFFFF  }
tec
execute0_lowered:
.L_overlay_start_1:
0x0: {  	(tag) =	ssettag $0x1  }
0x1: {  	s0 =	srdreg.scid;
	s1 =	stileid.u32  }
0x2: {  	s0 =	sand.u32 $0x1, s0;
	s1 =	sshll.u32 s1, $0x1  }
0x3: {  	s1 =	sor.u32 s0, s1  }
0x4: {  	s0 =	ssub.s32 $0x2, s0;
	s4 =	smul.u32 $0xD, s1  }
0x5: {  	s11 =	rddreg [dreg:$0x1];
	s15 =	sshrl.u32 s0, $0x1  }
0x6: {  	s0 =	ssub.s32 s0, s15;
	s2 =	sshrl.u32 s4, $0x4;
	s5 =	sshll.u32 s4, $0x7  }
0x7: {  	s6 =	sand.u32 $0x8, s4;
	s7 =	sand.u32 $0x70, s4;
	[smem:$0x7FD] =	sst s0  }
0x8: {  	s21 =	sadd.s32 $0x1, s4;
	s6 =	sshrl.u32 s6, $0x3;
	s8 =	smul.u32 $0x187000, s2  }
0x9: {  	s9 =	sand.u32 $0xC000, s5;
	s7 =	sadd.s32 s11, s7;
	s17 =	sand.u32 $0x380, s5  }
0xa: {  	s2 =	sshll.u32 s2, $0x12;
	s22 =	sshrl.u32 s21, $0x4;
	s3 =	sand.u32 $0xF, s21  }
0xb: {  	s23 =	sshll.u32 s21, $0x7;
	s10 =	smul.u32 $0xC3800, s6;
	s16 =	sadd.s32 s9, s7  }
0xc: {  	s19 =	sshll.u32 s6, $0x11;
	[smem:$0x7F0] =	sst s3;
	s24 =	sshrl.u32 s3, $0x3  }
0xd: {  	s25 =	smul.u32 $0x187000, s22;
	s26 =	sand.u32 $0x1C000, s23;
	s12 =	sand.u32 $0x380, s23  }
0xe: {  	s14 =	sshll.u32 s22, $0x12;
	[smem:$0x7FC] =	sst s16;
	s20 =	sor.u32 s2, s19  }
0xf: {  	s2 =	sand.u32 $0x70, s21;
	s3 =	smul.u32 $0xC3800, s24;
	s16 =	sshll.u32 s24, $0x11  }
0x10: {  	s19 =	sadd.s32 $0x2, s4;
	s18 =	sadd.s32 s8, s10;
	s2 =	sadd.s32 s11, s2  }
0x11: {  	s30 =	sor.u32 s17, s20;
	s20 =	sshrl.u32 s19, $0x4;
	s21 =	sand.u32 $0xF, s19  }
0x12: {  	s22 =	sshll.u32 s19, $0x7;
	s15 =	sor.u32 s17, s18;
	s9 =	sadd.s32 s26, s2  }
0x13: {  	s13 =	sadd.s32 s25, s3;
	s17 =	sor.u32 s14, s16;
	[smem:$0x7F2] =	sst s21  }
0x14: {  	s2 =	sand.u32 $0x70, s19;
	s23 =	sshrl.u32 s21, $0x3;
	s24 =	smul.u32 $0x187000, s20  }
0x15: {  	s25 =	sand.u32 $0x1C000, s22;
	s6 =	sand.u32 $0x380, s22;
	s10 =	sshll.u32 s20, $0x12  }
0x16: {  	s14 =	sadd.s32 $0x3, s4;
	[dreg:$0x4] =	wrdreg s9;
	s18 =	sor.u32 s12, s13  }
0x17: {  	s2 =	sadd.s32 s11, s2;
	s26 =	smul.u32 $0xC3800, s23;
	s0 =	sor.u32 s12, s17  }
0x18: {  	s12 =	sshll.u32 s23, $0x11;
	s17 =	sshrl.u32 s14, $0x4;
	s19 =	sand.u32 $0xF, s14  }
0x19: {  	s20 =	sshll.u32 s14, $0x7;
	[smem:$0x7C8] =	sst s0;
	s3 =	sadd.s32 s25, s2  }
0x1a: {  	s13 =	sor.u32 s10, s12;
	[smem:$0x7F4] =	sst s19;
	s2 =	sand.u32 $0x70, s14  }
0x1b: {  	s21 =	sshrl.u32 s19, $0x3;
	s22 =	smul.u32 $0x187000, s17;
	s23 =	sand.u32 $0x1C000, s20  }
0x1c: {  	s10 =	sshll.u32 s17, $0x12;
	s12 =	sadd.s32 $0x4, s4;
	[dreg:$0x5] =	wrdreg s3  }
0x1d: {  	s9 =	sadd.s32 s24, s26;
	s2 =	sadd.s32 s11, s2;
	s24 =	smul.u32 $0xC3800, s21  }
0x1e: {  	s0 =	sor.u32 s6, s13;
	s26 =	sand.u32 $0x380, s20;
	s13 =	sshll.u32 s21, $0x11  }
0x1f: {  	s14 =	sshrl.u32 s12, $0x4;
	s17 =	sand.u32 $0xF, s12;
	s21 =	sshll.u32 s12, $0x7  }
0x20: {  	s5 =	sand.u32 $0x70, s12;
	s16 =	sor.u32 s6, s9;
	[smem:$0x7C9] =	sst s0  }
0x21: {  	s25 =	sadd.s32 s23, s2;
	[smem:$0x7F6] =	sst s17;
	s2 =	sor.u32 s10, s13  }
0x22: {  	s19 =	sshrl.u32 s17, $0x3;
	s20 =	smul.u32 $0x187000, s14;
	s23 =	sadd.s32 s11, s5  }
0x23: {  	s7 =	sshll.u32 s14, $0x12;
	s10 =	sadd.s32 $0x5, s4;
	s14 =	sand.u32 $0x380, s21  }
0x24: {  	[dreg:$0x6] =	wrdreg s25;
	s9 =	sadd.s32 s22, s24;
	s22 =	smul.u32 $0xC3800, s19  }
0x25: {  	s24 =	sand.u32 $0x1C000, s21;
	s0 =	sor.u32 s26, s2;
	s8 =	sshll.u32 s19, $0x11  }
0x26: {  	s12 =	sshrl.u32 s10, $0x4;
	s13 =	sand.u32 $0xF, s10;
	s5 =	sand.u32 $0x70, s10  }
0x27: {  	s16 =	sshrl.u32 s16, $0x3;
	s17 =	sor.u32 s26, s9;
	[smem:$0x7CA] =	sst s0  }
0x28: {  	s25 =	sadd.s32 s24, s23;
	s1 =	sor.u32 s7, s8;
	[smem:$0x7F8] =	sst s13  }
0x29: {  	s21 =	smul.u32 $0x187000, s12;
	s24 =	sadd.s32 s11, s5;
	s6 =	sshll.u32 s12, $0x12  }
0x2a: {  	s7 =	sadd.s32 $0x8, s4;
	[dreg:$0x7] =	wrdreg s25;
	s26 =	sadd.s32 s20, s22  }
0x2b: {  	s20 =	sshrl.u32 s13, $0x3;
	s22 =	sshll.u32 s10, $0x7;
	s1 =	sor.u32 s14, s1  }
0x2c: {  	s10 =	sadd.s32 $0x6, s4;
	s29 =	sand.u32 $0xF, s7;
	s23 =	smul.u32 $0xC3800, s20  }
0x2d: {  	s19 =	sor.u32 s14, s26;
	s25 =	sand.u32 $0x1C000, s22;
	[smem:$0x7CB] =	sst s1  }
0x2e: {  	s8 =	sshll.u32 s20, $0x11;
	s12 =	sshrl.u32 s10, $0x4;
	s13 =	sand.u32 $0xF, s10  }
0x2f: {  	s14 =	sand.u32 $0x380, s22;
	s5 =	sand.u32 $0x70, s10;
	s0 =	sadd.s32 s25, s24  }
0x30: {  	s1 =	sor.u32 s6, s8;
	[smem:$0x7FA] =	sst s13;
	s22 =	sshrl.u32 s13, $0x3  }
0x31: {  	s24 =	sshll.u32 s10, $0x7;
	s25 =	sadd.s32 s11, s5;
	s6 =	sshll.u32 s12, $0x12  }
0x32: {  	s10 =	sadd.s32 $0x7, s4;
	s26 =	sadd.s32 s21, s23;
	s23 =	smul.u32 $0x187000, s12  }
0x33: {  	s19 =	sshrl.u32 s19, $0x3;
	[dreg:$0x8] =	wrdreg s0;
	s21 =	smul.u32 $0xC3800, s22  }
0x34: {  	s1 =	sor.u32 s14, s1;
	s8 =	sshll.u32 s22, $0x11;
	s12 =	sshrl.u32 s10, $0x4  }
0x35: {  	s28 =	sand.u32 $0xF, s10;
	s13 =	sand.u32 $0x380, s24;
	s22 =	sshll.u32 s10, $0x7  }
0x36: {  	s5 =	sand.u32 $0x70, s10;
	s10 =	sshrl.u32 s29, $0x3;
	s20 =	sor.u32 s14, s26  }
0x37: {  	s26 =	sand.u32 $0x1C000, s24;
	[smem:$0x7D1] =	sst s1;
	s1 =	sor.u32 s6, s8  }
0x38: {  	s14 =	sshrl.u32 s28, $0x3;
	s24 =	smul.u32 $0x187000, s12;
	s8 =	sshrl.u32 s7, $0x4  }
0x39: {  	s9 =	sand.u32 $0x380, s22;
	s0 =	sadd.s32 s26, s25;
	s3 =	sadd.s32 s23, s21  }
0x3a: {  	s23 =	smul.u32 $0xC3800, s14;
	s25 =	sadd.s32 s11, s5;
	s26 =	sand.u32 $0x1C000, s22  }
0x3b: {  	s1 =	sor.u32 s13, s1;
	s5 =	sshll.u32 s12, $0x12;
	s6 =	sshll.u32 s14, $0x11  }
0x3c: {  	s12 =	smul.u32 $0x187000, s8;
	s20 =	sshrl.u32 s20, $0x3;
	[dreg:$0x9] =	wrdreg s0  }
0x3d: {  	s21 =	sor.u32 s13, s3;
	[smem:$0x7D6] =	sst s1;
	s0 =	sadd.s32 s26, s25  }
0x3e: {  	s1 =	sor.u32 s5, s6;
	s5 =	sand.u32 $0x70, s7;
	s25 =	smul.u32 $0xC3800, s10  }
0x3f: {  	s6 =	sadd.s32 $0x9, s4;
	[dreg:$0xa] =	wrdreg s0;
	s3 =	sadd.s32 s24, s23  }
0x40: {  	s24 =	sshll.u32 s7, $0x7;
	s13 =	sadd.s32 s11, s5;
	s14 =	sor.u32 s9, s1  }
0x41: {  	s5 =	sshll.u32 s10, $0x11;
	s2 =	sshrl.u32 s6, $0x4;
	s31 =	sand.u32 $0xF, s6  }
0x42: {  	s21 =	sshrl.u32 s21, $0x3;
	s22 =	sor.u32 s9, s3;
	s26 =	sand.u32 $0x1C000, s24  }
0x43: {  	s23 =	sadd.s32 s12, s25;
	s3 =	sshll.u32 s8, $0x12;
	s8 =	sand.u32 $0x380, s24  }
0x44: {  	s9 =	sshrl.u32 s31, $0x3;
	s10 =	smul.u32 $0x187000, s2;
	s0 =	sadd.s32 s26, s13  }
0x45: {  	s7 =	sor.u32 s3, s5;
	s26 =	sshll.u32 s6, $0x7;
	s5 =	sand.u32 $0x70, s6  }
0x46: {  	s12 =	smul.u32 $0xC3800, s9;
	s23 =	sor.u32 s8, s23;
	s22 =	sshrl.u32 s22, $0x3  }
0x47: {  	[dreg:$0xb] =	wrdreg s0;
	s5 =	sadd.s32 s11, s5;
	s3 =	sand.u32 $0x1C000, s26  }
0x48: {  	s13 =	sor.u32 s8, s7;
	s7 =	sshll.u32 s2, $0x12;
	s8 =	sshll.u32 s9, $0x11  }
0x49: {  	s9 =	sadd.s32 $0xA, s4;
	s1 =	sadd.s32 s3, s5;
	s0 =	sadd.s32 s10, s12  }
0x4a: {  	s25 =	sor.u32 s7, s8;
	s2 =	sshrl.u32 s9, $0x4;
	s10 =	sand.u32 $0xF, s9  }
0x4b: {  	s12 =	sand.u32 $0x380, s26;
	s24 =	sshll.u32 s9, $0x7;
	s5 =	sand.u32 $0x70, s9  }
0x4c: {  	[dreg:$0xc] =	wrdreg s1;
	s26 =	sshrl.u32 s10, $0x3;
	s3 =	smul.u32 $0x187000, s2  }
0x4d: {  	s7 =	sor.u32 s12, s0;
	s8 =	sadd.s32 s11, s5;
	s9 =	sand.u32 $0x1C000, s24  }
0x4e: {  	s12 =	sor.u32 s12, s25;
	s25 =	sshll.u32 s2, $0x12;
	s24 =	sand.u32 $0x380, s24  }
0x4f: {  	s1 =	smul.u32 $0xC3800, s26;
	s0 =	sadd.s32 s9, s8;
	s26 =	sshll.u32 s26, $0x11  }
0x50: {  	s7 =	sshrl.u32 s7, $0x3;
	[dreg:$0xd] =	wrdreg s0;
	s6 =	sor.u32 s25, s26  }
0x51: {  	s9 =	sadd.s32 s3, s1;
	s1 =	sadd.s32 $0xB, s4;
	s6 =	sor.u32 s24, s6  }
0x52: {  	s5 =	sshrl.u32 s1, $0x4;
	s8 =	sand.u32 $0xF, s1;
	s0 =	sshll.u32 s1, $0x7  }
0x53: {  	s3 =	sand.u32 $0x70, s1;
	s9 =	sor.u32 s24, s9;
	s25 =	sshrl.u32 s8, $0x3  }
0x54: {  	s26 =	smul.u32 $0x187000, s5;
	s3 =	sadd.s32 s11, s3;
	s1 =	sand.u32 $0x1C000, s0  }
0x55: {  	s0 =	sand.u32 $0x380, s0;
	s2 =	smul.u32 $0xC3800, s25;
	s1 =	sadd.s32 s1, s3  }
0x56: {  	s3 =	sshll.u32 s5, $0x12;
	s5 =	sshll.u32 s25, $0x11;
	[dreg:$0xe] =	wrdreg s1  }
0x57: {  	s26 =	sadd.s32 s26, s2;
	s2 =	sor.u32 s3, s5;
	s3 =	sadd.s32 $0xC, s4  }
0x58: {  	s1 =	sor.u32 s0, s26;
	s2 =	sor.u32 s0, s2;
	s0 =	sshrl.u32 s3, $0x4  }
0x59: {  	s4 =	sand.u32 $0xF, s3;
	s24 =	sand.u32 $0x70, s3;
	s3 =	sshll.u32 s3, $0x7  }
0x5a: {  	s26 =	sshrl.u32 s4, $0x3;
	s25 =	smul.u32 $0x187000, s0;
	s5 =	sadd.s32 s11, s24  }
0x5b: {  	s0 =	sshll.u32 s0, $0x12;
	s1 =	sshrl.u32 s1, $0x3;
	s11 =	smul.u32 $0xC3800, s26  }
0x5c: {  	s24 =	sshll.u32 s26, $0x11;
	s26 =	sand.u32 $0x1C000, s3;
	s3 =	sand.u32 $0x380, s3  }
0x5d: {  	s5 =	sadd.s32 s26, s5;
	s0 =	sor.u32 s0, s24;
	s26 =	rddreg [dreg:$0x0]  }
0x5e: {  	s24 =	sshrl.u32 s15, $0x3;
	[dreg:$0xf] =	wrdreg s5;
	s5 =	sadd.s32 s25, s11  }
0x5f: {  	s25 =	sshrl.u32 s18, $0x3;
	s11 =	sadd.s32 s26, s24;
	s16 =	sadd.s32 s26, s16  }
0x60: {  	s18 =	sshrl.u32 s17, $0x3;
	s24 =	sshrl.u32 s23, $0x3;
	s23 =	sadd.s32 s26, s7  }
0x61: {  	s0 =	sor.u32 s3, s0;
	[dreg:$0x10] =	wrdreg s11;
	s15 =	sadd.s32 s26, s25  }
0x62: {  	s17 =	sadd.s32 s26, s18;
	s18 =	sadd.s32 s26, s19;
	s19 =	sadd.s32 s26, s20  }
0x63: {  	s20 =	sadd.s32 s26, s21;
	s21 =	sadd.s32 s26, s22;
	s22 =	sadd.s32 s26, s24  }
0x64: {  	s25 =	sshrl.u32 s9, $0x3;
	s5 =	sor.u32 s3, s5;
	s9 =	sld [smem:$0x7C8]  }
0x65: {  	s3 =	rddreg [dreg:$0x2];
	s24 =	sadd.s32 s26, s25;
	s5 =	sshrl.u32 s5, $0x3  }
0x66: {  	s25 =	sadd.s32 s26, s1;
	s1 =	sshrl.u32 s30, $0x3;
	s7 =	sadd.s32 $0x1000, s3  }
0x67: {  	s26 =	sadd.s32 s26, s5;
	s11 =	sadd.s32 s3, s1;
	s5 =	sshrl.u32 s9, $0x3  }
0x68: {  	[dreg:$0x11] =	wrdreg s11;
	s9 =	sadd.s32 $0x2000, s3;
	s11 =	sadd.s32 s1, s7  }
0x69: {  	[dreg:$0x12] =	wrdreg s11;
	s11 =	sadd.s32 s1, s9  }
0x6a: {  	[dreg:$0x13] =	wrdreg s11;
	s11 =	sadd.s32 $0x3000, s3  }
0x6b: {  	s1 =	sadd.s32 s1, s11  }
0x6c: {  	[dreg:$0x14] =	wrdreg s1;
	s1 =	sadd.s32 s3, s5  }
0x6d: {  	[dreg:$0x15] =	wrdreg s1;
	s1 =	sadd.s32 s5, s7  }
0x6e: {  	[dreg:$0x16] =	wrdreg s1;
	s1 =	sadd.s32 s5, s9;
	s5 =	sadd.s32 s5, s11  }
0x6f: {  	[dreg:$0x18] =	wrdreg s5  }
0x70: {  	s5 =	sld [smem:$0x7C9];
	_ =	sdelay $0x2  }
0x71: {  	[dreg:$0x17] =	wrdreg s1;
	s1 =	sshrl.u32 s5, $0x3  }
0x72: {  	s5 =	sadd.s32 s3, s1  }
0x73: {  	[dreg:$0x19] =	wrdreg s5;
	s5 =	sadd.s32 s1, s7  }
0x74: {  	[dreg:$0x1a] =	wrdreg s5;
	s5 =	sadd.s32 s1, s9  }
0x75: {  	[dreg:$0x1b] =	wrdreg s5  }
0x76: {  	s5 =	sld [smem:$0x7CA]  }
0x77: {  	s1 =	sadd.s32 s1, s11  }
0x78: {  	[dreg:$0x1c] =	wrdreg s1  }
0x79: {  	s1 =	sshrl.u32 s5, $0x3;
	s5 =	sld [smem:$0x7CB];
	_ =	sdelay $0x1  }
0x7a: {  	s30 =	sadd.s32 s3, s1  }
0x7b: {  	[dreg:$0x1d] =	wrdreg s30;
	s30 =	sadd.s32 s1, s7;
	s5 =	sshrl.u32 s5, $0x3  }
0x7c: {  	[dreg:$0x1e] =	wrdreg s30;
	s30 =	sadd.s32 s1, s9;
	s1 =	sadd.s32 s1, s11  }
0x7d: {  	[smem:$0x7CC] =	sst s1;
	s1 =	sadd.s32 s3, s5  }
0x7e: {  	[smem:$0x7CD] =	sst s1;
	s1 =	sadd.s32 s5, s7  }
0x7f: {  	[smem:$0x7CE] =	sst s1;
	s1 =	sadd.s32 s5, s9;
	s5 =	sadd.s32 s5, s11  }
0x80: {  	[smem:$0x7D0] =	sst s5  }
0x81: {  	s5 =	sld [smem:$0x7D1];
	_ =	sdelay $0x2  }
0x82: {  	[smem:$0x7CF] =	sst s1;
	s1 =	sshrl.u32 s5, $0x3  }
0x83: {  	s5 =	sadd.s32 s3, s1  }
0x84: {  	[smem:$0x7D2] =	sst s5;
	s5 =	sadd.s32 s1, s7  }
0x85: {  	[smem:$0x7D3] =	sst s5;
	s5 =	sadd.s32 s1, s9  }
0x86: {  	[smem:$0x7D4] =	sst s5  }
0x87: {  	s5 =	sld [smem:$0x7D6];
	_ =	sdelay $0x1  }
0x88: {  	s1 =	sadd.s32 s1, s11  }
0x89: {  	[smem:$0x7D5] =	sst s1;
	s1 =	sshrl.u32 s5, $0x3  }
0x8a: {  	[dreg:$0x1f] =	wrdreg s30;
	s5 =	sshrl.u32 s14, $0x3;
	s14 =	sadd.s32 s3, s1  }
0x8b: {  	[smem:$0x7D7] =	sst s14;
	s14 =	sadd.s32 s1, s7  }
0x8c: {  	[smem:$0x7D8] =	sst s14;
	s14 =	sadd.s32 s1, s9  }
0x8d: {  	s1 =	sadd.s32 s1, s11;
	[smem:$0x7D9] =	sst s14  }
0x8e: {  	[smem:$0x7DA] =	sst s1;
	s14 =	sadd.s32 s3, s5  }
0x8f: {  	s1 =	sshrl.u32 s13, $0x3;
	[smem:$0x7DB] =	sst s14;
	s14 =	sadd.s32 s5, s7  }
0x90: {  	s13 =	sadd.s32 s1, s7;
	[smem:$0x7DC] =	sst s14  }
0x91: {  	s14 =	sadd.s32 s5, s9;
	[smem:$0x7E0] =	sst s13  }
0x92: {  	s5 =	sadd.s32 s5, s11;
	[smem:$0x7DD] =	sst s14  }
0x93: {  	[smem:$0x7DE] =	sst s5;
	s14 =	sadd.s32 s3, s1  }
0x94: {  	s5 =	sshrl.u32 s6, $0x3;
	[smem:$0x7DF] =	sst s14;
	s14 =	sadd.s32 s1, s9  }
0x95: {  	s6 =	sshrl.u32 s2, $0x3;
	s1 =	sadd.s32 s1, s11;
	[smem:$0x7E1] =	sst s14  }
0x96: {  	s2 =	sadd.s32 s3, s6;
	[smem:$0x7E2] =	sst s1;
	s1 =	sshrl.u32 s12, $0x3  }
0x97: {  	[smem:$0x7EB] =	sst s2;
	s12 =	sadd.s32 s3, s1  }
0x98: {  	s13 =	sadd.s32 s1, s7;
	[smem:$0x7E3] =	sst s12  }
0x99: {  	s14 =	sadd.s32 s1, s9;
	[smem:$0x7E4] =	sst s13  }
0x9a: {  	s1 =	sadd.s32 s1, s11;
	[smem:$0x7E5] =	sst s14  }
0x9b: {  	[smem:$0x7E6] =	sst s1;
	s12 =	sadd.s32 s3, s5  }
0x9c: {  	s13 =	sadd.s32 s5, s7;
	[smem:$0x7E7] =	sst s12  }
0x9d: {  	s14 =	sadd.s32 s5, s9;
	[smem:$0x7E8] =	sst s13  }
0x9e: {  	s1 =	sadd.s32 s6, s11;
	[smem:$0x7E9] =	sst s14  }
0x9f: {  	[smem:$0x7EE] =	sst s1  }
0xa0: {  	s0 =	sshrl.u32 s0, $0x3;
	s5 =	sadd.s32 s5, s11;
	s1 =	sld [smem:$0x7F0]  }
0xa1: {  	s2 =	sadd.s32 s0, s9;
	[smem:$0x7EA] =	sst s5;
	s12 =	sadd.s32 s6, s7  }
0xa2: {  	s13 =	sadd.s32 s6, s9;
	s14 =	sadd.s32 s3, s0;
	s3 =	sld [smem:$0x7F2]  }
0xa3: {  	s5 =	sadd.s32 s0, s7;
	s6 =	sld [smem:$0x7F4];
	p0 =	sne.s32 s1, $0x0  }
0xa4: {  	s9 =	sadd.s32 s0, s11;
	s7 =	sld [smem:$0x7F6];
	s0 =	simm.s32 @!p0 $0x0  }
0xa5: {  	s11 =	sld [smem:$0x7F8];
	s0 =	simm.s32 @p0 $0x1;
	p0 =	sne.s32 s3, $0x0  }
0xa6: {  	[smem:$0x7F1] =	sst s0;
	s0 =	simm.s32 @!p0 $0x0  }
0xa7: {  	[smem:$0x7EC] =	sst s12;
	s0 =	simm.s32 @p0 $0x1;
	p0 =	sne.s32 s6, $0x0  }
0xa8: {  	[smem:$0x7F3] =	sst s0;
	s0 =	simm.s32 @!p0 $0x0  }
0xa9: {  	s12 =	sld [smem:$0x7FA];
	s0 =	simm.s32 @p0 $0x1;
	p0 =	sne.s32 s7, $0x0  }
0xaa: {  	p6 =	sne.s32 s28, $0x0;
	[smem:$0x7F5] =	sst s0;
	s0 =	simm.s32 @!p0 $0x0  }
0xab: {  	[smem:$0x7ED] =	sst s13;
	s0 =	simm.s32 @p0 $0x1;
	p0 =	sne.s32 s11, $0x0  }
0xac: {  	s28 =	simm.s32 $0x1;
	[smem:$0x7F7] =	sst s0;
	s0 =	simm.s32 @!p0 $0x0  }
0xad: {  	[smem:$0x7EF] =	sst s14;
	s0 =	simm.s32 @p0 $0x1;
	p0 =	sne.s32 s12, $0x0  }
0xae: {  	s13 =	simm.s32 $0x0;
	[smem:$0x7F9] =	sst s0;
	s0 =	simm.s32 @!p0 $0x0  }
0xaf: {  	p1 =	sne.s32 s31, $0x0;
	[smem:$0x7FF] =	sst s13;
	s0 =	simm.s32 @p0 $0x1  }
0xb0: {  	s31 =	simm.s32 $0x2;
	p2 =	sne.s32 s10, $0x0;
	[smem:$0x7FB] =	sst s0  }
0xb1: {  	p3 =	sne.s32 s8, $0x0;
	s8 =	sld [smem:$0x7FC];
	_ =	strace $0x80000047  }
0xb2: {  	p4 =	sne.s32 s4, $0x0;
	s30 =	simm.s32 $0x1D700;
	s14 =	sld [smem:$0x7FD]  }
0xb3: {  	s13 =	simm.s32 $0x4000;
	s1 =	simm.s32 $0x0;
	s11 =	simm.s32 $0x80  }
0xb4: {  	s12 =	simm.s32 $0x400;
	p0 =	sne.s32 s29, $0x0;
	s29 =	simm.s32 $0x1C700  }
0xb5: {  	s0 =	simm.s32 $0x3;
	s10 =	smax.u32 s14, $0x1;
	s14 =	simm.s32 $0x4  }
.LBB2_1:
0xb6: {  	s3 =	simm.s32 $0x0  }
0xb7: {  	[tilespmem:s3], [sflag:$0x1] =	stream.strided.gather [hbm4b:s8+s11], $0x4000, s12, s11, $0x38;
	[tilespmem:$0x1E700] =	vst v63  }
0xb8: {  	s7 =	rddreg [dreg:$0x10]  }
0xb9: {  	[tilespmem:s13], [sflag:$0x4] =	stream.strided.gather [hbm4b:s7+s11], $0x18700, s12, s11, $0x38;
	[tilespmem:$0x1E700] =	vst v63  }
0xba: {  	_ =	swait.ge [sflag:s14], $0x18700  }
0xbb: {  	[sflag:s14] =	ssyncset.done $0x0  }
0xbc: {  	[sflag:s14] =	ssyncadd.s32 $0xFFFE7900  }
0xbd: {  	_ =	swait.ge [sflag:s28], $0x4000  }
0xbe: {  	[sflag:s28] =	ssyncset.done $0x0  }
0xbf: {  	s4 =	simm.s32 $0x40;
	[sflag:s28] =	ssyncadd.s32 $0xFFFFC000  }
0xc0: {  	v0 =	vld [tilespmem:s4+$0x30]  }
0xc1: {  	v1 =	vld [tilespmem:s4+$0xFFFFFFD0]  }
0xc2: {  	v2 =	vld [tilespmem:s4+$0xFFFFFFE0]  }
0xc3: {  	v3 =	vld [tilespmem:s4+$0xFFFFFFF0]  }
0xc4: {  	v4 =	vld [tilespmem:s4+$0x0]  }
0xc5: {  	v6 =	vld [tilespmem:s4+$0x10]  }
0xc6: {  	v7 =	vld [tilespmem:s4+$0x20]  }
0xc7: {  	v8 =	vld [tilespmem:s4+$0xFFFFFFC0]  }
0xc8: {  	v9 =	vld.idx.msk [tilespmem:v0+s13+$0x0], $0xffff  }
0xc9: {  	v10 =	vld.idx.msk [tilespmem:v1+s13+$0x0], $0xffff  }
0xca: {  	v5 =	vld.idx.msk [tilespmem:v2+s13+$0x0], $0xffff  }
0xcb: {  	v3 =	vld.idx.msk [tilespmem:v3+s13+$0x0], $0xffff  }
0xcc: {  	v0 =	vld.idx.msk [tilespmem:v4+s13+$0x0], $0xffff  }
0xcd: {  	s4 =	simm.s32 $0x1C740;
	v1 =	vld.idx.msk [tilespmem:v6+s13+$0x0], $0xffff  }
0xce: {  	v2 =	vld.idx.msk [tilespmem:v7+s13+$0x0], $0xffff;
	[tilespmem:s4+$0x30] =	vst v9  }
0xcf: {  	s6 =	simm.s32 $0x0;
	s7 =	simm.s32 $0xC0;
	v4 =	vld.idx.msk [tilespmem:v8+s13+$0x0], $0xffff;
	[tilespmem:s4+$0xFFFFFFD0] =	vst v10  }
.LBB2_2:
0xd0: {  	v6 =	vld [tilespmem:s7+$0x30];
	s6 =	sadd.s32 $0x80, s6;
	[tilespmem:s4+$0xFFFFFFE0] =	vst v5  }
0xd1: {  	v5 =	vld [tilespmem:s7+$0xFFFFFFD0];
	p5 =	slt.u32 s6, $0xF80;
	[tilespmem:s4+$0xFFFFFFF0] =	vst v3  }
0xd2: {  	v3 =	vld [tilespmem:s7+$0xFFFFFFE0];
	[tilespmem:s4+$0x0] =	vst v0  }
0xd3: {  	v0 =	vld [tilespmem:s7+$0xFFFFFFF0];
	[tilespmem:s4+$0x10] =	vst v1  }
0xd4: {  	v1 =	vld [tilespmem:s7+$0x0];
	[tilespmem:s4+$0x20] =	vst v2  }
0xd5: {  	v2 =	vld [tilespmem:s7+$0x10];
	[tilespmem:s4+$0xFFFFFFC0] =	vst v4  }
0xd6: {  	v4 =	vld [tilespmem:s7+$0x20]  }
0xd7: {  	v7 =	vld [tilespmem:s7+$0xFFFFFFC0]  }
0xd8: {  	v6 =	vld.idx.msk [tilespmem:v6+s13+$0x0], $0xffff  }
0xd9: {  	v8 =	vld.idx.msk [tilespmem:v5+s13+$0x0], $0xffff  }
0xda: {  	v5 =	vld.idx.msk [tilespmem:v3+s13+$0x0], $0xffff  }
.Ltmp0:
0xdb: {  	v3 =	vld.idx.msk [tilespmem:v0+s13+$0x0], $0xffff;
	(pc) =	sbr.rel @p5 .LBB2_2-.Ltmp0, $4  }
0xdc: {  	v0 =	vld.idx.msk [tilespmem:v1+s13+$0x0], $0xffff  }
0xdd: {  	s4 =	sadd.s32 $0x80, s4;
	v1 =	vld.idx.msk [tilespmem:v2+s13+$0x0], $0xffff  }
0xde: {  	v2 =	vld.idx.msk [tilespmem:v4+s13+$0x0], $0xffff;
	[tilespmem:s4+$0x30] =	vst v6  }
0xdf: {  	s7 =	sadd.s32 $0x80, s7;
	v4 =	vld.idx.msk [tilespmem:v7+s13+$0x0], $0xffff;
	[tilespmem:s4+$0xFFFFFFD0] =	vst v8  }
0xe0: {  	[tilespmem:s4+$0xFFFFFFE0] =	vst v5  }
0xe1: {  	[tilespmem:s4+$0xFFFFFFF0] =	vst v3  }
0xe2: {  	[tilespmem:s4+$0x0] =	vst v0  }
0xe3: {  	[tilespmem:s4+$0x10] =	vst v1  }
0xe4: {  	[tilespmem:s4+$0x20] =	vst v2  }
0xe5: {  	[tilespmem:s4+$0xFFFFFFC0] =	vst v4  }
0xe6: {  	s7 =	simm.s32 $0x1070;
	s3 =	rddreg [dreg:$0x11]  }
0xe7: {  	[hbm4b:s3+s11] =	stream.strided.scatter [tilespmem:s29], [sflag:$0x2], $0x1000, s12, s11, $0x38;
	[tilespmem:$0x1E700] =	vst v63  }
0xe8: {  	v0 =	vld [tilespmem:s7+$0x0]  }
0xe9: {  	v1 =	vld [tilespmem:s7+$0xFFFFFFA0]  }
0xea: {  	v2 =	vld [tilespmem:s7+$0xFFFFFFB0]  }
0xeb: {  	v3 =	vld [tilespmem:s7+$0xFFFFFFC0]  }
0xec: {  	v4 =	vld [tilespmem:s7+$0xFFFFFFD0]  }
0xed: {  	v6 =	vld [tilespmem:s7+$0xFFFFFFE0]  }
0xee: {  	v7 =	vld [tilespmem:s7+$0xFFFFFFF0]  }
0xef: {  	v8 =	vld [tilespmem:s7+$0xFFFFFF90]  }
0xf0: {  	v9 =	vld.idx.msk [tilespmem:v0+s13+$0x0], $0xffff  }
0xf1: {  	v10 =	vld.idx.msk [tilespmem:v1+s13+$0x0], $0xffff  }
0xf2: {  	v5 =	vld.idx.msk [tilespmem:v2+s13+$0x0], $0xffff  }
0xf3: {  	v3 =	vld.idx.msk [tilespmem:v3+s13+$0x0], $0xffff  }
0xf4: {  	v0 =	vld.idx.msk [tilespmem:v4+s13+$0x0], $0xffff  }
0xf5: {  	s4 =	simm.s32 $0x1D740;
	v1 =	vld.idx.msk [tilespmem:v6+s13+$0x0], $0xffff  }
0xf6: {  	v2 =	vld.idx.msk [tilespmem:v7+s13+$0x0], $0xffff;
	[tilespmem:s4+$0x30] =	vst v9  }
0xf7: {  	s6 =	simm.s32 $0x0;
	s7 =	simm.s32 $0x10F0;
	v4 =	vld.idx.msk [tilespmem:v8+s13+$0x0], $0xffff;
	[tilespmem:s4+$0xFFFFFFD0] =	vst v10  }
.LBB2_4:
0xf8: {  	v6 =	vld [tilespmem:s7+$0x0];
	s6 =	sadd.s32 $0x80, s6;
	[tilespmem:s4+$0xFFFFFFE0] =	vst v5  }
0xf9: {  	v5 =	vld [tilespmem:s7+$0xFFFFFFA0];
	p5 =	slt.u32 s6, $0xF80;
	[tilespmem:s4+$0xFFFFFFF0] =	vst v3  }
0xfa: {  	v3 =	vld [tilespmem:s7+$0xFFFFFFB0];
	[tilespmem:s4+$0x0] =	vst v0  }
0xfb: {  	v0 =	vld [tilespmem:s7+$0xFFFFFFC0];
	[tilespmem:s4+$0x10] =	vst v1  }
0xfc: {  	v1 =	vld [tilespmem:s7+$0xFFFFFFD0];
	[tilespmem:s4+$0x20] =	vst v2  }
0xfd: {  	v2 =	vld [tilespmem:s7+$0xFFFFFFE0];
	[tilespmem:s4+$0xFFFFFFC0] =	vst v4  }
0xfe: {  	v4 =	vld [tilespmem:s7+$0xFFFFFFF0]  }
0xff: {  	v7 =	vld [tilespmem:s7+$0xFFFFFF90]  }
0x100: {  	v6 =	vld.idx.msk [tilespmem:v6+s13+$0x0], $0xffff  }
0x101: {  	v8 =	vld.idx.msk [tilespmem:v5+s13+$0x0], $0xffff  }
0x102: {  	v5 =	vld.idx.msk [tilespmem:v3+s13+$0x0], $0xffff  }
.Ltmp1:
0x103: {  	v3 =	vld.idx.msk [tilespmem:v0+s13+$0x0], $0xffff;
	(pc) =	sbr.rel @p5 .LBB2_4-.Ltmp1, $4  }
0x104: {  	v0 =	vld.idx.msk [tilespmem:v1+s13+$0x0], $0xffff  }
0x105: {  	s4 =	sadd.s32 $0x80, s4;
	v1 =	vld.idx.msk [tilespmem:v2+s13+$0x0], $0xffff  }
0x106: {  	v2 =	vld.idx.msk [tilespmem:v4+s13+$0x0], $0xffff;
	[tilespmem:s4+$0x30] =	vst v6  }
0x107: {  	s7 =	sadd.s32 $0x80, s7;
	v4 =	vld.idx.msk [tilespmem:v7+s13+$0x0], $0xffff;
	[tilespmem:s4+$0xFFFFFFD0] =	vst v8  }
0x108: {  	[tilespmem:s4+$0xFFFFFFE0] =	vst v5  }
0x109: {  	[tilespmem:s4+$0xFFFFFFF0] =	vst v3  }
0x10a: {  	[tilespmem:s4+$0x0] =	vst v0  }
0x10b: {  	[tilespmem:s4+$0x10] =	vst v1  }
0x10c: {  	[tilespmem:s4+$0x20] =	vst v2  }
0x10d: {  	[tilespmem:s4+$0xFFFFFFC0] =	vst v4  }
0x10e: {  	s3 =	rddreg [dreg:$0x12]  }
0x10f: {  	[hbm4b:s3+s11] =	stream.strided.scatter [tilespmem:s30], [sflag:$0x3], $0x1000, s12, s11, $0x38;
	[tilespmem:$0x1E700] =	vst v63  }
0x110: {  	_ =	swait.ge [sflag:s31], $0x1000  }
0x111: {  	[sflag:s31] =	ssyncset.done $0x0  }
0x112: {  	s7 =	simm.s32 $0x2070;
	[sflag:s31] =	ssyncadd.s32 $0xFFFFF000  }
0x113: {  	v0 =	vld [tilespmem:s7+$0x0]  }
0x114: {  	v1 =	vld [tilespmem:s7+$0xFFFFFFA0]  }
0x115: {  	v2 =	vld [tilespmem:s7+$0xFFFFFFB0]  }
0x116: {  	v3 =	vld [tilespmem:s7+$0xFFFFFFC0]  }
0x117: {  	v4 =	vld [tilespmem:s7+$0xFFFFFFD0]  }
0x118: {  	v6 =	vld [tilespmem:s7+$0xFFFFFFE0]  }
0x119: {  	v7 =	vld [tilespmem:s7+$0xFFFFFFF0]  }
0x11a: {  	v8 =	vld [tilespmem:s7+$0xFFFFFF90]  }
0x11b: {  	v9 =	vld.idx.msk [tilespmem:v0+s13+$0x0], $0xffff  }
0x11c: {  	v10 =	vld.idx.msk [tilespmem:v1+s13+$0x0], $0xffff  }
0x11d: {  	v5 =	vld.idx.msk [tilespmem:v2+s13+$0x0], $0xffff  }
0x11e: {  	v3 =	vld.idx.msk [tilespmem:v3+s13+$0x0], $0xffff  }
0x11f: {  	v0 =	vld.idx.msk [tilespmem:v4+s13+$0x0], $0xffff  }
0x120: {  	s4 =	simm.s32 $0x1C740;
	v1 =	vld.idx.msk [tilespmem:v6+s13+$0x0], $0xffff  }
0x121: {  	v2 =	vld.idx.msk [tilespmem:v7+s13+$0x0], $0xffff;
	[tilespmem:s4+$0x30] =	vst v9  }
0x122: {  	s6 =	simm.s32 $0x0;
	s7 =	simm.s32 $0x20F0;
	v4 =	vld.idx.msk [tilespmem:v8+s13+$0x0], $0xffff;
	[tilespmem:s4+$0xFFFFFFD0] =	vst v10  }
.LBB2_6:
0x123: {  	v6 =	vld [tilespmem:s7+$0x0];
	s6 =	sadd.s32 $0x80, s6;
	[tilespmem:s4+$0xFFFFFFE0] =	vst v5  }
0x124: {  	v5 =	vld [tilespmem:s7+$0xFFFFFFA0];
	p5 =	slt.u32 s6, $0xF80;
	[tilespmem:s4+$0xFFFFFFF0] =	vst v3  }
0x125: {  	v3 =	vld [tilespmem:s7+$0xFFFFFFB0];
	[tilespmem:s4+$0x0] =	vst v0  }
0x126: {  	v0 =	vld [tilespmem:s7+$0xFFFFFFC0];
	[tilespmem:s4+$0x10] =	vst v1  }
0x127: {  	v1 =	vld [tilespmem:s7+$0xFFFFFFD0];
	[tilespmem:s4+$0x20] =	vst v2  }
0x128: {  	v2 =	vld [tilespmem:s7+$0xFFFFFFE0];
	[tilespmem:s4+$0xFFFFFFC0] =	vst v4  }
0x129: {  	v4 =	vld [tilespmem:s7+$0xFFFFFFF0]  }
0x12a: {  	v7 =	vld [tilespmem:s7+$0xFFFFFF90]  }
0x12b: {  	v6 =	vld.idx.msk [tilespmem:v6+s13+$0x0], $0xffff  }
0x12c: {  	v8 =	vld.idx.msk [tilespmem:v5+s13+$0x0], $0xffff  }
0x12d: {  	v5 =	vld.idx.msk [tilespmem:v3+s13+$0x0], $0xffff  }
.Ltmp2:
0x12e: {  	v3 =	vld.idx.msk [tilespmem:v0+s13+$0x0], $0xffff;
	(pc) =	sbr.rel @p5 .LBB2_6-.Ltmp2, $4  }
0x12f: {  	v0 =	vld.idx.msk [tilespmem:v1+s13+$0x0], $0xffff  }
0x130: {  	s4 =	sadd.s32 $0x80, s4;
	v1 =	vld.idx.msk [tilespmem:v2+s13+$0x0], $0xffff  }
0x131: {  	v2 =	vld.idx.msk [tilespmem:v4+s13+$0x0], $0xffff;
	[tilespmem:s4+$0x30] =	vst v6  }
0x132: {  	s7 =	sadd.s32 $0x80, s7;
	v4 =	vld.idx.msk [tilespmem:v7+s13+$0x0], $0xffff;
	[tilespmem:s4+$0xFFFFFFD0] =	vst v8  }
0x133: {  	[tilespmem:s4+$0xFFFFFFE0] =	vst v5  }
0x134: {  	[tilespmem:s4+$0xFFFFFFF0] =	vst v3  }
0x135: {  	[tilespmem:s4+$0x0] =	vst v0  }
0x136: {  	[tilespmem:s4+$0x10] =	vst v1  }
0x137: {  	[tilespmem:s4+$0x20] =	vst v2  }
0x138: {  	[tilespmem:s4+$0xFFFFFFC0] =	vst v4  }
0x139: {  	s3 =	rddreg [dreg:$0x13]  }
0x13a: {  	[hbm4b:s3+s11] =	stream.strided.scatter [tilespmem:s29], [sflag:$0x2], $0x1000, s12, s11, $0x38;
	[tilespmem:$0x1E700] =	vst v63  }
0x13b: {  	_ =	swait.ge [sflag:s0], $0x1000  }
0x13c: {  	[sflag:s0] =	ssyncset.done $0x0  }
0x13d: {  	s7 =	simm.s32 $0x3070;
	[sflag:s0] =	ssyncadd.s32 $0xFFFFF000  }
0x13e: {  	v0 =	vld [tilespmem:s7+$0x0]  }
0x13f: {  	v1 =	vld [tilespmem:s7+$0xFFFFFFA0]  }
0x140: {  	v2 =	vld [tilespmem:s7+$0xFFFFFFB0]  }
0x141: {  	v3 =	vld [tilespmem:s7+$0xFFFFFFC0]  }
0x142: {  	v4 =	vld [tilespmem:s7+$0xFFFFFFD0]  }
0x143: {  	v6 =	vld [tilespmem:s7+$0xFFFFFFE0]  }
0x144: {  	v7 =	vld [tilespmem:s7+$0xFFFFFFF0]  }
0x145: {  	v8 =	vld [tilespmem:s7+$0xFFFFFF90]  }
0x146: {  	v9 =	vld.idx.msk [tilespmem:v0+s13+$0x0], $0xffff  }
0x147: {  	v10 =	vld.idx.msk [tilespmem:v1+s13+$0x0], $0xffff  }
0x148: {  	v5 =	vld.idx.msk [tilespmem:v2+s13+$0x0], $0xffff  }
0x149: {  	v3 =	vld.idx.msk [tilespmem:v3+s13+$0x0], $0xffff  }
0x14a: {  	v0 =	vld.idx.msk [tilespmem:v4+s13+$0x0], $0xffff  }
0x14b: {  	s4 =	simm.s32 $0x1D740;
	v1 =	vld.idx.msk [tilespmem:v6+s13+$0x0], $0xffff  }
0x14c: {  	v2 =	vld.idx.msk [tilespmem:v7+s13+$0x0], $0xffff;
	[tilespmem:s4+$0x30] =	vst v9  }
0x14d: {  	s6 =	simm.s32 $0x0;
	s7 =	simm.s32 $0x30F0;
	v4 =	vld.idx.msk [tilespmem:v8+s13+$0x0], $0xffff;
	[tilespmem:s4+$0xFFFFFFD0] =	vst v10  }
.LBB2_8:
0x14e: {  	v6 =	vld [tilespmem:s7+$0x0];
	s6 =	sadd.s32 $0x80, s6;
	[tilespmem:s4+$0xFFFFFFE0] =	vst v5  }
0x14f: {  	v5 =	vld [tilespmem:s7+$0xFFFFFFA0];
	p5 =	slt.u32 s6, $0xF80;
	[tilespmem:s4+$0xFFFFFFF0] =	vst v3  }
0x150: {  	v3 =	vld [tilespmem:s7+$0xFFFFFFB0];
	[tilespmem:s4+$0x0] =	vst v0  }
0x151: {  	v0 =	vld [tilespmem:s7+$0xFFFFFFC0];
	[tilespmem:s4+$0x10] =	vst v1  }
0x152: {  	v1 =	vld [tilespmem:s7+$0xFFFFFFD0];
	[tilespmem:s4+$0x20] =	vst v2  }
0x153: {  	v2 =	vld [tilespmem:s7+$0xFFFFFFE0];
	[tilespmem:s4+$0xFFFFFFC0] =	vst v4  }
0x154: {  	v4 =	vld [tilespmem:s7+$0xFFFFFFF0]  }
0x155: {  	v7 =	vld [tilespmem:s7+$0xFFFFFF90]  }
0x156: {  	v6 =	vld.idx.msk [tilespmem:v6+s13+$0x0], $0xffff  }
0x157: {  	v8 =	vld.idx.msk [tilespmem:v5+s13+$0x0], $0xffff  }
0x158: {  	v5 =	vld.idx.msk [tilespmem:v3+s13+$0x0], $0xffff  }
.Ltmp3:
0x159: {  	v3 =	vld.idx.msk [tilespmem:v0+s13+$0x0], $0xffff;
	(pc) =	sbr.rel @p5 .LBB2_8-.Ltmp3, $4  }
0x15a: {  	v0 =	vld.idx.msk [tilespmem:v1+s13+$0x0], $0xffff  }
0x15b: {  	s4 =	sadd.s32 $0x80, s4;
	v1 =	vld.idx.msk [tilespmem:v2+s13+$0x0], $0xffff  }
0x15c: {  	v2 =	vld.idx.msk [tilespmem:v4+s13+$0x0], $0xffff;
	[tilespmem:s4+$0x30] =	vst v6  }
0x15d: {  	s7 =	sadd.s32 $0x80, s7;
	v4 =	vld.idx.msk [tilespmem:v7+s13+$0x0], $0xffff;
	[tilespmem:s4+$0xFFFFFFD0] =	vst v8  }
0x15e: {  	[tilespmem:s4+$0xFFFFFFE0] =	vst v5  }
0x15f: {  	[tilespmem:s4+$0xFFFFFFF0] =	vst v3  }
0x160: {  	[tilespmem:s4+$0x0] =	vst v0  }
0x161: {  	[tilespmem:s4+$0x10] =	vst v1  }
0x162: {  	[tilespmem:s4+$0x20] =	vst v2  }
0x163: {  	[tilespmem:s4+$0xFFFFFFC0] =	vst v4  }
0x164: {  	s6 =	sld [smem:$0x7F1]  }
0x165: {  	s3 =	rddreg [dreg:$0x14]  }
0x166: {  	[hbm4b:s3+s11] =	stream.strided.scatter [tilespmem:s30], [sflag:$0x3], $0x1000, s12, s11, $0x38;
	[tilespmem:$0x1E700] =	vst v63  }
0x167: {  	p5 =	seq.s32 s6, $0x1  }
0x168: {  	s4 =	simm.s32 @p5 $0x80;
	s6 =	simm.s32 @p5 $0x400;
	s7 =	simm.s32 @p5 $0x4000  }
0x169: {  	[tilespmem:s7], [sflag:$0x4] =	stream.strided.gather @p5 [hbm4b:s15+s4], $0x18700, s6, s4, $0x38;
	[tilespmem:$0x1E700] =	vst v63  }
0x16a: {  	s4 =	simm.s32 @p5 $0x4  }
0x16b: {  	_ =	swait.ge @p5 [sflag:s4], $0x18700  }
0x16c: {  	s6 =	simm.s32 @!p5 $0x400;
	s7 =	simm.s32 @!p5 $0x0;
	[sflag:s4] =	ssyncset.done @p5 $0x0  }
0x16d: {  	s3 =	rddreg [dreg:$0x4];
	[sflag:s4] =	ssyncadd.s32 @p5 $0xFFFE7900;
	s4 =	simm.s32 @!p5 $0x80  }
0x16e: {  	[tilespmem:s7], [sflag:$0x1] =	stream.strided.gather @!p5 [hbm4b:s3+s4], $0x4000, s6, s4, $0x38;
	[tilespmem:$0x1E700] =	vst v63  }
0x16f: {  	s7 =	simm.s32 @!p5 $0x4000  }
0x170: {  	[tilespmem:s7], [sflag:$0x4] =	stream.strided.gather @!p5 [hbm4b:s15+s4], $0x18700, s6, s4, $0x38;
	[tilespmem:$0x1E700] =	vst v63  }
0x171: {  	s4 =	simm.s32 @!p5 $0x4  }
0x172: {  	_ =	swait.ge @!p5 [sflag:s4], $0x18700  }
0x173: {  	[sflag:s4] =	ssyncset.done @!p5 $0x0  }
0x174: {  	[sflag:s4] =	ssyncadd.s32 @!p5 $0xFFFE7900;
	s4 =	simm.s32 @!p5 $0x1  }
0x175: {  	_ =	swait.ge @!p5 [sflag:s4], $0x4000  }
0x176: {  	[sflag:s4] =	ssyncset.done @!p5 $0x0  }
0x177: {  	[sflag:s4] =	ssyncadd.s32 @!p5 $0xFFFFC000  }
0x178: {  	_ =	swait.ge [sflag:s31], $0x1000  }
0x179: {  	[sflag:s31] =	ssyncset.done $0x0  }
0x17a: {  	s7 =	simm.s32 $0x40;
	[sflag:s31] =	ssyncadd.s32 $0xFFFFF000  }
0x17b: {  	v0 =	vld [tilespmem:s7+$0x30]  }
0x17c: {  	v1 =	vld [tilespmem:s7+$0xFFFFFFD0]  }
0x17d: {  	v2 =	vld [tilespmem:s7+$0xFFFFFFE0]  }
0x17e: {  	v3 =	vld [tilespmem:s7+$0xFFFFFFF0]  }
0x17f: {  	v4 =	vld [tilespmem:s7+$0x0]  }
0x180: {  	v6 =	vld [tilespmem:s7+$0x10]  }
0x181: {  	v7 =	vld [tilespmem:s7+$0x20]  }
0x182: {  	v8 =	vld [tilespmem:s7+$0xFFFFFFC0]  }
0x183: {  	v9 =	vld.idx.msk [tilespmem:v0+s13+$0x0], $0xffff  }
0x184: {  	v10 =	vld.idx.msk [tilespmem:v1+s13+$0x0], $0xffff  }
0x185: {  	v5 =	vld.idx.msk [tilespmem:v2+s13+$0x0], $0xffff  }
0x186: {  	v3 =	vld.idx.msk [tilespmem:v3+s13+$0x0], $0xffff  }
0x187: {  	v0 =	vld.idx.msk [tilespmem:v4+s13+$0x0], $0xffff  }
0x188: {  	s4 =	simm.s32 $0x1C740;
	v1 =	vld.idx.msk [tilespmem:v6+s13+$0x0], $0xffff  }
0x189: {  	v2 =	vld.idx.msk [tilespmem:v7+s13+$0x0], $0xffff;
	[tilespmem:s4+$0x30] =	vst v9  }
0x18a: {  	s6 =	simm.s32 $0x0;
	s7 =	simm.s32 $0xC0;
	v4 =	vld.idx.msk [tilespmem:v8+s13+$0x0], $0xffff;
	[tilespmem:s4+$0xFFFFFFD0] =	vst v10  }
.LBB2_10:
0x18b: {  	v6 =	vld [tilespmem:s7+$0x30];
	s6 =	sadd.s32 $0x80, s6;
	[tilespmem:s4+$0xFFFFFFE0] =	vst v5  }
0x18c: {  	v5 =	vld [tilespmem:s7+$0xFFFFFFD0];
	p5 =	slt.u32 s6, $0xF80;
	[tilespmem:s4+$0xFFFFFFF0] =	vst v3  }
0x18d: {  	v3 =	vld [tilespmem:s7+$0xFFFFFFE0];
	[tilespmem:s4+$0x0] =	vst v0  }
0x18e: {  	v0 =	vld [tilespmem:s7+$0xFFFFFFF0];
	[tilespmem:s4+$0x10] =	vst v1  }
0x18f: {  	v1 =	vld [tilespmem:s7+$0x0];
	[tilespmem:s4+$0x20] =	vst v2  }
0x190: {  	v2 =	vld [tilespmem:s7+$0x10];
	[tilespmem:s4+$0xFFFFFFC0] =	vst v4  }
0x191: {  	v4 =	vld [tilespmem:s7+$0x20]  }
0x192: {  	v7 =	vld [tilespmem:s7+$0xFFFFFFC0]  }
0x193: {  	v6 =	vld.idx.msk [tilespmem:v6+s13+$0x0], $0xffff  }
0x194: {  	v8 =	vld.idx.msk [tilespmem:v5+s13+$0x0], $0xffff  }
0x195: {  	v5 =	vld.idx.msk [tilespmem:v3+s13+$0x0], $0xffff  }
.Ltmp4:
0x196: {  	v3 =	vld.idx.msk [tilespmem:v0+s13+$0x0], $0xffff;
	(pc) =	sbr.rel @p5 .LBB2_10-.Ltmp4, $4  }
0x197: {  	v0 =	vld.idx.msk [tilespmem:v1+s13+$0x0], $0xffff  }
0x198: {  	s4 =	sadd.s32 $0x80, s4;
	v1 =	vld.idx.msk [tilespmem:v2+s13+$0x0], $0xffff  }
0x199: {  	v2 =	vld.idx.msk [tilespmem:v4+s13+$0x0], $0xffff;
	[tilespmem:s4+$0x30] =	vst v6  }
0x19a: {  	s7 =	sadd.s32 $0x80, s7;
	v4 =	vld.idx.msk [tilespmem:v7+s13+$0x0], $0xffff;
	[tilespmem:s4+$0xFFFFFFD0] =	vst v8  }
0x19b: {  	[tilespmem:s4+$0xFFFFFFE0] =	vst v5  }
0x19c: {  	[tilespmem:s4+$0xFFFFFFF0] =	vst v3  }
0x19d: {  	[tilespmem:s4+$0x0] =	vst v0  }
0x19e: {  	[tilespmem:s4+$0x10] =	vst v1  }
0x19f: {  	[tilespmem:s4+$0x20] =	vst v2  }
0x1a0: {  	[tilespmem:s4+$0xFFFFFFC0] =	vst v4  }
0x1a1: {  	s3 =	rddreg [dreg:$0x15]  }
0x1a2: {  	[hbm4b:s3+s11] =	stream.strided.scatter [tilespmem:s29], [sflag:$0x2], $0x1000, s12, s11, $0x38;
	[tilespmem:$0x1E700] =	vst v63  }
0x1a3: {  	_ =	swait.ge [sflag:s0], $0x1000  }
0x1a4: {  	[sflag:s0] =	ssyncset.done $0x0  }
0x1a5: {  	s7 =	simm.s32 $0x1070;
	[sflag:s0] =	ssyncadd.s32 $0xFFFFF000  }
0x1a6: {  	v0 =	vld [tilespmem:s7+$0x0]  }
0x1a7: {  	v1 =	vld [tilespmem:s7+$0xFFFFFFA0]  }
0x1a8: {  	v2 =	vld [tilespmem:s7+$0xFFFFFFB0]  }
0x1a9: {  	v3 =	vld [tilespmem:s7+$0xFFFFFFC0]  }
0x1aa: {  	v4 =	vld [tilespmem:s7+$0xFFFFFFD0]  }
0x1ab: {  	v6 =	vld [tilespmem:s7+$0xFFFFFFE0]  }
0x1ac: {  	v7 =	vld [tilespmem:s7+$0xFFFFFFF0]  }
0x1ad: {  	v8 =	vld [tilespmem:s7+$0xFFFFFF90]  }
0x1ae: {  	v9 =	vld.idx.msk [tilespmem:v0+s13+$0x0], $0xffff  }
0x1af: {  	v10 =	vld.idx.msk [tilespmem:v1+s13+$0x0], $0xffff  }
0x1b0: {  	v5 =	vld.idx.msk [tilespmem:v2+s13+$0x0], $0xffff  }
0x1b1: {  	v3 =	vld.idx.msk [tilespmem:v3+s13+$0x0], $0xffff  }
0x1b2: {  	v0 =	vld.idx.msk [tilespmem:v4+s13+$0x0], $0xffff  }
0x1b3: {  	s4 =	simm.s32 $0x1D740;
	v1 =	vld.idx.msk [tilespmem:v6+s13+$0x0], $0xffff  }
0x1b4: {  	v2 =	vld.idx.msk [tilespmem:v7+s13+$0x0], $0xffff;
	[tilespmem:s4+$0x30] =	vst v9  }
0x1b5: {  	s6 =	simm.s32 $0x0;
	s7 =	simm.s32 $0x10F0;
	v4 =	vld.idx.msk [tilespmem:v8+s13+$0x0], $0xffff;
	[tilespmem:s4+$0xFFFFFFD0] =	vst v10  }
.LBB2_12:
0x1b6: {  	v6 =	vld [tilespmem:s7+$0x0];
	s6 =	sadd.s32 $0x80, s6;
	[tilespmem:s4+$0xFFFFFFE0] =	vst v5  }
0x1b7: {  	v5 =	vld [tilespmem:s7+$0xFFFFFFA0];
	p5 =	slt.u32 s6, $0xF80;
	[tilespmem:s4+$0xFFFFFFF0] =	vst v3  }
0x1b8: {  	v3 =	vld [tilespmem:s7+$0xFFFFFFB0];
	[tilespmem:s4+$0x0] =	vst v0  }
0x1b9: {  	v0 =	vld [tilespmem:s7+$0xFFFFFFC0];
	[tilespmem:s4+$0x10] =	vst v1  }
0x1ba: {  	v1 =	vld [tilespmem:s7+$0xFFFFFFD0];
	[tilespmem:s4+$0x20] =	vst v2  }
0x1bb: {  	v2 =	vld [tilespmem:s7+$0xFFFFFFE0];
	[tilespmem:s4+$0xFFFFFFC0] =	vst v4  }
0x1bc: {  	v4 =	vld [tilespmem:s7+$0xFFFFFFF0]  }
0x1bd: {  	v7 =	vld [tilespmem:s7+$0xFFFFFF90]  }
0x1be: {  	v6 =	vld.idx.msk [tilespmem:v6+s13+$0x0], $0xffff  }
0x1bf: {  	v8 =	vld.idx.msk [tilespmem:v5+s13+$0x0], $0xffff  }
0x1c0: {  	v5 =	vld.idx.msk [tilespmem:v3+s13+$0x0], $0xffff  }
.Ltmp5:
0x1c1: {  	v3 =	vld.idx.msk [tilespmem:v0+s13+$0x0], $0xffff;
	(pc) =	sbr.rel @p5 .LBB2_12-.Ltmp5, $4  }
0x1c2: {  	v0 =	vld.idx.msk [tilespmem:v1+s13+$0x0], $0xffff  }
0x1c3: {  	s4 =	sadd.s32 $0x80, s4;
	v1 =	vld.idx.msk [tilespmem:v2+s13+$0x0], $0xffff  }
0x1c4: {  	v2 =	vld.idx.msk [tilespmem:v4+s13+$0x0], $0xffff;
	[tilespmem:s4+$0x30] =	vst v6  }
0x1c5: {  	s7 =	sadd.s32 $0x80, s7;
	v4 =	vld.idx.msk [tilespmem:v7+s13+$0x0], $0xffff;
	[tilespmem:s4+$0xFFFFFFD0] =	vst v8  }
0x1c6: {  	[tilespmem:s4+$0xFFFFFFE0] =	vst v5  }
0x1c7: {  	[tilespmem:s4+$0xFFFFFFF0] =	vst v3  }
0x1c8: {  	[tilespmem:s4+$0x0] =	vst v0  }
0x1c9: {  	[tilespmem:s4+$0x10] =	vst v1  }
0x1ca: {  	[tilespmem:s4+$0x20] =	vst v2  }
0x1cb: {  	[tilespmem:s4+$0xFFFFFFC0] =	vst v4  }
0x1cc: {  	s3 =	rddreg [dreg:$0x16]  }
0x1cd: {  	[hbm4b:s3+s11] =	stream.strided.scatter [tilespmem:s30], [sflag:$0x3], $0x1000, s12, s11, $0x38;
	[tilespmem:$0x1E700] =	vst v63  }
0x1ce: {  	_ =	swait.ge [sflag:s31], $0x1000  }
0x1cf: {  	[sflag:s31] =	ssyncset.done $0x0  }
0x1d0: {  	s7 =	simm.s32 $0x2070;
	[sflag:s31] =	ssyncadd.s32 $0xFFFFF000  }
0x1d1: {  	v0 =	vld [tilespmem:s7+$0x0]  }
0x1d2: {  	v1 =	vld [tilespmem:s7+$0xFFFFFFA0]  }
0x1d3: {  	v2 =	vld [tilespmem:s7+$0xFFFFFFB0]  }
0x1d4: {  	v3 =	vld [tilespmem:s7+$0xFFFFFFC0]  }
0x1d5: {  	v4 =	vld [tilespmem:s7+$0xFFFFFFD0]  }
0x1d6: {  	v6 =	vld [tilespmem:s7+$0xFFFFFFE0]  }
0x1d7: {  	v7 =	vld [tilespmem:s7+$0xFFFFFFF0]  }
0x1d8: {  	v8 =	vld [tilespmem:s7+$0xFFFFFF90]  }
0x1d9: {  	v9 =	vld.idx.msk [tilespmem:v0+s13+$0x0], $0xffff  }
0x1da: {  	v10 =	vld.idx.msk [tilespmem:v1+s13+$0x0], $0xffff  }
0x1db: {  	v5 =	vld.idx.msk [tilespmem:v2+s13+$0x0], $0xffff  }
0x1dc: {  	v3 =	vld.idx.msk [tilespmem:v3+s13+$0x0], $0xffff  }
0x1dd: {  	v0 =	vld.idx.msk [tilespmem:v4+s13+$0x0], $0xffff  }
0x1de: {  	s4 =	simm.s32 $0x1C740;
	v1 =	vld.idx.msk [tilespmem:v6+s13+$0x0], $0xffff  }
0x1df: {  	v2 =	vld.idx.msk [tilespmem:v7+s13+$0x0], $0xffff;
	[tilespmem:s4+$0x30] =	vst v9  }
0x1e0: {  	s6 =	simm.s32 $0x0;
	s7 =	simm.s32 $0x20F0;
	v4 =	vld.idx.msk [tilespmem:v8+s13+$0x0], $0xffff;
	[tilespmem:s4+$0xFFFFFFD0] =	vst v10  }
.LBB2_14:
0x1e1: {  	v6 =	vld [tilespmem:s7+$0x0];
	s6 =	sadd.s32 $0x80, s6;
	[tilespmem:s4+$0xFFFFFFE0] =	vst v5  }
0x1e2: {  	v5 =	vld [tilespmem:s7+$0xFFFFFFA0];
	p5 =	slt.u32 s6, $0xF80;
	[tilespmem:s4+$0xFFFFFFF0] =	vst v3  }
0x1e3: {  	v3 =	vld [tilespmem:s7+$0xFFFFFFB0];
	[tilespmem:s4+$0x0] =	vst v0  }
0x1e4: {  	v0 =	vld [tilespmem:s7+$0xFFFFFFC0];
	[tilespmem:s4+$0x10] =	vst v1  }
0x1e5: {  	v1 =	vld [tilespmem:s7+$0xFFFFFFD0];
	[tilespmem:s4+$0x20] =	vst v2  }
0x1e6: {  	v2 =	vld [tilespmem:s7+$0xFFFFFFE0];
	[tilespmem:s4+$0xFFFFFFC0] =	vst v4  }
0x1e7: {  	v4 =	vld [tilespmem:s7+$0xFFFFFFF0]  }
0x1e8: {  	v7 =	vld [tilespmem:s7+$0xFFFFFF90]  }
0x1e9: {  	v6 =	vld.idx.msk [tilespmem:v6+s13+$0x0], $0xffff  }
0x1ea: {  	v8 =	vld.idx.msk [tilespmem:v5+s13+$0x0], $0xffff  }
0x1eb: {  	v5 =	vld.idx.msk [tilespmem:v3+s13+$0x0], $0xffff  }
.Ltmp6:
0x1ec: {  	v3 =	vld.idx.msk [tilespmem:v0+s13+$0x0], $0xffff;
	(pc) =	sbr.rel @p5 .LBB2_14-.Ltmp6, $4  }
0x1ed: {  	v0 =	vld.idx.msk [tilespmem:v1+s13+$0x0], $0xffff  }
0x1ee: {  	s4 =	sadd.s32 $0x80, s4;
	v1 =	vld.idx.msk [tilespmem:v2+s13+$0x0], $0xffff  }
0x1ef: {  	v2 =	vld.idx.msk [tilespmem:v4+s13+$0x0], $0xffff;
	[tilespmem:s4+$0x30] =	vst v6  }
0x1f0: {  	s7 =	sadd.s32 $0x80, s7;
	v4 =	vld.idx.msk [tilespmem:v7+s13+$0x0], $0xffff;
	[tilespmem:s4+$0xFFFFFFD0] =	vst v8  }
0x1f1: {  	[tilespmem:s4+$0xFFFFFFE0] =	vst v5  }
0x1f2: {  	[tilespmem:s4+$0xFFFFFFF0] =	vst v3  }
0x1f3: {  	[tilespmem:s4+$0x0] =	vst v0  }
0x1f4: {  	[tilespmem:s4+$0x10] =	vst v1  }
0x1f5: {  	[tilespmem:s4+$0x20] =	vst v2  }
0x1f6: {  	[tilespmem:s4+$0xFFFFFFC0] =	vst v4  }
0x1f7: {  	s3 =	rddreg [dreg:$0x17]  }
0x1f8: {  	[hbm4b:s3+s11] =	stream.strided.scatter [tilespmem:s29], [sflag:$0x2], $0x1000, s12, s11, $0x38;
	[tilespmem:$0x1E700] =	vst v63  }
0x1f9: {  	_ =	swait.ge [sflag:s0], $0x1000  }
0x1fa: {  	[sflag:s0] =	ssyncset.done $0x0  }
0x1fb: {  	s7 =	simm.s32 $0x3070;
	[sflag:s0] =	ssyncadd.s32 $0xFFFFF000  }
0x1fc: {  	v0 =	vld [tilespmem:s7+$0x0]  }
0x1fd: {  	v1 =	vld [tilespmem:s7+$0xFFFFFFA0]  }
0x1fe: {  	v2 =	vld [tilespmem:s7+$0xFFFFFFB0]  }
0x1ff: {  	v3 =	vld [tilespmem:s7+$0xFFFFFFC0]  }
0x200: {  	v4 =	vld [tilespmem:s7+$0xFFFFFFD0]  }
0x201: {  	v6 =	vld [tilespmem:s7+$0xFFFFFFE0]  }
0x202: {  	v7 =	vld [tilespmem:s7+$0xFFFFFFF0]  }
0x203: {  	v8 =	vld [tilespmem:s7+$0xFFFFFF90]  }
0x204: {  	v9 =	vld.idx.msk [tilespmem:v0+s13+$0x0], $0xffff  }
0x205: {  	v10 =	vld.idx.msk [tilespmem:v1+s13+$0x0], $0xffff  }
0x206: {  	v5 =	vld.idx.msk [tilespmem:v2+s13+$0x0], $0xffff  }
0x207: {  	v3 =	vld.idx.msk [tilespmem:v3+s13+$0x0], $0xffff  }
0x208: {  	v0 =	vld.idx.msk [tilespmem:v4+s13+$0x0], $0xffff  }
0x209: {  	s4 =	simm.s32 $0x1D740;
	v1 =	vld.idx.msk [tilespmem:v6+s13+$0x0], $0xffff  }
0x20a: {  	v2 =	vld.idx.msk [tilespmem:v7+s13+$0x0], $0xffff;
	[tilespmem:s4+$0x30] =	vst v9  }
0x20b: {  	s6 =	simm.s32 $0x0;
	s7 =	simm.s32 $0x30F0;
	v4 =	vld.idx.msk [tilespmem:v8+s13+$0x0], $0xffff;
	[tilespmem:s4+$0xFFFFFFD0] =	vst v10  }
.LBB2_16:
0x20c: {  	v6 =	vld [tilespmem:s7+$0x0];
	s6 =	sadd.s32 $0x80, s6;
	[tilespmem:s4+$0xFFFFFFE0] =	vst v5  }
0x20d: {  	v5 =	vld [tilespmem:s7+$0xFFFFFFA0];
	p5 =	slt.u32 s6, $0xF80;
	[tilespmem:s4+$0xFFFFFFF0] =	vst v3  }
0x20e: {  	v3 =	vld [tilespmem:s7+$0xFFFFFFB0];
	[tilespmem:s4+$0x0] =	vst v0  }
0x20f: {  	v0 =	vld [tilespmem:s7+$0xFFFFFFC0];
	[tilespmem:s4+$0x10] =	vst v1  }
0x210: {  	v1 =	vld [tilespmem:s7+$0xFFFFFFD0];
	[tilespmem:s4+$0x20] =	vst v2  }
0x211: {  	v2 =	vld [tilespmem:s7+$0xFFFFFFE0];
	[tilespmem:s4+$0xFFFFFFC0] =	vst v4  }
0x212: {  	v4 =	vld [tilespmem:s7+$0xFFFFFFF0]  }
0x213: {  	v7 =	vld [tilespmem:s7+$0xFFFFFF90]  }
0x214: {  	v6 =	vld.idx.msk [tilespmem:v6+s13+$0x0], $0xffff  }
0x215: {  	v8 =	vld.idx.msk [tilespmem:v5+s13+$0x0], $0xffff  }
0x216: {  	v5 =	vld.idx.msk [tilespmem:v3+s13+$0x0], $0xffff  }
.Ltmp7:
0x217: {  	v3 =	vld.idx.msk [tilespmem:v0+s13+$0x0], $0xffff;
	(pc) =	sbr.rel @p5 .LBB2_16-.Ltmp7, $4  }
0x218: {  	v0 =	vld.idx.msk [tilespmem:v1+s13+$0x0], $0xffff  }
0x219: {  	s4 =	sadd.s32 $0x80, s4;
	v1 =	vld.idx.msk [tilespmem:v2+s13+$0x0], $0xffff  }
0x21a: {  	v2 =	vld.idx.msk [tilespmem:v4+s13+$0x0], $0xffff;
	[tilespmem:s4+$0x30] =	vst v6  }
0x21b: {  	s7 =	sadd.s32 $0x80, s7;
	v4 =	vld.idx.msk [tilespmem:v7+s13+$0x0], $0xffff;
	[tilespmem:s4+$0xFFFFFFD0] =	vst v8  }
0x21c: {  	[tilespmem:s4+$0xFFFFFFE0] =	vst v5  }
0x21d: {  	[tilespmem:s4+$0xFFFFFFF0] =	vst v3  }
0x21e: {  	[tilespmem:s4+$0x0] =	vst v0  }
0x21f: {  	[tilespmem:s4+$0x10] =	vst v1  }
0x220: {  	[tilespmem:s4+$0x20] =	vst v2  }
0x221: {  	[tilespmem:s4+$0xFFFFFFC0] =	vst v4  }
0x222: {  	s6 =	sld [smem:$0x7F3]  }
0x223: {  	s3 =	rddreg [dreg:$0x18]  }
0x224: {  	[hbm4b:s3+s11] =	stream.strided.scatter [tilespmem:s30], [sflag:$0x3], $0x1000, s12, s11, $0x38;
	[tilespmem:$0x1E700] =	vst v63  }
0x225: {  	p5 =	seq.s32 s6, $0x1  }
0x226: {  	s4 =	simm.s32 @p5 $0x80;
	s6 =	simm.s32 @p5 $0x400;
	s7 =	simm.s32 @p5 $0x4000  }
0x227: {  	[tilespmem:s7], [sflag:$0x4] =	stream.strided.gather @p5 [hbm4b:s16+s4], $0x18700, s6, s4, $0x38;
	[tilespmem:$0x1E700] =	vst v63  }
0x228: {  	s4 =	simm.s32 @p5 $0x4  }
0x229: {  	_ =	swait.ge @p5 [sflag:s4], $0x18700  }
0x22a: {  	s6 =	simm.s32 @!p5 $0x400;
	s7 =	simm.s32 @!p5 $0x0;
	[sflag:s4] =	ssyncset.done @p5 $0x0  }
0x22b: {  	s3 =	rddreg [dreg:$0x5];
	[sflag:s4] =	ssyncadd.s32 @p5 $0xFFFE7900;
	s4 =	simm.s32 @!p5 $0x80  }
0x22c: {  	[tilespmem:s7], [sflag:$0x1] =	stream.strided.gather @!p5 [hbm4b:s3+s4], $0x4000, s6, s4, $0x38;
	[tilespmem:$0x1E700] =	vst v63  }
0x22d: {  	s7 =	simm.s32 @!p5 $0x4000  }
0x22e: {  	[tilespmem:s7], [sflag:$0x4] =	stream.strided.gather @!p5 [hbm4b:s16+s4], $0x18700, s6, s4, $0x38;
	[tilespmem:$0x1E700] =	vst v63  }
0x22f: {  	s4 =	simm.s32 @!p5 $0x4  }
0x230: {  	_ =	swait.ge @!p5 [sflag:s4], $0x18700  }
0x231: {  	[sflag:s4] =	ssyncset.done @!p5 $0x0  }
0x232: {  	[sflag:s4] =	ssyncadd.s32 @!p5 $0xFFFE7900;
	s4 =	simm.s32 @!p5 $0x1  }
0x233: {  	_ =	swait.ge @!p5 [sflag:s4], $0x4000  }
0x234: {  	[sflag:s4] =	ssyncset.done @!p5 $0x0  }
0x235: {  	[sflag:s4] =	ssyncadd.s32 @!p5 $0xFFFFC000  }
0x236: {  	_ =	swait.ge [sflag:s31], $0x1000  }
0x237: {  	[sflag:s31] =	ssyncset.done $0x0  }
0x238: {  	s7 =	simm.s32 $0x40;
	[sflag:s31] =	ssyncadd.s32 $0xFFFFF000  }
0x239: {  	v0 =	vld [tilespmem:s7+$0x30]  }
0x23a: {  	v1 =	vld [tilespmem:s7+$0xFFFFFFD0]  }
0x23b: {  	v2 =	vld [tilespmem:s7+$0xFFFFFFE0]  }
0x23c: {  	v3 =	vld [tilespmem:s7+$0xFFFFFFF0]  }
0x23d: {  	v4 =	vld [tilespmem:s7+$0x0]  }
0x23e: {  	v6 =	vld [tilespmem:s7+$0x10]  }
0x23f: {  	v7 =	vld [tilespmem:s7+$0x20]  }
0x240: {  	v8 =	vld [tilespmem:s7+$0xFFFFFFC0]  }
0x241: {  	v9 =	vld.idx.msk [tilespmem:v0+s13+$0x0], $0xffff  }
0x242: {  	v10 =	vld.idx.msk [tilespmem:v1+s13+$0x0], $0xffff  }
0x243: {  	v5 =	vld.idx.msk [tilespmem:v2+s13+$0x0], $0xffff  }
0x244: {  	v3 =	vld.idx.msk [tilespmem:v3+s13+$0x0], $0xffff  }
0x245: {  	v0 =	vld.idx.msk [tilespmem:v4+s13+$0x0], $0xffff  }
0x246: {  	s4 =	simm.s32 $0x1C740;
	v1 =	vld.idx.msk [tilespmem:v6+s13+$0x0], $0xffff  }
0x247: {  	v2 =	vld.idx.msk [tilespmem:v7+s13+$0x0], $0xffff;
	[tilespmem:s4+$0x30] =	vst v9  }
0x248: {  	s6 =	simm.s32 $0x0;
	s7 =	simm.s32 $0xC0;
	v4 =	vld.idx.msk [tilespmem:v8+s13+$0x0], $0xffff;
	[tilespmem:s4+$0xFFFFFFD0] =	vst v10  }
.LBB2_18:
0x249: {  	v6 =	vld [tilespmem:s7+$0x30];
	s6 =	sadd.s32 $0x80, s6;
	[tilespmem:s4+$0xFFFFFFE0] =	vst v5  }
0x24a: {  	v5 =	vld [tilespmem:s7+$0xFFFFFFD0];
	p5 =	slt.u32 s6, $0xF80;
	[tilespmem:s4+$0xFFFFFFF0] =	vst v3  }
0x24b: {  	v3 =	vld [tilespmem:s7+$0xFFFFFFE0];
	[tilespmem:s4+$0x0] =	vst v0  }
0x24c: {  	v0 =	vld [tilespmem:s7+$0xFFFFFFF0];
	[tilespmem:s4+$0x10] =	vst v1  }
0x24d: {  	v1 =	vld [tilespmem:s7+$0x0];
	[tilespmem:s4+$0x20] =	vst v2  }
0x24e: {  	v2 =	vld [tilespmem:s7+$0x10];
	[tilespmem:s4+$0xFFFFFFC0] =	vst v4  }
0x24f: {  	v4 =	vld [tilespmem:s7+$0x20]  }
0x250: {  	v7 =	vld [tilespmem:s7+$0xFFFFFFC0]  }
0x251: {  	v6 =	vld.idx.msk [tilespmem:v6+s13+$0x0], $0xffff  }
0x252: {  	v8 =	vld.idx.msk [tilespmem:v5+s13+$0x0], $0xffff  }
0x253: {  	v5 =	vld.idx.msk [tilespmem:v3+s13+$0x0], $0xffff  }
.Ltmp8:
0x254: {  	v3 =	vld.idx.msk [tilespmem:v0+s13+$0x0], $0xffff;
	(pc) =	sbr.rel @p5 .LBB2_18-.Ltmp8, $4  }
0x255: {  	v0 =	vld.idx.msk [tilespmem:v1+s13+$0x0], $0xffff  }
0x256: {  	s4 =	sadd.s32 $0x80, s4;
	v1 =	vld.idx.msk [tilespmem:v2+s13+$0x0], $0xffff  }
0x257: {  	v2 =	vld.idx.msk [tilespmem:v4+s13+$0x0], $0xffff;
	[tilespmem:s4+$0x30] =	vst v6  }
0x258: {  	s7 =	sadd.s32 $0x80, s7;
	v4 =	vld.idx.msk [tilespmem:v7+s13+$0x0], $0xffff;
	[tilespmem:s4+$0xFFFFFFD0] =	vst v8  }
0x259: {  	[tilespmem:s4+$0xFFFFFFE0] =	vst v5  }
0x25a: {  	[tilespmem:s4+$0xFFFFFFF0] =	vst v3  }
0x25b: {  	[tilespmem:s4+$0x0] =	vst v0  }
0x25c: {  	[tilespmem:s4+$0x10] =	vst v1  }
0x25d: {  	[tilespmem:s4+$0x20] =	vst v2  }
0x25e: {  	[tilespmem:s4+$0xFFFFFFC0] =	vst v4  }
0x25f: {  	s3 =	rddreg [dreg:$0x19]  }
0x260: {  	[hbm4b:s3+s11] =	stream.strided.scatter [tilespmem:s29], [sflag:$0x2], $0x1000, s12, s11, $0x38;
	[tilespmem:$0x1E700] =	vst v63  }
0x261: {  	_ =	swait.ge [sflag:s0], $0x1000  }
0x262: {  	[sflag:s0] =	ssyncset.done $0x0  }
0x263: {  	s7 =	simm.s32 $0x1070;
	[sflag:s0] =	ssyncadd.s32 $0xFFFFF000  }
0x264: {  	v0 =	vld [tilespmem:s7+$0x0]  }
0x265: {  	v1 =	vld [tilespmem:s7+$0xFFFFFFA0]  }
0x266: {  	v2 =	vld [tilespmem:s7+$0xFFFFFFB0]  }
0x267: {  	v3 =	vld [tilespmem:s7+$0xFFFFFFC0]  }
0x268: {  	v4 =	vld [tilespmem:s7+$0xFFFFFFD0]  }
0x269: {  	v6 =	vld [tilespmem:s7+$0xFFFFFFE0]  }
0x26a: {  	v7 =	vld [tilespmem:s7+$0xFFFFFFF0]  }
0x26b: {  	v8 =	vld [tilespmem:s7+$0xFFFFFF90]  }
0x26c: {  	v9 =	vld.idx.msk [tilespmem:v0+s13+$0x0], $0xffff  }
0x26d: {  	v10 =	vld.idx.msk [tilespmem:v1+s13+$0x0], $0xffff  }
0x26e: {  	v5 =	vld.idx.msk [tilespmem:v2+s13+$0x0], $0xffff  }
0x26f: {  	v3 =	vld.idx.msk [tilespmem:v3+s13+$0x0], $0xffff  }
0x270: {  	v0 =	vld.idx.msk [tilespmem:v4+s13+$0x0], $0xffff  }
0x271: {  	s4 =	simm.s32 $0x1D740;
	v1 =	vld.idx.msk [tilespmem:v6+s13+$0x0], $0xffff  }
0x272: {  	v2 =	vld.idx.msk [tilespmem:v7+s13+$0x0], $0xffff;
	[tilespmem:s4+$0x30] =	vst v9  }
0x273: {  	s6 =	simm.s32 $0x0;
	s7 =	simm.s32 $0x10F0;
	v4 =	vld.idx.msk [tilespmem:v8+s13+$0x0], $0xffff;
	[tilespmem:s4+$0xFFFFFFD0] =	vst v10  }
.LBB2_20:
0x274: {  	v6 =	vld [tilespmem:s7+$0x0];
	s6 =	sadd.s32 $0x80, s6;
	[tilespmem:s4+$0xFFFFFFE0] =	vst v5  }
0x275: {  	v5 =	vld [tilespmem:s7+$0xFFFFFFA0];
	p5 =	slt.u32 s6, $0xF80;
	[tilespmem:s4+$0xFFFFFFF0] =	vst v3  }
0x276: {  	v3 =	vld [tilespmem:s7+$0xFFFFFFB0];
	[tilespmem:s4+$0x0] =	vst v0  }
0x277: {  	v0 =	vld [tilespmem:s7+$0xFFFFFFC0];
	[tilespmem:s4+$0x10] =	vst v1  }
0x278: {  	v1 =	vld [tilespmem:s7+$0xFFFFFFD0];
	[tilespmem:s4+$0x20] =	vst v2  }
0x279: {  	v2 =	vld [tilespmem:s7+$0xFFFFFFE0];
	[tilespmem:s4+$0xFFFFFFC0] =	vst v4  }
0x27a: {  	v4 =	vld [tilespmem:s7+$0xFFFFFFF0]  }
0x27b: {  	v7 =	vld [tilespmem:s7+$0xFFFFFF90]  }
0x27c: {  	v6 =	vld.idx.msk [tilespmem:v6+s13+$0x0], $0xffff  }
0x27d: {  	v8 =	vld.idx.msk [tilespmem:v5+s13+$0x0], $0xffff  }
0x27e: {  	v5 =	vld.idx.msk [tilespmem:v3+s13+$0x0], $0xffff  }
.Ltmp9:
0x27f: {  	v3 =	vld.idx.msk [tilespmem:v0+s13+$0x0], $0xffff;
	(pc) =	sbr.rel @p5 .LBB2_20-.Ltmp9, $4  }
0x280: {  	v0 =	vld.idx.msk [tilespmem:v1+s13+$0x0], $0xffff  }
0x281: {  	s4 =	sadd.s32 $0x80, s4;
	v1 =	vld.idx.msk [tilespmem:v2+s13+$0x0], $0xffff  }
0x282: {  	v2 =	vld.idx.msk [tilespmem:v4+s13+$0x0], $0xffff;
	[tilespmem:s4+$0x30] =	vst v6  }
0x283: {  	s7 =	sadd.s32 $0x80, s7;
	v4 =	vld.idx.msk [tilespmem:v7+s13+$0x0], $0xffff;
	[tilespmem:s4+$0xFFFFFFD0] =	vst v8  }
0x284: {  	[tilespmem:s4+$0xFFFFFFE0] =	vst v5  }
0x285: {  	[tilespmem:s4+$0xFFFFFFF0] =	vst v3  }
0x286: {  	[tilespmem:s4+$0x0] =	vst v0  }
0x287: {  	[tilespmem:s4+$0x10] =	vst v1  }
0x288: {  	[tilespmem:s4+$0x20] =	vst v2  }
0x289: {  	[tilespmem:s4+$0xFFFFFFC0] =	vst v4  }
0x28a: {  	s3 =	rddreg [dreg:$0x1a]  }
0x28b: {  	[hbm4b:s3+s11] =	stream.strided.scatter [tilespmem:s30], [sflag:$0x3], $0x1000, s12, s11, $0x38;
	[tilespmem:$0x1E700] =	vst v63  }
0x28c: {  	_ =	swait.ge [sflag:s31], $0x1000  }
0x28d: {  	[sflag:s31] =	ssyncset.done $0x0  }
0x28e: {  	s7 =	simm.s32 $0x2070;
	[sflag:s31] =	ssyncadd.s32 $0xFFFFF000  }
0x28f: {  	v0 =	vld [tilespmem:s7+$0x0]  }
0x290: {  	v1 =	vld [tilespmem:s7+$0xFFFFFFA0]  }
0x291: {  	v2 =	vld [tilespmem:s7+$0xFFFFFFB0]  }
0x292: {  	v3 =	vld [tilespmem:s7+$0xFFFFFFC0]  }
0x293: {  	v4 =	vld [tilespmem:s7+$0xFFFFFFD0]  }
0x294: {  	v6 =	vld [tilespmem:s7+$0xFFFFFFE0]  }
0x295: {  	v7 =	vld [tilespmem:s7+$0xFFFFFFF0]  }
0x296: {  	v8 =	vld [tilespmem:s7+$0xFFFFFF90]  }
0x297: {  	v9 =	vld.idx.msk [tilespmem:v0+s13+$0x0], $0xffff  }
0x298: {  	v10 =	vld.idx.msk [tilespmem:v1+s13+$0x0], $0xffff  }
0x299: {  	v5 =	vld.idx.msk [tilespmem:v2+s13+$0x0], $0xffff  }
0x29a: {  	v3 =	vld.idx.msk [tilespmem:v3+s13+$0x0], $0xffff  }
0x29b: {  	v0 =	vld.idx.msk [tilespmem:v4+s13+$0x0], $0xffff  }
0x29c: {  	s4 =	simm.s32 $0x1C740;
	v1 =	vld.idx.msk [tilespmem:v6+s13+$0x0], $0xffff  }
0x29d: {  	v2 =	vld.idx.msk [tilespmem:v7+s13+$0x0], $0xffff;
	[tilespmem:s4+$0x30] =	vst v9  }
0x29e: {  	s6 =	simm.s32 $0x0;
	s7 =	simm.s32 $0x20F0;
	v4 =	vld.idx.msk [tilespmem:v8+s13+$0x0], $0xffff;
	[tilespmem:s4+$0xFFFFFFD0] =	vst v10  }
.LBB2_22:
0x29f: {  	v6 =	vld [tilespmem:s7+$0x0];
	s6 =	sadd.s32 $0x80, s6;
	[tilespmem:s4+$0xFFFFFFE0] =	vst v5  }
0x2a0: {  	v5 =	vld [tilespmem:s7+$0xFFFFFFA0];
	p5 =	slt.u32 s6, $0xF80;
	[tilespmem:s4+$0xFFFFFFF0] =	vst v3  }
0x2a1: {  	v3 =	vld [tilespmem:s7+$0xFFFFFFB0];
	[tilespmem:s4+$0x0] =	vst v0  }
0x2a2: {  	v0 =	vld [tilespmem:s7+$0xFFFFFFC0];
	[tilespmem:s4+$0x10] =	vst v1  }
0x2a3: {  	v1 =	vld [tilespmem:s7+$0xFFFFFFD0];
	[tilespmem:s4+$0x20] =	vst v2  }
0x2a4: {  	v2 =	vld [tilespmem:s7+$0xFFFFFFE0];
	[tilespmem:s4+$0xFFFFFFC0] =	vst v4  }
0x2a5: {  	v4 =	vld [tilespmem:s7+$0xFFFFFFF0]  }
0x2a6: {  	v7 =	vld [tilespmem:s7+$0xFFFFFF90]  }
0x2a7: {  	v6 =	vld.idx.msk [tilespmem:v6+s13+$0x0], $0xffff  }
0x2a8: {  	v8 =	vld.idx.msk [tilespmem:v5+s13+$0x0], $0xffff  }
0x2a9: {  	v5 =	vld.idx.msk [tilespmem:v3+s13+$0x0], $0xffff  }
.Ltmp10:
0x2aa: {  	v3 =	vld.idx.msk [tilespmem:v0+s13+$0x0], $0xffff;
	(pc) =	sbr.rel @p5 .LBB2_22-.Ltmp10, $4  }
0x2ab: {  	v0 =	vld.idx.msk [tilespmem:v1+s13+$0x0], $0xffff  }
0x2ac: {  	s4 =	sadd.s32 $0x80, s4;
	v1 =	vld.idx.msk [tilespmem:v2+s13+$0x0], $0xffff  }
0x2ad: {  	v2 =	vld.idx.msk [tilespmem:v4+s13+$0x0], $0xffff;
	[tilespmem:s4+$0x30] =	vst v6  }
0x2ae: {  	s7 =	sadd.s32 $0x80, s7;
	v4 =	vld.idx.msk [tilespmem:v7+s13+$0x0], $0xffff;
	[tilespmem:s4+$0xFFFFFFD0] =	vst v8  }
0x2af: {  	[tilespmem:s4+$0xFFFFFFE0] =	vst v5  }
0x2b0: {  	[tilespmem:s4+$0xFFFFFFF0] =	vst v3  }
0x2b1: {  	[tilespmem:s4+$0x0] =	vst v0  }
0x2b2: {  	[tilespmem:s4+$0x10] =	vst v1  }
0x2b3: {  	[tilespmem:s4+$0x20] =	vst v2  }
0x2b4: {  	[tilespmem:s4+$0xFFFFFFC0] =	vst v4  }
0x2b5: {  	s3 =	rddreg [dreg:$0x1b]  }
0x2b6: {  	[hbm4b:s3+s11] =	stream.strided.scatter [tilespmem:s29], [sflag:$0x2], $0x1000, s12, s11, $0x38;
	[tilespmem:$0x1E700] =	vst v63  }
0x2b7: {  	_ =	swait.ge [sflag:s0], $0x1000  }
0x2b8: {  	[sflag:s0] =	ssyncset.done $0x0  }
0x2b9: {  	s7 =	simm.s32 $0x3070;
	[sflag:s0] =	ssyncadd.s32 $0xFFFFF000  }
0x2ba: {  	v0 =	vld [tilespmem:s7+$0x0]  }
0x2bb: {  	v1 =	vld [tilespmem:s7+$0xFFFFFFA0]  }
0x2bc: {  	v2 =	vld [tilespmem:s7+$0xFFFFFFB0]  }
0x2bd: {  	v3 =	vld [tilespmem:s7+$0xFFFFFFC0]  }
0x2be: {  	v4 =	vld [tilespmem:s7+$0xFFFFFFD0]  }
0x2bf: {  	v6 =	vld [tilespmem:s7+$0xFFFFFFE0]  }
0x2c0: {  	v7 =	vld [tilespmem:s7+$0xFFFFFFF0]  }
0x2c1: {  	v8 =	vld [tilespmem:s7+$0xFFFFFF90]  }
0x2c2: {  	v9 =	vld.idx.msk [tilespmem:v0+s13+$0x0], $0xffff  }
0x2c3: {  	v10 =	vld.idx.msk [tilespmem:v1+s13+$0x0], $0xffff  }
0x2c4: {  	v5 =	vld.idx.msk [tilespmem:v2+s13+$0x0], $0xffff  }
0x2c5: {  	v3 =	vld.idx.msk [tilespmem:v3+s13+$0x0], $0xffff  }
0x2c6: {  	v0 =	vld.idx.msk [tilespmem:v4+s13+$0x0], $0xffff  }
0x2c7: {  	s4 =	simm.s32 $0x1D740;
	v1 =	vld.idx.msk [tilespmem:v6+s13+$0x0], $0xffff  }
0x2c8: {  	v2 =	vld.idx.msk [tilespmem:v7+s13+$0x0], $0xffff;
	[tilespmem:s4+$0x30] =	vst v9  }
0x2c9: {  	s6 =	simm.s32 $0x0;
	s7 =	simm.s32 $0x30F0;
	v4 =	vld.idx.msk [tilespmem:v8+s13+$0x0], $0xffff;
	[tilespmem:s4+$0xFFFFFFD0] =	vst v10  }
.LBB2_24:
0x2ca: {  	v6 =	vld [tilespmem:s7+$0x0];
	s6 =	sadd.s32 $0x80, s6;
	[tilespmem:s4+$0xFFFFFFE0] =	vst v5  }
0x2cb: {  	v5 =	vld [tilespmem:s7+$0xFFFFFFA0];
	p5 =	slt.u32 s6, $0xF80;
	[tilespmem:s4+$0xFFFFFFF0] =	vst v3  }
0x2cc: {  	v3 =	vld [tilespmem:s7+$0xFFFFFFB0];
	[tilespmem:s4+$0x0] =	vst v0  }
0x2cd: {  	v0 =	vld [tilespmem:s7+$0xFFFFFFC0];
	[tilespmem:s4+$0x10] =	vst v1  }
0x2ce: {  	v1 =	vld [tilespmem:s7+$0xFFFFFFD0];
	[tilespmem:s4+$0x20] =	vst v2  }
0x2cf: {  	v2 =	vld [tilespmem:s7+$0xFFFFFFE0];
	[tilespmem:s4+$0xFFFFFFC0] =	vst v4  }
0x2d0: {  	v4 =	vld [tilespmem:s7+$0xFFFFFFF0]  }
0x2d1: {  	v7 =	vld [tilespmem:s7+$0xFFFFFF90]  }
0x2d2: {  	v6 =	vld.idx.msk [tilespmem:v6+s13+$0x0], $0xffff  }
0x2d3: {  	v8 =	vld.idx.msk [tilespmem:v5+s13+$0x0], $0xffff  }
0x2d4: {  	v5 =	vld.idx.msk [tilespmem:v3+s13+$0x0], $0xffff  }
.Ltmp11:
0x2d5: {  	v3 =	vld.idx.msk [tilespmem:v0+s13+$0x0], $0xffff;
	(pc) =	sbr.rel @p5 .LBB2_24-.Ltmp11, $4  }
0x2d6: {  	v0 =	vld.idx.msk [tilespmem:v1+s13+$0x0], $0xffff  }
0x2d7: {  	s4 =	sadd.s32 $0x80, s4;
	v1 =	vld.idx.msk [tilespmem:v2+s13+$0x0], $0xffff  }
0x2d8: {  	v2 =	vld.idx.msk [tilespmem:v4+s13+$0x0], $0xffff;
	[tilespmem:s4+$0x30] =	vst v6  }
0x2d9: {  	s7 =	sadd.s32 $0x80, s7;
	v4 =	vld.idx.msk [tilespmem:v7+s13+$0x0], $0xffff;
	[tilespmem:s4+$0xFFFFFFD0] =	vst v8  }
0x2da: {  	[tilespmem:s4+$0xFFFFFFE0] =	vst v5  }
0x2db: {  	[tilespmem:s4+$0xFFFFFFF0] =	vst v3  }
0x2dc: {  	[tilespmem:s4+$0x0] =	vst v0  }
0x2dd: {  	[tilespmem:s4+$0x10] =	vst v1  }
0x2de: {  	[tilespmem:s4+$0x20] =	vst v2  }
0x2df: {  	[tilespmem:s4+$0xFFFFFFC0] =	vst v4  }
0x2e0: {  	s6 =	sld [smem:$0x7F5]  }
0x2e1: {  	s3 =	rddreg [dreg:$0x1c]  }
0x2e2: {  	[hbm4b:s3+s11] =	stream.strided.scatter [tilespmem:s30], [sflag:$0x3], $0x1000, s12, s11, $0x38;
	[tilespmem:$0x1E700] =	vst v63  }
0x2e3: {  	p5 =	seq.s32 s6, $0x1  }
0x2e4: {  	s4 =	simm.s32 @p5 $0x80;
	s6 =	simm.s32 @p5 $0x400;
	s7 =	simm.s32 @p5 $0x4000  }
0x2e5: {  	[tilespmem:s7], [sflag:$0x4] =	stream.strided.gather @p5 [hbm4b:s17+s4], $0x18700, s6, s4, $0x38;
	[tilespmem:$0x1E700] =	vst v63  }
0x2e6: {  	s4 =	simm.s32 @p5 $0x4  }
0x2e7: {  	_ =	swait.ge @p5 [sflag:s4], $0x18700  }
0x2e8: {  	s6 =	simm.s32 @!p5 $0x400;
	s7 =	simm.s32 @!p5 $0x0;
	[sflag:s4] =	ssyncset.done @p5 $0x0  }
0x2e9: {  	s3 =	rddreg [dreg:$0x6];
	[sflag:s4] =	ssyncadd.s32 @p5 $0xFFFE7900;
	s4 =	simm.s32 @!p5 $0x80  }
0x2ea: {  	[tilespmem:s7], [sflag:$0x1] =	stream.strided.gather @!p5 [hbm4b:s3+s4], $0x4000, s6, s4, $0x38;
	[tilespmem:$0x1E700] =	vst v63  }
0x2eb: {  	s7 =	simm.s32 @!p5 $0x4000  }
0x2ec: {  	[tilespmem:s7], [sflag:$0x4] =	stream.strided.gather @!p5 [hbm4b:s17+s4], $0x18700, s6, s4, $0x38;
	[tilespmem:$0x1E700] =	vst v63  }
0x2ed: {  	s4 =	simm.s32 @!p5 $0x4  }
0x2ee: {  	_ =	swait.ge @!p5 [sflag:s4], $0x18700  }
0x2ef: {  	[sflag:s4] =	ssyncset.done @!p5 $0x0  }
0x2f0: {  	[sflag:s4] =	ssyncadd.s32 @!p5 $0xFFFE7900;
	s4 =	simm.s32 @!p5 $0x1  }
0x2f1: {  	_ =	swait.ge @!p5 [sflag:s4], $0x4000  }
0x2f2: {  	[sflag:s4] =	ssyncset.done @!p5 $0x0  }
0x2f3: {  	[sflag:s4] =	ssyncadd.s32 @!p5 $0xFFFFC000  }
0x2f4: {  	_ =	swait.ge [sflag:s31], $0x1000  }
0x2f5: {  	[sflag:s31] =	ssyncset.done $0x0  }
0x2f6: {  	s7 =	simm.s32 $0x40;
	[sflag:s31] =	ssyncadd.s32 $0xFFFFF000  }
0x2f7: {  	v0 =	vld [tilespmem:s7+$0x30]  }
0x2f8: {  	v1 =	vld [tilespmem:s7+$0xFFFFFFD0]  }
0x2f9: {  	v2 =	vld [tilespmem:s7+$0xFFFFFFE0]  }
0x2fa: {  	v3 =	vld [tilespmem:s7+$0xFFFFFFF0]  }
0x2fb: {  	v4 =	vld [tilespmem:s7+$0x0]  }
0x2fc: {  	v6 =	vld [tilespmem:s7+$0x10]  }
0x2fd: {  	v7 =	vld [tilespmem:s7+$0x20]  }
0x2fe: {  	v8 =	vld [tilespmem:s7+$0xFFFFFFC0]  }
0x2ff: {  	v9 =	vld.idx.msk [tilespmem:v0+s13+$0x0], $0xffff  }
0x300: {  	v10 =	vld.idx.msk [tilespmem:v1+s13+$0x0], $0xffff  }
0x301: {  	v5 =	vld.idx.msk [tilespmem:v2+s13+$0x0], $0xffff  }
0x302: {  	v3 =	vld.idx.msk [tilespmem:v3+s13+$0x0], $0xffff  }
0x303: {  	v0 =	vld.idx.msk [tilespmem:v4+s13+$0x0], $0xffff  }
0x304: {  	s4 =	simm.s32 $0x1C740;
	v1 =	vld.idx.msk [tilespmem:v6+s13+$0x0], $0xffff  }
0x305: {  	v2 =	vld.idx.msk [tilespmem:v7+s13+$0x0], $0xffff;
	[tilespmem:s4+$0x30] =	vst v9  }
0x306: {  	s6 =	simm.s32 $0x0;
	s7 =	simm.s32 $0xC0;
	v4 =	vld.idx.msk [tilespmem:v8+s13+$0x0], $0xffff;
	[tilespmem:s4+$0xFFFFFFD0] =	vst v10  }
.LBB2_26:
0x307: {  	v6 =	vld [tilespmem:s7+$0x30];
	s6 =	sadd.s32 $0x80, s6;
	[tilespmem:s4+$0xFFFFFFE0] =	vst v5  }
0x308: {  	v5 =	vld [tilespmem:s7+$0xFFFFFFD0];
	p5 =	slt.u32 s6, $0xF80;
	[tilespmem:s4+$0xFFFFFFF0] =	vst v3  }
0x309: {  	v3 =	vld [tilespmem:s7+$0xFFFFFFE0];
	[tilespmem:s4+$0x0] =	vst v0  }
0x30a: {  	v0 =	vld [tilespmem:s7+$0xFFFFFFF0];
	[tilespmem:s4+$0x10] =	vst v1  }
0x30b: {  	v1 =	vld [tilespmem:s7+$0x0];
	[tilespmem:s4+$0x20] =	vst v2  }
0x30c: {  	v2 =	vld [tilespmem:s7+$0x10];
	[tilespmem:s4+$0xFFFFFFC0] =	vst v4  }
0x30d: {  	v4 =	vld [tilespmem:s7+$0x20]  }
0x30e: {  	v7 =	vld [tilespmem:s7+$0xFFFFFFC0]  }
0x30f: {  	v6 =	vld.idx.msk [tilespmem:v6+s13+$0x0], $0xffff  }
0x310: {  	v8 =	vld.idx.msk [tilespmem:v5+s13+$0x0], $0xffff  }
0x311: {  	v5 =	vld.idx.msk [tilespmem:v3+s13+$0x0], $0xffff  }
.Ltmp12:
0x312: {  	v3 =	vld.idx.msk [tilespmem:v0+s13+$0x0], $0xffff;
	(pc) =	sbr.rel @p5 .LBB2_26-.Ltmp12, $4  }
0x313: {  	v0 =	vld.idx.msk [tilespmem:v1+s13+$0x0], $0xffff  }
0x314: {  	s4 =	sadd.s32 $0x80, s4;
	v1 =	vld.idx.msk [tilespmem:v2+s13+$0x0], $0xffff  }
0x315: {  	v2 =	vld.idx.msk [tilespmem:v4+s13+$0x0], $0xffff;
	[tilespmem:s4+$0x30] =	vst v6  }
0x316: {  	s7 =	sadd.s32 $0x80, s7;
	v4 =	vld.idx.msk [tilespmem:v7+s13+$0x0], $0xffff;
	[tilespmem:s4+$0xFFFFFFD0] =	vst v8  }
0x317: {  	[tilespmem:s4+$0xFFFFFFE0] =	vst v5  }
0x318: {  	[tilespmem:s4+$0xFFFFFFF0] =	vst v3  }
0x319: {  	[tilespmem:s4+$0x0] =	vst v0  }
0x31a: {  	[tilespmem:s4+$0x10] =	vst v1  }
0x31b: {  	[tilespmem:s4+$0x20] =	vst v2  }
0x31c: {  	[tilespmem:s4+$0xFFFFFFC0] =	vst v4  }
0x31d: {  	s3 =	rddreg [dreg:$0x1d]  }
0x31e: {  	[hbm4b:s3+s11] =	stream.strided.scatter [tilespmem:s29], [sflag:$0x2], $0x1000, s12, s11, $0x38;
	[tilespmem:$0x1E700] =	vst v63  }
0x31f: {  	_ =	swait.ge [sflag:s0], $0x1000  }
0x320: {  	[sflag:s0] =	ssyncset.done $0x0  }
0x321: {  	s7 =	simm.s32 $0x1070;
	[sflag:s0] =	ssyncadd.s32 $0xFFFFF000  }
0x322: {  	v0 =	vld [tilespmem:s7+$0x0]  }
0x323: {  	v1 =	vld [tilespmem:s7+$0xFFFFFFA0]  }
0x324: {  	v2 =	vld [tilespmem:s7+$0xFFFFFFB0]  }
0x325: {  	v3 =	vld [tilespmem:s7+$0xFFFFFFC0]  }
0x326: {  	v4 =	vld [tilespmem:s7+$0xFFFFFFD0]  }
0x327: {  	v6 =	vld [tilespmem:s7+$0xFFFFFFE0]  }
0x328: {  	v7 =	vld [tilespmem:s7+$0xFFFFFFF0]  }
0x329: {  	v8 =	vld [tilespmem:s7+$0xFFFFFF90]  }
0x32a: {  	v9 =	vld.idx.msk [tilespmem:v0+s13+$0x0], $0xffff  }
0x32b: {  	v10 =	vld.idx.msk [tilespmem:v1+s13+$0x0], $0xffff  }
0x32c: {  	v5 =	vld.idx.msk [tilespmem:v2+s13+$0x0], $0xffff  }
0x32d: {  	v3 =	vld.idx.msk [tilespmem:v3+s13+$0x0], $0xffff  }
0x32e: {  	v0 =	vld.idx.msk [tilespmem:v4+s13+$0x0], $0xffff  }
0x32f: {  	s4 =	simm.s32 $0x1D740;
	v1 =	vld.idx.msk [tilespmem:v6+s13+$0x0], $0xffff  }
0x330: {  	v2 =	vld.idx.msk [tilespmem:v7+s13+$0x0], $0xffff;
	[tilespmem:s4+$0x30] =	vst v9  }
0x331: {  	s6 =	simm.s32 $0x0;
	s7 =	simm.s32 $0x10F0;
	v4 =	vld.idx.msk [tilespmem:v8+s13+$0x0], $0xffff;
	[tilespmem:s4+$0xFFFFFFD0] =	vst v10  }
.LBB2_28:
0x332: {  	v6 =	vld [tilespmem:s7+$0x0];
	s6 =	sadd.s32 $0x80, s6;
	[tilespmem:s4+$0xFFFFFFE0] =	vst v5  }
0x333: {  	v5 =	vld [tilespmem:s7+$0xFFFFFFA0];
	p5 =	slt.u32 s6, $0xF80;
	[tilespmem:s4+$0xFFFFFFF0] =	vst v3  }
0x334: {  	v3 =	vld [tilespmem:s7+$0xFFFFFFB0];
	[tilespmem:s4+$0x0] =	vst v0  }
0x335: {  	v0 =	vld [tilespmem:s7+$0xFFFFFFC0];
	[tilespmem:s4+$0x10] =	vst v1  }
0x336: {  	v1 =	vld [tilespmem:s7+$0xFFFFFFD0];
	[tilespmem:s4+$0x20] =	vst v2  }
0x337: {  	v2 =	vld [tilespmem:s7+$0xFFFFFFE0];
	[tilespmem:s4+$0xFFFFFFC0] =	vst v4  }
0x338: {  	v4 =	vld [tilespmem:s7+$0xFFFFFFF0]  }
0x339: {  	v7 =	vld [tilespmem:s7+$0xFFFFFF90]  }
0x33a: {  	v6 =	vld.idx.msk [tilespmem:v6+s13+$0x0], $0xffff  }
0x33b: {  	v8 =	vld.idx.msk [tilespmem:v5+s13+$0x0], $0xffff  }
0x33c: {  	v5 =	vld.idx.msk [tilespmem:v3+s13+$0x0], $0xffff  }
.Ltmp13:
0x33d: {  	v3 =	vld.idx.msk [tilespmem:v0+s13+$0x0], $0xffff;
	(pc) =	sbr.rel @p5 .LBB2_28-.Ltmp13, $4  }
0x33e: {  	v0 =	vld.idx.msk [tilespmem:v1+s13+$0x0], $0xffff  }
0x33f: {  	s4 =	sadd.s32 $0x80, s4;
	v1 =	vld.idx.msk [tilespmem:v2+s13+$0x0], $0xffff  }
0x340: {  	v2 =	vld.idx.msk [tilespmem:v4+s13+$0x0], $0xffff;
	[tilespmem:s4+$0x30] =	vst v6  }
0x341: {  	s7 =	sadd.s32 $0x80, s7;
	v4 =	vld.idx.msk [tilespmem:v7+s13+$0x0], $0xffff;
	[tilespmem:s4+$0xFFFFFFD0] =	vst v8  }
0x342: {  	[tilespmem:s4+$0xFFFFFFE0] =	vst v5  }
0x343: {  	[tilespmem:s4+$0xFFFFFFF0] =	vst v3  }
0x344: {  	[tilespmem:s4+$0x0] =	vst v0  }
0x345: {  	[tilespmem:s4+$0x10] =	vst v1  }
0x346: {  	[tilespmem:s4+$0x20] =	vst v2  }
0x347: {  	[tilespmem:s4+$0xFFFFFFC0] =	vst v4  }
0x348: {  	s3 =	rddreg [dreg:$0x1e]  }
0x349: {  	[hbm4b:s3+s11] =	stream.strided.scatter [tilespmem:s30], [sflag:$0x3], $0x1000, s12, s11, $0x38;
	[tilespmem:$0x1E700] =	vst v63  }
0x34a: {  	_ =	swait.ge [sflag:s31], $0x1000  }
0x34b: {  	[sflag:s31] =	ssyncset.done $0x0  }
0x34c: {  	s7 =	simm.s32 $0x2070;
	[sflag:s31] =	ssyncadd.s32 $0xFFFFF000  }
0x34d: {  	v0 =	vld [tilespmem:s7+$0x0]  }
0x34e: {  	v1 =	vld [tilespmem:s7+$0xFFFFFFA0]  }
0x34f: {  	v2 =	vld [tilespmem:s7+$0xFFFFFFB0]  }
0x350: {  	v3 =	vld [tilespmem:s7+$0xFFFFFFC0]  }
0x351: {  	v4 =	vld [tilespmem:s7+$0xFFFFFFD0]  }
0x352: {  	v6 =	vld [tilespmem:s7+$0xFFFFFFE0]  }
0x353: {  	v7 =	vld [tilespmem:s7+$0xFFFFFFF0]  }
0x354: {  	v8 =	vld [tilespmem:s7+$0xFFFFFF90]  }
0x355: {  	v9 =	vld.idx.msk [tilespmem:v0+s13+$0x0], $0xffff  }
0x356: {  	v10 =	vld.idx.msk [tilespmem:v1+s13+$0x0], $0xffff  }
0x357: {  	v5 =	vld.idx.msk [tilespmem:v2+s13+$0x0], $0xffff  }
0x358: {  	v3 =	vld.idx.msk [tilespmem:v3+s13+$0x0], $0xffff  }
0x359: {  	v0 =	vld.idx.msk [tilespmem:v4+s13+$0x0], $0xffff  }
0x35a: {  	s4 =	simm.s32 $0x1C740;
	v1 =	vld.idx.msk [tilespmem:v6+s13+$0x0], $0xffff  }
0x35b: {  	v2 =	vld.idx.msk [tilespmem:v7+s13+$0x0], $0xffff;
	[tilespmem:s4+$0x30] =	vst v9  }
0x35c: {  	s6 =	simm.s32 $0x0;
	s7 =	simm.s32 $0x20F0;
	v4 =	vld.idx.msk [tilespmem:v8+s13+$0x0], $0xffff;
	[tilespmem:s4+$0xFFFFFFD0] =	vst v10  }
.LBB2_30:
0x35d: {  	v6 =	vld [tilespmem:s7+$0x0];
	s6 =	sadd.s32 $0x80, s6;
	[tilespmem:s4+$0xFFFFFFE0] =	vst v5  }
0x35e: {  	v5 =	vld [tilespmem:s7+$0xFFFFFFA0];
	p5 =	slt.u32 s6, $0xF80;
	[tilespmem:s4+$0xFFFFFFF0] =	vst v3  }
0x35f: {  	v3 =	vld [tilespmem:s7+$0xFFFFFFB0];
	[tilespmem:s4+$0x0] =	vst v0  }
0x360: {  	v0 =	vld [tilespmem:s7+$0xFFFFFFC0];
	[tilespmem:s4+$0x10] =	vst v1  }
0x361: {  	v1 =	vld [tilespmem:s7+$0xFFFFFFD0];
	[tilespmem:s4+$0x20] =	vst v2  }
0x362: {  	v2 =	vld [tilespmem:s7+$0xFFFFFFE0];
	[tilespmem:s4+$0xFFFFFFC0] =	vst v4  }
0x363: {  	v4 =	vld [tilespmem:s7+$0xFFFFFFF0]  }
0x364: {  	v7 =	vld [tilespmem:s7+$0xFFFFFF90]  }
0x365: {  	v6 =	vld.idx.msk [tilespmem:v6+s13+$0x0], $0xffff  }
0x366: {  	v8 =	vld.idx.msk [tilespmem:v5+s13+$0x0], $0xffff  }
0x367: {  	v5 =	vld.idx.msk [tilespmem:v3+s13+$0x0], $0xffff  }
.Ltmp14:
0x368: {  	v3 =	vld.idx.msk [tilespmem:v0+s13+$0x0], $0xffff;
	(pc) =	sbr.rel @p5 .LBB2_30-.Ltmp14, $4  }
0x369: {  	v0 =	vld.idx.msk [tilespmem:v1+s13+$0x0], $0xffff  }
0x36a: {  	s4 =	sadd.s32 $0x80, s4;
	v1 =	vld.idx.msk [tilespmem:v2+s13+$0x0], $0xffff  }
0x36b: {  	v2 =	vld.idx.msk [tilespmem:v4+s13+$0x0], $0xffff;
	[tilespmem:s4+$0x30] =	vst v6  }
0x36c: {  	s7 =	sadd.s32 $0x80, s7;
	v4 =	vld.idx.msk [tilespmem:v7+s13+$0x0], $0xffff;
	[tilespmem:s4+$0xFFFFFFD0] =	vst v8  }
0x36d: {  	[tilespmem:s4+$0xFFFFFFE0] =	vst v5  }
0x36e: {  	[tilespmem:s4+$0xFFFFFFF0] =	vst v3  }
0x36f: {  	[tilespmem:s4+$0x0] =	vst v0  }
0x370: {  	[tilespmem:s4+$0x10] =	vst v1  }
0x371: {  	[tilespmem:s4+$0x20] =	vst v2  }
0x372: {  	[tilespmem:s4+$0xFFFFFFC0] =	vst v4  }
0x373: {  	s3 =	rddreg [dreg:$0x1f]  }
0x374: {  	[hbm4b:s3+s11] =	stream.strided.scatter [tilespmem:s29], [sflag:$0x2], $0x1000, s12, s11, $0x38;
	[tilespmem:$0x1E700] =	vst v63  }
0x375: {  	_ =	swait.ge [sflag:s0], $0x1000  }
0x376: {  	[sflag:s0] =	ssyncset.done $0x0  }
0x377: {  	s7 =	simm.s32 $0x3070;
	[sflag:s0] =	ssyncadd.s32 $0xFFFFF000  }
0x378: {  	v0 =	vld [tilespmem:s7+$0x0]  }
0x379: {  	v1 =	vld [tilespmem:s7+$0xFFFFFFA0]  }
0x37a: {  	v2 =	vld [tilespmem:s7+$0xFFFFFFB0]  }
0x37b: {  	v3 =	vld [tilespmem:s7+$0xFFFFFFC0]  }
0x37c: {  	v4 =	vld [tilespmem:s7+$0xFFFFFFD0]  }
0x37d: {  	v6 =	vld [tilespmem:s7+$0xFFFFFFE0]  }
0x37e: {  	v7 =	vld [tilespmem:s7+$0xFFFFFFF0]  }
0x37f: {  	v8 =	vld [tilespmem:s7+$0xFFFFFF90]  }
0x380: {  	v9 =	vld.idx.msk [tilespmem:v0+s13+$0x0], $0xffff  }
0x381: {  	v10 =	vld.idx.msk [tilespmem:v1+s13+$0x0], $0xffff  }
0x382: {  	v5 =	vld.idx.msk [tilespmem:v2+s13+$0x0], $0xffff  }
0x383: {  	v3 =	vld.idx.msk [tilespmem:v3+s13+$0x0], $0xffff  }
0x384: {  	v0 =	vld.idx.msk [tilespmem:v4+s13+$0x0], $0xffff  }
0x385: {  	s4 =	simm.s32 $0x1D740;
	v1 =	vld.idx.msk [tilespmem:v6+s13+$0x0], $0xffff  }
0x386: {  	v2 =	vld.idx.msk [tilespmem:v7+s13+$0x0], $0xffff;
	[tilespmem:s4+$0x30] =	vst v9  }
0x387: {  	s6 =	simm.s32 $0x0;
	s7 =	simm.s32 $0x30F0;
	v4 =	vld.idx.msk [tilespmem:v8+s13+$0x0], $0xffff;
	[tilespmem:s4+$0xFFFFFFD0] =	vst v10  }
.LBB2_32:
0x388: {  	v6 =	vld [tilespmem:s7+$0x0];
	s6 =	sadd.s32 $0x80, s6;
	[tilespmem:s4+$0xFFFFFFE0] =	vst v5  }
0x389: {  	v5 =	vld [tilespmem:s7+$0xFFFFFFA0];
	p5 =	slt.u32 s6, $0xF80;
	[tilespmem:s4+$0xFFFFFFF0] =	vst v3  }
0x38a: {  	v3 =	vld [tilespmem:s7+$0xFFFFFFB0];
	[tilespmem:s4+$0x0] =	vst v0  }
0x38b: {  	v0 =	vld [tilespmem:s7+$0xFFFFFFC0];
	[tilespmem:s4+$0x10] =	vst v1  }
0x38c: {  	v1 =	vld [tilespmem:s7+$0xFFFFFFD0];
	[tilespmem:s4+$0x20] =	vst v2  }
0x38d: {  	v2 =	vld [tilespmem:s7+$0xFFFFFFE0];
	[tilespmem:s4+$0xFFFFFFC0] =	vst v4  }
0x38e: {  	v4 =	vld [tilespmem:s7+$0xFFFFFFF0]  }
0x38f: {  	v7 =	vld [tilespmem:s7+$0xFFFFFF90]  }
0x390: {  	v6 =	vld.idx.msk [tilespmem:v6+s13+$0x0], $0xffff  }
0x391: {  	v8 =	vld.idx.msk [tilespmem:v5+s13+$0x0], $0xffff  }
0x392: {  	v5 =	vld.idx.msk [tilespmem:v3+s13+$0x0], $0xffff  }
.Ltmp15:
0x393: {  	v3 =	vld.idx.msk [tilespmem:v0+s13+$0x0], $0xffff;
	(pc) =	sbr.rel @p5 .LBB2_32-.Ltmp15, $4  }
0x394: {  	v0 =	vld.idx.msk [tilespmem:v1+s13+$0x0], $0xffff  }
0x395: {  	s4 =	sadd.s32 $0x80, s4;
	v1 =	vld.idx.msk [tilespmem:v2+s13+$0x0], $0xffff  }
0x396: {  	v2 =	vld.idx.msk [tilespmem:v4+s13+$0x0], $0xffff;
	[tilespmem:s4+$0x30] =	vst v6  }
0x397: {  	s7 =	sadd.s32 $0x80, s7;
	v4 =	vld.idx.msk [tilespmem:v7+s13+$0x0], $0xffff;
	[tilespmem:s4+$0xFFFFFFD0] =	vst v8  }
0x398: {  	[tilespmem:s4+$0xFFFFFFE0] =	vst v5  }
0x399: {  	[tilespmem:s4+$0xFFFFFFF0] =	vst v3  }
0x39a: {  	[tilespmem:s4+$0x0] =	vst v0  }
0x39b: {  	[tilespmem:s4+$0x10] =	vst v1  }
0x39c: {  	[tilespmem:s4+$0x20] =	vst v2  }
0x39d: {  	[tilespmem:s4+$0xFFFFFFC0] =	vst v4  }
0x39e: {  	s3 =	sld [smem:$0x7CC]  }
0x39f: {  	s6 =	sld [smem:$0x7F7];
	_ =	sdelay $0x1  }
0x3a0: {  	[hbm4b:s3+s11] =	stream.strided.scatter [tilespmem:s30], [sflag:$0x3], $0x1000, s12, s11, $0x38;
	[tilespmem:$0x1E700] =	vst v63  }
0x3a1: {  	p5 =	seq.s32 s6, $0x1  }
0x3a2: {  	s4 =	simm.s32 @p5 $0x80;
	s6 =	simm.s32 @p5 $0x400;
	s7 =	simm.s32 @p5 $0x4000  }
0x3a3: {  	[tilespmem:s7], [sflag:$0x4] =	stream.strided.gather @p5 [hbm4b:s18+s4], $0x18700, s6, s4, $0x38;
	[tilespmem:$0x1E700] =	vst v63  }
0x3a4: {  	s4 =	simm.s32 @p5 $0x4  }
0x3a5: {  	_ =	swait.ge @p5 [sflag:s4], $0x18700  }
0x3a6: {  	s6 =	simm.s32 @!p5 $0x400;
	s7 =	simm.s32 @!p5 $0x0;
	[sflag:s4] =	ssyncset.done @p5 $0x0  }
0x3a7: {  	s3 =	rddreg [dreg:$0x7];
	[sflag:s4] =	ssyncadd.s32 @p5 $0xFFFE7900;
	s4 =	simm.s32 @!p5 $0x80  }
0x3a8: {  	[tilespmem:s7], [sflag:$0x1] =	stream.strided.gather @!p5 [hbm4b:s3+s4], $0x4000, s6, s4, $0x38;
	[tilespmem:$0x1E700] =	vst v63  }
0x3a9: {  	s7 =	simm.s32 @!p5 $0x4000  }
0x3aa: {  	[tilespmem:s7], [sflag:$0x4] =	stream.strided.gather @!p5 [hbm4b:s18+s4], $0x18700, s6, s4, $0x38;
	[tilespmem:$0x1E700] =	vst v63  }
0x3ab: {  	s4 =	simm.s32 @!p5 $0x4  }
0x3ac: {  	_ =	swait.ge @!p5 [sflag:s4], $0x18700  }
0x3ad: {  	[sflag:s4] =	ssyncset.done @!p5 $0x0  }
0x3ae: {  	[sflag:s4] =	ssyncadd.s32 @!p5 $0xFFFE7900;
	s4 =	simm.s32 @!p5 $0x1  }
0x3af: {  	_ =	swait.ge @!p5 [sflag:s4], $0x4000  }
0x3b0: {  	[sflag:s4] =	ssyncset.done @!p5 $0x0  }
0x3b1: {  	[sflag:s4] =	ssyncadd.s32 @!p5 $0xFFFFC000  }
0x3b2: {  	_ =	swait.ge [sflag:s31], $0x1000  }
0x3b3: {  	[sflag:s31] =	ssyncset.done $0x0  }
0x3b4: {  	s7 =	simm.s32 $0x40;
	[sflag:s31] =	ssyncadd.s32 $0xFFFFF000  }
0x3b5: {  	v0 =	vld [tilespmem:s7+$0x30]  }
0x3b6: {  	v1 =	vld [tilespmem:s7+$0xFFFFFFD0]  }
0x3b7: {  	v2 =	vld [tilespmem:s7+$0xFFFFFFE0]  }
0x3b8: {  	v3 =	vld [tilespmem:s7+$0xFFFFFFF0]  }
0x3b9: {  	v4 =	vld [tilespmem:s7+$0x0]  }
0x3ba: {  	v6 =	vld [tilespmem:s7+$0x10]  }
0x3bb: {  	v7 =	vld [tilespmem:s7+$0x20]  }
0x3bc: {  	v8 =	vld [tilespmem:s7+$0xFFFFFFC0]  }
0x3bd: {  	v9 =	vld.idx.msk [tilespmem:v0+s13+$0x0], $0xffff  }
0x3be: {  	v10 =	vld.idx.msk [tilespmem:v1+s13+$0x0], $0xffff  }
0x3bf: {  	v5 =	vld.idx.msk [tilespmem:v2+s13+$0x0], $0xffff  }
0x3c0: {  	v3 =	vld.idx.msk [tilespmem:v3+s13+$0x0], $0xffff  }
0x3c1: {  	v0 =	vld.idx.msk [tilespmem:v4+s13+$0x0], $0xffff  }
0x3c2: {  	s4 =	simm.s32 $0x1C740;
	v1 =	vld.idx.msk [tilespmem:v6+s13+$0x0], $0xffff  }
0x3c3: {  	v2 =	vld.idx.msk [tilespmem:v7+s13+$0x0], $0xffff;
	[tilespmem:s4+$0x30] =	vst v9  }
0x3c4: {  	s6 =	simm.s32 $0x0;
	s7 =	simm.s32 $0xC0;
	v4 =	vld.idx.msk [tilespmem:v8+s13+$0x0], $0xffff;
	[tilespmem:s4+$0xFFFFFFD0] =	vst v10  }
.LBB2_34:
0x3c5: {  	v6 =	vld [tilespmem:s7+$0x30];
	s6 =	sadd.s32 $0x80, s6;
	[tilespmem:s4+$0xFFFFFFE0] =	vst v5  }
0x3c6: {  	v5 =	vld [tilespmem:s7+$0xFFFFFFD0];
	p5 =	slt.u32 s6, $0xF80;
	[tilespmem:s4+$0xFFFFFFF0] =	vst v3  }
0x3c7: {  	v3 =	vld [tilespmem:s7+$0xFFFFFFE0];
	[tilespmem:s4+$0x0] =	vst v0  }
0x3c8: {  	v0 =	vld [tilespmem:s7+$0xFFFFFFF0];
	[tilespmem:s4+$0x10] =	vst v1  }
0x3c9: {  	v1 =	vld [tilespmem:s7+$0x0];
	[tilespmem:s4+$0x20] =	vst v2  }
0x3ca: {  	v2 =	vld [tilespmem:s7+$0x10];
	[tilespmem:s4+$0xFFFFFFC0] =	vst v4  }
0x3cb: {  	v4 =	vld [tilespmem:s7+$0x20]  }
0x3cc: {  	v7 =	vld [tilespmem:s7+$0xFFFFFFC0]  }
0x3cd: {  	v6 =	vld.idx.msk [tilespmem:v6+s13+$0x0], $0xffff  }
0x3ce: {  	v8 =	vld.idx.msk [tilespmem:v5+s13+$0x0], $0xffff  }
0x3cf: {  	v5 =	vld.idx.msk [tilespmem:v3+s13+$0x0], $0xffff  }
.Ltmp16:
0x3d0: {  	v3 =	vld.idx.msk [tilespmem:v0+s13+$0x0], $0xffff;
	(pc) =	sbr.rel @p5 .LBB2_34-.Ltmp16, $4  }
0x3d1: {  	v0 =	vld.idx.msk [tilespmem:v1+s13+$0x0], $0xffff  }
0x3d2: {  	s4 =	sadd.s32 $0x80, s4;
	v1 =	vld.idx.msk [tilespmem:v2+s13+$0x0], $0xffff  }
0x3d3: {  	v2 =	vld.idx.msk [tilespmem:v4+s13+$0x0], $0xffff;
	[tilespmem:s4+$0x30] =	vst v6  }
0x3d4: {  	s7 =	sadd.s32 $0x80, s7;
	v4 =	vld.idx.msk [tilespmem:v7+s13+$0x0], $0xffff;
	[tilespmem:s4+$0xFFFFFFD0] =	vst v8  }
0x3d5: {  	[tilespmem:s4+$0xFFFFFFE0] =	vst v5  }
0x3d6: {  	[tilespmem:s4+$0xFFFFFFF0] =	vst v3  }
0x3d7: {  	[tilespmem:s4+$0x0] =	vst v0  }
0x3d8: {  	[tilespmem:s4+$0x10] =	vst v1  }
0x3d9: {  	[tilespmem:s4+$0x20] =	vst v2  }
0x3da: {  	[tilespmem:s4+$0xFFFFFFC0] =	vst v4  }
0x3db: {  	s3 =	sld [smem:$0x7CD];
	_ =	sdelay $0x2  }
0x3dc: {  	[hbm4b:s3+s11] =	stream.strided.scatter [tilespmem:s29], [sflag:$0x2], $0x1000, s12, s11, $0x38;
	[tilespmem:$0x1E700] =	vst v63  }
0x3dd: {  	_ =	swait.ge [sflag:s0], $0x1000  }
0x3de: {  	[sflag:s0] =	ssyncset.done $0x0  }
0x3df: {  	s7 =	simm.s32 $0x1070;
	[sflag:s0] =	ssyncadd.s32 $0xFFFFF000  }
0x3e0: {  	v0 =	vld [tilespmem:s7+$0x0]  }
0x3e1: {  	v1 =	vld [tilespmem:s7+$0xFFFFFFA0]  }
0x3e2: {  	v2 =	vld [tilespmem:s7+$0xFFFFFFB0]  }
0x3e3: {  	v3 =	vld [tilespmem:s7+$0xFFFFFFC0]  }
0x3e4: {  	v4 =	vld [tilespmem:s7+$0xFFFFFFD0]  }
0x3e5: {  	v6 =	vld [tilespmem:s7+$0xFFFFFFE0]  }
0x3e6: {  	v7 =	vld [tilespmem:s7+$0xFFFFFFF0]  }
0x3e7: {  	v8 =	vld [tilespmem:s7+$0xFFFFFF90]  }
0x3e8: {  	v9 =	vld.idx.msk [tilespmem:v0+s13+$0x0], $0xffff  }
0x3e9: {  	v10 =	vld.idx.msk [tilespmem:v1+s13+$0x0], $0xffff  }
0x3ea: {  	v5 =	vld.idx.msk [tilespmem:v2+s13+$0x0], $0xffff  }
0x3eb: {  	v3 =	vld.idx.msk [tilespmem:v3+s13+$0x0], $0xffff  }
0x3ec: {  	v0 =	vld.idx.msk [tilespmem:v4+s13+$0x0], $0xffff  }
0x3ed: {  	s4 =	simm.s32 $0x1D740;
	v1 =	vld.idx.msk [tilespmem:v6+s13+$0x0], $0xffff  }
0x3ee: {  	v2 =	vld.idx.msk [tilespmem:v7+s13+$0x0], $0xffff;
	[tilespmem:s4+$0x30] =	vst v9  }
0x3ef: {  	s6 =	simm.s32 $0x0;
	s7 =	simm.s32 $0x10F0;
	v4 =	vld.idx.msk [tilespmem:v8+s13+$0x0], $0xffff;
	[tilespmem:s4+$0xFFFFFFD0] =	vst v10  }
.LBB2_36:
0x3f0: {  	v6 =	vld [tilespmem:s7+$0x0];
	s6 =	sadd.s32 $0x80, s6;
	[tilespmem:s4+$0xFFFFFFE0] =	vst v5  }
0x3f1: {  	v5 =	vld [tilespmem:s7+$0xFFFFFFA0];
	p5 =	slt.u32 s6, $0xF80;
	[tilespmem:s4+$0xFFFFFFF0] =	vst v3  }
0x3f2: {  	v3 =	vld [tilespmem:s7+$0xFFFFFFB0];
	[tilespmem:s4+$0x0] =	vst v0  }
0x3f3: {  	v0 =	vld [tilespmem:s7+$0xFFFFFFC0];
	[tilespmem:s4+$0x10] =	vst v1  }
0x3f4: {  	v1 =	vld [tilespmem:s7+$0xFFFFFFD0];
	[tilespmem:s4+$0x20] =	vst v2  }
0x3f5: {  	v2 =	vld [tilespmem:s7+$0xFFFFFFE0];
	[tilespmem:s4+$0xFFFFFFC0] =	vst v4  }
0x3f6: {  	v4 =	vld [tilespmem:s7+$0xFFFFFFF0]  }
0x3f7: {  	v7 =	vld [tilespmem:s7+$0xFFFFFF90]  }
0x3f8: {  	v6 =	vld.idx.msk [tilespmem:v6+s13+$0x0], $0xffff  }
0x3f9: {  	v8 =	vld.idx.msk [tilespmem:v5+s13+$0x0], $0xffff  }
0x3fa: {  	v5 =	vld.idx.msk [tilespmem:v3+s13+$0x0], $0xffff  }
.Ltmp17:
0x3fb: {  	v3 =	vld.idx.msk [tilespmem:v0+s13+$0x0], $0xffff;
	(pc) =	sbr.rel @p5 .LBB2_36-.Ltmp17, $4  }
0x3fc: {  	v0 =	vld.idx.msk [tilespmem:v1+s13+$0x0], $0xffff  }
0x3fd: {  	s4 =	sadd.s32 $0x80, s4;
	v1 =	vld.idx.msk [tilespmem:v2+s13+$0x0], $0xffff  }
0x3fe: {  	v2 =	vld.idx.msk [tilespmem:v4+s13+$0x0], $0xffff;
	[tilespmem:s4+$0x30] =	vst v6  }
0x3ff: {  	s7 =	sadd.s32 $0x80, s7;
	v4 =	vld.idx.msk [tilespmem:v7+s13+$0x0], $0xffff;
	[tilespmem:s4+$0xFFFFFFD0] =	vst v8  }
0x400: {  	[tilespmem:s4+$0xFFFFFFE0] =	vst v5  }
0x401: {  	[tilespmem:s4+$0xFFFFFFF0] =	vst v3  }
0x402: {  	[tilespmem:s4+$0x0] =	vst v0  }
0x403: {  	[tilespmem:s4+$0x10] =	vst v1  }
0x404: {  	[tilespmem:s4+$0x20] =	vst v2  }
0x405: {  	[tilespmem:s4+$0xFFFFFFC0] =	vst v4  }
0x406: {  	s3 =	sld [smem:$0x7CE];
	_ =	sdelay $0x2  }
0x407: {  	[hbm4b:s3+s11] =	stream.strided.scatter [tilespmem:s30], [sflag:$0x3], $0x1000, s12, s11, $0x38;
	[tilespmem:$0x1E700] =	vst v63  }
0x408: {  	_ =	swait.ge [sflag:s31], $0x1000  }
0x409: {  	[sflag:s31] =	ssyncset.done $0x0  }
0x40a: {  	s7 =	simm.s32 $0x2070;
	[sflag:s31] =	ssyncadd.s32 $0xFFFFF000  }
0x40b: {  	v0 =	vld [tilespmem:s7+$0x0]  }
0x40c: {  	v1 =	vld [tilespmem:s7+$0xFFFFFFA0]  }
0x40d: {  	v2 =	vld [tilespmem:s7+$0xFFFFFFB0]  }
0x40e: {  	v3 =	vld [tilespmem:s7+$0xFFFFFFC0]  }
0x40f: {  	v4 =	vld [tilespmem:s7+$0xFFFFFFD0]  }
0x410: {  	v6 =	vld [tilespmem:s7+$0xFFFFFFE0]  }
0x411: {  	v7 =	vld [tilespmem:s7+$0xFFFFFFF0]  }
0x412: {  	v8 =	vld [tilespmem:s7+$0xFFFFFF90]  }
0x413: {  	v9 =	vld.idx.msk [tilespmem:v0+s13+$0x0], $0xffff  }
0x414: {  	v10 =	vld.idx.msk [tilespmem:v1+s13+$0x0], $0xffff  }
0x415: {  	v5 =	vld.idx.msk [tilespmem:v2+s13+$0x0], $0xffff  }
0x416: {  	v3 =	vld.idx.msk [tilespmem:v3+s13+$0x0], $0xffff  }
0x417: {  	v0 =	vld.idx.msk [tilespmem:v4+s13+$0x0], $0xffff  }
0x418: {  	s4 =	simm.s32 $0x1C740;
	v1 =	vld.idx.msk [tilespmem:v6+s13+$0x0], $0xffff  }
0x419: {  	v2 =	vld.idx.msk [tilespmem:v7+s13+$0x0], $0xffff;
	[tilespmem:s4+$0x30] =	vst v9  }
0x41a: {  	s6 =	simm.s32 $0x0;
	s7 =	simm.s32 $0x20F0;
	v4 =	vld.idx.msk [tilespmem:v8+s13+$0x0], $0xffff;
	[tilespmem:s4+$0xFFFFFFD0] =	vst v10  }
.LBB2_38:
0x41b: {  	v6 =	vld [tilespmem:s7+$0x0];
	s6 =	sadd.s32 $0x80, s6;
	[tilespmem:s4+$0xFFFFFFE0] =	vst v5  }
0x41c: {  	v5 =	vld [tilespmem:s7+$0xFFFFFFA0];
	p5 =	slt.u32 s6, $0xF80;
	[tilespmem:s4+$0xFFFFFFF0] =	vst v3  }
0x41d: {  	v3 =	vld [tilespmem:s7+$0xFFFFFFB0];
	[tilespmem:s4+$0x0] =	vst v0  }
0x41e: {  	v0 =	vld [tilespmem:s7+$0xFFFFFFC0];
	[tilespmem:s4+$0x10] =	vst v1  }
0x41f: {  	v1 =	vld [tilespmem:s7+$0xFFFFFFD0];
	[tilespmem:s4+$0x20] =	vst v2  }
0x420: {  	v2 =	vld [tilespmem:s7+$0xFFFFFFE0];
	[tilespmem:s4+$0xFFFFFFC0] =	vst v4  }
0x421: {  	v4 =	vld [tilespmem:s7+$0xFFFFFFF0]  }
0x422: {  	v7 =	vld [tilespmem:s7+$0xFFFFFF90]  }
0x423: {  	v6 =	vld.idx.msk [tilespmem:v6+s13+$0x0], $0xffff  }
0x424: {  	v8 =	vld.idx.msk [tilespmem:v5+s13+$0x0], $0xffff  }
0x425: {  	v5 =	vld.idx.msk [tilespmem:v3+s13+$0x0], $0xffff  }
.Ltmp18:
0x426: {  	v3 =	vld.idx.msk [tilespmem:v0+s13+$0x0], $0xffff;
	(pc) =	sbr.rel @p5 .LBB2_38-.Ltmp18, $4  }
0x427: {  	v0 =	vld.idx.msk [tilespmem:v1+s13+$0x0], $0xffff  }
0x428: {  	s4 =	sadd.s32 $0x80, s4;
	v1 =	vld.idx.msk [tilespmem:v2+s13+$0x0], $0xffff  }
0x429: {  	v2 =	vld.idx.msk [tilespmem:v4+s13+$0x0], $0xffff;
	[tilespmem:s4+$0x30] =	vst v6  }
0x42a: {  	s7 =	sadd.s32 $0x80, s7;
	v4 =	vld.idx.msk [tilespmem:v7+s13+$0x0], $0xffff;
	[tilespmem:s4+$0xFFFFFFD0] =	vst v8  }
0x42b: {  	[tilespmem:s4+$0xFFFFFFE0] =	vst v5  }
0x42c: {  	[tilespmem:s4+$0xFFFFFFF0] =	vst v3  }
0x42d: {  	[tilespmem:s4+$0x0] =	vst v0  }
0x42e: {  	[tilespmem:s4+$0x10] =	vst v1  }
0x42f: {  	[tilespmem:s4+$0x20] =	vst v2  }
0x430: {  	[tilespmem:s4+$0xFFFFFFC0] =	vst v4  }
0x431: {  	s3 =	sld [smem:$0x7CF];
	_ =	sdelay $0x2  }
0x432: {  	[hbm4b:s3+s11] =	stream.strided.scatter [tilespmem:s29], [sflag:$0x2], $0x1000, s12, s11, $0x38;
	[tilespmem:$0x1E700] =	vst v63  }
0x433: {  	_ =	swait.ge [sflag:s0], $0x1000  }
0x434: {  	[sflag:s0] =	ssyncset.done $0x0  }
0x435: {  	s7 =	simm.s32 $0x3070;
	[sflag:s0] =	ssyncadd.s32 $0xFFFFF000  }
0x436: {  	v0 =	vld [tilespmem:s7+$0x0]  }
0x437: {  	v1 =	vld [tilespmem:s7+$0xFFFFFFA0]  }
0x438: {  	v2 =	vld [tilespmem:s7+$0xFFFFFFB0]  }
0x439: {  	v3 =	vld [tilespmem:s7+$0xFFFFFFC0]  }
0x43a: {  	v4 =	vld [tilespmem:s7+$0xFFFFFFD0]  }
0x43b: {  	v6 =	vld [tilespmem:s7+$0xFFFFFFE0]  }
0x43c: {  	v7 =	vld [tilespmem:s7+$0xFFFFFFF0]  }
0x43d: {  	v8 =	vld [tilespmem:s7+$0xFFFFFF90]  }
0x43e: {  	v9 =	vld.idx.msk [tilespmem:v0+s13+$0x0], $0xffff  }
0x43f: {  	v10 =	vld.idx.msk [tilespmem:v1+s13+$0x0], $0xffff  }
0x440: {  	v5 =	vld.idx.msk [tilespmem:v2+s13+$0x0], $0xffff  }
0x441: {  	v3 =	vld.idx.msk [tilespmem:v3+s13+$0x0], $0xffff  }
0x442: {  	v0 =	vld.idx.msk [tilespmem:v4+s13+$0x0], $0xffff  }
0x443: {  	s4 =	simm.s32 $0x1D740;
	v1 =	vld.idx.msk [tilespmem:v6+s13+$0x0], $0xffff  }
0x444: {  	v2 =	vld.idx.msk [tilespmem:v7+s13+$0x0], $0xffff;
	[tilespmem:s4+$0x30] =	vst v9  }
0x445: {  	s6 =	simm.s32 $0x0;
	s7 =	simm.s32 $0x30F0;
	v4 =	vld.idx.msk [tilespmem:v8+s13+$0x0], $0xffff;
	[tilespmem:s4+$0xFFFFFFD0] =	vst v10  }
.LBB2_40:
0x446: {  	v6 =	vld [tilespmem:s7+$0x0];
	s6 =	sadd.s32 $0x80, s6;
	[tilespmem:s4+$0xFFFFFFE0] =	vst v5  }
0x447: {  	v5 =	vld [tilespmem:s7+$0xFFFFFFA0];
	p5 =	slt.u32 s6, $0xF80;
	[tilespmem:s4+$0xFFFFFFF0] =	vst v3  }
0x448: {  	v3 =	vld [tilespmem:s7+$0xFFFFFFB0];
	[tilespmem:s4+$0x0] =	vst v0  }
0x449: {  	v0 =	vld [tilespmem:s7+$0xFFFFFFC0];
	[tilespmem:s4+$0x10] =	vst v1  }
0x44a: {  	v1 =	vld [tilespmem:s7+$0xFFFFFFD0];
	[tilespmem:s4+$0x20] =	vst v2  }
0x44b: {  	v2 =	vld [tilespmem:s7+$0xFFFFFFE0];
	[tilespmem:s4+$0xFFFFFFC0] =	vst v4  }
0x44c: {  	v4 =	vld [tilespmem:s7+$0xFFFFFFF0]  }
0x44d: {  	v7 =	vld [tilespmem:s7+$0xFFFFFF90]  }
0x44e: {  	v6 =	vld.idx.msk [tilespmem:v6+s13+$0x0], $0xffff  }
0x44f: {  	v8 =	vld.idx.msk [tilespmem:v5+s13+$0x0], $0xffff  }
0x450: {  	v5 =	vld.idx.msk [tilespmem:v3+s13+$0x0], $0xffff  }
.Ltmp19:
0x451: {  	v3 =	vld.idx.msk [tilespmem:v0+s13+$0x0], $0xffff;
	(pc) =	sbr.rel @p5 .LBB2_40-.Ltmp19, $4  }
0x452: {  	v0 =	vld.idx.msk [tilespmem:v1+s13+$0x0], $0xffff  }
0x453: {  	s4 =	sadd.s32 $0x80, s4;
	v1 =	vld.idx.msk [tilespmem:v2+s13+$0x0], $0xffff  }
0x454: {  	v2 =	vld.idx.msk [tilespmem:v4+s13+$0x0], $0xffff;
	[tilespmem:s4+$0x30] =	vst v6  }
0x455: {  	s7 =	sadd.s32 $0x80, s7;
	v4 =	vld.idx.msk [tilespmem:v7+s13+$0x0], $0xffff;
	[tilespmem:s4+$0xFFFFFFD0] =	vst v8  }
0x456: {  	[tilespmem:s4+$0xFFFFFFE0] =	vst v5  }
0x457: {  	[tilespmem:s4+$0xFFFFFFF0] =	vst v3  }
0x458: {  	[tilespmem:s4+$0x0] =	vst v0  }
0x459: {  	[tilespmem:s4+$0x10] =	vst v1  }
0x45a: {  	[tilespmem:s4+$0x20] =	vst v2  }
0x45b: {  	[tilespmem:s4+$0xFFFFFFC0] =	vst v4  }
0x45c: {  	s3 =	sld [smem:$0x7D0]  }
0x45d: {  	s6 =	sld [smem:$0x7F9];
	_ =	sdelay $0x1  }
0x45e: {  	[hbm4b:s3+s11] =	stream.strided.scatter [tilespmem:s30], [sflag:$0x3], $0x1000, s12, s11, $0x38;
	[tilespmem:$0x1E700] =	vst v63  }
0x45f: {  	p5 =	seq.s32 s6, $0x1  }
0x460: {  	s4 =	simm.s32 @p5 $0x80;
	s6 =	simm.s32 @p5 $0x400;
	s7 =	simm.s32 @p5 $0x4000  }
0x461: {  	[tilespmem:s7], [sflag:$0x4] =	stream.strided.gather @p5 [hbm4b:s19+s4], $0x18700, s6, s4, $0x38;
	[tilespmem:$0x1E700] =	vst v63  }
0x462: {  	s4 =	simm.s32 @p5 $0x4  }
0x463: {  	_ =	swait.ge @p5 [sflag:s4], $0x18700  }
0x464: {  	s6 =	simm.s32 @!p5 $0x400;
	s7 =	simm.s32 @!p5 $0x0;
	[sflag:s4] =	ssyncset.done @p5 $0x0  }
0x465: {  	s3 =	rddreg [dreg:$0x8];
	[sflag:s4] =	ssyncadd.s32 @p5 $0xFFFE7900;
	s4 =	simm.s32 @!p5 $0x80  }
0x466: {  	[tilespmem:s7], [sflag:$0x1] =	stream.strided.gather @!p5 [hbm4b:s3+s4], $0x4000, s6, s4, $0x38;
	[tilespmem:$0x1E700] =	vst v63  }
0x467: {  	s7 =	simm.s32 @!p5 $0x4000  }
0x468: {  	[tilespmem:s7], [sflag:$0x4] =	stream.strided.gather @!p5 [hbm4b:s19+s4], $0x18700, s6, s4, $0x38;
	[tilespmem:$0x1E700] =	vst v63  }
0x469: {  	s4 =	simm.s32 @!p5 $0x4  }
0x46a: {  	_ =	swait.ge @!p5 [sflag:s4], $0x18700  }
0x46b: {  	[sflag:s4] =	ssyncset.done @!p5 $0x0  }
0x46c: {  	[sflag:s4] =	ssyncadd.s32 @!p5 $0xFFFE7900;
	s4 =	simm.s32 @!p5 $0x1  }
0x46d: {  	_ =	swait.ge @!p5 [sflag:s4], $0x4000  }
0x46e: {  	[sflag:s4] =	ssyncset.done @!p5 $0x0  }
0x46f: {  	[sflag:s4] =	ssyncadd.s32 @!p5 $0xFFFFC000  }
0x470: {  	_ =	swait.ge [sflag:s31], $0x1000  }
0x471: {  	[sflag:s31] =	ssyncset.done $0x0  }
0x472: {  	s7 =	simm.s32 $0x40;
	[sflag:s31] =	ssyncadd.s32 $0xFFFFF000  }
0x473: {  	v0 =	vld [tilespmem:s7+$0x30]  }
0x474: {  	v1 =	vld [tilespmem:s7+$0xFFFFFFD0]  }
0x475: {  	v2 =	vld [tilespmem:s7+$0xFFFFFFE0]  }
0x476: {  	v3 =	vld [tilespmem:s7+$0xFFFFFFF0]  }
0x477: {  	v4 =	vld [tilespmem:s7+$0x0]  }
0x478: {  	v6 =	vld [tilespmem:s7+$0x10]  }
0x479: {  	v7 =	vld [tilespmem:s7+$0x20]  }
0x47a: {  	v8 =	vld [tilespmem:s7+$0xFFFFFFC0]  }
0x47b: {  	v9 =	vld.idx.msk [tilespmem:v0+s13+$0x0], $0xffff  }
0x47c: {  	v10 =	vld.idx.msk [tilespmem:v1+s13+$0x0], $0xffff  }
0x47d: {  	v5 =	vld.idx.msk [tilespmem:v2+s13+$0x0], $0xffff  }
0x47e: {  	v3 =	vld.idx.msk [tilespmem:v3+s13+$0x0], $0xffff  }
0x47f: {  	v0 =	vld.idx.msk [tilespmem:v4+s13+$0x0], $0xffff  }
0x480: {  	s4 =	simm.s32 $0x1C740;
	v1 =	vld.idx.msk [tilespmem:v6+s13+$0x0], $0xffff  }
0x481: {  	v2 =	vld.idx.msk [tilespmem:v7+s13+$0x0], $0xffff;
	[tilespmem:s4+$0x30] =	vst v9  }
0x482: {  	s6 =	simm.s32 $0x0;
	s7 =	simm.s32 $0xC0;
	v4 =	vld.idx.msk [tilespmem:v8+s13+$0x0], $0xffff;
	[tilespmem:s4+$0xFFFFFFD0] =	vst v10  }
.LBB2_42:
0x483: {  	v6 =	vld [tilespmem:s7+$0x30];
	s6 =	sadd.s32 $0x80, s6;
	[tilespmem:s4+$0xFFFFFFE0] =	vst v5  }
0x484: {  	v5 =	vld [tilespmem:s7+$0xFFFFFFD0];
	p5 =	slt.u32 s6, $0xF80;
	[tilespmem:s4+$0xFFFFFFF0] =	vst v3  }
0x485: {  	v3 =	vld [tilespmem:s7+$0xFFFFFFE0];
	[tilespmem:s4+$0x0] =	vst v0  }
0x486: {  	v0 =	vld [tilespmem:s7+$0xFFFFFFF0];
	[tilespmem:s4+$0x10] =	vst v1  }
0x487: {  	v1 =	vld [tilespmem:s7+$0x0];
	[tilespmem:s4+$0x20] =	vst v2  }
0x488: {  	v2 =	vld [tilespmem:s7+$0x10];
	[tilespmem:s4+$0xFFFFFFC0] =	vst v4  }
0x489: {  	v4 =	vld [tilespmem:s7+$0x20]  }
0x48a: {  	v7 =	vld [tilespmem:s7+$0xFFFFFFC0]  }
0x48b: {  	v6 =	vld.idx.msk [tilespmem:v6+s13+$0x0], $0xffff  }
0x48c: {  	v8 =	vld.idx.msk [tilespmem:v5+s13+$0x0], $0xffff  }
0x48d: {  	v5 =	vld.idx.msk [tilespmem:v3+s13+$0x0], $0xffff  }
.Ltmp20:
0x48e: {  	v3 =	vld.idx.msk [tilespmem:v0+s13+$0x0], $0xffff;
	(pc) =	sbr.rel @p5 .LBB2_42-.Ltmp20, $4  }
0x48f: {  	v0 =	vld.idx.msk [tilespmem:v1+s13+$0x0], $0xffff  }
0x490: {  	s4 =	sadd.s32 $0x80, s4;
	v1 =	vld.idx.msk [tilespmem:v2+s13+$0x0], $0xffff  }
0x491: {  	v2 =	vld.idx.msk [tilespmem:v4+s13+$0x0], $0xffff;
	[tilespmem:s4+$0x30] =	vst v6  }
0x492: {  	s7 =	sadd.s32 $0x80, s7;
	v4 =	vld.idx.msk [tilespmem:v7+s13+$0x0], $0xffff;
	[tilespmem:s4+$0xFFFFFFD0] =	vst v8  }
0x493: {  	[tilespmem:s4+$0xFFFFFFE0] =	vst v5  }
0x494: {  	[tilespmem:s4+$0xFFFFFFF0] =	vst v3  }
0x495: {  	[tilespmem:s4+$0x0] =	vst v0  }
0x496: {  	[tilespmem:s4+$0x10] =	vst v1  }
0x497: {  	[tilespmem:s4+$0x20] =	vst v2  }
0x498: {  	[tilespmem:s4+$0xFFFFFFC0] =	vst v4  }
0x499: {  	s3 =	sld [smem:$0x7D2];
	_ =	sdelay $0x2  }
0x49a: {  	[hbm4b:s3+s11] =	stream.strided.scatter [tilespmem:s29], [sflag:$0x2], $0x1000, s12, s11, $0x38;
	[tilespmem:$0x1E700] =	vst v63  }
0x49b: {  	_ =	swait.ge [sflag:s0], $0x1000  }
0x49c: {  	[sflag:s0] =	ssyncset.done $0x0  }
0x49d: {  	s7 =	simm.s32 $0x1070;
	[sflag:s0] =	ssyncadd.s32 $0xFFFFF000  }
0x49e: {  	v0 =	vld [tilespmem:s7+$0x0]  }
0x49f: {  	v1 =	vld [tilespmem:s7+$0xFFFFFFA0]  }
0x4a0: {  	v2 =	vld [tilespmem:s7+$0xFFFFFFB0]  }
0x4a1: {  	v3 =	vld [tilespmem:s7+$0xFFFFFFC0]  }
0x4a2: {  	v4 =	vld [tilespmem:s7+$0xFFFFFFD0]  }
0x4a3: {  	v6 =	vld [tilespmem:s7+$0xFFFFFFE0]  }
0x4a4: {  	v7 =	vld [tilespmem:s7+$0xFFFFFFF0]  }
0x4a5: {  	v8 =	vld [tilespmem:s7+$0xFFFFFF90]  }
0x4a6: {  	v9 =	vld.idx.msk [tilespmem:v0+s13+$0x0], $0xffff  }
0x4a7: {  	v10 =	vld.idx.msk [tilespmem:v1+s13+$0x0], $0xffff  }
0x4a8: {  	v5 =	vld.idx.msk [tilespmem:v2+s13+$0x0], $0xffff  }
0x4a9: {  	v3 =	vld.idx.msk [tilespmem:v3+s13+$0x0], $0xffff  }
0x4aa: {  	v0 =	vld.idx.msk [tilespmem:v4+s13+$0x0], $0xffff  }
0x4ab: {  	s4 =	simm.s32 $0x1D740;
	v1 =	vld.idx.msk [tilespmem:v6+s13+$0x0], $0xffff  }
0x4ac: {  	v2 =	vld.idx.msk [tilespmem:v7+s13+$0x0], $0xffff;
	[tilespmem:s4+$0x30] =	vst v9  }
0x4ad: {  	s6 =	simm.s32 $0x0;
	s7 =	simm.s32 $0x10F0;
	v4 =	vld.idx.msk [tilespmem:v8+s13+$0x0], $0xffff;
	[tilespmem:s4+$0xFFFFFFD0] =	vst v10  }
.LBB2_44:
0x4ae: {  	v6 =	vld [tilespmem:s7+$0x0];
	s6 =	sadd.s32 $0x80, s6;
	[tilespmem:s4+$0xFFFFFFE0] =	vst v5  }
0x4af: {  	v5 =	vld [tilespmem:s7+$0xFFFFFFA0];
	p5 =	slt.u32 s6, $0xF80;
	[tilespmem:s4+$0xFFFFFFF0] =	vst v3  }
0x4b0: {  	v3 =	vld [tilespmem:s7+$0xFFFFFFB0];
	[tilespmem:s4+$0x0] =	vst v0  }
0x4b1: {  	v0 =	vld [tilespmem:s7+$0xFFFFFFC0];
	[tilespmem:s4+$0x10] =	vst v1  }
0x4b2: {  	v1 =	vld [tilespmem:s7+$0xFFFFFFD0];
	[tilespmem:s4+$0x20] =	vst v2  }
0x4b3: {  	v2 =	vld [tilespmem:s7+$0xFFFFFFE0];
	[tilespmem:s4+$0xFFFFFFC0] =	vst v4  }
0x4b4: {  	v4 =	vld [tilespmem:s7+$0xFFFFFFF0]  }
0x4b5: {  	v7 =	vld [tilespmem:s7+$0xFFFFFF90]  }
0x4b6: {  	v6 =	vld.idx.msk [tilespmem:v6+s13+$0x0], $0xffff  }
0x4b7: {  	v8 =	vld.idx.msk [tilespmem:v5+s13+$0x0], $0xffff  }
0x4b8: {  	v5 =	vld.idx.msk [tilespmem:v3+s13+$0x0], $0xffff  }
.Ltmp21:
0x4b9: {  	v3 =	vld.idx.msk [tilespmem:v0+s13+$0x0], $0xffff;
	(pc) =	sbr.rel @p5 .LBB2_44-.Ltmp21, $4  }
0x4ba: {  	v0 =	vld.idx.msk [tilespmem:v1+s13+$0x0], $0xffff  }
0x4bb: {  	s4 =	sadd.s32 $0x80, s4;
	v1 =	vld.idx.msk [tilespmem:v2+s13+$0x0], $0xffff  }
0x4bc: {  	v2 =	vld.idx.msk [tilespmem:v4+s13+$0x0], $0xffff;
	[tilespmem:s4+$0x30] =	vst v6  }
0x4bd: {  	s7 =	sadd.s32 $0x80, s7;
	v4 =	vld.idx.msk [tilespmem:v7+s13+$0x0], $0xffff;
	[tilespmem:s4+$0xFFFFFFD0] =	vst v8  }
0x4be: {  	[tilespmem:s4+$0xFFFFFFE0] =	vst v5  }
0x4bf: {  	[tilespmem:s4+$0xFFFFFFF0] =	vst v3  }
0x4c0: {  	[tilespmem:s4+$0x0] =	vst v0  }
0x4c1: {  	[tilespmem:s4+$0x10] =	vst v1  }
0x4c2: {  	[tilespmem:s4+$0x20] =	vst v2  }
0x4c3: {  	[tilespmem:s4+$0xFFFFFFC0] =	vst v4  }
0x4c4: {  	s3 =	sld [smem:$0x7D3];
	_ =	sdelay $0x2  }
0x4c5: {  	[hbm4b:s3+s11] =	stream.strided.scatter [tilespmem:s30], [sflag:$0x3], $0x1000, s12, s11, $0x38;
	[tilespmem:$0x1E700] =	vst v63  }
0x4c6: {  	_ =	swait.ge [sflag:s31], $0x1000  }
0x4c7: {  	[sflag:s31] =	ssyncset.done $0x0  }
0x4c8: {  	s7 =	simm.s32 $0x2070;
	[sflag:s31] =	ssyncadd.s32 $0xFFFFF000  }
0x4c9: {  	v0 =	vld [tilespmem:s7+$0x0]  }
0x4ca: {  	v1 =	vld [tilespmem:s7+$0xFFFFFFA0]  }
0x4cb: {  	v2 =	vld [tilespmem:s7+$0xFFFFFFB0]  }
0x4cc: {  	v3 =	vld [tilespmem:s7+$0xFFFFFFC0]  }
0x4cd: {  	v4 =	vld [tilespmem:s7+$0xFFFFFFD0]  }
0x4ce: {  	v6 =	vld [tilespmem:s7+$0xFFFFFFE0]  }
0x4cf: {  	v7 =	vld [tilespmem:s7+$0xFFFFFFF0]  }
0x4d0: {  	v8 =	vld [tilespmem:s7+$0xFFFFFF90]  }
0x4d1: {  	v9 =	vld.idx.msk [tilespmem:v0+s13+$0x0], $0xffff  }
0x4d2: {  	v10 =	vld.idx.msk [tilespmem:v1+s13+$0x0], $0xffff  }
0x4d3: {  	v5 =	vld.idx.msk [tilespmem:v2+s13+$0x0], $0xffff  }
0x4d4: {  	v3 =	vld.idx.msk [tilespmem:v3+s13+$0x0], $0xffff  }
0x4d5: {  	v0 =	vld.idx.msk [tilespmem:v4+s13+$0x0], $0xffff  }
0x4d6: {  	s4 =	simm.s32 $0x1C740;
	v1 =	vld.idx.msk [tilespmem:v6+s13+$0x0], $0xffff  }
0x4d7: {  	v2 =	vld.idx.msk [tilespmem:v7+s13+$0x0], $0xffff;
	[tilespmem:s4+$0x30] =	vst v9  }
0x4d8: {  	s6 =	simm.s32 $0x0;
	s7 =	simm.s32 $0x20F0;
	v4 =	vld.idx.msk [tilespmem:v8+s13+$0x0], $0xffff;
	[tilespmem:s4+$0xFFFFFFD0] =	vst v10  }
.LBB2_46:
0x4d9: {  	v6 =	vld [tilespmem:s7+$0x0];
	s6 =	sadd.s32 $0x80, s6;
	[tilespmem:s4+$0xFFFFFFE0] =	vst v5  }
0x4da: {  	v5 =	vld [tilespmem:s7+$0xFFFFFFA0];
	p5 =	slt.u32 s6, $0xF80;
	[tilespmem:s4+$0xFFFFFFF0] =	vst v3  }
0x4db: {  	v3 =	vld [tilespmem:s7+$0xFFFFFFB0];
	[tilespmem:s4+$0x0] =	vst v0  }
0x4dc: {  	v0 =	vld [tilespmem:s7+$0xFFFFFFC0];
	[tilespmem:s4+$0x10] =	vst v1  }
0x4dd: {  	v1 =	vld [tilespmem:s7+$0xFFFFFFD0];
	[tilespmem:s4+$0x20] =	vst v2  }
0x4de: {  	v2 =	vld [tilespmem:s7+$0xFFFFFFE0];
	[tilespmem:s4+$0xFFFFFFC0] =	vst v4  }
0x4df: {  	v4 =	vld [tilespmem:s7+$0xFFFFFFF0]  }
0x4e0: {  	v7 =	vld [tilespmem:s7+$0xFFFFFF90]  }
0x4e1: {  	v6 =	vld.idx.msk [tilespmem:v6+s13+$0x0], $0xffff  }
0x4e2: {  	v8 =	vld.idx.msk [tilespmem:v5+s13+$0x0], $0xffff  }
0x4e3: {  	v5 =	vld.idx.msk [tilespmem:v3+s13+$0x0], $0xffff  }
.Ltmp22:
0x4e4: {  	v3 =	vld.idx.msk [tilespmem:v0+s13+$0x0], $0xffff;
	(pc) =	sbr.rel @p5 .LBB2_46-.Ltmp22, $4  }
0x4e5: {  	v0 =	vld.idx.msk [tilespmem:v1+s13+$0x0], $0xffff  }
0x4e6: {  	s4 =	sadd.s32 $0x80, s4;
	v1 =	vld.idx.msk [tilespmem:v2+s13+$0x0], $0xffff  }
0x4e7: {  	v2 =	vld.idx.msk [tilespmem:v4+s13+$0x0], $0xffff;
	[tilespmem:s4+$0x30] =	vst v6  }
0x4e8: {  	s7 =	sadd.s32 $0x80, s7;
	v4 =	vld.idx.msk [tilespmem:v7+s13+$0x0], $0xffff;
	[tilespmem:s4+$0xFFFFFFD0] =	vst v8  }
0x4e9: {  	[tilespmem:s4+$0xFFFFFFE0] =	vst v5  }
0x4ea: {  	[tilespmem:s4+$0xFFFFFFF0] =	vst v3  }
0x4eb: {  	[tilespmem:s4+$0x0] =	vst v0  }
0x4ec: {  	[tilespmem:s4+$0x10] =	vst v1  }
0x4ed: {  	[tilespmem:s4+$0x20] =	vst v2  }
0x4ee: {  	[tilespmem:s4+$0xFFFFFFC0] =	vst v4  }
0x4ef: {  	s3 =	sld [smem:$0x7D4];
	_ =	sdelay $0x2  }
0x4f0: {  	[hbm4b:s3+s11] =	stream.strided.scatter [tilespmem:s29], [sflag:$0x2], $0x1000, s12, s11, $0x38;
	[tilespmem:$0x1E700] =	vst v63  }
0x4f1: {  	_ =	swait.ge [sflag:s0], $0x1000  }
0x4f2: {  	[sflag:s0] =	ssyncset.done $0x0  }
0x4f3: {  	s7 =	simm.s32 $0x3070;
	[sflag:s0] =	ssyncadd.s32 $0xFFFFF000  }
0x4f4: {  	v0 =	vld [tilespmem:s7+$0x0]  }
0x4f5: {  	v1 =	vld [tilespmem:s7+$0xFFFFFFA0]  }
0x4f6: {  	v2 =	vld [tilespmem:s7+$0xFFFFFFB0]  }
0x4f7: {  	v3 =	vld [tilespmem:s7+$0xFFFFFFC0]  }
0x4f8: {  	v4 =	vld [tilespmem:s7+$0xFFFFFFD0]  }
0x4f9: {  	v6 =	vld [tilespmem:s7+$0xFFFFFFE0]  }
0x4fa: {  	v7 =	vld [tilespmem:s7+$0xFFFFFFF0]  }
0x4fb: {  	v8 =	vld [tilespmem:s7+$0xFFFFFF90]  }
0x4fc: {  	v9 =	vld.idx.msk [tilespmem:v0+s13+$0x0], $0xffff  }
0x4fd: {  	v10 =	vld.idx.msk [tilespmem:v1+s13+$0x0], $0xffff  }
0x4fe: {  	v5 =	vld.idx.msk [tilespmem:v2+s13+$0x0], $0xffff  }
0x4ff: {  	v3 =	vld.idx.msk [tilespmem:v3+s13+$0x0], $0xffff  }
0x500: {  	v0 =	vld.idx.msk [tilespmem:v4+s13+$0x0], $0xffff  }
0x501: {  	s4 =	simm.s32 $0x1D740;
	v1 =	vld.idx.msk [tilespmem:v6+s13+$0x0], $0xffff  }
0x502: {  	v2 =	vld.idx.msk [tilespmem:v7+s13+$0x0], $0xffff;
	[tilespmem:s4+$0x30] =	vst v9  }
0x503: {  	s6 =	simm.s32 $0x0;
	s7 =	simm.s32 $0x30F0;
	v4 =	vld.idx.msk [tilespmem:v8+s13+$0x0], $0xffff;
	[tilespmem:s4+$0xFFFFFFD0] =	vst v10  }
.LBB2_48:
0x504: {  	v6 =	vld [tilespmem:s7+$0x0];
	s6 =	sadd.s32 $0x80, s6;
	[tilespmem:s4+$0xFFFFFFE0] =	vst v5  }
0x505: {  	v5 =	vld [tilespmem:s7+$0xFFFFFFA0];
	p5 =	slt.u32 s6, $0xF80;
	[tilespmem:s4+$0xFFFFFFF0] =	vst v3  }
0x506: {  	v3 =	vld [tilespmem:s7+$0xFFFFFFB0];
	[tilespmem:s4+$0x0] =	vst v0  }
0x507: {  	v0 =	vld [tilespmem:s7+$0xFFFFFFC0];
	[tilespmem:s4+$0x10] =	vst v1  }
0x508: {  	v1 =	vld [tilespmem:s7+$0xFFFFFFD0];
	[tilespmem:s4+$0x20] =	vst v2  }
0x509: {  	v2 =	vld [tilespmem:s7+$0xFFFFFFE0];
	[tilespmem:s4+$0xFFFFFFC0] =	vst v4  }
0x50a: {  	v4 =	vld [tilespmem:s7+$0xFFFFFFF0]  }
0x50b: {  	v7 =	vld [tilespmem:s7+$0xFFFFFF90]  }
0x50c: {  	v6 =	vld.idx.msk [tilespmem:v6+s13+$0x0], $0xffff  }
0x50d: {  	v8 =	vld.idx.msk [tilespmem:v5+s13+$0x0], $0xffff  }
0x50e: {  	v5 =	vld.idx.msk [tilespmem:v3+s13+$0x0], $0xffff  }
.Ltmp23:
0x50f: {  	v3 =	vld.idx.msk [tilespmem:v0+s13+$0x0], $0xffff;
	(pc) =	sbr.rel @p5 .LBB2_48-.Ltmp23, $4  }
0x510: {  	v0 =	vld.idx.msk [tilespmem:v1+s13+$0x0], $0xffff  }
0x511: {  	s4 =	sadd.s32 $0x80, s4;
	v1 =	vld.idx.msk [tilespmem:v2+s13+$0x0], $0xffff  }
0x512: {  	v2 =	vld.idx.msk [tilespmem:v4+s13+$0x0], $0xffff;
	[tilespmem:s4+$0x30] =	vst v6  }
0x513: {  	s7 =	sadd.s32 $0x80, s7;
	v4 =	vld.idx.msk [tilespmem:v7+s13+$0x0], $0xffff;
	[tilespmem:s4+$0xFFFFFFD0] =	vst v8  }
0x514: {  	[tilespmem:s4+$0xFFFFFFE0] =	vst v5  }
0x515: {  	[tilespmem:s4+$0xFFFFFFF0] =	vst v3  }
0x516: {  	[tilespmem:s4+$0x0] =	vst v0  }
0x517: {  	[tilespmem:s4+$0x10] =	vst v1  }
0x518: {  	[tilespmem:s4+$0x20] =	vst v2  }
0x519: {  	[tilespmem:s4+$0xFFFFFFC0] =	vst v4  }
0x51a: {  	s3 =	sld [smem:$0x7D5]  }
0x51b: {  	s6 =	sld [smem:$0x7FB];
	_ =	sdelay $0x1  }
0x51c: {  	[hbm4b:s3+s11] =	stream.strided.scatter [tilespmem:s30], [sflag:$0x3], $0x1000, s12, s11, $0x38;
	[tilespmem:$0x1E700] =	vst v63  }
0x51d: {  	p5 =	seq.s32 s6, $0x1  }
0x51e: {  	s4 =	simm.s32 @p5 $0x80;
	s6 =	simm.s32 @p5 $0x400;
	s7 =	simm.s32 @p5 $0x4000  }
0x51f: {  	[tilespmem:s7], [sflag:$0x4] =	stream.strided.gather @p5 [hbm4b:s20+s4], $0x18700, s6, s4, $0x38;
	[tilespmem:$0x1E700] =	vst v63  }
0x520: {  	s4 =	simm.s32 @p5 $0x4  }
0x521: {  	_ =	swait.ge @p5 [sflag:s4], $0x18700  }
0x522: {  	s6 =	simm.s32 @!p5 $0x400;
	s7 =	simm.s32 @!p5 $0x0;
	[sflag:s4] =	ssyncset.done @p5 $0x0  }
0x523: {  	s3 =	rddreg [dreg:$0x9];
	[sflag:s4] =	ssyncadd.s32 @p5 $0xFFFE7900;
	s4 =	simm.s32 @!p5 $0x80  }
0x524: {  	[tilespmem:s7], [sflag:$0x1] =	stream.strided.gather @!p5 [hbm4b:s3+s4], $0x4000, s6, s4, $0x38;
	[tilespmem:$0x1E700] =	vst v63  }
0x525: {  	s7 =	simm.s32 @!p5 $0x4000  }
0x526: {  	[tilespmem:s7], [sflag:$0x4] =	stream.strided.gather @!p5 [hbm4b:s20+s4], $0x18700, s6, s4, $0x38;
	[tilespmem:$0x1E700] =	vst v63  }
0x527: {  	s4 =	simm.s32 @!p5 $0x4  }
0x528: {  	_ =	swait.ge @!p5 [sflag:s4], $0x18700  }
0x529: {  	[sflag:s4] =	ssyncset.done @!p5 $0x0  }
0x52a: {  	[sflag:s4] =	ssyncadd.s32 @!p5 $0xFFFE7900;
	s4 =	simm.s32 @!p5 $0x1  }
0x52b: {  	_ =	swait.ge @!p5 [sflag:s4], $0x4000  }
0x52c: {  	[sflag:s4] =	ssyncset.done @!p5 $0x0  }
0x52d: {  	[sflag:s4] =	ssyncadd.s32 @!p5 $0xFFFFC000  }
0x52e: {  	_ =	swait.ge [sflag:s31], $0x1000  }
0x52f: {  	[sflag:s31] =	ssyncset.done $0x0  }
0x530: {  	s7 =	simm.s32 $0x40;
	[sflag:s31] =	ssyncadd.s32 $0xFFFFF000  }
0x531: {  	v0 =	vld [tilespmem:s7+$0x30]  }
0x532: {  	v1 =	vld [tilespmem:s7+$0xFFFFFFD0]  }
0x533: {  	v2 =	vld [tilespmem:s7+$0xFFFFFFE0]  }
0x534: {  	v3 =	vld [tilespmem:s7+$0xFFFFFFF0]  }
0x535: {  	v4 =	vld [tilespmem:s7+$0x0]  }
0x536: {  	v6 =	vld [tilespmem:s7+$0x10]  }
0x537: {  	v7 =	vld [tilespmem:s7+$0x20]  }
0x538: {  	v8 =	vld [tilespmem:s7+$0xFFFFFFC0]  }
0x539: {  	v9 =	vld.idx.msk [tilespmem:v0+s13+$0x0], $0xffff  }
0x53a: {  	v10 =	vld.idx.msk [tilespmem:v1+s13+$0x0], $0xffff  }
0x53b: {  	v5 =	vld.idx.msk [tilespmem:v2+s13+$0x0], $0xffff  }
0x53c: {  	v3 =	vld.idx.msk [tilespmem:v3+s13+$0x0], $0xffff  }
0x53d: {  	v0 =	vld.idx.msk [tilespmem:v4+s13+$0x0], $0xffff  }
0x53e: {  	s4 =	simm.s32 $0x1C740;
	v1 =	vld.idx.msk [tilespmem:v6+s13+$0x0], $0xffff  }
0x53f: {  	v2 =	vld.idx.msk [tilespmem:v7+s13+$0x0], $0xffff;
	[tilespmem:s4+$0x30] =	vst v9  }
0x540: {  	s6 =	simm.s32 $0x0;
	s7 =	simm.s32 $0xC0;
	v4 =	vld.idx.msk [tilespmem:v8+s13+$0x0], $0xffff;
	[tilespmem:s4+$0xFFFFFFD0] =	vst v10  }
.LBB2_50:
0x541: {  	v6 =	vld [tilespmem:s7+$0x30];
	s6 =	sadd.s32 $0x80, s6;
	[tilespmem:s4+$0xFFFFFFE0] =	vst v5  }
0x542: {  	v5 =	vld [tilespmem:s7+$0xFFFFFFD0];
	p5 =	slt.u32 s6, $0xF80;
	[tilespmem:s4+$0xFFFFFFF0] =	vst v3  }
0x543: {  	v3 =	vld [tilespmem:s7+$0xFFFFFFE0];
	[tilespmem:s4+$0x0] =	vst v0  }
0x544: {  	v0 =	vld [tilespmem:s7+$0xFFFFFFF0];
	[tilespmem:s4+$0x10] =	vst v1  }
0x545: {  	v1 =	vld [tilespmem:s7+$0x0];
	[tilespmem:s4+$0x20] =	vst v2  }
0x546: {  	v2 =	vld [tilespmem:s7+$0x10];
	[tilespmem:s4+$0xFFFFFFC0] =	vst v4  }
0x547: {  	v4 =	vld [tilespmem:s7+$0x20]  }
0x548: {  	v7 =	vld [tilespmem:s7+$0xFFFFFFC0]  }
0x549: {  	v6 =	vld.idx.msk [tilespmem:v6+s13+$0x0], $0xffff  }
0x54a: {  	v8 =	vld.idx.msk [tilespmem:v5+s13+$0x0], $0xffff  }
0x54b: {  	v5 =	vld.idx.msk [tilespmem:v3+s13+$0x0], $0xffff  }
.Ltmp24:
0x54c: {  	v3 =	vld.idx.msk [tilespmem:v0+s13+$0x0], $0xffff;
	(pc) =	sbr.rel @p5 .LBB2_50-.Ltmp24, $4  }
0x54d: {  	v0 =	vld.idx.msk [tilespmem:v1+s13+$0x0], $0xffff  }
0x54e: {  	s4 =	sadd.s32 $0x80, s4;
	v1 =	vld.idx.msk [tilespmem:v2+s13+$0x0], $0xffff  }
0x54f: {  	v2 =	vld.idx.msk [tilespmem:v4+s13+$0x0], $0xffff;
	[tilespmem:s4+$0x30] =	vst v6  }
0x550: {  	s7 =	sadd.s32 $0x80, s7;
	v4 =	vld.idx.msk [tilespmem:v7+s13+$0x0], $0xffff;
	[tilespmem:s4+$0xFFFFFFD0] =	vst v8  }
0x551: {  	[tilespmem:s4+$0xFFFFFFE0] =	vst v5  }
0x552: {  	[tilespmem:s4+$0xFFFFFFF0] =	vst v3  }
0x553: {  	[tilespmem:s4+$0x0] =	vst v0  }
0x554: {  	[tilespmem:s4+$0x10] =	vst v1  }
0x555: {  	[tilespmem:s4+$0x20] =	vst v2  }
0x556: {  	[tilespmem:s4+$0xFFFFFFC0] =	vst v4  }
0x557: {  	s3 =	sld [smem:$0x7D7];
	_ =	sdelay $0x2  }
0x558: {  	[hbm4b:s3+s11] =	stream.strided.scatter [tilespmem:s29], [sflag:$0x2], $0x1000, s12, s11, $0x38;
	[tilespmem:$0x1E700] =	vst v63  }
0x559: {  	_ =	swait.ge [sflag:s0], $0x1000  }
0x55a: {  	[sflag:s0] =	ssyncset.done $0x0  }
0x55b: {  	s7 =	simm.s32 $0x1070;
	[sflag:s0] =	ssyncadd.s32 $0xFFFFF000  }
0x55c: {  	v0 =	vld [tilespmem:s7+$0x0]  }
0x55d: {  	v1 =	vld [tilespmem:s7+$0xFFFFFFA0]  }
0x55e: {  	v2 =	vld [tilespmem:s7+$0xFFFFFFB0]  }
0x55f: {  	v3 =	vld [tilespmem:s7+$0xFFFFFFC0]  }
0x560: {  	v4 =	vld [tilespmem:s7+$0xFFFFFFD0]  }
0x561: {  	v6 =	vld [tilespmem:s7+$0xFFFFFFE0]  }
0x562: {  	v7 =	vld [tilespmem:s7+$0xFFFFFFF0]  }
0x563: {  	v8 =	vld [tilespmem:s7+$0xFFFFFF90]  }
0x564: {  	v9 =	vld.idx.msk [tilespmem:v0+s13+$0x0], $0xffff  }
0x565: {  	v10 =	vld.idx.msk [tilespmem:v1+s13+$0x0], $0xffff  }
0x566: {  	v5 =	vld.idx.msk [tilespmem:v2+s13+$0x0], $0xffff  }
0x567: {  	v3 =	vld.idx.msk [tilespmem:v3+s13+$0x0], $0xffff  }
0x568: {  	v0 =	vld.idx.msk [tilespmem:v4+s13+$0x0], $0xffff  }
0x569: {  	s4 =	simm.s32 $0x1D740;
	v1 =	vld.idx.msk [tilespmem:v6+s13+$0x0], $0xffff  }
0x56a: {  	v2 =	vld.idx.msk [tilespmem:v7+s13+$0x0], $0xffff;
	[tilespmem:s4+$0x30] =	vst v9  }
0x56b: {  	s6 =	simm.s32 $0x0;
	s7 =	simm.s32 $0x10F0;
	v4 =	vld.idx.msk [tilespmem:v8+s13+$0x0], $0xffff;
	[tilespmem:s4+$0xFFFFFFD0] =	vst v10  }
.LBB2_52:
0x56c: {  	v6 =	vld [tilespmem:s7+$0x0];
	s6 =	sadd.s32 $0x80, s6;
	[tilespmem:s4+$0xFFFFFFE0] =	vst v5  }
0x56d: {  	v5 =	vld [tilespmem:s7+$0xFFFFFFA0];
	p5 =	slt.u32 s6, $0xF80;
	[tilespmem:s4+$0xFFFFFFF0] =	vst v3  }
0x56e: {  	v3 =	vld [tilespmem:s7+$0xFFFFFFB0];
	[tilespmem:s4+$0x0] =	vst v0  }
0x56f: {  	v0 =	vld [tilespmem:s7+$0xFFFFFFC0];
	[tilespmem:s4+$0x10] =	vst v1  }
0x570: {  	v1 =	vld [tilespmem:s7+$0xFFFFFFD0];
	[tilespmem:s4+$0x20] =	vst v2  }
0x571: {  	v2 =	vld [tilespmem:s7+$0xFFFFFFE0];
	[tilespmem:s4+$0xFFFFFFC0] =	vst v4  }
0x572: {  	v4 =	vld [tilespmem:s7+$0xFFFFFFF0]  }
0x573: {  	v7 =	vld [tilespmem:s7+$0xFFFFFF90]  }
0x574: {  	v6 =	vld.idx.msk [tilespmem:v6+s13+$0x0], $0xffff  }
0x575: {  	v8 =	vld.idx.msk [tilespmem:v5+s13+$0x0], $0xffff  }
0x576: {  	v5 =	vld.idx.msk [tilespmem:v3+s13+$0x0], $0xffff  }
.Ltmp25:
0x577: {  	v3 =	vld.idx.msk [tilespmem:v0+s13+$0x0], $0xffff;
	(pc) =	sbr.rel @p5 .LBB2_52-.Ltmp25, $4  }
0x578: {  	v0 =	vld.idx.msk [tilespmem:v1+s13+$0x0], $0xffff  }
0x579: {  	s4 =	sadd.s32 $0x80, s4;
	v1 =	vld.idx.msk [tilespmem:v2+s13+$0x0], $0xffff  }
0x57a: {  	v2 =	vld.idx.msk [tilespmem:v4+s13+$0x0], $0xffff;
	[tilespmem:s4+$0x30] =	vst v6  }
0x57b: {  	s7 =	sadd.s32 $0x80, s7;
	v4 =	vld.idx.msk [tilespmem:v7+s13+$0x0], $0xffff;
	[tilespmem:s4+$0xFFFFFFD0] =	vst v8  }
0x57c: {  	[tilespmem:s4+$0xFFFFFFE0] =	vst v5  }
0x57d: {  	[tilespmem:s4+$0xFFFFFFF0] =	vst v3  }
0x57e: {  	[tilespmem:s4+$0x0] =	vst v0  }
0x57f: {  	[tilespmem:s4+$0x10] =	vst v1  }
0x580: {  	[tilespmem:s4+$0x20] =	vst v2  }
0x581: {  	[tilespmem:s4+$0xFFFFFFC0] =	vst v4  }
0x582: {  	s3 =	sld [smem:$0x7D8];
	_ =	sdelay $0x2  }
0x583: {  	[hbm4b:s3+s11] =	stream.strided.scatter [tilespmem:s30], [sflag:$0x3], $0x1000, s12, s11, $0x38;
	[tilespmem:$0x1E700] =	vst v63  }
0x584: {  	_ =	swait.ge [sflag:s31], $0x1000  }
0x585: {  	[sflag:s31] =	ssyncset.done $0x0  }
0x586: {  	s7 =	simm.s32 $0x2070;
	[sflag:s31] =	ssyncadd.s32 $0xFFFFF000  }
0x587: {  	v0 =	vld [tilespmem:s7+$0x0]  }
0x588: {  	v1 =	vld [tilespmem:s7+$0xFFFFFFA0]  }
0x589: {  	v2 =	vld [tilespmem:s7+$0xFFFFFFB0]  }
0x58a: {  	v3 =	vld [tilespmem:s7+$0xFFFFFFC0]  }
0x58b: {  	v4 =	vld [tilespmem:s7+$0xFFFFFFD0]  }
0x58c: {  	v6 =	vld [tilespmem:s7+$0xFFFFFFE0]  }
0x58d: {  	v7 =	vld [tilespmem:s7+$0xFFFFFFF0]  }
0x58e: {  	v8 =	vld [tilespmem:s7+$0xFFFFFF90]  }
0x58f: {  	v9 =	vld.idx.msk [tilespmem:v0+s13+$0x0], $0xffff  }
0x590: {  	v10 =	vld.idx.msk [tilespmem:v1+s13+$0x0], $0xffff  }
0x591: {  	v5 =	vld.idx.msk [tilespmem:v2+s13+$0x0], $0xffff  }
0x592: {  	v3 =	vld.idx.msk [tilespmem:v3+s13+$0x0], $0xffff  }
0x593: {  	v0 =	vld.idx.msk [tilespmem:v4+s13+$0x0], $0xffff  }
0x594: {  	s4 =	simm.s32 $0x1C740;
	v1 =	vld.idx.msk [tilespmem:v6+s13+$0x0], $0xffff  }
0x595: {  	v2 =	vld.idx.msk [tilespmem:v7+s13+$0x0], $0xffff;
	[tilespmem:s4+$0x30] =	vst v9  }
0x596: {  	s6 =	simm.s32 $0x0;
	s7 =	simm.s32 $0x20F0;
	v4 =	vld.idx.msk [tilespmem:v8+s13+$0x0], $0xffff;
	[tilespmem:s4+$0xFFFFFFD0] =	vst v10  }
.LBB2_54:
0x597: {  	v6 =	vld [tilespmem:s7+$0x0];
	s6 =	sadd.s32 $0x80, s6;
	[tilespmem:s4+$0xFFFFFFE0] =	vst v5  }
0x598: {  	v5 =	vld [tilespmem:s7+$0xFFFFFFA0];
	p5 =	slt.u32 s6, $0xF80;
	[tilespmem:s4+$0xFFFFFFF0] =	vst v3  }
0x599: {  	v3 =	vld [tilespmem:s7+$0xFFFFFFB0];
	[tilespmem:s4+$0x0] =	vst v0  }
0x59a: {  	v0 =	vld [tilespmem:s7+$0xFFFFFFC0];
	[tilespmem:s4+$0x10] =	vst v1  }
0x59b: {  	v1 =	vld [tilespmem:s7+$0xFFFFFFD0];
	[tilespmem:s4+$0x20] =	vst v2  }
0x59c: {  	v2 =	vld [tilespmem:s7+$0xFFFFFFE0];
	[tilespmem:s4+$0xFFFFFFC0] =	vst v4  }
0x59d: {  	v4 =	vld [tilespmem:s7+$0xFFFFFFF0]  }
0x59e: {  	v7 =	vld [tilespmem:s7+$0xFFFFFF90]  }
0x59f: {  	v6 =	vld.idx.msk [tilespmem:v6+s13+$0x0], $0xffff  }
0x5a0: {  	v8 =	vld.idx.msk [tilespmem:v5+s13+$0x0], $0xffff  }
0x5a1: {  	v5 =	vld.idx.msk [tilespmem:v3+s13+$0x0], $0xffff  }
.Ltmp26:
0x5a2: {  	v3 =	vld.idx.msk [tilespmem:v0+s13+$0x0], $0xffff;
	(pc) =	sbr.rel @p5 .LBB2_54-.Ltmp26, $4  }
0x5a3: {  	v0 =	vld.idx.msk [tilespmem:v1+s13+$0x0], $0xffff  }
0x5a4: {  	s4 =	sadd.s32 $0x80, s4;
	v1 =	vld.idx.msk [tilespmem:v2+s13+$0x0], $0xffff  }
0x5a5: {  	v2 =	vld.idx.msk [tilespmem:v4+s13+$0x0], $0xffff;
	[tilespmem:s4+$0x30] =	vst v6  }
0x5a6: {  	s7 =	sadd.s32 $0x80, s7;
	v4 =	vld.idx.msk [tilespmem:v7+s13+$0x0], $0xffff;
	[tilespmem:s4+$0xFFFFFFD0] =	vst v8  }
0x5a7: {  	[tilespmem:s4+$0xFFFFFFE0] =	vst v5  }
0x5a8: {  	[tilespmem:s4+$0xFFFFFFF0] =	vst v3  }
0x5a9: {  	[tilespmem:s4+$0x0] =	vst v0  }
0x5aa: {  	[tilespmem:s4+$0x10] =	vst v1  }
0x5ab: {  	[tilespmem:s4+$0x20] =	vst v2  }
0x5ac: {  	[tilespmem:s4+$0xFFFFFFC0] =	vst v4  }
0x5ad: {  	s3 =	sld [smem:$0x7D9];
	_ =	sdelay $0x2  }
0x5ae: {  	[hbm4b:s3+s11] =	stream.strided.scatter [tilespmem:s29], [sflag:$0x2], $0x1000, s12, s11, $0x38;
	[tilespmem:$0x1E700] =	vst v63  }
0x5af: {  	_ =	swait.ge [sflag:s0], $0x1000  }
0x5b0: {  	[sflag:s0] =	ssyncset.done $0x0  }
0x5b1: {  	s7 =	simm.s32 $0x3070;
	[sflag:s0] =	ssyncadd.s32 $0xFFFFF000  }
0x5b2: {  	v0 =	vld [tilespmem:s7+$0x0]  }
0x5b3: {  	v1 =	vld [tilespmem:s7+$0xFFFFFFA0]  }
0x5b4: {  	v2 =	vld [tilespmem:s7+$0xFFFFFFB0]  }
0x5b5: {  	v3 =	vld [tilespmem:s7+$0xFFFFFFC0]  }
0x5b6: {  	v4 =	vld [tilespmem:s7+$0xFFFFFFD0]  }
0x5b7: {  	v6 =	vld [tilespmem:s7+$0xFFFFFFE0]  }
0x5b8: {  	v7 =	vld [tilespmem:s7+$0xFFFFFFF0]  }
0x5b9: {  	v8 =	vld [tilespmem:s7+$0xFFFFFF90]  }
0x5ba: {  	v9 =	vld.idx.msk [tilespmem:v0+s13+$0x0], $0xffff  }
0x5bb: {  	v10 =	vld.idx.msk [tilespmem:v1+s13+$0x0], $0xffff  }
0x5bc: {  	v5 =	vld.idx.msk [tilespmem:v2+s13+$0x0], $0xffff  }
0x5bd: {  	v3 =	vld.idx.msk [tilespmem:v3+s13+$0x0], $0xffff  }
0x5be: {  	v0 =	vld.idx.msk [tilespmem:v4+s13+$0x0], $0xffff  }
0x5bf: {  	s4 =	simm.s32 $0x1D740;
	v1 =	vld.idx.msk [tilespmem:v6+s13+$0x0], $0xffff  }
0x5c0: {  	v2 =	vld.idx.msk [tilespmem:v7+s13+$0x0], $0xffff;
	[tilespmem:s4+$0x30] =	vst v9  }
0x5c1: {  	s6 =	simm.s32 $0x0;
	s7 =	simm.s32 $0x30F0;
	v4 =	vld.idx.msk [tilespmem:v8+s13+$0x0], $0xffff;
	[tilespmem:s4+$0xFFFFFFD0] =	vst v10  }
.LBB2_56:
0x5c2: {  	v6 =	vld [tilespmem:s7+$0x0];
	s6 =	sadd.s32 $0x80, s6;
	[tilespmem:s4+$0xFFFFFFE0] =	vst v5  }
0x5c3: {  	v5 =	vld [tilespmem:s7+$0xFFFFFFA0];
	p5 =	slt.u32 s6, $0xF80;
	[tilespmem:s4+$0xFFFFFFF0] =	vst v3  }
0x5c4: {  	v3 =	vld [tilespmem:s7+$0xFFFFFFB0];
	[tilespmem:s4+$0x0] =	vst v0  }
0x5c5: {  	v0 =	vld [tilespmem:s7+$0xFFFFFFC0];
	[tilespmem:s4+$0x10] =	vst v1  }
0x5c6: {  	v1 =	vld [tilespmem:s7+$0xFFFFFFD0];
	[tilespmem:s4+$0x20] =	vst v2  }
0x5c7: {  	v2 =	vld [tilespmem:s7+$0xFFFFFFE0];
	[tilespmem:s4+$0xFFFFFFC0] =	vst v4  }
0x5c8: {  	v4 =	vld [tilespmem:s7+$0xFFFFFFF0]  }
0x5c9: {  	v7 =	vld [tilespmem:s7+$0xFFFFFF90]  }
0x5ca: {  	v6 =	vld.idx.msk [tilespmem:v6+s13+$0x0], $0xffff  }
0x5cb: {  	v8 =	vld.idx.msk [tilespmem:v5+s13+$0x0], $0xffff  }
0x5cc: {  	v5 =	vld.idx.msk [tilespmem:v3+s13+$0x0], $0xffff  }
.Ltmp27:
0x5cd: {  	v3 =	vld.idx.msk [tilespmem:v0+s13+$0x0], $0xffff;
	(pc) =	sbr.rel @p5 .LBB2_56-.Ltmp27, $4  }
0x5ce: {  	v0 =	vld.idx.msk [tilespmem:v1+s13+$0x0], $0xffff  }
0x5cf: {  	s4 =	sadd.s32 $0x80, s4;
	v1 =	vld.idx.msk [tilespmem:v2+s13+$0x0], $0xffff  }
0x5d0: {  	v2 =	vld.idx.msk [tilespmem:v4+s13+$0x0], $0xffff;
	[tilespmem:s4+$0x30] =	vst v6  }
0x5d1: {  	s7 =	sadd.s32 $0x80, s7;
	v4 =	vld.idx.msk [tilespmem:v7+s13+$0x0], $0xffff;
	[tilespmem:s4+$0xFFFFFFD0] =	vst v8  }
0x5d2: {  	[tilespmem:s4+$0xFFFFFFE0] =	vst v5  }
0x5d3: {  	[tilespmem:s4+$0xFFFFFFF0] =	vst v3  }
0x5d4: {  	[tilespmem:s4+$0x0] =	vst v0  }
0x5d5: {  	[tilespmem:s4+$0x10] =	vst v1  }
0x5d6: {  	[tilespmem:s4+$0x20] =	vst v2  }
0x5d7: {  	[tilespmem:s4+$0xFFFFFFC0] =	vst v4  }
0x5d8: {  	s3 =	sld [smem:$0x7DA];
	_ =	sdelay $0x2  }
0x5d9: {  	[hbm4b:s3+s11] =	stream.strided.scatter [tilespmem:s30], [sflag:$0x3], $0x1000, s12, s11, $0x38;
	[tilespmem:$0x1E700] =	vst v63  }
0x5da: {  	s6 =	simm.s32 @p6 $0x400;
	s7 =	simm.s32 @p6 $0x4000;
	s4 =	simm.s32 @p6 $0x80  }
0x5db: {  	[tilespmem:s7], [sflag:$0x4] =	stream.strided.gather @p6 [hbm4b:s21+s4], $0x18700, s6, s4, $0x38;
	[tilespmem:$0x1E700] =	vst v63  }
0x5dc: {  	s4 =	simm.s32 @p6 $0x4  }
0x5dd: {  	_ =	swait.ge @p6 [sflag:s4], $0x18700  }
0x5de: {  	s6 =	simm.s32 @!p6 $0x400;
	s7 =	simm.s32 @!p6 $0x0;
	[sflag:s4] =	ssyncset.done @p6 $0x0  }
0x5df: {  	s3 =	rddreg [dreg:$0xa];
	[sflag:s4] =	ssyncadd.s32 @p6 $0xFFFE7900;
	s4 =	simm.s32 @!p6 $0x80  }
0x5e0: {  	[tilespmem:s7], [sflag:$0x1] =	stream.strided.gather @!p6 [hbm4b:s3+s4], $0x4000, s6, s4, $0x38;
	[tilespmem:$0x1E700] =	vst v63  }
0x5e1: {  	s7 =	simm.s32 @!p6 $0x4000  }
0x5e2: {  	[tilespmem:s7], [sflag:$0x4] =	stream.strided.gather @!p6 [hbm4b:s21+s4], $0x18700, s6, s4, $0x38;
	[tilespmem:$0x1E700] =	vst v63  }
0x5e3: {  	s4 =	simm.s32 @!p6 $0x4  }
0x5e4: {  	_ =	swait.ge @!p6 [sflag:s4], $0x18700  }
0x5e5: {  	[sflag:s4] =	ssyncset.done @!p6 $0x0  }
0x5e6: {  	[sflag:s4] =	ssyncadd.s32 @!p6 $0xFFFE7900;
	s4 =	simm.s32 @!p6 $0x1  }
0x5e7: {  	_ =	swait.ge @!p6 [sflag:s4], $0x4000  }
0x5e8: {  	[sflag:s4] =	ssyncset.done @!p6 $0x0  }
0x5e9: {  	[sflag:s4] =	ssyncadd.s32 @!p6 $0xFFFFC000  }
0x5ea: {  	_ =	swait.ge [sflag:s31], $0x1000  }
0x5eb: {  	[sflag:s31] =	ssyncset.done $0x0  }
0x5ec: {  	s7 =	simm.s32 $0x40;
	[sflag:s31] =	ssyncadd.s32 $0xFFFFF000  }
0x5ed: {  	v0 =	vld [tilespmem:s7+$0x30]  }
0x5ee: {  	v1 =	vld [tilespmem:s7+$0xFFFFFFD0]  }
0x5ef: {  	v2 =	vld [tilespmem:s7+$0xFFFFFFE0]  }
0x5f0: {  	v3 =	vld [tilespmem:s7+$0xFFFFFFF0]  }
0x5f1: {  	v4 =	vld [tilespmem:s7+$0x0]  }
0x5f2: {  	v6 =	vld [tilespmem:s7+$0x10]  }
0x5f3: {  	v7 =	vld [tilespmem:s7+$0x20]  }
0x5f4: {  	v8 =	vld [tilespmem:s7+$0xFFFFFFC0]  }
0x5f5: {  	v9 =	vld.idx.msk [tilespmem:v0+s13+$0x0], $0xffff  }
0x5f6: {  	v10 =	vld.idx.msk [tilespmem:v1+s13+$0x0], $0xffff  }
0x5f7: {  	v5 =	vld.idx.msk [tilespmem:v2+s13+$0x0], $0xffff  }
0x5f8: {  	v3 =	vld.idx.msk [tilespmem:v3+s13+$0x0], $0xffff  }
0x5f9: {  	v0 =	vld.idx.msk [tilespmem:v4+s13+$0x0], $0xffff  }
0x5fa: {  	s4 =	simm.s32 $0x1C740;
	v1 =	vld.idx.msk [tilespmem:v6+s13+$0x0], $0xffff  }
0x5fb: {  	v2 =	vld.idx.msk [tilespmem:v7+s13+$0x0], $0xffff;
	[tilespmem:s4+$0x30] =	vst v9  }
0x5fc: {  	s6 =	simm.s32 $0x0;
	s7 =	simm.s32 $0xC0;
	v4 =	vld.idx.msk [tilespmem:v8+s13+$0x0], $0xffff;
	[tilespmem:s4+$0xFFFFFFD0] =	vst v10  }
.LBB2_58:
0x5fd: {  	v6 =	vld [tilespmem:s7+$0x30];
	s6 =	sadd.s32 $0x80, s6;
	[tilespmem:s4+$0xFFFFFFE0] =	vst v5  }
0x5fe: {  	v5 =	vld [tilespmem:s7+$0xFFFFFFD0];
	p5 =	slt.u32 s6, $0xF80;
	[tilespmem:s4+$0xFFFFFFF0] =	vst v3  }
0x5ff: {  	v3 =	vld [tilespmem:s7+$0xFFFFFFE0];
	[tilespmem:s4+$0x0] =	vst v0  }
0x600: {  	v0 =	vld [tilespmem:s7+$0xFFFFFFF0];
	[tilespmem:s4+$0x10] =	vst v1  }
0x601: {  	v1 =	vld [tilespmem:s7+$0x0];
	[tilespmem:s4+$0x20] =	vst v2  }
0x602: {  	v2 =	vld [tilespmem:s7+$0x10];
	[tilespmem:s4+$0xFFFFFFC0] =	vst v4  }
0x603: {  	v4 =	vld [tilespmem:s7+$0x20]  }
0x604: {  	v7 =	vld [tilespmem:s7+$0xFFFFFFC0]  }
0x605: {  	v6 =	vld.idx.msk [tilespmem:v6+s13+$0x0], $0xffff  }
0x606: {  	v8 =	vld.idx.msk [tilespmem:v5+s13+$0x0], $0xffff  }
0x607: {  	v5 =	vld.idx.msk [tilespmem:v3+s13+$0x0], $0xffff  }
.Ltmp28:
0x608: {  	v3 =	vld.idx.msk [tilespmem:v0+s13+$0x0], $0xffff;
	(pc) =	sbr.rel @p5 .LBB2_58-.Ltmp28, $4  }
0x609: {  	v0 =	vld.idx.msk [tilespmem:v1+s13+$0x0], $0xffff  }
0x60a: {  	s4 =	sadd.s32 $0x80, s4;
	v1 =	vld.idx.msk [tilespmem:v2+s13+$0x0], $0xffff  }
0x60b: {  	v2 =	vld.idx.msk [tilespmem:v4+s13+$0x0], $0xffff;
	[tilespmem:s4+$0x30] =	vst v6  }
0x60c: {  	s7 =	sadd.s32 $0x80, s7;
	v4 =	vld.idx.msk [tilespmem:v7+s13+$0x0], $0xffff;
	[tilespmem:s4+$0xFFFFFFD0] =	vst v8  }
0x60d: {  	[tilespmem:s4+$0xFFFFFFE0] =	vst v5  }
0x60e: {  	[tilespmem:s4+$0xFFFFFFF0] =	vst v3  }
0x60f: {  	[tilespmem:s4+$0x0] =	vst v0  }
0x610: {  	[tilespmem:s4+$0x10] =	vst v1  }
0x611: {  	[tilespmem:s4+$0x20] =	vst v2  }
0x612: {  	[tilespmem:s4+$0xFFFFFFC0] =	vst v4  }
0x613: {  	s3 =	sld [smem:$0x7DB];
	_ =	sdelay $0x2  }
0x614: {  	[hbm4b:s3+s11] =	stream.strided.scatter [tilespmem:s29], [sflag:$0x2], $0x1000, s12, s11, $0x38;
	[tilespmem:$0x1E700] =	vst v63  }
0x615: {  	_ =	swait.ge [sflag:s0], $0x1000  }
0x616: {  	[sflag:s0] =	ssyncset.done $0x0  }
0x617: {  	s7 =	simm.s32 $0x1070;
	[sflag:s0] =	ssyncadd.s32 $0xFFFFF000  }
0x618: {  	v0 =	vld [tilespmem:s7+$0x0]  }
0x619: {  	v1 =	vld [tilespmem:s7+$0xFFFFFFA0]  }
0x61a: {  	v2 =	vld [tilespmem:s7+$0xFFFFFFB0]  }
0x61b: {  	v3 =	vld [tilespmem:s7+$0xFFFFFFC0]  }
0x61c: {  	v4 =	vld [tilespmem:s7+$0xFFFFFFD0]  }
0x61d: {  	v6 =	vld [tilespmem:s7+$0xFFFFFFE0]  }
0x61e: {  	v7 =	vld [tilespmem:s7+$0xFFFFFFF0]  }
0x61f: {  	v8 =	vld [tilespmem:s7+$0xFFFFFF90]  }
0x620: {  	v9 =	vld.idx.msk [tilespmem:v0+s13+$0x0], $0xffff  }
0x621: {  	v10 =	vld.idx.msk [tilespmem:v1+s13+$0x0], $0xffff  }
0x622: {  	v5 =	vld.idx.msk [tilespmem:v2+s13+$0x0], $0xffff  }
0x623: {  	v3 =	vld.idx.msk [tilespmem:v3+s13+$0x0], $0xffff  }
0x624: {  	v0 =	vld.idx.msk [tilespmem:v4+s13+$0x0], $0xffff  }
0x625: {  	s4 =	simm.s32 $0x1D740;
	v1 =	vld.idx.msk [tilespmem:v6+s13+$0x0], $0xffff  }
0x626: {  	v2 =	vld.idx.msk [tilespmem:v7+s13+$0x0], $0xffff;
	[tilespmem:s4+$0x30] =	vst v9  }
0x627: {  	s6 =	simm.s32 $0x0;
	s7 =	simm.s32 $0x10F0;
	v4 =	vld.idx.msk [tilespmem:v8+s13+$0x0], $0xffff;
	[tilespmem:s4+$0xFFFFFFD0] =	vst v10  }
.LBB2_60:
0x628: {  	v6 =	vld [tilespmem:s7+$0x0];
	s6 =	sadd.s32 $0x80, s6;
	[tilespmem:s4+$0xFFFFFFE0] =	vst v5  }
0x629: {  	v5 =	vld [tilespmem:s7+$0xFFFFFFA0];
	p5 =	slt.u32 s6, $0xF80;
	[tilespmem:s4+$0xFFFFFFF0] =	vst v3  }
0x62a: {  	v3 =	vld [tilespmem:s7+$0xFFFFFFB0];
	[tilespmem:s4+$0x0] =	vst v0  }
0x62b: {  	v0 =	vld [tilespmem:s7+$0xFFFFFFC0];
	[tilespmem:s4+$0x10] =	vst v1  }
0x62c: {  	v1 =	vld [tilespmem:s7+$0xFFFFFFD0];
	[tilespmem:s4+$0x20] =	vst v2  }
0x62d: {  	v2 =	vld [tilespmem:s7+$0xFFFFFFE0];
	[tilespmem:s4+$0xFFFFFFC0] =	vst v4  }
0x62e: {  	v4 =	vld [tilespmem:s7+$0xFFFFFFF0]  }
0x62f: {  	v7 =	vld [tilespmem:s7+$0xFFFFFF90]  }
0x630: {  	v6 =	vld.idx.msk [tilespmem:v6+s13+$0x0], $0xffff  }
0x631: {  	v8 =	vld.idx.msk [tilespmem:v5+s13+$0x0], $0xffff  }
0x632: {  	v5 =	vld.idx.msk [tilespmem:v3+s13+$0x0], $0xffff  }
.Ltmp29:
0x633: {  	v3 =	vld.idx.msk [tilespmem:v0+s13+$0x0], $0xffff;
	(pc) =	sbr.rel @p5 .LBB2_60-.Ltmp29, $4  }
0x634: {  	v0 =	vld.idx.msk [tilespmem:v1+s13+$0x0], $0xffff  }
0x635: {  	s4 =	sadd.s32 $0x80, s4;
	v1 =	vld.idx.msk [tilespmem:v2+s13+$0x0], $0xffff  }
0x636: {  	v2 =	vld.idx.msk [tilespmem:v4+s13+$0x0], $0xffff;
	[tilespmem:s4+$0x30] =	vst v6  }
0x637: {  	s7 =	sadd.s32 $0x80, s7;
	v4 =	vld.idx.msk [tilespmem:v7+s13+$0x0], $0xffff;
	[tilespmem:s4+$0xFFFFFFD0] =	vst v8  }
0x638: {  	[tilespmem:s4+$0xFFFFFFE0] =	vst v5  }
0x639: {  	[tilespmem:s4+$0xFFFFFFF0] =	vst v3  }
0x63a: {  	[tilespmem:s4+$0x0] =	vst v0  }
0x63b: {  	[tilespmem:s4+$0x10] =	vst v1  }
0x63c: {  	[tilespmem:s4+$0x20] =	vst v2  }
0x63d: {  	[tilespmem:s4+$0xFFFFFFC0] =	vst v4  }
0x63e: {  	s3 =	sld [smem:$0x7DC];
	_ =	sdelay $0x2  }
0x63f: {  	[hbm4b:s3+s11] =	stream.strided.scatter [tilespmem:s30], [sflag:$0x3], $0x1000, s12, s11, $0x38;
	[tilespmem:$0x1E700] =	vst v63  }
0x640: {  	_ =	swait.ge [sflag:s31], $0x1000  }
0x641: {  	[sflag:s31] =	ssyncset.done $0x0  }
0x642: {  	s7 =	simm.s32 $0x2070;
	[sflag:s31] =	ssyncadd.s32 $0xFFFFF000  }
0x643: {  	v0 =	vld [tilespmem:s7+$0x0]  }
0x644: {  	v1 =	vld [tilespmem:s7+$0xFFFFFFA0]  }
0x645: {  	v2 =	vld [tilespmem:s7+$0xFFFFFFB0]  }
0x646: {  	v3 =	vld [tilespmem:s7+$0xFFFFFFC0]  }
0x647: {  	v4 =	vld [tilespmem:s7+$0xFFFFFFD0]  }
0x648: {  	v6 =	vld [tilespmem:s7+$0xFFFFFFE0]  }
0x649: {  	v7 =	vld [tilespmem:s7+$0xFFFFFFF0]  }
0x64a: {  	v8 =	vld [tilespmem:s7+$0xFFFFFF90]  }
0x64b: {  	v9 =	vld.idx.msk [tilespmem:v0+s13+$0x0], $0xffff  }
0x64c: {  	v10 =	vld.idx.msk [tilespmem:v1+s13+$0x0], $0xffff  }
0x64d: {  	v5 =	vld.idx.msk [tilespmem:v2+s13+$0x0], $0xffff  }
0x64e: {  	v3 =	vld.idx.msk [tilespmem:v3+s13+$0x0], $0xffff  }
0x64f: {  	v0 =	vld.idx.msk [tilespmem:v4+s13+$0x0], $0xffff  }
0x650: {  	s4 =	simm.s32 $0x1C740;
	v1 =	vld.idx.msk [tilespmem:v6+s13+$0x0], $0xffff  }
0x651: {  	v2 =	vld.idx.msk [tilespmem:v7+s13+$0x0], $0xffff;
	[tilespmem:s4+$0x30] =	vst v9  }
0x652: {  	s6 =	simm.s32 $0x0;
	s7 =	simm.s32 $0x20F0;
	v4 =	vld.idx.msk [tilespmem:v8+s13+$0x0], $0xffff;
	[tilespmem:s4+$0xFFFFFFD0] =	vst v10  }
.LBB2_62:
0x653: {  	v6 =	vld [tilespmem:s7+$0x0];
	s6 =	sadd.s32 $0x80, s6;
	[tilespmem:s4+$0xFFFFFFE0] =	vst v5  }
0x654: {  	v5 =	vld [tilespmem:s7+$0xFFFFFFA0];
	p5 =	slt.u32 s6, $0xF80;
	[tilespmem:s4+$0xFFFFFFF0] =	vst v3  }
0x655: {  	v3 =	vld [tilespmem:s7+$0xFFFFFFB0];
	[tilespmem:s4+$0x0] =	vst v0  }
0x656: {  	v0 =	vld [tilespmem:s7+$0xFFFFFFC0];
	[tilespmem:s4+$0x10] =	vst v1  }
0x657: {  	v1 =	vld [tilespmem:s7+$0xFFFFFFD0];
	[tilespmem:s4+$0x20] =	vst v2  }
0x658: {  	v2 =	vld [tilespmem:s7+$0xFFFFFFE0];
	[tilespmem:s4+$0xFFFFFFC0] =	vst v4  }
0x659: {  	v4 =	vld [tilespmem:s7+$0xFFFFFFF0]  }
0x65a: {  	v7 =	vld [tilespmem:s7+$0xFFFFFF90]  }
0x65b: {  	v6 =	vld.idx.msk [tilespmem:v6+s13+$0x0], $0xffff  }
0x65c: {  	v8 =	vld.idx.msk [tilespmem:v5+s13+$0x0], $0xffff  }
0x65d: {  	v5 =	vld.idx.msk [tilespmem:v3+s13+$0x0], $0xffff  }
.Ltmp30:
0x65e: {  	v3 =	vld.idx.msk [tilespmem:v0+s13+$0x0], $0xffff;
	(pc) =	sbr.rel @p5 .LBB2_62-.Ltmp30, $4  }
0x65f: {  	v0 =	vld.idx.msk [tilespmem:v1+s13+$0x0], $0xffff  }
0x660: {  	s4 =	sadd.s32 $0x80, s4;
	v1 =	vld.idx.msk [tilespmem:v2+s13+$0x0], $0xffff  }
0x661: {  	v2 =	vld.idx.msk [tilespmem:v4+s13+$0x0], $0xffff;
	[tilespmem:s4+$0x30] =	vst v6  }
0x662: {  	s7 =	sadd.s32 $0x80, s7;
	v4 =	vld.idx.msk [tilespmem:v7+s13+$0x0], $0xffff;
	[tilespmem:s4+$0xFFFFFFD0] =	vst v8  }
0x663: {  	[tilespmem:s4+$0xFFFFFFE0] =	vst v5  }
0x664: {  	[tilespmem:s4+$0xFFFFFFF0] =	vst v3  }
0x665: {  	[tilespmem:s4+$0x0] =	vst v0  }
0x666: {  	[tilespmem:s4+$0x10] =	vst v1  }
0x667: {  	[tilespmem:s4+$0x20] =	vst v2  }
0x668: {  	[tilespmem:s4+$0xFFFFFFC0] =	vst v4  }
0x669: {  	s3 =	sld [smem:$0x7DD];
	_ =	sdelay $0x2  }
0x66a: {  	[hbm4b:s3+s11] =	stream.strided.scatter [tilespmem:s29], [sflag:$0x2], $0x1000, s12, s11, $0x38;
	[tilespmem:$0x1E700] =	vst v63  }
0x66b: {  	_ =	swait.ge [sflag:s0], $0x1000  }
0x66c: {  	[sflag:s0] =	ssyncset.done $0x0  }
0x66d: {  	s7 =	simm.s32 $0x3070;
	[sflag:s0] =	ssyncadd.s32 $0xFFFFF000  }
0x66e: {  	v0 =	vld [tilespmem:s7+$0x0]  }
0x66f: {  	v1 =	vld [tilespmem:s7+$0xFFFFFFA0]  }
0x670: {  	v2 =	vld [tilespmem:s7+$0xFFFFFFB0]  }
0x671: {  	v3 =	vld [tilespmem:s7+$0xFFFFFFC0]  }
0x672: {  	v4 =	vld [tilespmem:s7+$0xFFFFFFD0]  }
0x673: {  	v6 =	vld [tilespmem:s7+$0xFFFFFFE0]  }
0x674: {  	v7 =	vld [tilespmem:s7+$0xFFFFFFF0]  }
0x675: {  	v8 =	vld [tilespmem:s7+$0xFFFFFF90]  }
0x676: {  	v9 =	vld.idx.msk [tilespmem:v0+s13+$0x0], $0xffff  }
0x677: {  	v10 =	vld.idx.msk [tilespmem:v1+s13+$0x0], $0xffff  }
0x678: {  	v5 =	vld.idx.msk [tilespmem:v2+s13+$0x0], $0xffff  }
0x679: {  	v3 =	vld.idx.msk [tilespmem:v3+s13+$0x0], $0xffff  }
0x67a: {  	v0 =	vld.idx.msk [tilespmem:v4+s13+$0x0], $0xffff  }
0x67b: {  	s4 =	simm.s32 $0x1D740;
	v1 =	vld.idx.msk [tilespmem:v6+s13+$0x0], $0xffff  }
0x67c: {  	v2 =	vld.idx.msk [tilespmem:v7+s13+$0x0], $0xffff;
	[tilespmem:s4+$0x30] =	vst v9  }
0x67d: {  	s6 =	simm.s32 $0x0;
	s7 =	simm.s32 $0x30F0;
	v4 =	vld.idx.msk [tilespmem:v8+s13+$0x0], $0xffff;
	[tilespmem:s4+$0xFFFFFFD0] =	vst v10  }
.LBB2_64:
0x67e: {  	v6 =	vld [tilespmem:s7+$0x0];
	s6 =	sadd.s32 $0x80, s6;
	[tilespmem:s4+$0xFFFFFFE0] =	vst v5  }
0x67f: {  	v5 =	vld [tilespmem:s7+$0xFFFFFFA0];
	p5 =	slt.u32 s6, $0xF80;
	[tilespmem:s4+$0xFFFFFFF0] =	vst v3  }
0x680: {  	v3 =	vld [tilespmem:s7+$0xFFFFFFB0];
	[tilespmem:s4+$0x0] =	vst v0  }
0x681: {  	v0 =	vld [tilespmem:s7+$0xFFFFFFC0];
	[tilespmem:s4+$0x10] =	vst v1  }
0x682: {  	v1 =	vld [tilespmem:s7+$0xFFFFFFD0];
	[tilespmem:s4+$0x20] =	vst v2  }
0x683: {  	v2 =	vld [tilespmem:s7+$0xFFFFFFE0];
	[tilespmem:s4+$0xFFFFFFC0] =	vst v4  }
0x684: {  	v4 =	vld [tilespmem:s7+$0xFFFFFFF0]  }
0x685: {  	v7 =	vld [tilespmem:s7+$0xFFFFFF90]  }
0x686: {  	v6 =	vld.idx.msk [tilespmem:v6+s13+$0x0], $0xffff  }
0x687: {  	v8 =	vld.idx.msk [tilespmem:v5+s13+$0x0], $0xffff  }
0x688: {  	v5 =	vld.idx.msk [tilespmem:v3+s13+$0x0], $0xffff  }
.Ltmp31:
0x689: {  	v3 =	vld.idx.msk [tilespmem:v0+s13+$0x0], $0xffff;
	(pc) =	sbr.rel @p5 .LBB2_64-.Ltmp31, $4  }
0x68a: {  	v0 =	vld.idx.msk [tilespmem:v1+s13+$0x0], $0xffff  }
0x68b: {  	s4 =	sadd.s32 $0x80, s4;
	v1 =	vld.idx.msk [tilespmem:v2+s13+$0x0], $0xffff  }
0x68c: {  	v2 =	vld.idx.msk [tilespmem:v4+s13+$0x0], $0xffff;
	[tilespmem:s4+$0x30] =	vst v6  }
0x68d: {  	s7 =	sadd.s32 $0x80, s7;
	v4 =	vld.idx.msk [tilespmem:v7+s13+$0x0], $0xffff;
	[tilespmem:s4+$0xFFFFFFD0] =	vst v8  }
0x68e: {  	[tilespmem:s4+$0xFFFFFFE0] =	vst v5  }
0x68f: {  	[tilespmem:s4+$0xFFFFFFF0] =	vst v3  }
0x690: {  	[tilespmem:s4+$0x0] =	vst v0  }
0x691: {  	[tilespmem:s4+$0x10] =	vst v1  }
0x692: {  	[tilespmem:s4+$0x20] =	vst v2  }
0x693: {  	[tilespmem:s4+$0xFFFFFFC0] =	vst v4  }
0x694: {  	s3 =	sld [smem:$0x7DE];
	_ =	sdelay $0x2  }
0x695: {  	[hbm4b:s3+s11] =	stream.strided.scatter [tilespmem:s30], [sflag:$0x3], $0x1000, s12, s11, $0x38;
	[tilespmem:$0x1E700] =	vst v63  }
0x696: {  	s6 =	simm.s32 @p0 $0x400;
	s7 =	simm.s32 @p0 $0x4000;
	s4 =	simm.s32 @p0 $0x80  }
0x697: {  	[tilespmem:s7], [sflag:$0x4] =	stream.strided.gather @p0 [hbm4b:s22+s4], $0x18700, s6, s4, $0x38;
	[tilespmem:$0x1E700] =	vst v63  }
0x698: {  	s4 =	simm.s32 @p0 $0x4  }
0x699: {  	_ =	swait.ge @p0 [sflag:s4], $0x18700  }
0x69a: {  	s6 =	simm.s32 @!p0 $0x400;
	s7 =	simm.s32 @!p0 $0x0;
	[sflag:s4] =	ssyncset.done @p0 $0x0  }
0x69b: {  	s3 =	rddreg [dreg:$0xb];
	[sflag:s4] =	ssyncadd.s32 @p0 $0xFFFE7900;
	s4 =	simm.s32 @!p0 $0x80  }
0x69c: {  	[tilespmem:s7], [sflag:$0x1] =	stream.strided.gather @!p0 [hbm4b:s3+s4], $0x4000, s6, s4, $0x38;
	[tilespmem:$0x1E700] =	vst v63  }
0x69d: {  	s7 =	simm.s32 @!p0 $0x4000  }
0x69e: {  	[tilespmem:s7], [sflag:$0x4] =	stream.strided.gather @!p0 [hbm4b:s22+s4], $0x18700, s6, s4, $0x38;
	[tilespmem:$0x1E700] =	vst v63  }
0x69f: {  	s4 =	simm.s32 @!p0 $0x4  }
0x6a0: {  	_ =	swait.ge @!p0 [sflag:s4], $0x18700  }
0x6a1: {  	[sflag:s4] =	ssyncset.done @!p0 $0x0  }
0x6a2: {  	[sflag:s4] =	ssyncadd.s32 @!p0 $0xFFFE7900;
	s4 =	simm.s32 @!p0 $0x1  }
0x6a3: {  	_ =	swait.ge @!p0 [sflag:s4], $0x4000  }
0x6a4: {  	[sflag:s4] =	ssyncset.done @!p0 $0x0  }
0x6a5: {  	[sflag:s4] =	ssyncadd.s32 @!p0 $0xFFFFC000  }
0x6a6: {  	_ =	swait.ge [sflag:s31], $0x1000  }
0x6a7: {  	[sflag:s31] =	ssyncset.done $0x0  }
0x6a8: {  	s7 =	simm.s32 $0x40;
	[sflag:s31] =	ssyncadd.s32 $0xFFFFF000  }
0x6a9: {  	v0 =	vld [tilespmem:s7+$0x30]  }
0x6aa: {  	v1 =	vld [tilespmem:s7+$0xFFFFFFD0]  }
0x6ab: {  	v2 =	vld [tilespmem:s7+$0xFFFFFFE0]  }
0x6ac: {  	v3 =	vld [tilespmem:s7+$0xFFFFFFF0]  }
0x6ad: {  	v4 =	vld [tilespmem:s7+$0x0]  }
0x6ae: {  	v6 =	vld [tilespmem:s7+$0x10]  }
0x6af: {  	v7 =	vld [tilespmem:s7+$0x20]  }
0x6b0: {  	v8 =	vld [tilespmem:s7+$0xFFFFFFC0]  }
0x6b1: {  	v9 =	vld.idx.msk [tilespmem:v0+s13+$0x0], $0xffff  }
0x6b2: {  	v10 =	vld.idx.msk [tilespmem:v1+s13+$0x0], $0xffff  }
0x6b3: {  	v5 =	vld.idx.msk [tilespmem:v2+s13+$0x0], $0xffff  }
0x6b4: {  	v3 =	vld.idx.msk [tilespmem:v3+s13+$0x0], $0xffff  }
0x6b5: {  	v0 =	vld.idx.msk [tilespmem:v4+s13+$0x0], $0xffff  }
0x6b6: {  	s4 =	simm.s32 $0x1C740;
	v1 =	vld.idx.msk [tilespmem:v6+s13+$0x0], $0xffff  }
0x6b7: {  	v2 =	vld.idx.msk [tilespmem:v7+s13+$0x0], $0xffff;
	[tilespmem:s4+$0x30] =	vst v9  }
0x6b8: {  	s6 =	simm.s32 $0x0;
	s7 =	simm.s32 $0xC0;
	v4 =	vld.idx.msk [tilespmem:v8+s13+$0x0], $0xffff;
	[tilespmem:s4+$0xFFFFFFD0] =	vst v10  }
.LBB2_66:
0x6b9: {  	v6 =	vld [tilespmem:s7+$0x30];
	s6 =	sadd.s32 $0x80, s6;
	[tilespmem:s4+$0xFFFFFFE0] =	vst v5  }
0x6ba: {  	v5 =	vld [tilespmem:s7+$0xFFFFFFD0];
	p5 =	slt.u32 s6, $0xF80;
	[tilespmem:s4+$0xFFFFFFF0] =	vst v3  }
0x6bb: {  	v3 =	vld [tilespmem:s7+$0xFFFFFFE0];
	[tilespmem:s4+$0x0] =	vst v0  }
0x6bc: {  	v0 =	vld [tilespmem:s7+$0xFFFFFFF0];
	[tilespmem:s4+$0x10] =	vst v1  }
0x6bd: {  	v1 =	vld [tilespmem:s7+$0x0];
	[tilespmem:s4+$0x20] =	vst v2  }
0x6be: {  	v2 =	vld [tilespmem:s7+$0x10];
	[tilespmem:s4+$0xFFFFFFC0] =	vst v4  }
0x6bf: {  	v4 =	vld [tilespmem:s7+$0x20]  }
0x6c0: {  	v7 =	vld [tilespmem:s7+$0xFFFFFFC0]  }
0x6c1: {  	v6 =	vld.idx.msk [tilespmem:v6+s13+$0x0], $0xffff  }
0x6c2: {  	v8 =	vld.idx.msk [tilespmem:v5+s13+$0x0], $0xffff  }
0x6c3: {  	v5 =	vld.idx.msk [tilespmem:v3+s13+$0x0], $0xffff  }
.Ltmp32:
0x6c4: {  	v3 =	vld.idx.msk [tilespmem:v0+s13+$0x0], $0xffff;
	(pc) =	sbr.rel @p5 .LBB2_66-.Ltmp32, $4  }
0x6c5: {  	v0 =	vld.idx.msk [tilespmem:v1+s13+$0x0], $0xffff  }
0x6c6: {  	s4 =	sadd.s32 $0x80, s4;
	v1 =	vld.idx.msk [tilespmem:v2+s13+$0x0], $0xffff  }
0x6c7: {  	v2 =	vld.idx.msk [tilespmem:v4+s13+$0x0], $0xffff;
	[tilespmem:s4+$0x30] =	vst v6  }
0x6c8: {  	s7 =	sadd.s32 $0x80, s7;
	v4 =	vld.idx.msk [tilespmem:v7+s13+$0x0], $0xffff;
	[tilespmem:s4+$0xFFFFFFD0] =	vst v8  }
0x6c9: {  	[tilespmem:s4+$0xFFFFFFE0] =	vst v5  }
0x6ca: {  	[tilespmem:s4+$0xFFFFFFF0] =	vst v3  }
0x6cb: {  	[tilespmem:s4+$0x0] =	vst v0  }
0x6cc: {  	[tilespmem:s4+$0x10] =	vst v1  }
0x6cd: {  	[tilespmem:s4+$0x20] =	vst v2  }
0x6ce: {  	[tilespmem:s4+$0xFFFFFFC0] =	vst v4  }
0x6cf: {  	s3 =	sld [smem:$0x7DF];
	_ =	sdelay $0x2  }
0x6d0: {  	[hbm4b:s3+s11] =	stream.strided.scatter [tilespmem:s29], [sflag:$0x2], $0x1000, s12, s11, $0x38;
	[tilespmem:$0x1E700] =	vst v63  }
0x6d1: {  	_ =	swait.ge [sflag:s0], $0x1000  }
0x6d2: {  	[sflag:s0] =	ssyncset.done $0x0  }
0x6d3: {  	s7 =	simm.s32 $0x1070;
	[sflag:s0] =	ssyncadd.s32 $0xFFFFF000  }
0x6d4: {  	v0 =	vld [tilespmem:s7+$0x0]  }
0x6d5: {  	v1 =	vld [tilespmem:s7+$0xFFFFFFA0]  }
0x6d6: {  	v2 =	vld [tilespmem:s7+$0xFFFFFFB0]  }
0x6d7: {  	v3 =	vld [tilespmem:s7+$0xFFFFFFC0]  }
0x6d8: {  	v4 =	vld [tilespmem:s7+$0xFFFFFFD0]  }
0x6d9: {  	v6 =	vld [tilespmem:s7+$0xFFFFFFE0]  }
0x6da: {  	v7 =	vld [tilespmem:s7+$0xFFFFFFF0]  }
0x6db: {  	v8 =	vld [tilespmem:s7+$0xFFFFFF90]  }
0x6dc: {  	v9 =	vld.idx.msk [tilespmem:v0+s13+$0x0], $0xffff  }
0x6dd: {  	v10 =	vld.idx.msk [tilespmem:v1+s13+$0x0], $0xffff  }
0x6de: {  	v5 =	vld.idx.msk [tilespmem:v2+s13+$0x0], $0xffff  }
0x6df: {  	v3 =	vld.idx.msk [tilespmem:v3+s13+$0x0], $0xffff  }
0x6e0: {  	v0 =	vld.idx.msk [tilespmem:v4+s13+$0x0], $0xffff  }
0x6e1: {  	s4 =	simm.s32 $0x1D740;
	v1 =	vld.idx.msk [tilespmem:v6+s13+$0x0], $0xffff  }
0x6e2: {  	v2 =	vld.idx.msk [tilespmem:v7+s13+$0x0], $0xffff;
	[tilespmem:s4+$0x30] =	vst v9  }
0x6e3: {  	s6 =	simm.s32 $0x0;
	s7 =	simm.s32 $0x10F0;
	v4 =	vld.idx.msk [tilespmem:v8+s13+$0x0], $0xffff;
	[tilespmem:s4+$0xFFFFFFD0] =	vst v10  }
.LBB2_68:
0x6e4: {  	v6 =	vld [tilespmem:s7+$0x0];
	s6 =	sadd.s32 $0x80, s6;
	[tilespmem:s4+$0xFFFFFFE0] =	vst v5  }
0x6e5: {  	v5 =	vld [tilespmem:s7+$0xFFFFFFA0];
	p5 =	slt.u32 s6, $0xF80;
	[tilespmem:s4+$0xFFFFFFF0] =	vst v3  }
0x6e6: {  	v3 =	vld [tilespmem:s7+$0xFFFFFFB0];
	[tilespmem:s4+$0x0] =	vst v0  }
0x6e7: {  	v0 =	vld [tilespmem:s7+$0xFFFFFFC0];
	[tilespmem:s4+$0x10] =	vst v1  }
0x6e8: {  	v1 =	vld [tilespmem:s7+$0xFFFFFFD0];
	[tilespmem:s4+$0x20] =	vst v2  }
0x6e9: {  	v2 =	vld [tilespmem:s7+$0xFFFFFFE0];
	[tilespmem:s4+$0xFFFFFFC0] =	vst v4  }
0x6ea: {  	v4 =	vld [tilespmem:s7+$0xFFFFFFF0]  }
0x6eb: {  	v7 =	vld [tilespmem:s7+$0xFFFFFF90]  }
0x6ec: {  	v6 =	vld.idx.msk [tilespmem:v6+s13+$0x0], $0xffff  }
0x6ed: {  	v8 =	vld.idx.msk [tilespmem:v5+s13+$0x0], $0xffff  }
0x6ee: {  	v5 =	vld.idx.msk [tilespmem:v3+s13+$0x0], $0xffff  }
.Ltmp33:
0x6ef: {  	v3 =	vld.idx.msk [tilespmem:v0+s13+$0x0], $0xffff;
	(pc) =	sbr.rel @p5 .LBB2_68-.Ltmp33, $4  }
0x6f0: {  	v0 =	vld.idx.msk [tilespmem:v1+s13+$0x0], $0xffff  }
0x6f1: {  	s4 =	sadd.s32 $0x80, s4;
	v1 =	vld.idx.msk [tilespmem:v2+s13+$0x0], $0xffff  }
0x6f2: {  	v2 =	vld.idx.msk [tilespmem:v4+s13+$0x0], $0xffff;
	[tilespmem:s4+$0x30] =	vst v6  }
0x6f3: {  	s7 =	sadd.s32 $0x80, s7;
	v4 =	vld.idx.msk [tilespmem:v7+s13+$0x0], $0xffff;
	[tilespmem:s4+$0xFFFFFFD0] =	vst v8  }
0x6f4: {  	[tilespmem:s4+$0xFFFFFFE0] =	vst v5  }
0x6f5: {  	[tilespmem:s4+$0xFFFFFFF0] =	vst v3  }
0x6f6: {  	[tilespmem:s4+$0x0] =	vst v0  }
0x6f7: {  	[tilespmem:s4+$0x10] =	vst v1  }
0x6f8: {  	[tilespmem:s4+$0x20] =	vst v2  }
0x6f9: {  	[tilespmem:s4+$0xFFFFFFC0] =	vst v4  }
0x6fa: {  	s3 =	sld [smem:$0x7E0];
	_ =	sdelay $0x2  }
0x6fb: {  	[hbm4b:s3+s11] =	stream.strided.scatter [tilespmem:s30], [sflag:$0x3], $0x1000, s12, s11, $0x38;
	[tilespmem:$0x1E700] =	vst v63  }
0x6fc: {  	_ =	swait.ge [sflag:s31], $0x1000  }
0x6fd: {  	[sflag:s31] =	ssyncset.done $0x0  }
0x6fe: {  	s7 =	simm.s32 $0x2070;
	[sflag:s31] =	ssyncadd.s32 $0xFFFFF000  }
0x6ff: {  	v0 =	vld [tilespmem:s7+$0x0]  }
0x700: {  	v1 =	vld [tilespmem:s7+$0xFFFFFFA0]  }
0x701: {  	v2 =	vld [tilespmem:s7+$0xFFFFFFB0]  }
0x702: {  	v3 =	vld [tilespmem:s7+$0xFFFFFFC0]  }
0x703: {  	v4 =	vld [tilespmem:s7+$0xFFFFFFD0]  }
0x704: {  	v6 =	vld [tilespmem:s7+$0xFFFFFFE0]  }
0x705: {  	v7 =	vld [tilespmem:s7+$0xFFFFFFF0]  }
0x706: {  	v8 =	vld [tilespmem:s7+$0xFFFFFF90]  }
0x707: {  	v9 =	vld.idx.msk [tilespmem:v0+s13+$0x0], $0xffff  }
0x708: {  	v10 =	vld.idx.msk [tilespmem:v1+s13+$0x0], $0xffff  }
0x709: {  	v5 =	vld.idx.msk [tilespmem:v2+s13+$0x0], $0xffff  }
0x70a: {  	v3 =	vld.idx.msk [tilespmem:v3+s13+$0x0], $0xffff  }
0x70b: {  	v0 =	vld.idx.msk [tilespmem:v4+s13+$0x0], $0xffff  }
0x70c: {  	s4 =	simm.s32 $0x1C740;
	v1 =	vld.idx.msk [tilespmem:v6+s13+$0x0], $0xffff  }
0x70d: {  	v2 =	vld.idx.msk [tilespmem:v7+s13+$0x0], $0xffff;
	[tilespmem:s4+$0x30] =	vst v9  }
0x70e: {  	s6 =	simm.s32 $0x0;
	s7 =	simm.s32 $0x20F0;
	v4 =	vld.idx.msk [tilespmem:v8+s13+$0x0], $0xffff;
	[tilespmem:s4+$0xFFFFFFD0] =	vst v10  }
.LBB2_70:
0x70f: {  	v6 =	vld [tilespmem:s7+$0x0];
	s6 =	sadd.s32 $0x80, s6;
	[tilespmem:s4+$0xFFFFFFE0] =	vst v5  }
0x710: {  	v5 =	vld [tilespmem:s7+$0xFFFFFFA0];
	p5 =	slt.u32 s6, $0xF80;
	[tilespmem:s4+$0xFFFFFFF0] =	vst v3  }
0x711: {  	v3 =	vld [tilespmem:s7+$0xFFFFFFB0];
	[tilespmem:s4+$0x0] =	vst v0  }
0x712: {  	v0 =	vld [tilespmem:s7+$0xFFFFFFC0];
	[tilespmem:s4+$0x10] =	vst v1  }
0x713: {  	v1 =	vld [tilespmem:s7+$0xFFFFFFD0];
	[tilespmem:s4+$0x20] =	vst v2  }
0x714: {  	v2 =	vld [tilespmem:s7+$0xFFFFFFE0];
	[tilespmem:s4+$0xFFFFFFC0] =	vst v4  }
0x715: {  	v4 =	vld [tilespmem:s7+$0xFFFFFFF0]  }
0x716: {  	v7 =	vld [tilespmem:s7+$0xFFFFFF90]  }
0x717: {  	v6 =	vld.idx.msk [tilespmem:v6+s13+$0x0], $0xffff  }
0x718: {  	v8 =	vld.idx.msk [tilespmem:v5+s13+$0x0], $0xffff  }
0x719: {  	v5 =	vld.idx.msk [tilespmem:v3+s13+$0x0], $0xffff  }
.Ltmp34:
0x71a: {  	v3 =	vld.idx.msk [tilespmem:v0+s13+$0x0], $0xffff;
	(pc) =	sbr.rel @p5 .LBB2_70-.Ltmp34, $4  }
0x71b: {  	v0 =	vld.idx.msk [tilespmem:v1+s13+$0x0], $0xffff  }
0x71c: {  	s4 =	sadd.s32 $0x80, s4;
	v1 =	vld.idx.msk [tilespmem:v2+s13+$0x0], $0xffff  }
0x71d: {  	v2 =	vld.idx.msk [tilespmem:v4+s13+$0x0], $0xffff;
	[tilespmem:s4+$0x30] =	vst v6  }
0x71e: {  	s7 =	sadd.s32 $0x80, s7;
	v4 =	vld.idx.msk [tilespmem:v7+s13+$0x0], $0xffff;
	[tilespmem:s4+$0xFFFFFFD0] =	vst v8  }
0x71f: {  	[tilespmem:s4+$0xFFFFFFE0] =	vst v5  }
0x720: {  	[tilespmem:s4+$0xFFFFFFF0] =	vst v3  }
0x721: {  	[tilespmem:s4+$0x0] =	vst v0  }
0x722: {  	[tilespmem:s4+$0x10] =	vst v1  }
0x723: {  	[tilespmem:s4+$0x20] =	vst v2  }
0x724: {  	[tilespmem:s4+$0xFFFFFFC0] =	vst v4  }
0x725: {  	s3 =	sld [smem:$0x7E1];
	_ =	sdelay $0x2  }
0x726: {  	[hbm4b:s3+s11] =	stream.strided.scatter [tilespmem:s29], [sflag:$0x2], $0x1000, s12, s11, $0x38;
	[tilespmem:$0x1E700] =	vst v63  }
0x727: {  	_ =	swait.ge [sflag:s0], $0x1000  }
0x728: {  	[sflag:s0] =	ssyncset.done $0x0  }
0x729: {  	s7 =	simm.s32 $0x3070;
	[sflag:s0] =	ssyncadd.s32 $0xFFFFF000  }
0x72a: {  	v0 =	vld [tilespmem:s7+$0x0]  }
0x72b: {  	v1 =	vld [tilespmem:s7+$0xFFFFFFA0]  }
0x72c: {  	v2 =	vld [tilespmem:s7+$0xFFFFFFB0]  }
0x72d: {  	v3 =	vld [tilespmem:s7+$0xFFFFFFC0]  }
0x72e: {  	v4 =	vld [tilespmem:s7+$0xFFFFFFD0]  }
0x72f: {  	v6 =	vld [tilespmem:s7+$0xFFFFFFE0]  }
0x730: {  	v7 =	vld [tilespmem:s7+$0xFFFFFFF0]  }
0x731: {  	v8 =	vld [tilespmem:s7+$0xFFFFFF90]  }
0x732: {  	v9 =	vld.idx.msk [tilespmem:v0+s13+$0x0], $0xffff  }
0x733: {  	v10 =	vld.idx.msk [tilespmem:v1+s13+$0x0], $0xffff  }
0x734: {  	v5 =	vld.idx.msk [tilespmem:v2+s13+$0x0], $0xffff  }
0x735: {  	v3 =	vld.idx.msk [tilespmem:v3+s13+$0x0], $0xffff  }
0x736: {  	v0 =	vld.idx.msk [tilespmem:v4+s13+$0x0], $0xffff  }
0x737: {  	s4 =	simm.s32 $0x1D740;
	v1 =	vld.idx.msk [tilespmem:v6+s13+$0x0], $0xffff  }
0x738: {  	v2 =	vld.idx.msk [tilespmem:v7+s13+$0x0], $0xffff;
	[tilespmem:s4+$0x30] =	vst v9  }
0x739: {  	s6 =	simm.s32 $0x0;
	s7 =	simm.s32 $0x30F0;
	v4 =	vld.idx.msk [tilespmem:v8+s13+$0x0], $0xffff;
	[tilespmem:s4+$0xFFFFFFD0] =	vst v10  }
.LBB2_72:
0x73a: {  	v6 =	vld [tilespmem:s7+$0x0];
	s6 =	sadd.s32 $0x80, s6;
	[tilespmem:s4+$0xFFFFFFE0] =	vst v5  }
0x73b: {  	v5 =	vld [tilespmem:s7+$0xFFFFFFA0];
	p5 =	slt.u32 s6, $0xF80;
	[tilespmem:s4+$0xFFFFFFF0] =	vst v3  }
0x73c: {  	v3 =	vld [tilespmem:s7+$0xFFFFFFB0];
	[tilespmem:s4+$0x0] =	vst v0  }
0x73d: {  	v0 =	vld [tilespmem:s7+$0xFFFFFFC0];
	[tilespmem:s4+$0x10] =	vst v1  }
0x73e: {  	v1 =	vld [tilespmem:s7+$0xFFFFFFD0];
	[tilespmem:s4+$0x20] =	vst v2  }
0x73f: {  	v2 =	vld [tilespmem:s7+$0xFFFFFFE0];
	[tilespmem:s4+$0xFFFFFFC0] =	vst v4  }
0x740: {  	v4 =	vld [tilespmem:s7+$0xFFFFFFF0]  }
0x741: {  	v7 =	vld [tilespmem:s7+$0xFFFFFF90]  }
0x742: {  	v6 =	vld.idx.msk [tilespmem:v6+s13+$0x0], $0xffff  }
0x743: {  	v8 =	vld.idx.msk [tilespmem:v5+s13+$0x0], $0xffff  }
0x744: {  	v5 =	vld.idx.msk [tilespmem:v3+s13+$0x0], $0xffff  }
.Ltmp35:
0x745: {  	v3 =	vld.idx.msk [tilespmem:v0+s13+$0x0], $0xffff;
	(pc) =	sbr.rel @p5 .LBB2_72-.Ltmp35, $4  }
0x746: {  	v0 =	vld.idx.msk [tilespmem:v1+s13+$0x0], $0xffff  }
0x747: {  	s4 =	sadd.s32 $0x80, s4;
	v1 =	vld.idx.msk [tilespmem:v2+s13+$0x0], $0xffff  }
0x748: {  	v2 =	vld.idx.msk [tilespmem:v4+s13+$0x0], $0xffff;
	[tilespmem:s4+$0x30] =	vst v6  }
0x749: {  	s7 =	sadd.s32 $0x80, s7;
	v4 =	vld.idx.msk [tilespmem:v7+s13+$0x0], $0xffff;
	[tilespmem:s4+$0xFFFFFFD0] =	vst v8  }
0x74a: {  	[tilespmem:s4+$0xFFFFFFE0] =	vst v5  }
0x74b: {  	[tilespmem:s4+$0xFFFFFFF0] =	vst v3  }
0x74c: {  	[tilespmem:s4+$0x0] =	vst v0  }
0x74d: {  	[tilespmem:s4+$0x10] =	vst v1  }
0x74e: {  	[tilespmem:s4+$0x20] =	vst v2  }
0x74f: {  	[tilespmem:s4+$0xFFFFFFC0] =	vst v4  }
0x750: {  	s3 =	sld [smem:$0x7E2];
	_ =	sdelay $0x2  }
0x751: {  	[hbm4b:s3+s11] =	stream.strided.scatter [tilespmem:s30], [sflag:$0x3], $0x1000, s12, s11, $0x38;
	[tilespmem:$0x1E700] =	vst v63  }
0x752: {  	s6 =	simm.s32 @p1 $0x400;
	s7 =	simm.s32 @p1 $0x4000;
	s4 =	simm.s32 @p1 $0x80  }
0x753: {  	[tilespmem:s7], [sflag:$0x4] =	stream.strided.gather @p1 [hbm4b:s23+s4], $0x18700, s6, s4, $0x38;
	[tilespmem:$0x1E700] =	vst v63  }
0x754: {  	s4 =	simm.s32 @p1 $0x4  }
0x755: {  	_ =	swait.ge @p1 [sflag:s4], $0x18700  }
0x756: {  	s6 =	simm.s32 @!p1 $0x400;
	s7 =	simm.s32 @!p1 $0x0;
	[sflag:s4] =	ssyncset.done @p1 $0x0  }
0x757: {  	s3 =	rddreg [dreg:$0xc];
	[sflag:s4] =	ssyncadd.s32 @p1 $0xFFFE7900;
	s4 =	simm.s32 @!p1 $0x80  }
0x758: {  	[tilespmem:s7], [sflag:$0x1] =	stream.strided.gather @!p1 [hbm4b:s3+s4], $0x4000, s6, s4, $0x38;
	[tilespmem:$0x1E700] =	vst v63  }
0x759: {  	s7 =	simm.s32 @!p1 $0x4000  }
0x75a: {  	[tilespmem:s7], [sflag:$0x4] =	stream.strided.gather @!p1 [hbm4b:s23+s4], $0x18700, s6, s4, $0x38;
	[tilespmem:$0x1E700] =	vst v63  }
0x75b: {  	s4 =	simm.s32 @!p1 $0x4  }
0x75c: {  	_ =	swait.ge @!p1 [sflag:s4], $0x18700  }
0x75d: {  	[sflag:s4] =	ssyncset.done @!p1 $0x0  }
0x75e: {  	[sflag:s4] =	ssyncadd.s32 @!p1 $0xFFFE7900;
	s4 =	simm.s32 @!p1 $0x1  }
0x75f: {  	_ =	swait.ge @!p1 [sflag:s4], $0x4000  }
0x760: {  	[sflag:s4] =	ssyncset.done @!p1 $0x0  }
0x761: {  	[sflag:s4] =	ssyncadd.s32 @!p1 $0xFFFFC000  }
0x762: {  	_ =	swait.ge [sflag:s31], $0x1000  }
0x763: {  	[sflag:s31] =	ssyncset.done $0x0  }
0x764: {  	s7 =	simm.s32 $0x40;
	[sflag:s31] =	ssyncadd.s32 $0xFFFFF000  }
0x765: {  	v0 =	vld [tilespmem:s7+$0x30]  }
0x766: {  	v1 =	vld [tilespmem:s7+$0xFFFFFFD0]  }
0x767: {  	v2 =	vld [tilespmem:s7+$0xFFFFFFE0]  }
0x768: {  	v3 =	vld [tilespmem:s7+$0xFFFFFFF0]  }
0x769: {  	v4 =	vld [tilespmem:s7+$0x0]  }
0x76a: {  	v6 =	vld [tilespmem:s7+$0x10]  }
0x76b: {  	v7 =	vld [tilespmem:s7+$0x20]  }
0x76c: {  	v8 =	vld [tilespmem:s7+$0xFFFFFFC0]  }
0x76d: {  	v9 =	vld.idx.msk [tilespmem:v0+s13+$0x0], $0xffff  }
0x76e: {  	v10 =	vld.idx.msk [tilespmem:v1+s13+$0x0], $0xffff  }
0x76f: {  	v5 =	vld.idx.msk [tilespmem:v2+s13+$0x0], $0xffff  }
0x770: {  	v3 =	vld.idx.msk [tilespmem:v3+s13+$0x0], $0xffff  }
0x771: {  	v0 =	vld.idx.msk [tilespmem:v4+s13+$0x0], $0xffff  }
0x772: {  	s4 =	simm.s32 $0x1C740;
	v1 =	vld.idx.msk [tilespmem:v6+s13+$0x0], $0xffff  }
0x773: {  	v2 =	vld.idx.msk [tilespmem:v7+s13+$0x0], $0xffff;
	[tilespmem:s4+$0x30] =	vst v9  }
0x774: {  	s6 =	simm.s32 $0x0;
	s7 =	simm.s32 $0xC0;
	v4 =	vld.idx.msk [tilespmem:v8+s13+$0x0], $0xffff;
	[tilespmem:s4+$0xFFFFFFD0] =	vst v10  }
.LBB2_74:
0x775: {  	v6 =	vld [tilespmem:s7+$0x30];
	s6 =	sadd.s32 $0x80, s6;
	[tilespmem:s4+$0xFFFFFFE0] =	vst v5  }
0x776: {  	v5 =	vld [tilespmem:s7+$0xFFFFFFD0];
	p5 =	slt.u32 s6, $0xF80;
	[tilespmem:s4+$0xFFFFFFF0] =	vst v3  }
0x777: {  	v3 =	vld [tilespmem:s7+$0xFFFFFFE0];
	[tilespmem:s4+$0x0] =	vst v0  }
0x778: {  	v0 =	vld [tilespmem:s7+$0xFFFFFFF0];
	[tilespmem:s4+$0x10] =	vst v1  }
0x779: {  	v1 =	vld [tilespmem:s7+$0x0];
	[tilespmem:s4+$0x20] =	vst v2  }
0x77a: {  	v2 =	vld [tilespmem:s7+$0x10];
	[tilespmem:s4+$0xFFFFFFC0] =	vst v4  }
0x77b: {  	v4 =	vld [tilespmem:s7+$0x20]  }
0x77c: {  	v7 =	vld [tilespmem:s7+$0xFFFFFFC0]  }
0x77d: {  	v6 =	vld.idx.msk [tilespmem:v6+s13+$0x0], $0xffff  }
0x77e: {  	v8 =	vld.idx.msk [tilespmem:v5+s13+$0x0], $0xffff  }
0x77f: {  	v5 =	vld.idx.msk [tilespmem:v3+s13+$0x0], $0xffff  }
.Ltmp36:
0x780: {  	v3 =	vld.idx.msk [tilespmem:v0+s13+$0x0], $0xffff;
	(pc) =	sbr.rel @p5 .LBB2_74-.Ltmp36, $4  }
0x781: {  	v0 =	vld.idx.msk [tilespmem:v1+s13+$0x0], $0xffff  }
0x782: {  	s4 =	sadd.s32 $0x80, s4;
	v1 =	vld.idx.msk [tilespmem:v2+s13+$0x0], $0xffff  }
0x783: {  	v2 =	vld.idx.msk [tilespmem:v4+s13+$0x0], $0xffff;
	[tilespmem:s4+$0x30] =	vst v6  }
0x784: {  	s7 =	sadd.s32 $0x80, s7;
	v4 =	vld.idx.msk [tilespmem:v7+s13+$0x0], $0xffff;
	[tilespmem:s4+$0xFFFFFFD0] =	vst v8  }
0x785: {  	[tilespmem:s4+$0xFFFFFFE0] =	vst v5  }
0x786: {  	[tilespmem:s4+$0xFFFFFFF0] =	vst v3  }
0x787: {  	[tilespmem:s4+$0x0] =	vst v0  }
0x788: {  	[tilespmem:s4+$0x10] =	vst v1  }
0x789: {  	[tilespmem:s4+$0x20] =	vst v2  }
0x78a: {  	[tilespmem:s4+$0xFFFFFFC0] =	vst v4  }
0x78b: {  	s3 =	sld [smem:$0x7E3];
	_ =	sdelay $0x2  }
0x78c: {  	[hbm4b:s3+s11] =	stream.strided.scatter [tilespmem:s29], [sflag:$0x2], $0x1000, s12, s11, $0x38;
	[tilespmem:$0x1E700] =	vst v63  }
0x78d: {  	_ =	swait.ge [sflag:s0], $0x1000  }
0x78e: {  	[sflag:s0] =	ssyncset.done $0x0  }
0x78f: {  	s7 =	simm.s32 $0x1070;
	[sflag:s0] =	ssyncadd.s32 $0xFFFFF000  }
0x790: {  	v0 =	vld [tilespmem:s7+$0x0]  }
0x791: {  	v1 =	vld [tilespmem:s7+$0xFFFFFFA0]  }
0x792: {  	v2 =	vld [tilespmem:s7+$0xFFFFFFB0]  }
0x793: {  	v3 =	vld [tilespmem:s7+$0xFFFFFFC0]  }
0x794: {  	v4 =	vld [tilespmem:s7+$0xFFFFFFD0]  }
0x795: {  	v6 =	vld [tilespmem:s7+$0xFFFFFFE0]  }
0x796: {  	v7 =	vld [tilespmem:s7+$0xFFFFFFF0]  }
0x797: {  	v8 =	vld [tilespmem:s7+$0xFFFFFF90]  }
0x798: {  	v9 =	vld.idx.msk [tilespmem:v0+s13+$0x0], $0xffff  }
0x799: {  	v10 =	vld.idx.msk [tilespmem:v1+s13+$0x0], $0xffff  }
0x79a: {  	v5 =	vld.idx.msk [tilespmem:v2+s13+$0x0], $0xffff  }
0x79b: {  	v3 =	vld.idx.msk [tilespmem:v3+s13+$0x0], $0xffff  }
0x79c: {  	v0 =	vld.idx.msk [tilespmem:v4+s13+$0x0], $0xffff  }
0x79d: {  	s4 =	simm.s32 $0x1D740;
	v1 =	vld.idx.msk [tilespmem:v6+s13+$0x0], $0xffff  }
0x79e: {  	v2 =	vld.idx.msk [tilespmem:v7+s13+$0x0], $0xffff;
	[tilespmem:s4+$0x30] =	vst v9  }
0x79f: {  	s6 =	simm.s32 $0x0;
	s7 =	simm.s32 $0x10F0;
	v4 =	vld.idx.msk [tilespmem:v8+s13+$0x0], $0xffff;
	[tilespmem:s4+$0xFFFFFFD0] =	vst v10  }
.LBB2_76:
0x7a0: {  	v6 =	vld [tilespmem:s7+$0x0];
	s6 =	sadd.s32 $0x80, s6;
	[tilespmem:s4+$0xFFFFFFE0] =	vst v5  }
0x7a1: {  	v5 =	vld [tilespmem:s7+$0xFFFFFFA0];
	p5 =	slt.u32 s6, $0xF80;
	[tilespmem:s4+$0xFFFFFFF0] =	vst v3  }
0x7a2: {  	v3 =	vld [tilespmem:s7+$0xFFFFFFB0];
	[tilespmem:s4+$0x0] =	vst v0  }
0x7a3: {  	v0 =	vld [tilespmem:s7+$0xFFFFFFC0];
	[tilespmem:s4+$0x10] =	vst v1  }
0x7a4: {  	v1 =	vld [tilespmem:s7+$0xFFFFFFD0];
	[tilespmem:s4+$0x20] =	vst v2  }
0x7a5: {  	v2 =	vld [tilespmem:s7+$0xFFFFFFE0];
	[tilespmem:s4+$0xFFFFFFC0] =	vst v4  }
0x7a6: {  	v4 =	vld [tilespmem:s7+$0xFFFFFFF0]  }
0x7a7: {  	v7 =	vld [tilespmem:s7+$0xFFFFFF90]  }
0x7a8: {  	v6 =	vld.idx.msk [tilespmem:v6+s13+$0x0], $0xffff  }
0x7a9: {  	v8 =	vld.idx.msk [tilespmem:v5+s13+$0x0], $0xffff  }
0x7aa: {  	v5 =	vld.idx.msk [tilespmem:v3+s13+$0x0], $0xffff  }
.Ltmp37:
0x7ab: {  	v3 =	vld.idx.msk [tilespmem:v0+s13+$0x0], $0xffff;
	(pc) =	sbr.rel @p5 .LBB2_76-.Ltmp37, $4  }
0x7ac: {  	v0 =	vld.idx.msk [tilespmem:v1+s13+$0x0], $0xffff  }
0x7ad: {  	s4 =	sadd.s32 $0x80, s4;
	v1 =	vld.idx.msk [tilespmem:v2+s13+$0x0], $0xffff  }
0x7ae: {  	v2 =	vld.idx.msk [tilespmem:v4+s13+$0x0], $0xffff;
	[tilespmem:s4+$0x30] =	vst v6  }
0x7af: {  	s7 =	sadd.s32 $0x80, s7;
	v4 =	vld.idx.msk [tilespmem:v7+s13+$0x0], $0xffff;
	[tilespmem:s4+$0xFFFFFFD0] =	vst v8  }
0x7b0: {  	[tilespmem:s4+$0xFFFFFFE0] =	vst v5  }
0x7b1: {  	[tilespmem:s4+$0xFFFFFFF0] =	vst v3  }
0x7b2: {  	[tilespmem:s4+$0x0] =	vst v0  }
0x7b3: {  	[tilespmem:s4+$0x10] =	vst v1  }
0x7b4: {  	[tilespmem:s4+$0x20] =	vst v2  }
0x7b5: {  	[tilespmem:s4+$0xFFFFFFC0] =	vst v4  }
0x7b6: {  	s3 =	sld [smem:$0x7E4];
	_ =	sdelay $0x2  }
0x7b7: {  	[hbm4b:s3+s11] =	stream.strided.scatter [tilespmem:s30], [sflag:$0x3], $0x1000, s12, s11, $0x38;
	[tilespmem:$0x1E700] =	vst v63  }
0x7b8: {  	_ =	swait.ge [sflag:s31], $0x1000  }
0x7b9: {  	[sflag:s31] =	ssyncset.done $0x0  }
0x7ba: {  	s7 =	simm.s32 $0x2070;
	[sflag:s31] =	ssyncadd.s32 $0xFFFFF000  }
0x7bb: {  	v0 =	vld [tilespmem:s7+$0x0]  }
0x7bc: {  	v1 =	vld [tilespmem:s7+$0xFFFFFFA0]  }
0x7bd: {  	v2 =	vld [tilespmem:s7+$0xFFFFFFB0]  }
0x7be: {  	v3 =	vld [tilespmem:s7+$0xFFFFFFC0]  }
0x7bf: {  	v4 =	vld [tilespmem:s7+$0xFFFFFFD0]  }
0x7c0: {  	v6 =	vld [tilespmem:s7+$0xFFFFFFE0]  }
0x7c1: {  	v7 =	vld [tilespmem:s7+$0xFFFFFFF0]  }
0x7c2: {  	v8 =	vld [tilespmem:s7+$0xFFFFFF90]  }
0x7c3: {  	v9 =	vld.idx.msk [tilespmem:v0+s13+$0x0], $0xffff  }
0x7c4: {  	v10 =	vld.idx.msk [tilespmem:v1+s13+$0x0], $0xffff  }
0x7c5: {  	v5 =	vld.idx.msk [tilespmem:v2+s13+$0x0], $0xffff  }
0x7c6: {  	v3 =	vld.idx.msk [tilespmem:v3+s13+$0x0], $0xffff  }
0x7c7: {  	v0 =	vld.idx.msk [tilespmem:v4+s13+$0x0], $0xffff  }
0x7c8: {  	s4 =	simm.s32 $0x1C740;
	v1 =	vld.idx.msk [tilespmem:v6+s13+$0x0], $0xffff  }
0x7c9: {  	v2 =	vld.idx.msk [tilespmem:v7+s13+$0x0], $0xffff;
	[tilespmem:s4+$0x30] =	vst v9  }
0x7ca: {  	s6 =	simm.s32 $0x0;
	s7 =	simm.s32 $0x20F0;
	v4 =	vld.idx.msk [tilespmem:v8+s13+$0x0], $0xffff;
	[tilespmem:s4+$0xFFFFFFD0] =	vst v10  }
.LBB2_78:
0x7cb: {  	v6 =	vld [tilespmem:s7+$0x0];
	s6 =	sadd.s32 $0x80, s6;
	[tilespmem:s4+$0xFFFFFFE0] =	vst v5  }
0x7cc: {  	v5 =	vld [tilespmem:s7+$0xFFFFFFA0];
	p5 =	slt.u32 s6, $0xF80;
	[tilespmem:s4+$0xFFFFFFF0] =	vst v3  }
0x7cd: {  	v3 =	vld [tilespmem:s7+$0xFFFFFFB0];
	[tilespmem:s4+$0x0] =	vst v0  }
0x7ce: {  	v0 =	vld [tilespmem:s7+$0xFFFFFFC0];
	[tilespmem:s4+$0x10] =	vst v1  }
0x7cf: {  	v1 =	vld [tilespmem:s7+$0xFFFFFFD0];
	[tilespmem:s4+$0x20] =	vst v2  }
0x7d0: {  	v2 =	vld [tilespmem:s7+$0xFFFFFFE0];
	[tilespmem:s4+$0xFFFFFFC0] =	vst v4  }
0x7d1: {  	v4 =	vld [tilespmem:s7+$0xFFFFFFF0]  }
0x7d2: {  	v7 =	vld [tilespmem:s7+$0xFFFFFF90]  }
0x7d3: {  	v6 =	vld.idx.msk [tilespmem:v6+s13+$0x0], $0xffff  }
0x7d4: {  	v8 =	vld.idx.msk [tilespmem:v5+s13+$0x0], $0xffff  }
0x7d5: {  	v5 =	vld.idx.msk [tilespmem:v3+s13+$0x0], $0xffff  }
.Ltmp38:
0x7d6: {  	v3 =	vld.idx.msk [tilespmem:v0+s13+$0x0], $0xffff;
	(pc) =	sbr.rel @p5 .LBB2_78-.Ltmp38, $4  }
0x7d7: {  	v0 =	vld.idx.msk [tilespmem:v1+s13+$0x0], $0xffff  }
0x7d8: {  	s4 =	sadd.s32 $0x80, s4;
	v1 =	vld.idx.msk [tilespmem:v2+s13+$0x0], $0xffff  }
0x7d9: {  	v2 =	vld.idx.msk [tilespmem:v4+s13+$0x0], $0xffff;
	[tilespmem:s4+$0x30] =	vst v6  }
0x7da: {  	s7 =	sadd.s32 $0x80, s7;
	v4 =	vld.idx.msk [tilespmem:v7+s13+$0x0], $0xffff;
	[tilespmem:s4+$0xFFFFFFD0] =	vst v8  }
0x7db: {  	[tilespmem:s4+$0xFFFFFFE0] =	vst v5  }
0x7dc: {  	[tilespmem:s4+$0xFFFFFFF0] =	vst v3  }
0x7dd: {  	[tilespmem:s4+$0x0] =	vst v0  }
0x7de: {  	[tilespmem:s4+$0x10] =	vst v1  }
0x7df: {  	[tilespmem:s4+$0x20] =	vst v2  }
0x7e0: {  	[tilespmem:s4+$0xFFFFFFC0] =	vst v4  }
0x7e1: {  	s3 =	sld [smem:$0x7E5];
	_ =	sdelay $0x2  }
0x7e2: {  	[hbm4b:s3+s11] =	stream.strided.scatter [tilespmem:s29], [sflag:$0x2], $0x1000, s12, s11, $0x38;
	[tilespmem:$0x1E700] =	vst v63  }
0x7e3: {  	_ =	swait.ge [sflag:s0], $0x1000  }
0x7e4: {  	[sflag:s0] =	ssyncset.done $0x0  }
0x7e5: {  	s7 =	simm.s32 $0x3070;
	[sflag:s0] =	ssyncadd.s32 $0xFFFFF000  }
0x7e6: {  	v0 =	vld [tilespmem:s7+$0x0]  }
0x7e7: {  	v1 =	vld [tilespmem:s7+$0xFFFFFFA0]  }
0x7e8: {  	v2 =	vld [tilespmem:s7+$0xFFFFFFB0]  }
0x7e9: {  	v3 =	vld [tilespmem:s7+$0xFFFFFFC0]  }
0x7ea: {  	v4 =	vld [tilespmem:s7+$0xFFFFFFD0]  }
0x7eb: {  	v6 =	vld [tilespmem:s7+$0xFFFFFFE0]  }
0x7ec: {  	v7 =	vld [tilespmem:s7+$0xFFFFFFF0]  }
0x7ed: {  	v8 =	vld [tilespmem:s7+$0xFFFFFF90]  }
0x7ee: {  	v9 =	vld.idx.msk [tilespmem:v0+s13+$0x0], $0xffff  }
0x7ef: {  	v10 =	vld.idx.msk [tilespmem:v1+s13+$0x0], $0xffff  }
0x7f0: {  	v5 =	vld.idx.msk [tilespmem:v2+s13+$0x0], $0xffff  }
0x7f1: {  	v3 =	vld.idx.msk [tilespmem:v3+s13+$0x0], $0xffff  }
0x7f2: {  	v0 =	vld.idx.msk [tilespmem:v4+s13+$0x0], $0xffff  }
0x7f3: {  	s4 =	simm.s32 $0x1D740;
	v1 =	vld.idx.msk [tilespmem:v6+s13+$0x0], $0xffff  }
0x7f4: {  	v2 =	vld.idx.msk [tilespmem:v7+s13+$0x0], $0xffff;
	[tilespmem:s4+$0x30] =	vst v9  }
0x7f5: {  	s6 =	simm.s32 $0x0;
	s7 =	simm.s32 $0x30F0;
	v4 =	vld.idx.msk [tilespmem:v8+s13+$0x0], $0xffff;
	[tilespmem:s4+$0xFFFFFFD0] =	vst v10  }
.LBB2_80:
0x7f6: {  	v6 =	vld [tilespmem:s7+$0x0];
	s6 =	sadd.s32 $0x80, s6;
	[tilespmem:s4+$0xFFFFFFE0] =	vst v5  }
0x7f7: {  	v5 =	vld [tilespmem:s7+$0xFFFFFFA0];
	p5 =	slt.u32 s6, $0xF80;
	[tilespmem:s4+$0xFFFFFFF0] =	vst v3  }
0x7f8: {  	v3 =	vld [tilespmem:s7+$0xFFFFFFB0];
	[tilespmem:s4+$0x0] =	vst v0  }
0x7f9: {  	v0 =	vld [tilespmem:s7+$0xFFFFFFC0];
	[tilespmem:s4+$0x10] =	vst v1  }
0x7fa: {  	v1 =	vld [tilespmem:s7+$0xFFFFFFD0];
	[tilespmem:s4+$0x20] =	vst v2  }
0x7fb: {  	v2 =	vld [tilespmem:s7+$0xFFFFFFE0];
	[tilespmem:s4+$0xFFFFFFC0] =	vst v4  }
0x7fc: {  	v4 =	vld [tilespmem:s7+$0xFFFFFFF0]  }
0x7fd: {  	v7 =	vld [tilespmem:s7+$0xFFFFFF90]  }
0x7fe: {  	v6 =	vld.idx.msk [tilespmem:v6+s13+$0x0], $0xffff  }
0x7ff: {  	v8 =	vld.idx.msk [tilespmem:v5+s13+$0x0], $0xffff  }
0x800: {  	v5 =	vld.idx.msk [tilespmem:v3+s13+$0x0], $0xffff  }
.Ltmp39:
0x801: {  	v3 =	vld.idx.msk [tilespmem:v0+s13+$0x0], $0xffff;
	(pc) =	sbr.rel @p5 .LBB2_80-.Ltmp39, $4  }
0x802: {  	v0 =	vld.idx.msk [tilespmem:v1+s13+$0x0], $0xffff  }
0x803: {  	s4 =	sadd.s32 $0x80, s4;
	v1 =	vld.idx.msk [tilespmem:v2+s13+$0x0], $0xffff  }
0x804: {  	v2 =	vld.idx.msk [tilespmem:v4+s13+$0x0], $0xffff;
	[tilespmem:s4+$0x30] =	vst v6  }
0x805: {  	s7 =	sadd.s32 $0x80, s7;
	v4 =	vld.idx.msk [tilespmem:v7+s13+$0x0], $0xffff;
	[tilespmem:s4+$0xFFFFFFD0] =	vst v8  }
0x806: {  	[tilespmem:s4+$0xFFFFFFE0] =	vst v5  }
0x807: {  	[tilespmem:s4+$0xFFFFFFF0] =	vst v3  }
0x808: {  	[tilespmem:s4+$0x0] =	vst v0  }
0x809: {  	[tilespmem:s4+$0x10] =	vst v1  }
0x80a: {  	[tilespmem:s4+$0x20] =	vst v2  }
0x80b: {  	[tilespmem:s4+$0xFFFFFFC0] =	vst v4  }
0x80c: {  	s3 =	sld [smem:$0x7E6];
	_ =	sdelay $0x2  }
0x80d: {  	[hbm4b:s3+s11] =	stream.strided.scatter [tilespmem:s30], [sflag:$0x3], $0x1000, s12, s11, $0x38;
	[tilespmem:$0x1E700] =	vst v63  }
0x80e: {  	s6 =	simm.s32 @p2 $0x400;
	s7 =	simm.s32 @p2 $0x4000;
	s4 =	simm.s32 @p2 $0x80  }
0x80f: {  	[tilespmem:s7], [sflag:$0x4] =	stream.strided.gather @p2 [hbm4b:s24+s4], $0x18700, s6, s4, $0x38;
	[tilespmem:$0x1E700] =	vst v63  }
0x810: {  	s4 =	simm.s32 @p2 $0x4  }
0x811: {  	_ =	swait.ge @p2 [sflag:s4], $0x18700  }
0x812: {  	s6 =	simm.s32 @!p2 $0x400;
	s7 =	simm.s32 @!p2 $0x0;
	[sflag:s4] =	ssyncset.done @p2 $0x0  }
0x813: {  	s3 =	rddreg [dreg:$0xd];
	[sflag:s4] =	ssyncadd.s32 @p2 $0xFFFE7900;
	s4 =	simm.s32 @!p2 $0x80  }
0x814: {  	[tilespmem:s7], [sflag:$0x1] =	stream.strided.gather @!p2 [hbm4b:s3+s4], $0x4000, s6, s4, $0x38;
	[tilespmem:$0x1E700] =	vst v63  }
0x815: {  	s7 =	simm.s32 @!p2 $0x4000  }
0x816: {  	[tilespmem:s7], [sflag:$0x4] =	stream.strided.gather @!p2 [hbm4b:s24+s4], $0x18700, s6, s4, $0x38;
	[tilespmem:$0x1E700] =	vst v63  }
0x817: {  	s4 =	simm.s32 @!p2 $0x4  }
0x818: {  	_ =	swait.ge @!p2 [sflag:s4], $0x18700  }
0x819: {  	[sflag:s4] =	ssyncset.done @!p2 $0x0  }
0x81a: {  	[sflag:s4] =	ssyncadd.s32 @!p2 $0xFFFE7900;
	s4 =	simm.s32 @!p2 $0x1  }
0x81b: {  	_ =	swait.ge @!p2 [sflag:s4], $0x4000  }
0x81c: {  	[sflag:s4] =	ssyncset.done @!p2 $0x0  }
0x81d: {  	[sflag:s4] =	ssyncadd.s32 @!p2 $0xFFFFC000  }
0x81e: {  	_ =	swait.ge [sflag:s31], $0x1000  }
0x81f: {  	[sflag:s31] =	ssyncset.done $0x0  }
0x820: {  	s7 =	simm.s32 $0x40;
	[sflag:s31] =	ssyncadd.s32 $0xFFFFF000  }
0x821: {  	v0 =	vld [tilespmem:s7+$0x30]  }
0x822: {  	v1 =	vld [tilespmem:s7+$0xFFFFFFD0]  }
0x823: {  	v2 =	vld [tilespmem:s7+$0xFFFFFFE0]  }
0x824: {  	v3 =	vld [tilespmem:s7+$0xFFFFFFF0]  }
0x825: {  	v4 =	vld [tilespmem:s7+$0x0]  }
0x826: {  	v6 =	vld [tilespmem:s7+$0x10]  }
0x827: {  	v7 =	vld [tilespmem:s7+$0x20]  }
0x828: {  	v8 =	vld [tilespmem:s7+$0xFFFFFFC0]  }
0x829: {  	v9 =	vld.idx.msk [tilespmem:v0+s13+$0x0], $0xffff  }
0x82a: {  	v10 =	vld.idx.msk [tilespmem:v1+s13+$0x0], $0xffff  }
0x82b: {  	v5 =	vld.idx.msk [tilespmem:v2+s13+$0x0], $0xffff  }
0x82c: {  	v3 =	vld.idx.msk [tilespmem:v3+s13+$0x0], $0xffff  }
0x82d: {  	v0 =	vld.idx.msk [tilespmem:v4+s13+$0x0], $0xffff  }
0x82e: {  	s4 =	simm.s32 $0x1C740;
	v1 =	vld.idx.msk [tilespmem:v6+s13+$0x0], $0xffff  }
0x82f: {  	v2 =	vld.idx.msk [tilespmem:v7+s13+$0x0], $0xffff;
	[tilespmem:s4+$0x30] =	vst v9  }
0x830: {  	s6 =	simm.s32 $0x0;
	s7 =	simm.s32 $0xC0;
	v4 =	vld.idx.msk [tilespmem:v8+s13+$0x0], $0xffff;
	[tilespmem:s4+$0xFFFFFFD0] =	vst v10  }
.LBB2_82:
0x831: {  	v6 =	vld [tilespmem:s7+$0x30];
	s6 =	sadd.s32 $0x80, s6;
	[tilespmem:s4+$0xFFFFFFE0] =	vst v5  }
0x832: {  	v5 =	vld [tilespmem:s7+$0xFFFFFFD0];
	p5 =	slt.u32 s6, $0xF80;
	[tilespmem:s4+$0xFFFFFFF0] =	vst v3  }
0x833: {  	v3 =	vld [tilespmem:s7+$0xFFFFFFE0];
	[tilespmem:s4+$0x0] =	vst v0  }
0x834: {  	v0 =	vld [tilespmem:s7+$0xFFFFFFF0];
	[tilespmem:s4+$0x10] =	vst v1  }
0x835: {  	v1 =	vld [tilespmem:s7+$0x0];
	[tilespmem:s4+$0x20] =	vst v2  }
0x836: {  	v2 =	vld [tilespmem:s7+$0x10];
	[tilespmem:s4+$0xFFFFFFC0] =	vst v4  }
0x837: {  	v4 =	vld [tilespmem:s7+$0x20]  }
0x838: {  	v7 =	vld [tilespmem:s7+$0xFFFFFFC0]  }
0x839: {  	v6 =	vld.idx.msk [tilespmem:v6+s13+$0x0], $0xffff  }
0x83a: {  	v8 =	vld.idx.msk [tilespmem:v5+s13+$0x0], $0xffff  }
0x83b: {  	v5 =	vld.idx.msk [tilespmem:v3+s13+$0x0], $0xffff  }
.Ltmp40:
0x83c: {  	v3 =	vld.idx.msk [tilespmem:v0+s13+$0x0], $0xffff;
	(pc) =	sbr.rel @p5 .LBB2_82-.Ltmp40, $4  }
0x83d: {  	v0 =	vld.idx.msk [tilespmem:v1+s13+$0x0], $0xffff  }
0x83e: {  	s4 =	sadd.s32 $0x80, s4;
	v1 =	vld.idx.msk [tilespmem:v2+s13+$0x0], $0xffff  }
0x83f: {  	v2 =	vld.idx.msk [tilespmem:v4+s13+$0x0], $0xffff;
	[tilespmem:s4+$0x30] =	vst v6  }
0x840: {  	s7 =	sadd.s32 $0x80, s7;
	v4 =	vld.idx.msk [tilespmem:v7+s13+$0x0], $0xffff;
	[tilespmem:s4+$0xFFFFFFD0] =	vst v8  }
0x841: {  	[tilespmem:s4+$0xFFFFFFE0] =	vst v5  }
0x842: {  	[tilespmem:s4+$0xFFFFFFF0] =	vst v3  }
0x843: {  	[tilespmem:s4+$0x0] =	vst v0  }
0x844: {  	[tilespmem:s4+$0x10] =	vst v1  }
0x845: {  	[tilespmem:s4+$0x20] =	vst v2  }
0x846: {  	[tilespmem:s4+$0xFFFFFFC0] =	vst v4  }
0x847: {  	s3 =	sld [smem:$0x7E7];
	_ =	sdelay $0x2  }
0x848: {  	[hbm4b:s3+s11] =	stream.strided.scatter [tilespmem:s29], [sflag:$0x2], $0x1000, s12, s11, $0x38;
	[tilespmem:$0x1E700] =	vst v63  }
0x849: {  	_ =	swait.ge [sflag:s0], $0x1000  }
0x84a: {  	[sflag:s0] =	ssyncset.done $0x0  }
0x84b: {  	s7 =	simm.s32 $0x1070;
	[sflag:s0] =	ssyncadd.s32 $0xFFFFF000  }
0x84c: {  	v0 =	vld [tilespmem:s7+$0x0]  }
0x84d: {  	v1 =	vld [tilespmem:s7+$0xFFFFFFA0]  }
0x84e: {  	v2 =	vld [tilespmem:s7+$0xFFFFFFB0]  }
0x84f: {  	v3 =	vld [tilespmem:s7+$0xFFFFFFC0]  }
0x850: {  	v4 =	vld [tilespmem:s7+$0xFFFFFFD0]  }
0x851: {  	v6 =	vld [tilespmem:s7+$0xFFFFFFE0]  }
0x852: {  	v7 =	vld [tilespmem:s7+$0xFFFFFFF0]  }
0x853: {  	v8 =	vld [tilespmem:s7+$0xFFFFFF90]  }
0x854: {  	v9 =	vld.idx.msk [tilespmem:v0+s13+$0x0], $0xffff  }
0x855: {  	v10 =	vld.idx.msk [tilespmem:v1+s13+$0x0], $0xffff  }
0x856: {  	v5 =	vld.idx.msk [tilespmem:v2+s13+$0x0], $0xffff  }
0x857: {  	v3 =	vld.idx.msk [tilespmem:v3+s13+$0x0], $0xffff  }
0x858: {  	v0 =	vld.idx.msk [tilespmem:v4+s13+$0x0], $0xffff  }
0x859: {  	s4 =	simm.s32 $0x1D740;
	v1 =	vld.idx.msk [tilespmem:v6+s13+$0x0], $0xffff  }
0x85a: {  	v2 =	vld.idx.msk [tilespmem:v7+s13+$0x0], $0xffff;
	[tilespmem:s4+$0x30] =	vst v9  }
0x85b: {  	s6 =	simm.s32 $0x0;
	s7 =	simm.s32 $0x10F0;
	v4 =	vld.idx.msk [tilespmem:v8+s13+$0x0], $0xffff;
	[tilespmem:s4+$0xFFFFFFD0] =	vst v10  }
.LBB2_84:
0x85c: {  	v6 =	vld [tilespmem:s7+$0x0];
	s6 =	sadd.s32 $0x80, s6;
	[tilespmem:s4+$0xFFFFFFE0] =	vst v5  }
0x85d: {  	v5 =	vld [tilespmem:s7+$0xFFFFFFA0];
	p5 =	slt.u32 s6, $0xF80;
	[tilespmem:s4+$0xFFFFFFF0] =	vst v3  }
0x85e: {  	v3 =	vld [tilespmem:s7+$0xFFFFFFB0];
	[tilespmem:s4+$0x0] =	vst v0  }
0x85f: {  	v0 =	vld [tilespmem:s7+$0xFFFFFFC0];
	[tilespmem:s4+$0x10] =	vst v1  }
0x860: {  	v1 =	vld [tilespmem:s7+$0xFFFFFFD0];
	[tilespmem:s4+$0x20] =	vst v2  }
0x861: {  	v2 =	vld [tilespmem:s7+$0xFFFFFFE0];
	[tilespmem:s4+$0xFFFFFFC0] =	vst v4  }
0x862: {  	v4 =	vld [tilespmem:s7+$0xFFFFFFF0]  }
0x863: {  	v7 =	vld [tilespmem:s7+$0xFFFFFF90]  }
0x864: {  	v6 =	vld.idx.msk [tilespmem:v6+s13+$0x0], $0xffff  }
0x865: {  	v8 =	vld.idx.msk [tilespmem:v5+s13+$0x0], $0xffff  }
0x866: {  	v5 =	vld.idx.msk [tilespmem:v3+s13+$0x0], $0xffff  }
.Ltmp41:
0x867: {  	v3 =	vld.idx.msk [tilespmem:v0+s13+$0x0], $0xffff;
	(pc) =	sbr.rel @p5 .LBB2_84-.Ltmp41, $4  }
0x868: {  	v0 =	vld.idx.msk [tilespmem:v1+s13+$0x0], $0xffff  }
0x869: {  	s4 =	sadd.s32 $0x80, s4;
	v1 =	vld.idx.msk [tilespmem:v2+s13+$0x0], $0xffff  }
0x86a: {  	v2 =	vld.idx.msk [tilespmem:v4+s13+$0x0], $0xffff;
	[tilespmem:s4+$0x30] =	vst v6  }
0x86b: {  	s7 =	sadd.s32 $0x80, s7;
	v4 =	vld.idx.msk [tilespmem:v7+s13+$0x0], $0xffff;
	[tilespmem:s4+$0xFFFFFFD0] =	vst v8  }
0x86c: {  	[tilespmem:s4+$0xFFFFFFE0] =	vst v5  }
0x86d: {  	[tilespmem:s4+$0xFFFFFFF0] =	vst v3  }
0x86e: {  	[tilespmem:s4+$0x0] =	vst v0  }
0x86f: {  	[tilespmem:s4+$0x10] =	vst v1  }
0x870: {  	[tilespmem:s4+$0x20] =	vst v2  }
0x871: {  	[tilespmem:s4+$0xFFFFFFC0] =	vst v4  }
0x872: {  	s3 =	sld [smem:$0x7E8];
	_ =	sdelay $0x2  }
0x873: {  	[hbm4b:s3+s11] =	stream.strided.scatter [tilespmem:s30], [sflag:$0x3], $0x1000, s12, s11, $0x38;
	[tilespmem:$0x1E700] =	vst v63  }
0x874: {  	_ =	swait.ge [sflag:s31], $0x1000  }
0x875: {  	[sflag:s31] =	ssyncset.done $0x0  }
0x876: {  	s7 =	simm.s32 $0x2070;
	[sflag:s31] =	ssyncadd.s32 $0xFFFFF000  }
0x877: {  	v0 =	vld [tilespmem:s7+$0x0]  }
0x878: {  	v1 =	vld [tilespmem:s7+$0xFFFFFFA0]  }
0x879: {  	v2 =	vld [tilespmem:s7+$0xFFFFFFB0]  }
0x87a: {  	v3 =	vld [tilespmem:s7+$0xFFFFFFC0]  }
0x87b: {  	v4 =	vld [tilespmem:s7+$0xFFFFFFD0]  }
0x87c: {  	v6 =	vld [tilespmem:s7+$0xFFFFFFE0]  }
0x87d: {  	v7 =	vld [tilespmem:s7+$0xFFFFFFF0]  }
0x87e: {  	v8 =	vld [tilespmem:s7+$0xFFFFFF90]  }
0x87f: {  	v9 =	vld.idx.msk [tilespmem:v0+s13+$0x0], $0xffff  }
0x880: {  	v10 =	vld.idx.msk [tilespmem:v1+s13+$0x0], $0xffff  }
0x881: {  	v5 =	vld.idx.msk [tilespmem:v2+s13+$0x0], $0xffff  }
0x882: {  	v3 =	vld.idx.msk [tilespmem:v3+s13+$0x0], $0xffff  }
0x883: {  	v0 =	vld.idx.msk [tilespmem:v4+s13+$0x0], $0xffff  }
0x884: {  	s4 =	simm.s32 $0x1C740;
	v1 =	vld.idx.msk [tilespmem:v6+s13+$0x0], $0xffff  }
0x885: {  	v2 =	vld.idx.msk [tilespmem:v7+s13+$0x0], $0xffff;
	[tilespmem:s4+$0x30] =	vst v9  }
0x886: {  	s6 =	simm.s32 $0x0;
	s7 =	simm.s32 $0x20F0;
	v4 =	vld.idx.msk [tilespmem:v8+s13+$0x0], $0xffff;
	[tilespmem:s4+$0xFFFFFFD0] =	vst v10  }
.LBB2_86:
0x887: {  	v6 =	vld [tilespmem:s7+$0x0];
	s6 =	sadd.s32 $0x80, s6;
	[tilespmem:s4+$0xFFFFFFE0] =	vst v5  }
0x888: {  	v5 =	vld [tilespmem:s7+$0xFFFFFFA0];
	p5 =	slt.u32 s6, $0xF80;
	[tilespmem:s4+$0xFFFFFFF0] =	vst v3  }
0x889: {  	v3 =	vld [tilespmem:s7+$0xFFFFFFB0];
	[tilespmem:s4+$0x0] =	vst v0  }
0x88a: {  	v0 =	vld [tilespmem:s7+$0xFFFFFFC0];
	[tilespmem:s4+$0x10] =	vst v1  }
0x88b: {  	v1 =	vld [tilespmem:s7+$0xFFFFFFD0];
	[tilespmem:s4+$0x20] =	vst v2  }
0x88c: {  	v2 =	vld [tilespmem:s7+$0xFFFFFFE0];
	[tilespmem:s4+$0xFFFFFFC0] =	vst v4  }
0x88d: {  	v4 =	vld [tilespmem:s7+$0xFFFFFFF0]  }
0x88e: {  	v7 =	vld [tilespmem:s7+$0xFFFFFF90]  }
0x88f: {  	v6 =	vld.idx.msk [tilespmem:v6+s13+$0x0], $0xffff  }
0x890: {  	v8 =	vld.idx.msk [tilespmem:v5+s13+$0x0], $0xffff  }
0x891: {  	v5 =	vld.idx.msk [tilespmem:v3+s13+$0x0], $0xffff  }
.Ltmp42:
0x892: {  	v3 =	vld.idx.msk [tilespmem:v0+s13+$0x0], $0xffff;
	(pc) =	sbr.rel @p5 .LBB2_86-.Ltmp42, $4  }
0x893: {  	v0 =	vld.idx.msk [tilespmem:v1+s13+$0x0], $0xffff  }
0x894: {  	s4 =	sadd.s32 $0x80, s4;
	v1 =	vld.idx.msk [tilespmem:v2+s13+$0x0], $0xffff  }
0x895: {  	v2 =	vld.idx.msk [tilespmem:v4+s13+$0x0], $0xffff;
	[tilespmem:s4+$0x30] =	vst v6  }
0x896: {  	s7 =	sadd.s32 $0x80, s7;
	v4 =	vld.idx.msk [tilespmem:v7+s13+$0x0], $0xffff;
	[tilespmem:s4+$0xFFFFFFD0] =	vst v8  }
0x897: {  	[tilespmem:s4+$0xFFFFFFE0] =	vst v5  }
0x898: {  	[tilespmem:s4+$0xFFFFFFF0] =	vst v3  }
0x899: {  	[tilespmem:s4+$0x0] =	vst v0  }
0x89a: {  	[tilespmem:s4+$0x10] =	vst v1  }
0x89b: {  	[tilespmem:s4+$0x20] =	vst v2  }
0x89c: {  	[tilespmem:s4+$0xFFFFFFC0] =	vst v4  }
0x89d: {  	s3 =	sld [smem:$0x7E9];
	_ =	sdelay $0x2  }
0x89e: {  	[hbm4b:s3+s11] =	stream.strided.scatter [tilespmem:s29], [sflag:$0x2], $0x1000, s12, s11, $0x38;
	[tilespmem:$0x1E700] =	vst v63  }
0x89f: {  	_ =	swait.ge [sflag:s0], $0x1000  }
0x8a0: {  	[sflag:s0] =	ssyncset.done $0x0  }
0x8a1: {  	s7 =	simm.s32 $0x3070;
	[sflag:s0] =	ssyncadd.s32 $0xFFFFF000  }
0x8a2: {  	v0 =	vld [tilespmem:s7+$0x0]  }
0x8a3: {  	v1 =	vld [tilespmem:s7+$0xFFFFFFA0]  }
0x8a4: {  	v2 =	vld [tilespmem:s7+$0xFFFFFFB0]  }
0x8a5: {  	v3 =	vld [tilespmem:s7+$0xFFFFFFC0]  }
0x8a6: {  	v4 =	vld [tilespmem:s7+$0xFFFFFFD0]  }
0x8a7: {  	v6 =	vld [tilespmem:s7+$0xFFFFFFE0]  }
0x8a8: {  	v7 =	vld [tilespmem:s7+$0xFFFFFFF0]  }
0x8a9: {  	v8 =	vld [tilespmem:s7+$0xFFFFFF90]  }
0x8aa: {  	v9 =	vld.idx.msk [tilespmem:v0+s13+$0x0], $0xffff  }
0x8ab: {  	v10 =	vld.idx.msk [tilespmem:v1+s13+$0x0], $0xffff  }
0x8ac: {  	v5 =	vld.idx.msk [tilespmem:v2+s13+$0x0], $0xffff  }
0x8ad: {  	v3 =	vld.idx.msk [tilespmem:v3+s13+$0x0], $0xffff  }
0x8ae: {  	v0 =	vld.idx.msk [tilespmem:v4+s13+$0x0], $0xffff  }
0x8af: {  	s4 =	simm.s32 $0x1D740;
	v1 =	vld.idx.msk [tilespmem:v6+s13+$0x0], $0xffff  }
0x8b0: {  	v2 =	vld.idx.msk [tilespmem:v7+s13+$0x0], $0xffff;
	[tilespmem:s4+$0x30] =	vst v9  }
0x8b1: {  	s6 =	simm.s32 $0x0;
	s7 =	simm.s32 $0x30F0;
	v4 =	vld.idx.msk [tilespmem:v8+s13+$0x0], $0xffff;
	[tilespmem:s4+$0xFFFFFFD0] =	vst v10  }
.LBB2_88:
0x8b2: {  	v6 =	vld [tilespmem:s7+$0x0];
	s6 =	sadd.s32 $0x80, s6;
	[tilespmem:s4+$0xFFFFFFE0] =	vst v5  }
0x8b3: {  	v5 =	vld [tilespmem:s7+$0xFFFFFFA0];
	p5 =	slt.u32 s6, $0xF80;
	[tilespmem:s4+$0xFFFFFFF0] =	vst v3  }
0x8b4: {  	v3 =	vld [tilespmem:s7+$0xFFFFFFB0];
	[tilespmem:s4+$0x0] =	vst v0  }
0x8b5: {  	v0 =	vld [tilespmem:s7+$0xFFFFFFC0];
	[tilespmem:s4+$0x10] =	vst v1  }
0x8b6: {  	v1 =	vld [tilespmem:s7+$0xFFFFFFD0];
	[tilespmem:s4+$0x20] =	vst v2  }
0x8b7: {  	v2 =	vld [tilespmem:s7+$0xFFFFFFE0];
	[tilespmem:s4+$0xFFFFFFC0] =	vst v4  }
0x8b8: {  	v4 =	vld [tilespmem:s7+$0xFFFFFFF0]  }
0x8b9: {  	v7 =	vld [tilespmem:s7+$0xFFFFFF90]  }
0x8ba: {  	v6 =	vld.idx.msk [tilespmem:v6+s13+$0x0], $0xffff  }
0x8bb: {  	v8 =	vld.idx.msk [tilespmem:v5+s13+$0x0], $0xffff  }
0x8bc: {  	v5 =	vld.idx.msk [tilespmem:v3+s13+$0x0], $0xffff  }
.Ltmp43:
0x8bd: {  	v3 =	vld.idx.msk [tilespmem:v0+s13+$0x0], $0xffff;
	(pc) =	sbr.rel @p5 .LBB2_88-.Ltmp43, $4  }
0x8be: {  	v0 =	vld.idx.msk [tilespmem:v1+s13+$0x0], $0xffff  }
0x8bf: {  	s4 =	sadd.s32 $0x80, s4;
	v1 =	vld.idx.msk [tilespmem:v2+s13+$0x0], $0xffff  }
0x8c0: {  	v2 =	vld.idx.msk [tilespmem:v4+s13+$0x0], $0xffff;
	[tilespmem:s4+$0x30] =	vst v6  }
0x8c1: {  	s7 =	sadd.s32 $0x80, s7;
	v4 =	vld.idx.msk [tilespmem:v7+s13+$0x0], $0xffff;
	[tilespmem:s4+$0xFFFFFFD0] =	vst v8  }
0x8c2: {  	[tilespmem:s4+$0xFFFFFFE0] =	vst v5  }
0x8c3: {  	[tilespmem:s4+$0xFFFFFFF0] =	vst v3  }
0x8c4: {  	[tilespmem:s4+$0x0] =	vst v0  }
0x8c5: {  	[tilespmem:s4+$0x10] =	vst v1  }
0x8c6: {  	[tilespmem:s4+$0x20] =	vst v2  }
0x8c7: {  	[tilespmem:s4+$0xFFFFFFC0] =	vst v4  }
0x8c8: {  	s3 =	sld [smem:$0x7EA];
	_ =	sdelay $0x2  }
0x8c9: {  	[hbm4b:s3+s11] =	stream.strided.scatter [tilespmem:s30], [sflag:$0x3], $0x1000, s12, s11, $0x38;
	[tilespmem:$0x1E700] =	vst v63  }
0x8ca: {  	s6 =	simm.s32 @p3 $0x400;
	s7 =	simm.s32 @p3 $0x4000;
	s4 =	simm.s32 @p3 $0x80  }
0x8cb: {  	[tilespmem:s7], [sflag:$0x4] =	stream.strided.gather @p3 [hbm4b:s25+s4], $0x18700, s6, s4, $0x38;
	[tilespmem:$0x1E700] =	vst v63  }
0x8cc: {  	s4 =	simm.s32 @p3 $0x4  }
0x8cd: {  	_ =	swait.ge @p3 [sflag:s4], $0x18700  }
0x8ce: {  	s6 =	simm.s32 @!p3 $0x400;
	s7 =	simm.s32 @!p3 $0x0;
	[sflag:s4] =	ssyncset.done @p3 $0x0  }
0x8cf: {  	s3 =	rddreg [dreg:$0xe];
	[sflag:s4] =	ssyncadd.s32 @p3 $0xFFFE7900;
	s4 =	simm.s32 @!p3 $0x80  }
0x8d0: {  	[tilespmem:s7], [sflag:$0x1] =	stream.strided.gather @!p3 [hbm4b:s3+s4], $0x4000, s6, s4, $0x38;
	[tilespmem:$0x1E700] =	vst v63  }
0x8d1: {  	s7 =	simm.s32 @!p3 $0x4000  }
0x8d2: {  	[tilespmem:s7], [sflag:$0x4] =	stream.strided.gather @!p3 [hbm4b:s25+s4], $0x18700, s6, s4, $0x38;
	[tilespmem:$0x1E700] =	vst v63  }
0x8d3: {  	s4 =	simm.s32 @!p3 $0x4  }
0x8d4: {  	_ =	swait.ge @!p3 [sflag:s4], $0x18700  }
0x8d5: {  	[sflag:s4] =	ssyncset.done @!p3 $0x0  }
0x8d6: {  	[sflag:s4] =	ssyncadd.s32 @!p3 $0xFFFE7900;
	s4 =	simm.s32 @!p3 $0x1  }
0x8d7: {  	_ =	swait.ge @!p3 [sflag:s4], $0x4000  }
0x8d8: {  	[sflag:s4] =	ssyncset.done @!p3 $0x0  }
0x8d9: {  	[sflag:s4] =	ssyncadd.s32 @!p3 $0xFFFFC000  }
0x8da: {  	_ =	swait.ge [sflag:s31], $0x1000  }
0x8db: {  	[sflag:s31] =	ssyncset.done $0x0  }
0x8dc: {  	s7 =	simm.s32 $0x40;
	[sflag:s31] =	ssyncadd.s32 $0xFFFFF000  }
0x8dd: {  	v0 =	vld [tilespmem:s7+$0x30]  }
0x8de: {  	v1 =	vld [tilespmem:s7+$0xFFFFFFD0]  }
0x8df: {  	v2 =	vld [tilespmem:s7+$0xFFFFFFE0]  }
0x8e0: {  	v3 =	vld [tilespmem:s7+$0xFFFFFFF0]  }
0x8e1: {  	v4 =	vld [tilespmem:s7+$0x0]  }
0x8e2: {  	v6 =	vld [tilespmem:s7+$0x10]  }
0x8e3: {  	v7 =	vld [tilespmem:s7+$0x20]  }
0x8e4: {  	v8 =	vld [tilespmem:s7+$0xFFFFFFC0]  }
0x8e5: {  	v9 =	vld.idx.msk [tilespmem:v0+s13+$0x0], $0xffff  }
0x8e6: {  	v10 =	vld.idx.msk [tilespmem:v1+s13+$0x0], $0xffff  }
0x8e7: {  	v5 =	vld.idx.msk [tilespmem:v2+s13+$0x0], $0xffff  }
0x8e8: {  	v3 =	vld.idx.msk [tilespmem:v3+s13+$0x0], $0xffff  }
0x8e9: {  	v0 =	vld.idx.msk [tilespmem:v4+s13+$0x0], $0xffff  }
0x8ea: {  	s4 =	simm.s32 $0x1C740;
	v1 =	vld.idx.msk [tilespmem:v6+s13+$0x0], $0xffff  }
0x8eb: {  	v2 =	vld.idx.msk [tilespmem:v7+s13+$0x0], $0xffff;
	[tilespmem:s4+$0x30] =	vst v9  }
0x8ec: {  	s6 =	simm.s32 $0x0;
	s7 =	simm.s32 $0xC0;
	v4 =	vld.idx.msk [tilespmem:v8+s13+$0x0], $0xffff;
	[tilespmem:s4+$0xFFFFFFD0] =	vst v10  }
.LBB2_90:
0x8ed: {  	v6 =	vld [tilespmem:s7+$0x30];
	s6 =	sadd.s32 $0x80, s6;
	[tilespmem:s4+$0xFFFFFFE0] =	vst v5  }
0x8ee: {  	v5 =	vld [tilespmem:s7+$0xFFFFFFD0];
	p5 =	slt.u32 s6, $0xF80;
	[tilespmem:s4+$0xFFFFFFF0] =	vst v3  }
0x8ef: {  	v3 =	vld [tilespmem:s7+$0xFFFFFFE0];
	[tilespmem:s4+$0x0] =	vst v0  }
0x8f0: {  	v0 =	vld [tilespmem:s7+$0xFFFFFFF0];
	[tilespmem:s4+$0x10] =	vst v1  }
0x8f1: {  	v1 =	vld [tilespmem:s7+$0x0];
	[tilespmem:s4+$0x20] =	vst v2  }
0x8f2: {  	v2 =	vld [tilespmem:s7+$0x10];
	[tilespmem:s4+$0xFFFFFFC0] =	vst v4  }
0x8f3: {  	v4 =	vld [tilespmem:s7+$0x20]  }
0x8f4: {  	v7 =	vld [tilespmem:s7+$0xFFFFFFC0]  }
0x8f5: {  	v6 =	vld.idx.msk [tilespmem:v6+s13+$0x0], $0xffff  }
0x8f6: {  	v8 =	vld.idx.msk [tilespmem:v5+s13+$0x0], $0xffff  }
0x8f7: {  	v5 =	vld.idx.msk [tilespmem:v3+s13+$0x0], $0xffff  }
.Ltmp44:
0x8f8: {  	v3 =	vld.idx.msk [tilespmem:v0+s13+$0x0], $0xffff;
	(pc) =	sbr.rel @p5 .LBB2_90-.Ltmp44, $4  }
0x8f9: {  	v0 =	vld.idx.msk [tilespmem:v1+s13+$0x0], $0xffff  }
0x8fa: {  	s4 =	sadd.s32 $0x80, s4;
	v1 =	vld.idx.msk [tilespmem:v2+s13+$0x0], $0xffff  }
0x8fb: {  	v2 =	vld.idx.msk [tilespmem:v4+s13+$0x0], $0xffff;
	[tilespmem:s4+$0x30] =	vst v6  }
0x8fc: {  	s7 =	sadd.s32 $0x80, s7;
	v4 =	vld.idx.msk [tilespmem:v7+s13+$0x0], $0xffff;
	[tilespmem:s4+$0xFFFFFFD0] =	vst v8  }
0x8fd: {  	[tilespmem:s4+$0xFFFFFFE0] =	vst v5  }
0x8fe: {  	[tilespmem:s4+$0xFFFFFFF0] =	vst v3  }
0x8ff: {  	[tilespmem:s4+$0x0] =	vst v0  }
0x900: {  	[tilespmem:s4+$0x10] =	vst v1  }
0x901: {  	[tilespmem:s4+$0x20] =	vst v2  }
0x902: {  	[tilespmem:s4+$0xFFFFFFC0] =	vst v4  }
0x903: {  	s3 =	sld [smem:$0x7EB];
	_ =	sdelay $0x2  }
0x904: {  	[hbm4b:s3+s11] =	stream.strided.scatter [tilespmem:s29], [sflag:$0x2], $0x1000, s12, s11, $0x38;
	[tilespmem:$0x1E700] =	vst v63  }
0x905: {  	_ =	swait.ge [sflag:s0], $0x1000  }
0x906: {  	[sflag:s0] =	ssyncset.done $0x0  }
0x907: {  	s7 =	simm.s32 $0x1070;
	[sflag:s0] =	ssyncadd.s32 $0xFFFFF000  }
0x908: {  	v0 =	vld [tilespmem:s7+$0x0]  }
0x909: {  	v1 =	vld [tilespmem:s7+$0xFFFFFFA0]  }
0x90a: {  	v2 =	vld [tilespmem:s7+$0xFFFFFFB0]  }
0x90b: {  	v3 =	vld [tilespmem:s7+$0xFFFFFFC0]  }
0x90c: {  	v4 =	vld [tilespmem:s7+$0xFFFFFFD0]  }
0x90d: {  	v6 =	vld [tilespmem:s7+$0xFFFFFFE0]  }
0x90e: {  	v7 =	vld [tilespmem:s7+$0xFFFFFFF0]  }
0x90f: {  	v8 =	vld [tilespmem:s7+$0xFFFFFF90]  }
0x910: {  	v9 =	vld.idx.msk [tilespmem:v0+s13+$0x0], $0xffff  }
0x911: {  	v10 =	vld.idx.msk [tilespmem:v1+s13+$0x0], $0xffff  }
0x912: {  	v5 =	vld.idx.msk [tilespmem:v2+s13+$0x0], $0xffff  }
0x913: {  	v3 =	vld.idx.msk [tilespmem:v3+s13+$0x0], $0xffff  }
0x914: {  	v0 =	vld.idx.msk [tilespmem:v4+s13+$0x0], $0xffff  }
0x915: {  	s4 =	simm.s32 $0x1D740;
	v1 =	vld.idx.msk [tilespmem:v6+s13+$0x0], $0xffff  }
0x916: {  	v2 =	vld.idx.msk [tilespmem:v7+s13+$0x0], $0xffff;
	[tilespmem:s4+$0x30] =	vst v9  }
0x917: {  	s6 =	simm.s32 $0x0;
	s7 =	simm.s32 $0x10F0;
	v4 =	vld.idx.msk [tilespmem:v8+s13+$0x0], $0xffff;
	[tilespmem:s4+$0xFFFFFFD0] =	vst v10  }
.LBB2_92:
0x918: {  	v6 =	vld [tilespmem:s7+$0x0];
	s6 =	sadd.s32 $0x80, s6;
	[tilespmem:s4+$0xFFFFFFE0] =	vst v5  }
0x919: {  	v5 =	vld [tilespmem:s7+$0xFFFFFFA0];
	p5 =	slt.u32 s6, $0xF80;
	[tilespmem:s4+$0xFFFFFFF0] =	vst v3  }
0x91a: {  	v3 =	vld [tilespmem:s7+$0xFFFFFFB0];
	[tilespmem:s4+$0x0] =	vst v0  }
0x91b: {  	v0 =	vld [tilespmem:s7+$0xFFFFFFC0];
	[tilespmem:s4+$0x10] =	vst v1  }
0x91c: {  	v1 =	vld [tilespmem:s7+$0xFFFFFFD0];
	[tilespmem:s4+$0x20] =	vst v2  }
0x91d: {  	v2 =	vld [tilespmem:s7+$0xFFFFFFE0];
	[tilespmem:s4+$0xFFFFFFC0] =	vst v4  }
0x91e: {  	v4 =	vld [tilespmem:s7+$0xFFFFFFF0]  }
0x91f: {  	v7 =	vld [tilespmem:s7+$0xFFFFFF90]  }
0x920: {  	v6 =	vld.idx.msk [tilespmem:v6+s13+$0x0], $0xffff  }
0x921: {  	v8 =	vld.idx.msk [tilespmem:v5+s13+$0x0], $0xffff  }
0x922: {  	v5 =	vld.idx.msk [tilespmem:v3+s13+$0x0], $0xffff  }
.Ltmp45:
0x923: {  	v3 =	vld.idx.msk [tilespmem:v0+s13+$0x0], $0xffff;
	(pc) =	sbr.rel @p5 .LBB2_92-.Ltmp45, $4  }
0x924: {  	v0 =	vld.idx.msk [tilespmem:v1+s13+$0x0], $0xffff  }
0x925: {  	s4 =	sadd.s32 $0x80, s4;
	v1 =	vld.idx.msk [tilespmem:v2+s13+$0x0], $0xffff  }
0x926: {  	v2 =	vld.idx.msk [tilespmem:v4+s13+$0x0], $0xffff;
	[tilespmem:s4+$0x30] =	vst v6  }
0x927: {  	s7 =	sadd.s32 $0x80, s7;
	v4 =	vld.idx.msk [tilespmem:v7+s13+$0x0], $0xffff;
	[tilespmem:s4+$0xFFFFFFD0] =	vst v8  }
0x928: {  	[tilespmem:s4+$0xFFFFFFE0] =	vst v5  }
0x929: {  	[tilespmem:s4+$0xFFFFFFF0] =	vst v3  }
0x92a: {  	[tilespmem:s4+$0x0] =	vst v0  }
0x92b: {  	[tilespmem:s4+$0x10] =	vst v1  }
0x92c: {  	[tilespmem:s4+$0x20] =	vst v2  }
0x92d: {  	[tilespmem:s4+$0xFFFFFFC0] =	vst v4  }
0x92e: {  	s3 =	sld [smem:$0x7EC];
	_ =	sdelay $0x2  }
0x92f: {  	[hbm4b:s3+s11] =	stream.strided.scatter [tilespmem:s30], [sflag:$0x3], $0x1000, s12, s11, $0x38;
	[tilespmem:$0x1E700] =	vst v63  }
0x930: {  	_ =	swait.ge [sflag:s31], $0x1000  }
0x931: {  	[sflag:s31] =	ssyncset.done $0x0  }
0x932: {  	s7 =	simm.s32 $0x2070;
	[sflag:s31] =	ssyncadd.s32 $0xFFFFF000  }
0x933: {  	v0 =	vld [tilespmem:s7+$0x0]  }
0x934: {  	v1 =	vld [tilespmem:s7+$0xFFFFFFA0]  }
0x935: {  	v2 =	vld [tilespmem:s7+$0xFFFFFFB0]  }
0x936: {  	v3 =	vld [tilespmem:s7+$0xFFFFFFC0]  }
0x937: {  	v4 =	vld [tilespmem:s7+$0xFFFFFFD0]  }
0x938: {  	v6 =	vld [tilespmem:s7+$0xFFFFFFE0]  }
0x939: {  	v7 =	vld [tilespmem:s7+$0xFFFFFFF0]  }
0x93a: {  	v8 =	vld [tilespmem:s7+$0xFFFFFF90]  }
0x93b: {  	v9 =	vld.idx.msk [tilespmem:v0+s13+$0x0], $0xffff  }
0x93c: {  	v10 =	vld.idx.msk [tilespmem:v1+s13+$0x0], $0xffff  }
0x93d: {  	v5 =	vld.idx.msk [tilespmem:v2+s13+$0x0], $0xffff  }
0x93e: {  	v3 =	vld.idx.msk [tilespmem:v3+s13+$0x0], $0xffff  }
0x93f: {  	v0 =	vld.idx.msk [tilespmem:v4+s13+$0x0], $0xffff  }
0x940: {  	s4 =	simm.s32 $0x1C740;
	v1 =	vld.idx.msk [tilespmem:v6+s13+$0x0], $0xffff  }
0x941: {  	v2 =	vld.idx.msk [tilespmem:v7+s13+$0x0], $0xffff;
	[tilespmem:s4+$0x30] =	vst v9  }
0x942: {  	s6 =	simm.s32 $0x0;
	s7 =	simm.s32 $0x20F0;
	v4 =	vld.idx.msk [tilespmem:v8+s13+$0x0], $0xffff;
	[tilespmem:s4+$0xFFFFFFD0] =	vst v10  }
.LBB2_94:
0x943: {  	v6 =	vld [tilespmem:s7+$0x0];
	s6 =	sadd.s32 $0x80, s6;
	[tilespmem:s4+$0xFFFFFFE0] =	vst v5  }
0x944: {  	v5 =	vld [tilespmem:s7+$0xFFFFFFA0];
	p5 =	slt.u32 s6, $0xF80;
	[tilespmem:s4+$0xFFFFFFF0] =	vst v3  }
0x945: {  	v3 =	vld [tilespmem:s7+$0xFFFFFFB0];
	[tilespmem:s4+$0x0] =	vst v0  }
0x946: {  	v0 =	vld [tilespmem:s7+$0xFFFFFFC0];
	[tilespmem:s4+$0x10] =	vst v1  }
0x947: {  	v1 =	vld [tilespmem:s7+$0xFFFFFFD0];
	[tilespmem:s4+$0x20] =	vst v2  }
0x948: {  	v2 =	vld [tilespmem:s7+$0xFFFFFFE0];
	[tilespmem:s4+$0xFFFFFFC0] =	vst v4  }
0x949: {  	v4 =	vld [tilespmem:s7+$0xFFFFFFF0]  }
0x94a: {  	v7 =	vld [tilespmem:s7+$0xFFFFFF90]  }
0x94b: {  	v6 =	vld.idx.msk [tilespmem:v6+s13+$0x0], $0xffff  }
0x94c: {  	v8 =	vld.idx.msk [tilespmem:v5+s13+$0x0], $0xffff  }
0x94d: {  	v5 =	vld.idx.msk [tilespmem:v3+s13+$0x0], $0xffff  }
.Ltmp46:
0x94e: {  	v3 =	vld.idx.msk [tilespmem:v0+s13+$0x0], $0xffff;
	(pc) =	sbr.rel @p5 .LBB2_94-.Ltmp46, $4  }
0x94f: {  	v0 =	vld.idx.msk [tilespmem:v1+s13+$0x0], $0xffff  }
0x950: {  	s4 =	sadd.s32 $0x80, s4;
	v1 =	vld.idx.msk [tilespmem:v2+s13+$0x0], $0xffff  }
0x951: {  	v2 =	vld.idx.msk [tilespmem:v4+s13+$0x0], $0xffff;
	[tilespmem:s4+$0x30] =	vst v6  }
0x952: {  	s7 =	sadd.s32 $0x80, s7;
	v4 =	vld.idx.msk [tilespmem:v7+s13+$0x0], $0xffff;
	[tilespmem:s4+$0xFFFFFFD0] =	vst v8  }
0x953: {  	[tilespmem:s4+$0xFFFFFFE0] =	vst v5  }
0x954: {  	[tilespmem:s4+$0xFFFFFFF0] =	vst v3  }
0x955: {  	[tilespmem:s4+$0x0] =	vst v0  }
0x956: {  	[tilespmem:s4+$0x10] =	vst v1  }
0x957: {  	[tilespmem:s4+$0x20] =	vst v2  }
0x958: {  	[tilespmem:s4+$0xFFFFFFC0] =	vst v4  }
0x959: {  	s3 =	sld [smem:$0x7ED];
	_ =	sdelay $0x2  }
0x95a: {  	[hbm4b:s3+s11] =	stream.strided.scatter [tilespmem:s29], [sflag:$0x2], $0x1000, s12, s11, $0x38;
	[tilespmem:$0x1E700] =	vst v63  }
0x95b: {  	_ =	swait.ge [sflag:s0], $0x1000  }
0x95c: {  	[sflag:s0] =	ssyncset.done $0x0  }
0x95d: {  	s7 =	simm.s32 $0x3070;
	[sflag:s0] =	ssyncadd.s32 $0xFFFFF000  }
0x95e: {  	v0 =	vld [tilespmem:s7+$0x0]  }
0x95f: {  	v1 =	vld [tilespmem:s7+$0xFFFFFFA0]  }
0x960: {  	v2 =	vld [tilespmem:s7+$0xFFFFFFB0]  }
0x961: {  	v3 =	vld [tilespmem:s7+$0xFFFFFFC0]  }
0x962: {  	v4 =	vld [tilespmem:s7+$0xFFFFFFD0]  }
0x963: {  	v6 =	vld [tilespmem:s7+$0xFFFFFFE0]  }
0x964: {  	v7 =	vld [tilespmem:s7+$0xFFFFFFF0]  }
0x965: {  	v8 =	vld [tilespmem:s7+$0xFFFFFF90]  }
0x966: {  	v9 =	vld.idx.msk [tilespmem:v0+s13+$0x0], $0xffff  }
0x967: {  	v10 =	vld.idx.msk [tilespmem:v1+s13+$0x0], $0xffff  }
0x968: {  	v5 =	vld.idx.msk [tilespmem:v2+s13+$0x0], $0xffff  }
0x969: {  	v3 =	vld.idx.msk [tilespmem:v3+s13+$0x0], $0xffff  }
0x96a: {  	v0 =	vld.idx.msk [tilespmem:v4+s13+$0x0], $0xffff  }
0x96b: {  	s4 =	simm.s32 $0x1D740;
	v1 =	vld.idx.msk [tilespmem:v6+s13+$0x0], $0xffff  }
0x96c: {  	v2 =	vld.idx.msk [tilespmem:v7+s13+$0x0], $0xffff;
	[tilespmem:s4+$0x30] =	vst v9  }
0x96d: {  	s6 =	simm.s32 $0x0;
	s7 =	simm.s32 $0x30F0;
	v4 =	vld.idx.msk [tilespmem:v8+s13+$0x0], $0xffff;
	[tilespmem:s4+$0xFFFFFFD0] =	vst v10  }
.LBB2_96:
0x96e: {  	v6 =	vld [tilespmem:s7+$0x0];
	s6 =	sadd.s32 $0x80, s6;
	[tilespmem:s4+$0xFFFFFFE0] =	vst v5  }
0x96f: {  	v5 =	vld [tilespmem:s7+$0xFFFFFFA0];
	p5 =	slt.u32 s6, $0xF80;
	[tilespmem:s4+$0xFFFFFFF0] =	vst v3  }
0x970: {  	v3 =	vld [tilespmem:s7+$0xFFFFFFB0];
	[tilespmem:s4+$0x0] =	vst v0  }
0x971: {  	v0 =	vld [tilespmem:s7+$0xFFFFFFC0];
	[tilespmem:s4+$0x10] =	vst v1  }
0x972: {  	v1 =	vld [tilespmem:s7+$0xFFFFFFD0];
	[tilespmem:s4+$0x20] =	vst v2  }
0x973: {  	v2 =	vld [tilespmem:s7+$0xFFFFFFE0];
	[tilespmem:s4+$0xFFFFFFC0] =	vst v4  }
0x974: {  	v4 =	vld [tilespmem:s7+$0xFFFFFFF0]  }
0x975: {  	v7 =	vld [tilespmem:s7+$0xFFFFFF90]  }
0x976: {  	v6 =	vld.idx.msk [tilespmem:v6+s13+$0x0], $0xffff  }
0x977: {  	v8 =	vld.idx.msk [tilespmem:v5+s13+$0x0], $0xffff  }
0x978: {  	v5 =	vld.idx.msk [tilespmem:v3+s13+$0x0], $0xffff  }
.Ltmp47:
0x979: {  	v3 =	vld.idx.msk [tilespmem:v0+s13+$0x0], $0xffff;
	(pc) =	sbr.rel @p5 .LBB2_96-.Ltmp47, $4  }
0x97a: {  	v0 =	vld.idx.msk [tilespmem:v1+s13+$0x0], $0xffff  }
0x97b: {  	s4 =	sadd.s32 $0x80, s4;
	v1 =	vld.idx.msk [tilespmem:v2+s13+$0x0], $0xffff  }
0x97c: {  	v2 =	vld.idx.msk [tilespmem:v4+s13+$0x0], $0xffff;
	[tilespmem:s4+$0x30] =	vst v6  }
0x97d: {  	s7 =	sadd.s32 $0x80, s7;
	v4 =	vld.idx.msk [tilespmem:v7+s13+$0x0], $0xffff;
	[tilespmem:s4+$0xFFFFFFD0] =	vst v8  }
0x97e: {  	[tilespmem:s4+$0xFFFFFFE0] =	vst v5  }
0x97f: {  	[tilespmem:s4+$0xFFFFFFF0] =	vst v3  }
0x980: {  	[tilespmem:s4+$0x0] =	vst v0  }
0x981: {  	[tilespmem:s4+$0x10] =	vst v1  }
0x982: {  	[tilespmem:s4+$0x20] =	vst v2  }
0x983: {  	[tilespmem:s4+$0xFFFFFFC0] =	vst v4  }
0x984: {  	s3 =	sld [smem:$0x7EE];
	_ =	sdelay $0x2  }
0x985: {  	[hbm4b:s3+s11] =	stream.strided.scatter [tilespmem:s30], [sflag:$0x3], $0x1000, s12, s11, $0x38;
	[tilespmem:$0x1E700] =	vst v63  }
0x986: {  	s6 =	simm.s32 @p4 $0x400;
	s7 =	simm.s32 @p4 $0x4000;
	s4 =	simm.s32 @p4 $0x80  }
0x987: {  	[tilespmem:s7], [sflag:$0x4] =	stream.strided.gather @p4 [hbm4b:s26+s4], $0x18700, s6, s4, $0x38;
	[tilespmem:$0x1E700] =	vst v63  }
0x988: {  	s4 =	simm.s32 @p4 $0x4  }
0x989: {  	_ =	swait.ge @p4 [sflag:s4], $0x18700  }
0x98a: {  	s6 =	simm.s32 @!p4 $0x400;
	s7 =	simm.s32 @!p4 $0x0;
	[sflag:s4] =	ssyncset.done @p4 $0x0  }
0x98b: {  	s3 =	rddreg [dreg:$0xf];
	[sflag:s4] =	ssyncadd.s32 @p4 $0xFFFE7900;
	s4 =	simm.s32 @!p4 $0x80  }
0x98c: {  	[tilespmem:s7], [sflag:$0x1] =	stream.strided.gather @!p4 [hbm4b:s3+s4], $0x4000, s6, s4, $0x38;
	[tilespmem:$0x1E700] =	vst v63  }
0x98d: {  	s7 =	simm.s32 @!p4 $0x4000  }
0x98e: {  	[tilespmem:s7], [sflag:$0x4] =	stream.strided.gather @!p4 [hbm4b:s26+s4], $0x18700, s6, s4, $0x38;
	[tilespmem:$0x1E700] =	vst v63  }
0x98f: {  	s4 =	simm.s32 @!p4 $0x4  }
0x990: {  	_ =	swait.ge @!p4 [sflag:s4], $0x18700  }
0x991: {  	[sflag:s4] =	ssyncset.done @!p4 $0x0  }
0x992: {  	[sflag:s4] =	ssyncadd.s32 @!p4 $0xFFFE7900;
	s4 =	simm.s32 @!p4 $0x1  }
0x993: {  	_ =	swait.ge @!p4 [sflag:s4], $0x4000  }
0x994: {  	[sflag:s4] =	ssyncset.done @!p4 $0x0  }
0x995: {  	[sflag:s4] =	ssyncadd.s32 @!p4 $0xFFFFC000  }
0x996: {  	_ =	swait.ge [sflag:s31], $0x1000  }
0x997: {  	[sflag:s31] =	ssyncset.done $0x0  }
0x998: {  	s7 =	simm.s32 $0x40;
	[sflag:s31] =	ssyncadd.s32 $0xFFFFF000  }
0x999: {  	v0 =	vld [tilespmem:s7+$0x30]  }
0x99a: {  	v1 =	vld [tilespmem:s7+$0xFFFFFFD0]  }
0x99b: {  	v2 =	vld [tilespmem:s7+$0xFFFFFFE0]  }
0x99c: {  	v3 =	vld [tilespmem:s7+$0xFFFFFFF0]  }
0x99d: {  	v4 =	vld [tilespmem:s7+$0x0]  }
0x99e: {  	v6 =	vld [tilespmem:s7+$0x10]  }
0x99f: {  	v7 =	vld [tilespmem:s7+$0x20]  }
0x9a0: {  	v8 =	vld [tilespmem:s7+$0xFFFFFFC0]  }
0x9a1: {  	v9 =	vld.idx.msk [tilespmem:v0+s13+$0x0], $0xffff  }
0x9a2: {  	v10 =	vld.idx.msk [tilespmem:v1+s13+$0x0], $0xffff  }
0x9a3: {  	v5 =	vld.idx.msk [tilespmem:v2+s13+$0x0], $0xffff  }
0x9a4: {  	v3 =	vld.idx.msk [tilespmem:v3+s13+$0x0], $0xffff  }
0x9a5: {  	v0 =	vld.idx.msk [tilespmem:v4+s13+$0x0], $0xffff  }
0x9a6: {  	s4 =	simm.s32 $0x1C740;
	v1 =	vld.idx.msk [tilespmem:v6+s13+$0x0], $0xffff  }
0x9a7: {  	v2 =	vld.idx.msk [tilespmem:v7+s13+$0x0], $0xffff;
	[tilespmem:s4+$0x30] =	vst v9  }
0x9a8: {  	s6 =	simm.s32 $0x0;
	s7 =	simm.s32 $0xC0;
	v4 =	vld.idx.msk [tilespmem:v8+s13+$0x0], $0xffff;
	[tilespmem:s4+$0xFFFFFFD0] =	vst v10  }
.LBB2_98:
0x9a9: {  	v6 =	vld [tilespmem:s7+$0x30];
	s6 =	sadd.s32 $0x80, s6;
	[tilespmem:s4+$0xFFFFFFE0] =	vst v5  }
0x9aa: {  	v5 =	vld [tilespmem:s7+$0xFFFFFFD0];
	p5 =	slt.u32 s6, $0xF80;
	[tilespmem:s4+$0xFFFFFFF0] =	vst v3  }
0x9ab: {  	v3 =	vld [tilespmem:s7+$0xFFFFFFE0];
	[tilespmem:s4+$0x0] =	vst v0  }
0x9ac: {  	v0 =	vld [tilespmem:s7+$0xFFFFFFF0];
	[tilespmem:s4+$0x10] =	vst v1  }
0x9ad: {  	v1 =	vld [tilespmem:s7+$0x0];
	[tilespmem:s4+$0x20] =	vst v2  }
0x9ae: {  	v2 =	vld [tilespmem:s7+$0x10];
	[tilespmem:s4+$0xFFFFFFC0] =	vst v4  }
0x9af: {  	v4 =	vld [tilespmem:s7+$0x20]  }
0x9b0: {  	v7 =	vld [tilespmem:s7+$0xFFFFFFC0]  }
0x9b1: {  	v6 =	vld.idx.msk [tilespmem:v6+s13+$0x0], $0xffff  }
0x9b2: {  	v8 =	vld.idx.msk [tilespmem:v5+s13+$0x0], $0xffff  }
0x9b3: {  	v5 =	vld.idx.msk [tilespmem:v3+s13+$0x0], $0xffff  }
.Ltmp48:
0x9b4: {  	v3 =	vld.idx.msk [tilespmem:v0+s13+$0x0], $0xffff;
	(pc) =	sbr.rel @p5 .LBB2_98-.Ltmp48, $4  }
0x9b5: {  	v0 =	vld.idx.msk [tilespmem:v1+s13+$0x0], $0xffff  }
0x9b6: {  	s4 =	sadd.s32 $0x80, s4;
	v1 =	vld.idx.msk [tilespmem:v2+s13+$0x0], $0xffff  }
0x9b7: {  	v2 =	vld.idx.msk [tilespmem:v4+s13+$0x0], $0xffff;
	[tilespmem:s4+$0x30] =	vst v6  }
0x9b8: {  	s7 =	sadd.s32 $0x80, s7;
	v4 =	vld.idx.msk [tilespmem:v7+s13+$0x0], $0xffff;
	[tilespmem:s4+$0xFFFFFFD0] =	vst v8  }
0x9b9: {  	[tilespmem:s4+$0xFFFFFFE0] =	vst v5  }
0x9ba: {  	[tilespmem:s4+$0xFFFFFFF0] =	vst v3  }
0x9bb: {  	[tilespmem:s4+$0x0] =	vst v0  }
0x9bc: {  	[tilespmem:s4+$0x10] =	vst v1  }
0x9bd: {  	[tilespmem:s4+$0x20] =	vst v2  }
0x9be: {  	[tilespmem:s4+$0xFFFFFFC0] =	vst v4  }
0x9bf: {  	s3 =	sld [smem:$0x7EF];
	_ =	sdelay $0x2  }
0x9c0: {  	[hbm4b:s3+s11] =	stream.strided.scatter [tilespmem:s29], [sflag:$0x2], $0x1000, s12, s11, $0x38;
	[tilespmem:$0x1E700] =	vst v63  }
0x9c1: {  	_ =	swait.ge [sflag:s0], $0x1000  }
0x9c2: {  	[sflag:s0] =	ssyncset.done $0x0  }
0x9c3: {  	s7 =	simm.s32 $0x1070;
	[sflag:s0] =	ssyncadd.s32 $0xFFFFF000  }
0x9c4: {  	v0 =	vld [tilespmem:s7+$0x0]  }
0x9c5: {  	v1 =	vld [tilespmem:s7+$0xFFFFFFA0]  }
0x9c6: {  	v2 =	vld [tilespmem:s7+$0xFFFFFFB0]  }
0x9c7: {  	v3 =	vld [tilespmem:s7+$0xFFFFFFC0]  }
0x9c8: {  	v4 =	vld [tilespmem:s7+$0xFFFFFFD0]  }
0x9c9: {  	v6 =	vld [tilespmem:s7+$0xFFFFFFE0]  }
0x9ca: {  	v7 =	vld [tilespmem:s7+$0xFFFFFFF0]  }
0x9cb: {  	v8 =	vld [tilespmem:s7+$0xFFFFFF90]  }
0x9cc: {  	v9 =	vld.idx.msk [tilespmem:v0+s13+$0x0], $0xffff  }
0x9cd: {  	v10 =	vld.idx.msk [tilespmem:v1+s13+$0x0], $0xffff  }
0x9ce: {  	v5 =	vld.idx.msk [tilespmem:v2+s13+$0x0], $0xffff  }
0x9cf: {  	v3 =	vld.idx.msk [tilespmem:v3+s13+$0x0], $0xffff  }
0x9d0: {  	v0 =	vld.idx.msk [tilespmem:v4+s13+$0x0], $0xffff  }
0x9d1: {  	s4 =	simm.s32 $0x1D740;
	v1 =	vld.idx.msk [tilespmem:v6+s13+$0x0], $0xffff  }
0x9d2: {  	v2 =	vld.idx.msk [tilespmem:v7+s13+$0x0], $0xffff;
	[tilespmem:s4+$0x30] =	vst v9  }
0x9d3: {  	s6 =	simm.s32 $0x0;
	s7 =	simm.s32 $0x10F0;
	v4 =	vld.idx.msk [tilespmem:v8+s13+$0x0], $0xffff;
	[tilespmem:s4+$0xFFFFFFD0] =	vst v10  }
.LBB2_100:
0x9d4: {  	v6 =	vld [tilespmem:s7+$0x0];
	s6 =	sadd.s32 $0x80, s6;
	[tilespmem:s4+$0xFFFFFFE0] =	vst v5  }
0x9d5: {  	v5 =	vld [tilespmem:s7+$0xFFFFFFA0];
	p5 =	slt.u32 s6, $0xF80;
	[tilespmem:s4+$0xFFFFFFF0] =	vst v3  }
0x9d6: {  	v3 =	vld [tilespmem:s7+$0xFFFFFFB0];
	[tilespmem:s4+$0x0] =	vst v0  }
0x9d7: {  	v0 =	vld [tilespmem:s7+$0xFFFFFFC0];
	[tilespmem:s4+$0x10] =	vst v1  }
0x9d8: {  	v1 =	vld [tilespmem:s7+$0xFFFFFFD0];
	[tilespmem:s4+$0x20] =	vst v2  }
0x9d9: {  	v2 =	vld [tilespmem:s7+$0xFFFFFFE0];
	[tilespmem:s4+$0xFFFFFFC0] =	vst v4  }
0x9da: {  	v4 =	vld [tilespmem:s7+$0xFFFFFFF0]  }
0x9db: {  	v7 =	vld [tilespmem:s7+$0xFFFFFF90]  }
0x9dc: {  	v6 =	vld.idx.msk [tilespmem:v6+s13+$0x0], $0xffff  }
0x9dd: {  	v8 =	vld.idx.msk [tilespmem:v5+s13+$0x0], $0xffff  }
0x9de: {  	v5 =	vld.idx.msk [tilespmem:v3+s13+$0x0], $0xffff  }
.Ltmp49:
0x9df: {  	v3 =	vld.idx.msk [tilespmem:v0+s13+$0x0], $0xffff;
	(pc) =	sbr.rel @p5 .LBB2_100-.Ltmp49, $4  }
0x9e0: {  	v0 =	vld.idx.msk [tilespmem:v1+s13+$0x0], $0xffff  }
0x9e1: {  	s4 =	sadd.s32 $0x80, s4;
	v1 =	vld.idx.msk [tilespmem:v2+s13+$0x0], $0xffff  }
0x9e2: {  	v2 =	vld.idx.msk [tilespmem:v4+s13+$0x0], $0xffff;
	[tilespmem:s4+$0x30] =	vst v6  }
0x9e3: {  	s7 =	sadd.s32 $0x80, s7;
	v4 =	vld.idx.msk [tilespmem:v7+s13+$0x0], $0xffff;
	[tilespmem:s4+$0xFFFFFFD0] =	vst v8  }
0x9e4: {  	[tilespmem:s4+$0xFFFFFFE0] =	vst v5  }
0x9e5: {  	[tilespmem:s4+$0xFFFFFFF0] =	vst v3  }
0x9e6: {  	[tilespmem:s4+$0x0] =	vst v0  }
0x9e7: {  	[tilespmem:s4+$0x10] =	vst v1  }
0x9e8: {  	[tilespmem:s4+$0x20] =	vst v2  }
0x9e9: {  	[tilespmem:s4+$0xFFFFFFC0] =	vst v4  }
0x9ea: {  	[hbm4b:s5+s11] =	stream.strided.scatter [tilespmem:s30], [sflag:$0x3], $0x1000, s12, s11, $0x38;
	[tilespmem:$0x1E700] =	vst v63  }
0x9eb: {  	_ =	swait.ge [sflag:s31], $0x1000  }
0x9ec: {  	[sflag:s31] =	ssyncset.done $0x0  }
0x9ed: {  	s7 =	simm.s32 $0x2070;
	[sflag:s31] =	ssyncadd.s32 $0xFFFFF000  }
0x9ee: {  	v0 =	vld [tilespmem:s7+$0x0]  }
0x9ef: {  	v1 =	vld [tilespmem:s7+$0xFFFFFFA0]  }
0x9f0: {  	v2 =	vld [tilespmem:s7+$0xFFFFFFB0]  }
0x9f1: {  	v3 =	vld [tilespmem:s7+$0xFFFFFFC0]  }
0x9f2: {  	v4 =	vld [tilespmem:s7+$0xFFFFFFD0]  }
0x9f3: {  	v6 =	vld [tilespmem:s7+$0xFFFFFFE0]  }
0x9f4: {  	v7 =	vld [tilespmem:s7+$0xFFFFFFF0]  }
0x9f5: {  	v8 =	vld [tilespmem:s7+$0xFFFFFF90]  }
0x9f6: {  	v9 =	vld.idx.msk [tilespmem:v0+s13+$0x0], $0xffff  }
0x9f7: {  	v10 =	vld.idx.msk [tilespmem:v1+s13+$0x0], $0xffff  }
0x9f8: {  	v5 =	vld.idx.msk [tilespmem:v2+s13+$0x0], $0xffff  }
0x9f9: {  	v3 =	vld.idx.msk [tilespmem:v3+s13+$0x0], $0xffff  }
0x9fa: {  	v0 =	vld.idx.msk [tilespmem:v4+s13+$0x0], $0xffff  }
0x9fb: {  	s4 =	simm.s32 $0x1C740;
	v1 =	vld.idx.msk [tilespmem:v6+s13+$0x0], $0xffff  }
0x9fc: {  	v2 =	vld.idx.msk [tilespmem:v7+s13+$0x0], $0xffff;
	[tilespmem:s4+$0x30] =	vst v9  }
0x9fd: {  	s6 =	simm.s32 $0x0;
	s7 =	simm.s32 $0x20F0;
	v4 =	vld.idx.msk [tilespmem:v8+s13+$0x0], $0xffff;
	[tilespmem:s4+$0xFFFFFFD0] =	vst v10  }
.LBB2_102:
0x9fe: {  	v6 =	vld [tilespmem:s7+$0x0];
	s6 =	sadd.s32 $0x80, s6;
	[tilespmem:s4+$0xFFFFFFE0] =	vst v5  }
0x9ff: {  	v5 =	vld [tilespmem:s7+$0xFFFFFFA0];
	p5 =	slt.u32 s6, $0xF80;
	[tilespmem:s4+$0xFFFFFFF0] =	vst v3  }
0xa00: {  	v3 =	vld [tilespmem:s7+$0xFFFFFFB0];
	[tilespmem:s4+$0x0] =	vst v0  }
0xa01: {  	v0 =	vld [tilespmem:s7+$0xFFFFFFC0];
	[tilespmem:s4+$0x10] =	vst v1  }
0xa02: {  	v1 =	vld [tilespmem:s7+$0xFFFFFFD0];
	[tilespmem:s4+$0x20] =	vst v2  }
0xa03: {  	v2 =	vld [tilespmem:s7+$0xFFFFFFE0];
	[tilespmem:s4+$0xFFFFFFC0] =	vst v4  }
0xa04: {  	v4 =	vld [tilespmem:s7+$0xFFFFFFF0]  }
0xa05: {  	v7 =	vld [tilespmem:s7+$0xFFFFFF90]  }
0xa06: {  	v6 =	vld.idx.msk [tilespmem:v6+s13+$0x0], $0xffff  }
0xa07: {  	v8 =	vld.idx.msk [tilespmem:v5+s13+$0x0], $0xffff  }
0xa08: {  	v5 =	vld.idx.msk [tilespmem:v3+s13+$0x0], $0xffff  }
.Ltmp50:
0xa09: {  	v3 =	vld.idx.msk [tilespmem:v0+s13+$0x0], $0xffff;
	(pc) =	sbr.rel @p5 .LBB2_102-.Ltmp50, $4  }
0xa0a: {  	v0 =	vld.idx.msk [tilespmem:v1+s13+$0x0], $0xffff  }
0xa0b: {  	s4 =	sadd.s32 $0x80, s4;
	v1 =	vld.idx.msk [tilespmem:v2+s13+$0x0], $0xffff  }
0xa0c: {  	v2 =	vld.idx.msk [tilespmem:v4+s13+$0x0], $0xffff;
	[tilespmem:s4+$0x30] =	vst v6  }
0xa0d: {  	s7 =	sadd.s32 $0x80, s7;
	v4 =	vld.idx.msk [tilespmem:v7+s13+$0x0], $0xffff;
	[tilespmem:s4+$0xFFFFFFD0] =	vst v8  }
0xa0e: {  	[tilespmem:s4+$0xFFFFFFE0] =	vst v5  }
0xa0f: {  	[tilespmem:s4+$0xFFFFFFF0] =	vst v3  }
0xa10: {  	[tilespmem:s4+$0x0] =	vst v0  }
0xa11: {  	[tilespmem:s4+$0x10] =	vst v1  }
0xa12: {  	[tilespmem:s4+$0x20] =	vst v2  }
0xa13: {  	[tilespmem:s4+$0xFFFFFFC0] =	vst v4  }
0xa14: {  	[hbm4b:s2+s11] =	stream.strided.scatter [tilespmem:s29], [sflag:$0x2], $0x1000, s12, s11, $0x38;
	[tilespmem:$0x1E700] =	vst v63  }
0xa15: {  	_ =	swait.ge [sflag:s0], $0x1000  }
0xa16: {  	[sflag:s0] =	ssyncset.done $0x0  }
0xa17: {  	s7 =	simm.s32 $0x3070;
	[sflag:s0] =	ssyncadd.s32 $0xFFFFF000  }
0xa18: {  	v0 =	vld [tilespmem:s7+$0x0]  }
0xa19: {  	v1 =	vld [tilespmem:s7+$0xFFFFFFA0]  }
0xa1a: {  	v2 =	vld [tilespmem:s7+$0xFFFFFFB0]  }
0xa1b: {  	v3 =	vld [tilespmem:s7+$0xFFFFFFC0]  }
0xa1c: {  	v4 =	vld [tilespmem:s7+$0xFFFFFFD0]  }
0xa1d: {  	v6 =	vld [tilespmem:s7+$0xFFFFFFE0]  }
0xa1e: {  	v7 =	vld [tilespmem:s7+$0xFFFFFFF0]  }
0xa1f: {  	v8 =	vld [tilespmem:s7+$0xFFFFFF90]  }
0xa20: {  	v9 =	vld.idx.msk [tilespmem:v0+s13+$0x0], $0xffff  }
0xa21: {  	v10 =	vld.idx.msk [tilespmem:v1+s13+$0x0], $0xffff  }
0xa22: {  	v5 =	vld.idx.msk [tilespmem:v2+s13+$0x0], $0xffff  }
0xa23: {  	v3 =	vld.idx.msk [tilespmem:v3+s13+$0x0], $0xffff  }
0xa24: {  	v0 =	vld.idx.msk [tilespmem:v4+s13+$0x0], $0xffff  }
0xa25: {  	s4 =	simm.s32 $0x1D740;
	v1 =	vld.idx.msk [tilespmem:v6+s13+$0x0], $0xffff  }
0xa26: {  	v2 =	vld.idx.msk [tilespmem:v7+s13+$0x0], $0xffff;
	[tilespmem:s4+$0x30] =	vst v9  }
0xa27: {  	s6 =	simm.s32 $0x0;
	s7 =	simm.s32 $0x30F0;
	v4 =	vld.idx.msk [tilespmem:v8+s13+$0x0], $0xffff;
	[tilespmem:s4+$0xFFFFFFD0] =	vst v10  }
.LBB2_104:
0xa28: {  	v6 =	vld [tilespmem:s7+$0x0];
	s6 =	sadd.s32 $0x80, s6;
	[tilespmem:s4+$0xFFFFFFE0] =	vst v5  }
0xa29: {  	v5 =	vld [tilespmem:s7+$0xFFFFFFA0];
	p5 =	slt.u32 s6, $0xF80;
	[tilespmem:s4+$0xFFFFFFF0] =	vst v3  }
0xa2a: {  	v3 =	vld [tilespmem:s7+$0xFFFFFFB0];
	[tilespmem:s4+$0x0] =	vst v0  }
0xa2b: {  	v0 =	vld [tilespmem:s7+$0xFFFFFFC0];
	[tilespmem:s4+$0x10] =	vst v1  }
0xa2c: {  	v1 =	vld [tilespmem:s7+$0xFFFFFFD0];
	[tilespmem:s4+$0x20] =	vst v2  }
0xa2d: {  	v2 =	vld [tilespmem:s7+$0xFFFFFFE0];
	[tilespmem:s4+$0xFFFFFFC0] =	vst v4  }
0xa2e: {  	v4 =	vld [tilespmem:s7+$0xFFFFFFF0]  }
0xa2f: {  	v7 =	vld [tilespmem:s7+$0xFFFFFF90]  }
0xa30: {  	v6 =	vld.idx.msk [tilespmem:v6+s13+$0x0], $0xffff  }
0xa31: {  	v8 =	vld.idx.msk [tilespmem:v5+s13+$0x0], $0xffff  }
0xa32: {  	v5 =	vld.idx.msk [tilespmem:v3+s13+$0x0], $0xffff  }
.Ltmp51:
0xa33: {  	v3 =	vld.idx.msk [tilespmem:v0+s13+$0x0], $0xffff;
	(pc) =	sbr.rel @p5 .LBB2_104-.Ltmp51, $4  }
0xa34: {  	v0 =	vld.idx.msk [tilespmem:v1+s13+$0x0], $0xffff  }
0xa35: {  	s4 =	sadd.s32 $0x80, s4;
	v1 =	vld.idx.msk [tilespmem:v2+s13+$0x0], $0xffff  }
0xa36: {  	v2 =	vld.idx.msk [tilespmem:v4+s13+$0x0], $0xffff;
	[tilespmem:s4+$0x30] =	vst v6  }
0xa37: {  	s7 =	sadd.s32 $0x80, s7;
	v4 =	vld.idx.msk [tilespmem:v7+s13+$0x0], $0xffff;
	[tilespmem:s4+$0xFFFFFFD0] =	vst v8  }
0xa38: {  	[tilespmem:s4+$0xFFFFFFE0] =	vst v5  }
0xa39: {  	[tilespmem:s4+$0xFFFFFFF0] =	vst v3  }
0xa3a: {  	[tilespmem:s4+$0x0] =	vst v0  }
0xa3b: {  	[tilespmem:s4+$0x10] =	vst v1  }
0xa3c: {  	[tilespmem:s4+$0x20] =	vst v2  }
0xa3d: {  	s1 =	sadd.s32 $0x1, s1;
	[tilespmem:s4+$0xFFFFFFC0] =	vst v4  }
0xa3e: {  	[hbm4b:s9+s11] =	stream.strided.scatter [tilespmem:s30], [sflag:$0x3], $0x1000, s12, s11, $0x38;
	[tilespmem:$0x1E700] =	vst v63  }
0xa3f: {  	p5 =	sne.s32 s1, s10;
	_ =	swait.ge [sflag:s31], $0x1000  }
.Ltmp52:
0xa40: {  	[sflag:s31] =	ssyncset.done $0x0;
	(pc) =	sbr.rel @p5 .LBB2_1-.Ltmp52, $4  }
0xa41: {  	[sflag:s31] =	ssyncadd.s32 $0xFFFFF000  }
0xa42: {  	_ =	swait.ge [sflag:s0], $0x1000  }
0xa43: {  	[sflag:s0] =	ssyncset.done $0x0  }
0xa44: {  	[sflag:s0] =	ssyncadd.s32 $0xFFFFF000  }
0xa45: {  	_ =	sfence.sel $0x180000  }
0xa46: {  	[bflag:$0x0] =	sbarrier.arrive $0xFFFF  }
0xa47: {  	_ =	strace $0x90000047  }
0xa48: {  	s0 =	stileid.u32;
	[bflag:$0x2] =	sbarrier.arrive $0xFFFF  }
0xa49: {  	p0 =	sne.s32 s0, $0x0;
	s0 =	rddreg [dreg:$0x3]  }
0xa4a: {  	s0 =	sadd.s32 @!p0 $0x100000, s0  }
0xa4b: {  	[sflag:s0] =	ssyncadd.tile.s32 @!p0 $0x1;
	_ =	shalt  }
.Lfunc_end2:
_tile_overlayer_lowered:
.L_overlay_start_2:
0xa4c: {  	(tag) =	ssettag $0x2  }
0xa4d: {  	s0 =	rddreg [dreg:$0x0];
	s2 =	stileid.u32  }
0xa4e: {  	s1 =	rddreg [dreg:$0x1];
	p0 =	sne.s32 s2, $0x0  }
0xa4f: {  	s3 =	rddreg [dreg:$0x2];
	[bflag:$0x3] =	sbarrier.arrive $0xFFFF;
	s2 =	simm.s32 @!p0 $0x1C04  }
0xa50: {  	[timem:s3], [sflag:s2] =	dma.local @!p0 [hbm:s0], s1  }
0xa51: {  	s0 =	simm.s32 @!p0 $0x4  }
0xa52: {  	_ =	swait.ge @!p0 [sflag:s0], s1  }
0xa53: {  	s1 =	ssub.s32 @!p0 $0x0, s1;
	[sflag:s0] =	ssyncset.done @!p0 $0x0  }
0xa54: {  	[sflag:s0] =	ssyncadd.s32 @!p0 s1  }
0xa55: {  	[bflag:$0x3] =	sbarrier.arrive $0xFFFF  }
0xa56: {  	_ =	shalt  }

</sc_bundles>
